<compile_context>
chip_gen: v7x
topology: tpu7x:2x2x1
jax: 0.10.2.dev20260603
libtpu: 0.0.44.dev20260713+nightly
codegen_flags: <defaults>
</compile_context>

<pallas_src>
import jax
import jax.numpy as jnp
from jax import lax
from jax.experimental import pallas as pl
from jax.experimental.pallas import tpu as pltpu
from jax.experimental.pallas import tpu_sc as plsc

N = 10000
E = 320000
H = 8
DH = 16
DHID = 128
DOUT = 64

NC = 2
NS = 16
NW = NC * NS
EPW = E // NW
CHUNK = 80
NCHUNK = EPW // CHUNK
STRIPE = 624
RBLK = 2000


def _tc_prep_body(xp_ref, xa_ref, wp_ref, bp_ref, wa_ref, ba_ref,
                  p2s_ref, p2d_ref, hp_ref, ads_ref, add_ref, crow_ref):
    hp = jnp.dot(xp_ref[...], wp_ref[...],
                 preferred_element_type=jnp.float32) + bp_ref[...]
    hp_ref[...] = hp
    ads = jnp.dot(hp, p2s_ref[...], preferred_element_type=jnp.float32)
    ads_ref[...] = ads
    ha = jnp.dot(xa_ref[...], wa_ref[...],
                 preferred_element_type=jnp.float32) + ba_ref[...]
    add = jnp.dot(ha, p2d_ref[...], preferred_element_type=jnp.float32)
    add_ref[...] = add
    ms = jnp.max(ads, axis=0, keepdims=True)
    md = jnp.max(add, axis=0, keepdims=True)
    rid = lax.broadcasted_iota(jnp.int32, (8, 16), 0)
    cur = jnp.where(rid == 0, ms, jnp.where(rid == 1, md, -jnp.inf))

    @pl.when(pl.program_id(0) == 0)
    def _():
        crow_ref[...] = cur

    @pl.when(pl.program_id(0) != 0)
    def _():
        crow_ref[...] = jnp.maximum(crow_ref[...], cur)


def _sc_body(src_hbm, dst_hbm, ads_hbm, add_hbm, crow_hbm, hp_hbm,
             acc_out, s_out, *scr):
    srcv = scr[0:3]
    dstv = scr[3:6]
    dstsc = scr[6:9]
    asbuf = scr[9:12]
    adbuf = scr[12:15]
    hpbuf = scr[15:18]
    isem = scr[18:21]
    gsem = scr[21:24]
    ssem = scr[24:27]
    crowv, acc_sh, s_sh = scr[27], scr[28], scr[29]

    cid = lax.axis_index("c")
    sid = lax.axis_index("s")
    wid = sid * NC + cid

    def zrow(e, carry):
        for k in range(H):
            hpbuf[0][e, pl.ds(k * 16, 16)] = jnp.zeros((16,), jnp.float32)
        asbuf[0][e, :] = jnp.zeros((16,), jnp.float32)
        return carry

    lax.fori_loop(0, CHUNK, zrow, 0)
    base = sid * STRIPE
    off = 0
    for sz in (80, 80, 80, 80, 80, 80, 80, 64):
        pltpu.sync_copy(hpbuf[0].at[pl.ds(0, sz)], acc_sh.at[pl.ds(base + off, sz)])
        pltpu.sync_copy(asbuf[0].at[pl.ds(0, sz)], s_sh.at[pl.ds(base + off, sz)])
        off += sz

    @pl.when(sid == NS - 1)
    def _():
        pltpu.sync_copy(hpbuf[0].at[pl.ds(0, 16)], acc_sh.at[pl.ds(NS * STRIPE, 16)])
        pltpu.sync_copy(asbuf[0].at[pl.ds(0, 16)], s_sh.at[pl.ds(NS * STRIPE, 16)])

    plsc.subcore_barrier()

    pltpu.sync_copy(crow_hbm, crowv)
    c = crowv[0, :] + crowv[1, :]
    c16 = jnp.where(c >= 0.0, c, 0.2 * c)

    def fire_idx(c, j):
        @pl.when(c < NCHUNK)
        def _():
            ebase = wid * EPW + c * CHUNK
            pltpu.async_copy(src_hbm.at[pl.ds(ebase, CHUNK)], srcv[j], isem[j])
            pltpu.async_copy(dst_hbm.at[pl.ds(ebase, CHUNK)], dstv[j], isem[j])

    def wait_idx(j):
        pltpu.make_async_copy(src_hbm.at[pl.ds(0, CHUNK)], srcv[j], isem[j]).wait()
        pltpu.make_async_copy(dst_hbm.at[pl.ds(0, CHUNK)], dstv[j], isem[j]).wait()

    def fire_gathers(j):
        pltpu.async_copy(ads_hbm.at[srcv[j]], asbuf[j], gsem[j])
        pltpu.async_copy(add_hbm.at[dstv[j]], adbuf[j], gsem[j])
        pltpu.async_copy(hp_hbm.at[srcv[j]], hpbuf[j], gsem[j])

    def wait_gathers(j):
        pltpu.make_async_copy(ads_hbm.at[srcv[j]], asbuf[j], gsem[j]).wait()
        pltpu.make_async_copy(add_hbm.at[dstv[j]], adbuf[j], gsem[j]).wait()
        pltpu.make_async_copy(hp_hbm.at[srcv[j]], hpbuf[j], gsem[j]).wait()

    def fire_scatters(j):
        pltpu.async_copy(asbuf[j], s_sh.at[dstsc[j]], ssem[j], add=True)
        pltpu.async_copy(hpbuf[j], acc_sh.at[dstsc[j]], ssem[j], add=True)

    def wait_scatters(j):
        pltpu.make_async_copy(asbuf[j], s_sh.at[dstsc[j]], ssem[j]).wait()
        pltpu.make_async_copy(hpbuf[j], acc_sh.at[dstsc[j]], ssem[j]).wait()

    def copy_dst(j):
        for t in range(CHUNK // 16):
            dstsc[j][pl.ds(t * 16, 16)] = dstv[j][pl.ds(t * 16, 16)]

    def compute(j):
        asb, adb, hpb = asbuf[j], adbuf[j], hpbuf[j]

        @plsc.parallel_loop(0, CHUNK, step=1, unroll=4)
        def _(e):
            a = asb[e, :] + adb[e, :]
            a = jnp.where(a >= 0.0, a, 0.2 * a)
            ev = jnp.exp(a - c16)
            asb[e, :] = ev
            for k in range(H):
                m = ev.at[jnp.full((16,), k, jnp.int32)].get(
                    mode="promise_in_bounds")
                hpb[e, pl.ds(k * 16, 16)] = hpb[e, pl.ds(k * 16, 16)] * m

    for j in range(3):
        fire_idx(jnp.int32(j), j)
    wait_idx(0)
    fire_gathers(0)

    def pipe_body(p, carry):
        c0 = p * 3
        for j in range(3):
            cj = c0 + j
            jn = (j + 1) % 3
            wait_gathers(j)
            copy_dst(j)
            fire_idx(cj + 3, j)
            compute(j)
            fire_scatters(j)

            @pl.when(cj + 1 >= 3)
            def _():
                wait_scatters(jn)

            wait_idx(jn)
            fire_gathers(jn)
        return carry

    lax.fori_loop(0, (NCHUNK - 2) // 3, pipe_body, 0)

    wait_gathers(0)
    copy_dst(0)
    fire_idx(jnp.int32(NCHUNK), 0)
    compute(0)
    fire_scatters(0)
    wait_scatters(1)
    wait_idx(1)
    fire_gathers(1)
    wait_gathers(1)
    copy_dst(1)
    compute(1)
    fire_scatters(1)
    for j in (2, 0, 1):
        wait_scatters(j)
    plsc.subcore_barrier()

    pltpu.sync_copy(acc_sh.at[pl.ds(base, STRIPE)],
                    acc_out.at[cid, pl.ds(base, STRIPE)])
    pltpu.sync_copy(s_sh.at[pl.ds(base, STRIPE)],
                    s_out.at[cid, pl.ds(base, STRIPE)])

    @pl.when(sid == NS - 1)
    def _():
        pltpu.sync_copy(acc_sh.at[pl.ds(NS * STRIPE, 16)],
                        acc_out.at[cid, pl.ds(NS * STRIPE, 16)])
        pltpu.sync_copy(s_sh.at[pl.ds(NS * STRIPE, 16)],
                        s_out.at[cid, pl.ds(NS * STRIPE, 16)])


def _tc_final_body(accp_ref, sp_ref, r2_ref, wout_ref, bout_ref, out_ref):
    acc = accp_ref[0] + accp_ref[1]
    s = sp_ref[0] + sp_ref[1]
    srep = jnp.dot(s, r2_ref[...], preferred_element_type=jnp.float32)
    y = jnp.maximum(acc, 0.0) / (srep + 1e-16)
    out_ref[...] = jnp.dot(y, wout_ref[...],
                           preferred_element_type=jnp.float32) + bout_ref[...]


def kernel(x_author, x_paper, edge_index_ap, edge_index_pa,
           W_author, b_author, W_paper, b_paper,
           att_src_ap, att_dst_ap, att_src_pa, att_dst_pa,
           q, Wk, bk, W_out, b_out):
    f32 = jnp.float32
    src = edge_index_pa[0]
    dst = edge_index_pa[1]

    def place(att):
        flat = att.reshape(DHID)
        m = jnp.zeros((DHID, H), f32).at[
            jnp.arange(DHID), jnp.arange(DHID) // DH].set(flat)
        return jnp.concatenate([m, m], axis=1)

    p2s = place(att_src_pa)
    p2d = place(att_dst_pa)
    cols = jnp.arange(DHID) // DH
    rows = jnp.arange(16)
    r2 = ((rows[:, None] == cols[None, :]) & (rows[:, None] < H)).astype(f32)

    grid = N // RBLK
    hp, ads, add, crow = pl.pallas_call(
        _tc_prep_body,
        grid=(grid,),
        in_specs=[
            pl.BlockSpec((RBLK, DHID), lambda i: (i, 0)),
            pl.BlockSpec((RBLK, DHID), lambda i: (i, 0)),
            pl.BlockSpec((DHID, DHID), lambda i: (0, 0)),
            pl.BlockSpec((1, DHID), lambda i: (0, 0)),
            pl.BlockSpec((DHID, DHID), lambda i: (0, 0)),
            pl.BlockSpec((1, DHID), lambda i: (0, 0)),
            pl.BlockSpec((DHID, 16), lambda i: (0, 0)),
            pl.BlockSpec((DHID, 16), lambda i: (0, 0)),
        ],
        out_specs=[
            pl.BlockSpec((RBLK, DHID), lambda i: (i, 0)),
            pl.BlockSpec((RBLK, 16), lambda i: (i, 0)),
            pl.BlockSpec((RBLK, 16), lambda i: (i, 0)),
            pl.BlockSpec((8, 16), lambda i: (0, 0)),
        ],
        out_shape=[
            jax.ShapeDtypeStruct((N, DHID), f32),
            jax.ShapeDtypeStruct((N, 16), f32),
            jax.ShapeDtypeStruct((N, 16), f32),
            jax.ShapeDtypeStruct((8, 16), f32),
        ],
        compiler_params=pltpu.CompilerParams(
            dimension_semantics=("arbitrary",)),
    )(x_paper, x_author, W_paper, b_paper.reshape(1, DHID),
      W_author, b_author.reshape(1, DHID), p2s, p2d)

    sc_edge = pl.kernel(
        _sc_body,
        out_type=[
            jax.ShapeDtypeStruct((NC, N, DHID), f32),
            jax.ShapeDtypeStruct((NC, N, 16), f32),
        ],
        mesh=plsc.VectorSubcoreMesh(core_axis_name="c", subcore_axis_name="s"),
        compiler_params=pltpu.CompilerParams(use_tc_tiling_on_sc=False),
        scratch_types=(
            [pltpu.VMEM((CHUNK,), jnp.int32)] * 9
            + [pltpu.VMEM((CHUNK, 16), f32)] * 6
            + [pltpu.VMEM((CHUNK, DHID), f32)] * 3
            + [pltpu.SemaphoreType.DMA] * 9
            + [
                pltpu.VMEM((8, 16), f32),
                pltpu.VMEM_SHARED((N, DHID), f32),
                pltpu.VMEM_SHARED((N, 16), f32),
            ]
        ),
    )
    accp, sp = sc_edge(src, dst, ads, add, crow, hp)

    out = pl.pallas_call(
        _tc_final_body,
        grid=(grid,),
        in_specs=[
            pl.BlockSpec((NC, RBLK, DHID), lambda i: (0, i, 0)),
            pl.BlockSpec((NC, RBLK, 16), lambda i: (0, i, 0)),
            pl.BlockSpec((16, DHID), lambda i: (0, 0)),
            pl.BlockSpec((DHID, DOUT), lambda i: (0, 0)),
            pl.BlockSpec((1, DOUT), lambda i: (0, 0)),
        ],
        out_specs=pl.BlockSpec((RBLK, DOUT), lambda i: (i, 0)),
        out_shape=jax.ShapeDtypeStruct((N, DOUT), f32),
        compiler_params=pltpu.CompilerParams(
            dimension_semantics=("arbitrary",)),
    )(accp, sp, r2, W_out, b_out.reshape(1, DOUT))
    return out

# --- scband reference (transcript-rebuilt; emitter-appended) ---
"""Pipeline reference for scband-han-9552007266961 (READ-ONLY COPY).

The authoritative reference and input builder live on the scoring server;
editing this copy changes nothing except your own understanding.
"""

import jax, jax.numpy as jnp
import numpy as np

N_AUTHOR = 10000
N_PAPER = 10000
D_IN = 128
D_H = 128
HEADS = 8
D_HEAD = D_H // HEADS
D_OUT = 64
N_EDGES = 320000


def setup_inputs(seed: int = 0) -> dict:
    key = jax.random.key(seed)
    ks = jax.random.split(key, 18)
    s_in = 1.0 / np.sqrt(D_IN)
    s_h = 1.0 / np.sqrt(D_H)
    s_att = 1.0 / np.sqrt(D_HEAD)
    return {
        "x_author": jax.random.normal(ks[0], (N_AUTHOR, D_IN), jnp.float32),
        "x_paper": jax.random.normal(ks[1], (N_PAPER, D_IN), jnp.float32),
        "edge_index_ap": jax.random.randint(ks[2], (2, N_EDGES), 0, N_PAPER, dtype=jnp.int32),
        "edge_index_pa": jax.random.randint(ks[3], (2, N_EDGES), 0, N_AUTHOR, dtype=jnp.int32),
        "W_author": jax.random.normal(ks[4], (D_IN, D_H), jnp.float32) * s_in,
        "b_author": jnp.zeros((D_H,), jnp.float32),
        "W_paper": jax.random.normal(ks[5], (D_IN, D_H), jnp.float32) * s_in,
        "b_paper": jnp.zeros((D_H,), jnp.float32),
        "att_src_ap": jax.random.normal(ks[6], (HEADS, D_HEAD), jnp.float32) * s_att,
        "att_dst_ap": jax.random.normal(ks[7], (HEADS, D_HEAD), jnp.float32) * s_att,
        "att_src_pa": jax.random.normal(ks[8], (HEADS, D_HEAD), jnp.float32) * s_att,
        "att_dst_pa": jax.random.normal(ks[9], (HEADS, D_HEAD), jnp.float32) * s_att,
        "q": jax.random.normal(ks[10], (D_H,), jnp.float32) * s_h,
        "Wk": jax.random.normal(ks[11], (D_H, D_H), jnp.float32) * s_h,
        "bk": jnp.zeros((D_H,), jnp.float32),
        "W_out": jax.random.normal(ks[12], (D_H, D_OUT), jnp.float32) * s_h,
        "b_out": jnp.zeros((D_OUT,), jnp.float32),
    }


def _edge_softmax(alpha, dst, n):
    m = jax.ops.segment_max(alpha, dst, num_segments=n)
    m = jnp.where(jnp.isfinite(m), m, 0.0)
    e = jnp.exp(alpha - jax.lax.stop_gradient(m)[dst])
    s = jax.ops.segment_sum(e, dst, num_segments=n)
    return e / (s[dst] + 1e-16)


def _conv(h_src, h_dst, src, dst, att_src, att_dst, n_dst):
    # HANConv per-edge-type attention (dropout=0 / eval mode)
    a_src = (h_src * att_src).sum(-1)  # [Ns, H]
    a_dst = (h_dst * att_dst).sum(-1)  # [Nd, H]
    alpha = a_src[src] + a_dst[dst]    # gather per edge [E, H]
    alpha = jax.nn.leaky_relu(alpha, 0.2)
    alpha = _edge_softmax(alpha, dst, n_dst)
    msg = h_src[src] * alpha[:, :, None]  # [E, H, D]
    out = jax.ops.segment_sum(msg, dst, num_segments=n_dst)  # scatter-add
    return jax.nn.relu(out.reshape(n_dst, HEADS * D_HEAD))


def reference(x_author, x_paper, edge_index_ap, edge_index_pa,
              W_author, b_author, W_paper, b_paper,
              att_src_ap, att_dst_ap, att_src_pa, att_dst_pa,
              q, Wk, bk, W_out, b_out):
    h_a = (x_author @ W_author + b_author).reshape(-1, HEADS, D_HEAD)
    h_p = (x_paper @ W_paper + b_paper).reshape(-1, HEADS, D_HEAD)
    out_paper = _conv(h_a, h_p, edge_index_ap[0], edge_index_ap[1], att_src_ap, att_dst_ap, N_PAPER)
    out_author = _conv(h_p, h_a, edge_index_pa[0], edge_index_pa[1], att_src_pa, att_dst_pa, N_AUTHOR)

    def group(xs):
        out = jnp.stack(xs)                                   # [M, N, F]
        score = (q * jnp.tanh(out @ Wk + bk).mean(1)).sum(-1)  # [M]
        attn = jax.nn.softmax(score)                          # semantic attention
        return (attn[:, None, None] * out).sum(0)

    sem_author = group([out_author])
    _ = group([out_paper])  # computed by HANConv, unused by this model's head
    return sem_author @ W_out + b_out

if __name__ == "__main__":
    import jax
    _d = setup_inputs()
    print(jax.jit(kernel)(*tuple(_d.values())))

</pallas_src>

<mosaic_0001>
#map = affine_map<(d0, d1) -> (0)>
#map1 = affine_map<(d0, d1) -> (0, 0)>
#map2 = affine_map<(d0, d1) -> (0, 0, 0)>
module attributes {stable_mosaic.version = 14 : i64} {
  func.func @_sc_body(%arg0: i32, %arg1: i32, %arg2: memref<320000xi32, #tpu.memory_space<hbm>>, %arg3: memref<320000xi32, #tpu.memory_space<hbm>>, %arg4: memref<10000x16xf32, #tpu.memory_space<hbm>>, %arg5: memref<10000x16xf32, #tpu.memory_space<hbm>>, %arg6: memref<8x16xf32, #tpu.memory_space<hbm>>, %arg7: memref<10000x128xf32, #tpu.memory_space<hbm>>, %arg8: memref<2x10000x128xf32, #tpu.memory_space<hbm>>, %arg9: memref<2x10000x16xf32, #tpu.memory_space<hbm>>, %arg10: memref<80xi32, #tpu.memory_space<vmem>>, %arg11: memref<80xi32, #tpu.memory_space<vmem>>, %arg12: memref<80xi32, #tpu.memory_space<vmem>>, %arg13: memref<80xi32, #tpu.memory_space<vmem>>, %arg14: memref<80xi32, #tpu.memory_space<vmem>>, %arg15: memref<80xi32, #tpu.memory_space<vmem>>, %arg16: memref<80xi32, #tpu.memory_space<vmem>>, %arg17: memref<80xi32, #tpu.memory_space<vmem>>, %arg18: memref<80xi32, #tpu.memory_space<vmem>>, %arg19: memref<80x16xf32, #tpu.memory_space<vmem>>, %arg20: memref<80x16xf32, #tpu.memory_space<vmem>>, %arg21: memref<80x16xf32, #tpu.memory_space<vmem>>, %arg22: memref<80x16xf32, #tpu.memory_space<vmem>>, %arg23: memref<80x16xf32, #tpu.memory_space<vmem>>, %arg24: memref<80x16xf32, #tpu.memory_space<vmem>>, %arg25: memref<80x128xf32, #tpu.memory_space<vmem>>, %arg26: memref<80x128xf32, #tpu.memory_space<vmem>>, %arg27: memref<80x128xf32, #tpu.memory_space<vmem>>, %arg28: memref<!tpu.dma_semaphore, #tpu.memory_space<semaphore_mem>>, %arg29: memref<!tpu.dma_semaphore, #tpu.memory_space<semaphore_mem>>, %arg30: memref<!tpu.dma_semaphore, #tpu.memory_space<semaphore_mem>>, %arg31: memref<!tpu.dma_semaphore, #tpu.memory_space<semaphore_mem>>, %arg32: memref<!tpu.dma_semaphore, #tpu.memory_space<semaphore_mem>>, %arg33: memref<!tpu.dma_semaphore, #tpu.memory_space<semaphore_mem>>, %arg34: memref<!tpu.dma_semaphore, #tpu.memory_space<semaphore_mem>>, %arg35: memref<!tpu.dma_semaphore, #tpu.memory_space<semaphore_mem>>, %arg36: memref<!tpu.dma_semaphore, #tpu.memory_space<semaphore_mem>>, %arg37: memref<8x16xf32, #tpu.memory_space<vmem>>, %arg38: memref<10000x128xf32, #tpu.memory_space<vmem_shared>>, %arg39: memref<10000x16xf32, #tpu.memory_space<vmem_shared>>) attributes {dimension_semantics = [#tpu.dimension_semantics<core_parallel>, #tpu.dimension_semantics<subcore_parallel>], iteration_bounds = array<i64: 2, 16>, scalar_prefetch = 0 : i64, scratch_operands = 30 : i64, tpu.core_type = #tpu.core_type<sc_vector_subcore>, window_params = [{transform_indices = #map}, {transform_indices = #map}, {transform_indices = #map1}, {transform_indices = #map1}, {transform_indices = #map1}, {transform_indices = #map1}, {transform_indices = #map2}, {transform_indices = #map2}]} {
    %mul3A = arith.constant 2 : i32
    %mul3A_0 = arith.muli %arg1, %mul3A : i32
    %add3A = arith.addi %mul3A_0, %arg0 : i32
    %scan3A = arith.constant 0 : i32
    %scan3A_1 = arith.constant 0 : i32
    %scan3A_2 = arith.constant 80 : i32
    %scan3A_3 = arith.addi %scan3A_1, %scan3A_2 : i32
    %scan3A_4 = arith.constant 1 : i32
    scf.for %scan3A_256 = %scan3A_1 to %scan3A_3 step %scan3A_4  : i32 {
      %broadcast_in_dim3A = arith.constant 0.000000e+00 : f32
      %broadcast_in_dim3A_257 = vector.broadcast %broadcast_in_dim3A : f32 to vector<16xf32>
      %swap3A_258 = arith.index_cast %scan3A_256 : i32 to index
      %swap3A_259 = arith.constant 0 : index
      %swap3A_260 = tpu.vector_load %arg25[%swap3A_258, %swap3A_259] {strides = array<i32>} : memref<80x128xf32, #tpu.memory_space<vmem>>, vector<1x16xf32>,
      %swap3A_261 = vector.shape_cast %swap3A_260 : vector<1x16xf32> to vector<16xf32>
      %swap3A_262 = vector.shape_cast %broadcast_in_dim3A_257 : vector<16xf32> to vector<1x16xf32>
      tpu.vector_store %arg25[%swap3A_258, %swap3A_259], %swap3A_262 {strides = array<i32>} : memref<80x128xf32, #tpu.memory_space<vmem>>, vector<1x16xf32>,
      %broadcast_in_dim3A_263 = arith.constant 0.000000e+00 : f32
      %broadcast_in_dim3A_264 = vector.broadcast %broadcast_in_dim3A_263 : f32 to vector<16xf32>
      %swap3A_265 = arith.index_cast %scan3A_256 : i32 to index
      %swap3A_266 = arith.constant 16 : index
      %swap3A_267 = tpu.vector_load %arg25[%swap3A_265, %swap3A_266] {strides = array<i32>} : memref<80x128xf32, #tpu.memory_space<vmem>>, vector<1x16xf32>,
      %swap3A_268 = vector.shape_cast %swap3A_267 : vector<1x16xf32> to vector<16xf32>
      %swap3A_269 = vector.shape_cast %broadcast_in_dim3A_264 : vector<16xf32> to vector<1x16xf32>
      tpu.vector_store %arg25[%swap3A_265, %swap3A_266], %swap3A_269 {strides = array<i32>} : memref<80x128xf32, #tpu.memory_space<vmem>>, vector<1x16xf32>,
      %broadcast_in_dim3A_270 = arith.constant 0.000000e+00 : f32
      %broadcast_in_dim3A_271 = vector.broadcast %broadcast_in_dim3A_270 : f32 to vector<16xf32>
      %swap3A_272 = arith.index_cast %scan3A_256 : i32 to index
      %swap3A_273 = arith.constant 32 : index
      %swap3A_274 = tpu.vector_load %arg25[%swap3A_272, %swap3A_273] {strides = array<i32>} : memref<80x128xf32, #tpu.memory_space<vmem>>, vector<1x16xf32>,
      %swap3A_275 = vector.shape_cast %swap3A_274 : vector<1x16xf32> to vector<16xf32>
      %swap3A_276 = vector.shape_cast %broadcast_in_dim3A_271 : vector<16xf32> to vector<1x16xf32>
      tpu.vector_store %arg25[%swap3A_272, %swap3A_273], %swap3A_276 {strides = array<i32>} : memref<80x128xf32, #tpu.memory_space<vmem>>, vector<1x16xf32>,
      %broadcast_in_dim3A_277 = arith.constant 0.000000e+00 : f32
      %broadcast_in_dim3A_278 = vector.broadcast %broadcast_in_dim3A_277 : f32 to vector<16xf32>
      %swap3A_279 = arith.index_cast %scan3A_256 : i32 to index
      %swap3A_280 = arith.constant 48 : index
      %swap3A_281 = tpu.vector_load %arg25[%swap3A_279, %swap3A_280] {strides = array<i32>} : memref<80x128xf32, #tpu.memory_space<vmem>>, vector<1x16xf32>,
      %swap3A_282 = vector.shape_cast %swap3A_281 : vector<1x16xf32> to vector<16xf32>
      %swap3A_283 = vector.shape_cast %broadcast_in_dim3A_278 : vector<16xf32> to vector<1x16xf32>
      tpu.vector_store %arg25[%swap3A_279, %swap3A_280], %swap3A_283 {strides = array<i32>} : memref<80x128xf32, #tpu.memory_space<vmem>>, vector<1x16xf32>,
      %broadcast_in_dim3A_284 = arith.constant 0.000000e+00 : f32
      %broadcast_in_dim3A_285 = vector.broadcast %broadcast_in_dim3A_284 : f32 to vector<16xf32>
      %swap3A_286 = arith.index_cast %scan3A_256 : i32 to index
      %swap3A_287 = arith.constant 64 : index
      %swap3A_288 = tpu.vector_load %arg25[%swap3A_286, %swap3A_287] {strides = array<i32>} : memref<80x128xf32, #tpu.memory_space<vmem>>, vector<1x16xf32>,
      %swap3A_289 = vector.shape_cast %swap3A_288 : vector<1x16xf32> to vector<16xf32>
      %swap3A_290 = vector.shape_cast %broadcast_in_dim3A_285 : vector<16xf32> to vector<1x16xf32>
      tpu.vector_store %arg25[%swap3A_286, %swap3A_287], %swap3A_290 {strides = array<i32>} : memref<80x128xf32, #tpu.memory_space<vmem>>, vector<1x16xf32>,
      %broadcast_in_dim3A_291 = arith.constant 0.000000e+00 : f32
      %broadcast_in_dim3A_292 = vector.broadcast %broadcast_in_dim3A_291 : f32 to vector<16xf32>
      %swap3A_293 = arith.index_cast %scan3A_256 : i32 to index
      %swap3A_294 = arith.constant 80 : index
      %swap3A_295 = tpu.vector_load %arg25[%swap3A_293, %swap3A_294] {strides = array<i32>} : memref<80x128xf32, #tpu.memory_space<vmem>>, vector<1x16xf32>,
      %swap3A_296 = vector.shape_cast %swap3A_295 : vector<1x16xf32> to vector<16xf32>
      %swap3A_297 = vector.shape_cast %broadcast_in_dim3A_292 : vector<16xf32> to vector<1x16xf32>
      tpu.vector_store %arg25[%swap3A_293, %swap3A_294], %swap3A_297 {strides = array<i32>} : memref<80x128xf32, #tpu.memory_space<vmem>>, vector<1x16xf32>,
      %broadcast_in_dim3A_298 = arith.constant 0.000000e+00 : f32
      %broadcast_in_dim3A_299 = vector.broadcast %broadcast_in_dim3A_298 : f32 to vector<16xf32>
      %swap3A_300 = arith.index_cast %scan3A_256 : i32 to index
      %swap3A_301 = arith.constant 96 : index
      %swap3A_302 = tpu.vector_load %arg25[%swap3A_300, %swap3A_301] {strides = array<i32>} : memref<80x128xf32, #tpu.memory_space<vmem>>, vector<1x16xf32>,
      %swap3A_303 = vector.shape_cast %swap3A_302 : vector<1x16xf32> to vector<16xf32>
      %swap3A_304 = vector.shape_cast %broadcast_in_dim3A_299 : vector<16xf32> to vector<1x16xf32>
      tpu.vector_store %arg25[%swap3A_300, %swap3A_301], %swap3A_304 {strides = array<i32>} : memref<80x128xf32, #tpu.memory_space<vmem>>, vector<1x16xf32>,
      %broadcast_in_dim3A_305 = arith.constant 0.000000e+00 : f32
      %broadcast_in_dim3A_306 = vector.broadcast %broadcast_in_dim3A_305 : f32 to vector<16xf32>
      %swap3A_307 = arith.index_cast %scan3A_256 : i32 to index
      %swap3A_308 = arith.constant 112 : index
      %swap3A_309 = tpu.vector_load %arg25[%swap3A_307, %swap3A_308] {strides = array<i32>} : memref<80x128xf32, #tpu.memory_space<vmem>>, vector<1x16xf32>,
      %swap3A_310 = vector.shape_cast %swap3A_309 : vector<1x16xf32> to vector<16xf32>
      %swap3A_311 = vector.shape_cast %broadcast_in_dim3A_306 : vector<16xf32> to vector<1x16xf32>
      tpu.vector_store %arg25[%swap3A_307, %swap3A_308], %swap3A_311 {strides = array<i32>} : memref<80x128xf32, #tpu.memory_space<vmem>>, vector<1x16xf32>,
      %broadcast_in_dim3A_312 = arith.constant 0.000000e+00 : f32
      %broadcast_in_dim3A_313 = vector.broadcast %broadcast_in_dim3A_312 : f32 to vector<16xf32>
      %swap3A_314 = arith.index_cast %scan3A_256 : i32 to index
      %swap3A_315 = arith.constant 0 : index
      %swap3A_316 = tpu.vector_load %arg19[%swap3A_314, %swap3A_315] {strides = array<i32>} : memref<80x16xf32, #tpu.memory_space<vmem>>, vector<1x16xf32>,
      %swap3A_317 = vector.shape_cast %swap3A_316 : vector<1x16xf32> to vector<16xf32>
      %swap3A_318 = vector.shape_cast %broadcast_in_dim3A_313 : vector<16xf32> to vector<1x16xf32>
      tpu.vector_store %arg19[%swap3A_314, %swap3A_315], %swap3A_318 {strides = array<i32>} : memref<80x16xf32, #tpu.memory_space<vmem>>, vector<1x16xf32>,
    }
    %scan3A_5 = arith.constant 80 : i32
    %mul3A_6 = arith.constant 624 : i32
    %mul3A_7 = arith.muli %arg1, %mul3A_6 : i32
    %add3A_8 = arith.constant 0 : i32
    %add3A_9 = arith.addi %mul3A_7, %add3A_8 : i32
    "tpu.region"() ({
      %run_scoped3A = tpu.sem_alloc : memref<!tpu.dma_semaphore, #tpu.memory_space<semaphore_mem>>
      %dma_start3A_256 = arith.constant 0 : i32
      %dma_start3A_257 = arith.constant 0 : i32
      %dma_start3A_258 = tpu.memref_slice %arg25[%dma_start3A_256, %dma_start3A_257] : memref<80x128xf32, #tpu.memory_space<vmem>> -> memref<80x128xf32, #tpu.memory_space<vmem>>
      %dma_start3A_259 = arith.constant 0 : i32
      %dma_start3A_260 = tpu.memref_slice %arg38[%add3A_9, %dma_start3A_259] : memref<10000x128xf32, #tpu.memory_space<vmem_shared>> -> memref<80x128xf32, #tpu.memory_space<vmem_shared>>
      %dma_start3A_261 = arith.constant 0 : i32
      %dma_start3A_262 = tpu.memref_slice %arg38[%add3A_9, %dma_start3A_261] : memref<10000x128xf32, #tpu.memory_space<vmem_shared>> -> memref<80x128xf32, #tpu.memory_space<vmem_shared>>
      %dma_start3A_263 = arith.constant 0 : i32
      %dma_start3A_264 = arith.constant 0 : i32
      %dma_start3A_265 = tpu.memref_slice %arg25[%dma_start3A_263, %dma_start3A_264] : memref<80x128xf32, #tpu.memory_space<vmem>> -> memref<80x128xf32, #tpu.memory_space<vmem>>
      tpu.enqueue_dma source(%dma_start3A_265 : memref<80x128xf32, #tpu.memory_space<vmem>>) target(%dma_start3A_262 : memref<80x128xf32, #tpu.memory_space<vmem_shared>>) target_semaphore(%run_scoped3A : memref<!tpu.dma_semaphore, #tpu.memory_space<semaphore_mem>>)
      %dma_wait3A_266 = arith.constant 0 : i32
      %dma_wait3A_267 = arith.constant 0 : i32
      %dma_wait3A_268 = tpu.memref_slice %arg25[%dma_wait3A_266, %dma_wait3A_267] : memref<80x128xf32, #tpu.memory_space<vmem>> -> memref<80x128xf32, #tpu.memory_space<vmem>>
      %dma_wait3A_269 = arith.constant 0 : i32
      %dma_wait3A_270 = tpu.memref_slice %arg38[%add3A_9, %dma_wait3A_269] : memref<10000x128xf32, #tpu.memory_space<vmem_shared>> -> memref<80x128xf32, #tpu.memory_space<vmem_shared>>
      %dma_wait3A_271 = arith.constant 0 : i32
      %dma_wait3A_272 = tpu.memref_slice %arg38[%add3A_9, %dma_wait3A_271] : memref<10000x128xf32, #tpu.memory_space<vmem_shared>> -> memref<80x128xf32, #tpu.memory_space<vmem_shared>>
      %dma_wait3A_273 = arith.constant 0 : i32
      %dma_wait3A_274 = arith.constant 0 : i32
      %dma_wait3A_275 = tpu.memref_slice %arg25[%dma_wait3A_273, %dma_wait3A_274] : memref<80x128xf32, #tpu.memory_space<vmem>> -> memref<80x128xf32, #tpu.memory_space<vmem>>
      tpu.wait_dma2 semaphore(%run_scoped3A : memref<!tpu.dma_semaphore, #tpu.memory_space<semaphore_mem>>) src(%dma_wait3A_275 : memref<80x128xf32, #tpu.memory_space<vmem>>) dst(%dma_wait3A_272 : memref<80x128xf32, #tpu.memory_space<vmem_shared>>)
      tpu.yield
    }) : () -> ()
    %add3A_10 = arith.constant 0 : i32
    %add3A_11 = arith.addi %mul3A_7, %add3A_10 : i32
    "tpu.region"() ({
      %run_scoped3A = tpu.sem_alloc : memref<!tpu.dma_semaphore, #tpu.memory_space<semaphore_mem>>
      %dma_start3A_256 = arith.constant 0 : i32
      %dma_start3A_257 = arith.constant 0 : i32
      %dma_start3A_258 = tpu.memref_slice %arg19[%dma_start3A_256, %dma_start3A_257] : memref<80x16xf32, #tpu.memory_space<vmem>> -> memref<80x16xf32, #tpu.memory_space<vmem>>
      %dma_start3A_259 = arith.constant 0 : i32
      %dma_start3A_260 = tpu.memref_slice %arg39[%add3A_11, %dma_start3A_259] : memref<10000x16xf32, #tpu.memory_space<vmem_shared>> -> memref<80x16xf32, #tpu.memory_space<vmem_shared>>
      %dma_start3A_261 = arith.constant 0 : i32
      %dma_start3A_262 = tpu.memref_slice %arg39[%add3A_11, %dma_start3A_261] : memref<10000x16xf32, #tpu.memory_space<vmem_shared>> -> memref<80x16xf32, #tpu.memory_space<vmem_shared>>
      %dma_start3A_263 = arith.constant 0 : i32
      %dma_start3A_264 = arith.constant 0 : i32
      %dma_start3A_265 = tpu.memref_slice %arg19[%dma_start3A_263, %dma_start3A_264] : memref<80x16xf32, #tpu.memory_space<vmem>> -> memref<80x16xf32, #tpu.memory_space<vmem>>
      tpu.enqueue_dma source(%dma_start3A_265 : memref<80x16xf32, #tpu.memory_space<vmem>>) target(%dma_start3A_262 : memref<80x16xf32, #tpu.memory_space<vmem_shared>>) target_semaphore(%run_scoped3A : memref<!tpu.dma_semaphore, #tpu.memory_space<semaphore_mem>>)
      %dma_wait3A_266 = arith.constant 0 : i32
      %dma_wait3A_267 = arith.constant 0 : i32
      %dma_wait3A_268 = tpu.memref_slice %arg19[%dma_wait3A_266, %dma_wait3A_267] : memref<80x16xf32, #tpu.memory_space<vmem>> -> memref<80x16xf32, #tpu.memory_space<vmem>>
      %dma_wait3A_269 = arith.constant 0 : i32
      %dma_wait3A_270 = tpu.memref_slice %arg39[%add3A_11, %dma_wait3A_269] : memref<10000x16xf32, #tpu.memory_space<vmem_shared>> -> memref<80x16xf32, #tpu.memory_space<vmem_shared>>
      %dma_wait3A_271 = arith.constant 0 : i32
      %dma_wait3A_272 = tpu.memref_slice %arg39[%add3A_11, %dma_wait3A_271] : memref<10000x16xf32, #tpu.memory_space<vmem_shared>> -> memref<80x16xf32, #tpu.memory_space<vmem_shared>>
      %dma_wait3A_273 = arith.constant 0 : i32
      %dma_wait3A_274 = arith.constant 0 : i32
      %dma_wait3A_275 = tpu.memref_slice %arg19[%dma_wait3A_273, %dma_wait3A_274] : memref<80x16xf32, #tpu.memory_space<vmem>> -> memref<80x16xf32, #tpu.memory_space<vmem>>
      tpu.wait_dma2 semaphore(%run_scoped3A : memref<!tpu.dma_semaphore, #tpu.memory_space<semaphore_mem>>) src(%dma_wait3A_275 : memref<80x16xf32, #tpu.memory_space<vmem>>) dst(%dma_wait3A_272 : memref<80x16xf32, #tpu.memory_space<vmem_shared>>)
      tpu.yield
    }) : () -> ()
    %add3A_12 = arith.constant 80 : i32
    %add3A_13 = arith.addi %mul3A_7, %add3A_12 : i32
    "tpu.region"() ({
      %run_scoped3A = tpu.sem_alloc : memref<!tpu.dma_semaphore, #tpu.memory_space<semaphore_mem>>
      %dma_start3A_256 = arith.constant 0 : i32
      %dma_start3A_257 = arith.constant 0 : i32
      %dma_start3A_258 = tpu.memref_slice %arg25[%dma_start3A_256, %dma_start3A_257] : memref<80x128xf32, #tpu.memory_space<vmem>> -> memref<80x128xf32, #tpu.memory_space<vmem>>
      %dma_start3A_259 = arith.constant 0 : i32
      %dma_start3A_260 = tpu.memref_slice %arg38[%add3A_13, %dma_start3A_259] : memref<10000x128xf32, #tpu.memory_space<vmem_shared>> -> memref<80x128xf32, #tpu.memory_space<vmem_shared>>
      %dma_start3A_261 = arith.constant 0 : i32
      %dma_start3A_262 = tpu.memref_slice %arg38[%add3A_13, %dma_start3A_261] : memref<10000x128xf32, #tpu.memory_space<vmem_shared>> -> memref<80x128xf32, #tpu.memory_space<vmem_shared>>
      %dma_start3A_263 = arith.constant 0 : i32
      %dma_start3A_264 = arith.constant 0 : i32
      %dma_start3A_265 = tpu.memref_slice %arg25[%dma_start3A_263, %dma_start3A_264] : memref<80x128xf32, #tpu.memory_space<vmem>> -> memref<80x128xf32, #tpu.memory_space<vmem>>
      tpu.enqueue_dma source(%dma_start3A_265 : memref<80x128xf32, #tpu.memory_space<vmem>>) target(%dma_start3A_262 : memref<80x128xf32, #tpu.memory_space<vmem_shared>>) target_semaphore(%run_scoped3A : memref<!tpu.dma_semaphore, #tpu.memory_space<semaphore_mem>>)
      %dma_wait3A_266 = arith.constant 0 : i32
      %dma_wait3A_267 = arith.constant 0 : i32
      %dma_wait3A_268 = tpu.memref_slice %arg25[%dma_wait3A_266, %dma_wait3A_267] : memref<80x128xf32, #tpu.memory_space<vmem>> -> memref<80x128xf32, #tpu.memory_space<vmem>>
      %dma_wait3A_269 = arith.constant 0 : i32
      %dma_wait3A_270 = tpu.memref_slice %arg38[%add3A_13, %dma_wait3A_269] : memref<10000x128xf32, #tpu.memory_space<vmem_shared>> -> memref<80x128xf32, #tpu.memory_space<vmem_shared>>
      %dma_wait3A_271 = arith.constant 0 : i32
      %dma_wait3A_272 = tpu.memref_slice %arg38[%add3A_13, %dma_wait3A_271] : memref<10000x128xf32, #tpu.memory_space<vmem_shared>> -> memref<80x128xf32, #tpu.memory_space<vmem_shared>>
      %dma_wait3A_273 = arith.constant 0 : i32
      %dma_wait3A_274 = arith.constant 0 : i32
      %dma_wait3A_275 = tpu.memref_slice %arg25[%dma_wait3A_273, %dma_wait3A_274] : memref<80x128xf32, #tpu.memory_space<vmem>> -> memref<80x128xf32, #tpu.memory_space<vmem>>
      tpu.wait_dma2 semaphore(%run_scoped3A : memref<!tpu.dma_semaphore, #tpu.memory_space<semaphore_mem>>) src(%dma_wait3A_275 : memref<80x128xf32, #tpu.memory_space<vmem>>) dst(%dma_wait3A_272 : memref<80x128xf32, #tpu.memory_space<vmem_shared>>)
      tpu.yield
    }) : () -> ()
    %add3A_14 = arith.constant 80 : i32
    %add3A_15 = arith.addi %mul3A_7, %add3A_14 : i32
    "tpu.region"() ({
      %run_scoped3A = tpu.sem_alloc : memref<!tpu.dma_semaphore, #tpu.memory_space<semaphore_mem>>
      %dma_start3A_256 = arith.constant 0 : i32
      %dma_start3A_257 = arith.constant 0 : i32
      %dma_start3A_258 = tpu.memref_slice %arg19[%dma_start3A_256, %dma_start3A_257] : memref<80x16xf32, #tpu.memory_space<vmem>> -> memref<80x16xf32, #tpu.memory_space<vmem>>
      %dma_start3A_259 = arith.constant 0 : i32
      %dma_start3A_260 = tpu.memref_slice %arg39[%add3A_15, %dma_start3A_259] : memref<10000x16xf32, #tpu.memory_space<vmem_shared>> -> memref<80x16xf32, #tpu.memory_space<vmem_shared>>
      %dma_start3A_261 = arith.constant 0 : i32
      %dma_start3A_262 = tpu.memref_slice %arg39[%add3A_15, %dma_start3A_261] : memref<10000x16xf32, #tpu.memory_space<vmem_shared>> -> memref<80x16xf32, #tpu.memory_space<vmem_shared>>
      %dma_start3A_263 = arith.constant 0 : i32
      %dma_start3A_264 = arith.constant 0 : i32
      %dma_start3A_265 = tpu.memref_slice %arg19[%dma_start3A_263, %dma_start3A_264] : memref<80x16xf32, #tpu.memory_space<vmem>> -> memref<80x16xf32, #tpu.memory_space<vmem>>
      tpu.enqueue_dma source(%dma_start3A_265 : memref<80x16xf32, #tpu.memory_space<vmem>>) target(%dma_start3A_262 : memref<80x16xf32, #tpu.memory_space<vmem_shared>>) target_semaphore(%run_scoped3A : memref<!tpu.dma_semaphore, #tpu.memory_space<semaphore_mem>>)
      %dma_wait3A_266 = arith.constant 0 : i32
      %dma_wait3A_267 = arith.constant 0 : i32
      %dma_wait3A_268 = tpu.memref_slice %arg19[%dma_wait3A_266, %dma_wait3A_267] : memref<80x16xf32, #tpu.memory_space<vmem>> -> memref<80x16xf32, #tpu.memory_space<vmem>>
      %dma_wait3A_269 = arith.constant 0 : i32
      %dma_wait3A_270 = tpu.memref_slice %arg39[%add3A_15, %dma_wait3A_269] : memref<10000x16xf32, #tpu.memory_space<vmem_shared>> -> memref<80x16xf32, #tpu.memory_space<vmem_shared>>
      %dma_wait3A_271 = arith.constant 0 : i32
      %dma_wait3A_272 = tpu.memref_slice %arg39[%add3A_15, %dma_wait3A_271] : memref<10000x16xf32, #tpu.memory_space<vmem_shared>> -> memref<80x16xf32, #tpu.memory_space<vmem_shared>>
      %dma_wait3A_273 = arith.constant 0 : i32
      %dma_wait3A_274 = arith.constant 0 : i32
      %dma_wait3A_275 = tpu.memref_slice %arg19[%dma_wait3A_273, %dma_wait3A_274] : memref<80x16xf32, #tpu.memory_space<vmem>> -> memref<80x16xf32, #tpu.memory_space<vmem>>
      tpu.wait_dma2 semaphore(%run_scoped3A : memref<!tpu.dma_semaphore, #tpu.memory_space<semaphore_mem>>) src(%dma_wait3A_275 : memref<80x16xf32, #tpu.memory_space<vmem>>) dst(%dma_wait3A_272 : memref<80x16xf32, #tpu.memory_space<vmem_shared>>)
      tpu.yield
    }) : () -> ()
    %add3A_16 = arith.constant 160 : i32
    %add3A_17 = arith.addi %mul3A_7, %add3A_16 : i32
    "tpu.region"() ({
      %run_scoped3A = tpu.sem_alloc : memref<!tpu.dma_semaphore, #tpu.memory_space<semaphore_mem>>
      %dma_start3A_256 = arith.constant 0 : i32
      %dma_start3A_257 = arith.constant 0 : i32
      %dma_start3A_258 = tpu.memref_slice %arg25[%dma_start3A_256, %dma_start3A_257] : memref<80x128xf32, #tpu.memory_space<vmem>> -> memref<80x128xf32, #tpu.memory_space<vmem>>
      %dma_start3A_259 = arith.constant 0 : i32
      %dma_start3A_260 = tpu.memref_slice %arg38[%add3A_17, %dma_start3A_259] : memref<10000x128xf32, #tpu.memory_space<vmem_shared>> -> memref<80x128xf32, #tpu.memory_space<vmem_shared>>
      %dma_start3A_261 = arith.constant 0 : i32
      %dma_start3A_262 = tpu.memref_slice %arg38[%add3A_17, %dma_start3A_261] : memref<10000x128xf32, #tpu.memory_space<vmem_shared>> -> memref<80x128xf32, #tpu.memory_space<vmem_shared>>
      %dma_start3A_263 = arith.constant 0 : i32
      %dma_start3A_264 = arith.constant 0 : i32
      %dma_start3A_265 = tpu.memref_slice %arg25[%dma_start3A_263, %dma_start3A_264] : memref<80x128xf32, #tpu.memory_space<vmem>> -> memref<80x128xf32, #tpu.memory_space<vmem>>
      tpu.enqueue_dma source(%dma_start3A_265 : memref<80x128xf32, #tpu.memory_space<vmem>>) target(%dma_start3A_262 : memref<80x128xf32, #tpu.memory_space<vmem_shared>>) target_semaphore(%run_scoped3A : memref<!tpu.dma_semaphore, #tpu.memory_space<semaphore_mem>>)
      %dma_wait3A_266 = arith.constant 0 : i32
      %dma_wait3A_267 = arith.constant 0 : i32
      %dma_wait3A_268 = tpu.memref_slice %arg25[%dma_wait3A_266, %dma_wait3A_267] : memref<80x128xf32, #tpu.memory_space<vmem>> -> memref<80x128xf32, #tpu.memory_space<vmem>>
      %dma_wait3A_269 = arith.constant 0 : i32
      %dma_wait3A_270 = tpu.memref_slice %arg38[%add3A_17, %dma_wait3A_269] : memref<10000x128xf32, #tpu.memory_space<vmem_shared>> -> memref<80x128xf32, #tpu.memory_space<vmem_shared>>
      %dma_wait3A_271 = arith.constant 0 : i32
      %dma_wait3A_272 = tpu.memref_slice %arg38[%add3A_17, %dma_wait3A_271] : memref<10000x128xf32, #tpu.memory_space<vmem_shared>> -> memref<80x128xf32, #tpu.memory_space<vmem_shared>>
      %dma_wait3A_273 = arith.constant 0 : i32
      %dma_wait3A_274 = arith.constant 0 : i32
      %dma_wait3A_275 = tpu.memref_slice %arg25[%dma_wait3A_273, %dma_wait3A_274] : memref<80x128xf32, #tpu.memory_space<vmem>> -> memref<80x128xf32, #tpu.memory_space<vmem>>
      tpu.wait_dma2 semaphore(%run_scoped3A : memref<!tpu.dma_semaphore, #tpu.memory_space<semaphore_mem>>) src(%dma_wait3A_275 : memref<80x128xf32, #tpu.memory_space<vmem>>) dst(%dma_wait3A_272 : memref<80x128xf32, #tpu.memory_space<vmem_shared>>)
      tpu.yield
    }) : () -> ()
    %add3A_18 = arith.constant 160 : i32
    %add3A_19 = arith.addi %mul3A_7, %add3A_18 : i32
    "tpu.region"() ({
      %run_scoped3A = tpu.sem_alloc : memref<!tpu.dma_semaphore, #tpu.memory_space<semaphore_mem>>
      %dma_start3A_256 = arith.constant 0 : i32
      %dma_start3A_257 = arith.constant 0 : i32
      %dma_start3A_258 = tpu.memref_slice %arg19[%dma_start3A_256, %dma_start3A_257] : memref<80x16xf32, #tpu.memory_space<vmem>> -> memref<80x16xf32, #tpu.memory_space<vmem>>
      %dma_start3A_259 = arith.constant 0 : i32
      %dma_start3A_260 = tpu.memref_slice %arg39[%add3A_19, %dma_start3A_259] : memref<10000x16xf32, #tpu.memory_space<vmem_shared>> -> memref<80x16xf32, #tpu.memory_space<vmem_shared>>
      %dma_start3A_261 = arith.constant 0 : i32
      %dma_start3A_262 = tpu.memref_slice %arg39[%add3A_19, %dma_start3A_261] : memref<10000x16xf32, #tpu.memory_space<vmem_shared>> -> memref<80x16xf32, #tpu.memory_space<vmem_shared>>
      %dma_start3A_263 = arith.constant 0 : i32
      %dma_start3A_264 = arith.constant 0 : i32
      %dma_start3A_265 = tpu.memref_slice %arg19[%dma_start3A_263, %dma_start3A_264] : memref<80x16xf32, #tpu.memory_space<vmem>> -> memref<80x16xf32, #tpu.memory_space<vmem>>
      tpu.enqueue_dma source(%dma_start3A_265 : memref<80x16xf32, #tpu.memory_space<vmem>>) target(%dma_start3A_262 : memref<80x16xf32, #tpu.memory_space<vmem_shared>>) target_semaphore(%run_scoped3A : memref<!tpu.dma_semaphore, #tpu.memory_space<semaphore_mem>>)
      %dma_wait3A_266 = arith.constant 0 : i32
      %dma_wait3A_267 = arith.constant 0 : i32
      %dma_wait3A_268 = tpu.memref_slice %arg19[%dma_wait3A_266, %dma_wait3A_267] : memref<80x16xf32, #tpu.memory_space<vmem>> -> memref<80x16xf32, #tpu.memory_space<vmem>>
      %dma_wait3A_269 = arith.constant 0 : i32
      %dma_wait3A_270 = tpu.memref_slice %arg39[%add3A_19, %dma_wait3A_269] : memref<10000x16xf32, #tpu.memory_space<vmem_shared>> -> memref<80x16xf32, #tpu.memory_space<vmem_shared>>
      %dma_wait3A_271 = arith.constant 0 : i32
      %dma_wait3A_272 = tpu.memref_slice %arg39[%add3A_19, %dma_wait3A_271] : memref<10000x16xf32, #tpu.memory_space<vmem_shared>> -> memref<80x16xf32, #tpu.memory_space<vmem_shared>>
      %dma_wait3A_273 = arith.constant 0 : i32
      %dma_wait3A_274 = arith.constant 0 : i32
      %dma_wait3A_275 = tpu.memref_slice %arg19[%dma_wait3A_273, %dma_wait3A_274] : memref<80x16xf32, #tpu.memory_space<vmem>> -> memref<80x16xf32, #tpu.memory_space<vmem>>
      tpu.wait_dma2 semaphore(%run_scoped3A : memref<!tpu.dma_semaphore, #tpu.memory_space<semaphore_mem>>) src(%dma_wait3A_275 : memref<80x16xf32, #tpu.memory_space<vmem>>) dst(%dma_wait3A_272 : memref<80x16xf32, #tpu.memory_space<vmem_shared>>)
      tpu.yield
    }) : () -> ()
    %add3A_20 = arith.constant 240 : i32
    %add3A_21 = arith.addi %mul3A_7, %add3A_20 : i32
    "tpu.region"() ({
      %run_scoped3A = tpu.sem_alloc : memref<!tpu.dma_semaphore, #tpu.memory_space<semaphore_mem>>
      %dma_start3A_256 = arith.constant 0 : i32
      %dma_start3A_257 = arith.constant 0 : i32
      %dma_start3A_258 = tpu.memref_slice %arg25[%dma_start3A_256, %dma_start3A_257] : memref<80x128xf32, #tpu.memory_space<vmem>> -> memref<80x128xf32, #tpu.memory_space<vmem>>
      %dma_start3A_259 = arith.constant 0 : i32
      %dma_start3A_260 = tpu.memref_slice %arg38[%add3A_21, %dma_start3A_259] : memref<10000x128xf32, #tpu.memory_space<vmem_shared>> -> memref<80x128xf32, #tpu.memory_space<vmem_shared>>
      %dma_start3A_261 = arith.constant 0 : i32
      %dma_start3A_262 = tpu.memref_slice %arg38[%add3A_21, %dma_start3A_261] : memref<10000x128xf32, #tpu.memory_space<vmem_shared>> -> memref<80x128xf32, #tpu.memory_space<vmem_shared>>
      %dma_start3A_263 = arith.constant 0 : i32
      %dma_start3A_264 = arith.constant 0 : i32
      %dma_start3A_265 = tpu.memref_slice %arg25[%dma_start3A_263, %dma_start3A_264] : memref<80x128xf32, #tpu.memory_space<vmem>> -> memref<80x128xf32, #tpu.memory_space<vmem>>
      tpu.enqueue_dma source(%dma_start3A_265 : memref<80x128xf32, #tpu.memory_space<vmem>>) target(%dma_start3A_262 : memref<80x128xf32, #tpu.memory_space<vmem_shared>>) target_semaphore(%run_scoped3A : memref<!tpu.dma_semaphore, #tpu.memory_space<semaphore_mem>>)
      %dma_wait3A_266 = arith.constant 0 : i32
      %dma_wait3A_267 = arith.constant 0 : i32
      %dma_wait3A_268 = tpu.memref_slice %arg25[%dma_wait3A_266, %dma_wait3A_267] : memref<80x128xf32, #tpu.memory_space<vmem>> -> memref<80x128xf32, #tpu.memory_space<vmem>>
      %dma_wait3A_269 = arith.constant 0 : i32
      %dma_wait3A_270 = tpu.memref_slice %arg38[%add3A_21, %dma_wait3A_269] : memref<10000x128xf32, #tpu.memory_space<vmem_shared>> -> memref<80x128xf32, #tpu.memory_space<vmem_shared>>
      %dma_wait3A_271 = arith.constant 0 : i32
      %dma_wait3A_272 = tpu.memref_slice %arg38[%add3A_21, %dma_wait3A_271] : memref<10000x128xf32, #tpu.memory_space<vmem_shared>> -> memref<80x128xf32, #tpu.memory_space<vmem_shared>>
      %dma_wait3A_273 = arith.constant 0 : i32
      %dma_wait3A_274 = arith.constant 0 : i32
      %dma_wait3A_275 = tpu.memref_slice %arg25[%dma_wait3A_273, %dma_wait3A_274] : memref<80x128xf32, #tpu.memory_space<vmem>> -> memref<80x128xf32, #tpu.memory_space<vmem>>
      tpu.wait_dma2 semaphore(%run_scoped3A : memref<!tpu.dma_semaphore, #tpu.memory_space<semaphore_mem>>) src(%dma_wait3A_275 : memref<80x128xf32, #tpu.memory_space<vmem>>) dst(%dma_wait3A_272 : memref<80x128xf32, #tpu.memory_space<vmem_shared>>)
      tpu.yield
    }) : () -> ()
    %add3A_22 = arith.constant 240 : i32
    %add3A_23 = arith.addi %mul3A_7, %add3A_22 : i32
    "tpu.region"() ({
      %run_scoped3A = tpu.sem_alloc : memref<!tpu.dma_semaphore, #tpu.memory_space<semaphore_mem>>
      %dma_start3A_256 = arith.constant 0 : i32
      %dma_start3A_257 = arith.constant 0 : i32
      %dma_start3A_258 = tpu.memref_slice %arg19[%dma_start3A_256, %dma_start3A_257] : memref<80x16xf32, #tpu.memory_space<vmem>> -> memref<80x16xf32, #tpu.memory_space<vmem>>
      %dma_start3A_259 = arith.constant 0 : i32
      %dma_start3A_260 = tpu.memref_slice %arg39[%add3A_23, %dma_start3A_259] : memref<10000x16xf32, #tpu.memory_space<vmem_shared>> -> memref<80x16xf32, #tpu.memory_space<vmem_shared>>
      %dma_start3A_261 = arith.constant 0 : i32
      %dma_start3A_262 = tpu.memref_slice %arg39[%add3A_23, %dma_start3A_261] : memref<10000x16xf32, #tpu.memory_space<vmem_shared>> -> memref<80x16xf32, #tpu.memory_space<vmem_shared>>
      %dma_start3A_263 = arith.constant 0 : i32
      %dma_start3A_264 = arith.constant 0 : i32
      %dma_start3A_265 = tpu.memref_slice %arg19[%dma_start3A_263, %dma_start3A_264] : memref<80x16xf32, #tpu.memory_space<vmem>> -> memref<80x16xf32, #tpu.memory_space<vmem>>
      tpu.enqueue_dma source(%dma_start3A_265 : memref<80x16xf32, #tpu.memory_space<vmem>>) target(%dma_start3A_262 : memref<80x16xf32, #tpu.memory_space<vmem_shared>>) target_semaphore(%run_scoped3A : memref<!tpu.dma_semaphore, #tpu.memory_space<semaphore_mem>>)
      %dma_wait3A_266 = arith.constant 0 : i32
      %dma_wait3A_267 = arith.constant 0 : i32
      %dma_wait3A_268 = tpu.memref_slice %arg19[%dma_wait3A_266, %dma_wait3A_267] : memref<80x16xf32, #tpu.memory_space<vmem>> -> memref<80x16xf32, #tpu.memory_space<vmem>>
      %dma_wait3A_269 = arith.constant 0 : i32
      %dma_wait3A_270 = tpu.memref_slice %arg39[%add3A_23, %dma_wait3A_269] : memref<10000x16xf32, #tpu.memory_space<vmem_shared>> -> memref<80x16xf32, #tpu.memory_space<vmem_shared>>
      %dma_wait3A_271 = arith.constant 0 : i32
      %dma_wait3A_272 = tpu.memref_slice %arg39[%add3A_23, %dma_wait3A_271] : memref<10000x16xf32, #tpu.memory_space<vmem_shared>> -> memref<80x16xf32, #tpu.memory_space<vmem_shared>>
      %dma_wait3A_273 = arith.constant 0 : i32
      %dma_wait3A_274 = arith.constant 0 : i32
      %dma_wait3A_275 = tpu.memref_slice %arg19[%dma_wait3A_273, %dma_wait3A_274] : memref<80x16xf32, #tpu.memory_space<vmem>> -> memref<80x16xf32, #tpu.memory_space<vmem>>
      tpu.wait_dma2 semaphore(%run_scoped3A : memref<!tpu.dma_semaphore, #tpu.memory_space<semaphore_mem>>) src(%dma_wait3A_275 : memref<80x16xf32, #tpu.memory_space<vmem>>) dst(%dma_wait3A_272 : memref<80x16xf32, #tpu.memory_space<vmem_shared>>)
      tpu.yield
    }) : () -> ()
    %add3A_24 = arith.constant 320 : i32
    %add3A_25 = arith.addi %mul3A_7, %add3A_24 : i32
    "tpu.region"() ({
      %run_scoped3A = tpu.sem_alloc : memref<!tpu.dma_semaphore, #tpu.memory_space<semaphore_mem>>
      %dma_start3A_256 = arith.constant 0 : i32
      %dma_start3A_257 = arith.constant 0 : i32
      %dma_start3A_258 = tpu.memref_slice %arg25[%dma_start3A_256, %dma_start3A_257] : memref<80x128xf32, #tpu.memory_space<vmem>> -> memref<80x128xf32, #tpu.memory_space<vmem>>
      %dma_start3A_259 = arith.constant 0 : i32
      %dma_start3A_260 = tpu.memref_slice %arg38[%add3A_25, %dma_start3A_259] : memref<10000x128xf32, #tpu.memory_space<vmem_shared>> -> memref<80x128xf32, #tpu.memory_space<vmem_shared>>
      %dma_start3A_261 = arith.constant 0 : i32
      %dma_start3A_262 = tpu.memref_slice %arg38[%add3A_25, %dma_start3A_261] : memref<10000x128xf32, #tpu.memory_space<vmem_shared>> -> memref<80x128xf32, #tpu.memory_space<vmem_shared>>
      %dma_start3A_263 = arith.constant 0 : i32
      %dma_start3A_264 = arith.constant 0 : i32
      %dma_start3A_265 = tpu.memref_slice %arg25[%dma_start3A_263, %dma_start3A_264] : memref<80x128xf32, #tpu.memory_space<vmem>> -> memref<80x128xf32, #tpu.memory_space<vmem>>
      tpu.enqueue_dma source(%dma_start3A_265 : memref<80x128xf32, #tpu.memory_space<vmem>>) target(%dma_start3A_262 : memref<80x128xf32, #tpu.memory_space<vmem_shared>>) target_semaphore(%run_scoped3A : memref<!tpu.dma_semaphore, #tpu.memory_space<semaphore_mem>>)
      %dma_wait3A_266 = arith.constant 0 : i32
      %dma_wait3A_267 = arith.constant 0 : i32
      %dma_wait3A_268 = tpu.memref_slice %arg25[%dma_wait3A_266, %dma_wait3A_267] : memref<80x128xf32, #tpu.memory_space<vmem>> -> memref<80x128xf32, #tpu.memory_space<vmem>>
      %dma_wait3A_269 = arith.constant 0 : i32
      %dma_wait3A_270 = tpu.memref_slice %arg38[%add3A_25, %dma_wait3A_269] : memref<10000x128xf32, #tpu.memory_space<vmem_shared>> -> memref<80x128xf32, #tpu.memory_space<vmem_shared>>
      %dma_wait3A_271 = arith.constant 0 : i32
      %dma_wait3A_272 = tpu.memref_slice %arg38[%add3A_25, %dma_wait3A_271] : memref<10000x128xf32, #tpu.memory_space<vmem_shared>> -> memref<80x128xf32, #tpu.memory_space<vmem_shared>>
      %dma_wait3A_273 = arith.constant 0 : i32
      %dma_wait3A_274 = arith.constant 0 : i32
      %dma_wait3A_275 = tpu.memref_slice %arg25[%dma_wait3A_273, %dma_wait3A_274] : memref<80x128xf32, #tpu.memory_space<vmem>> -> memref<80x128xf32, #tpu.memory_space<vmem>>
      tpu.wait_dma2 semaphore(%run_scoped3A : memref<!tpu.dma_semaphore, #tpu.memory_space<semaphore_mem>>) src(%dma_wait3A_275 : memref<80x128xf32, #tpu.memory_space<vmem>>) dst(%dma_wait3A_272 : memref<80x128xf32, #tpu.memory_space<vmem_shared>>)
      tpu.yield
    }) : () -> ()
    %add3A_26 = arith.constant 320 : i32
    %add3A_27 = arith.addi %mul3A_7, %add3A_26 : i32
    "tpu.region"() ({
      %run_scoped3A = tpu.sem_alloc : memref<!tpu.dma_semaphore, #tpu.memory_space<semaphore_mem>>
      %dma_start3A_256 = arith.constant 0 : i32
      %dma_start3A_257 = arith.constant 0 : i32
      %dma_start3A_258 = tpu.memref_slice %arg19[%dma_start3A_256, %dma_start3A_257] : memref<80x16xf32, #tpu.memory_space<vmem>> -> memref<80x16xf32, #tpu.memory_space<vmem>>
      %dma_start3A_259 = arith.constant 0 : i32
      %dma_start3A_260 = tpu.memref_slice %arg39[%add3A_27, %dma_start3A_259] : memref<10000x16xf32, #tpu.memory_space<vmem_shared>> -> memref<80x16xf32, #tpu.memory_space<vmem_shared>>
      %dma_start3A_261 = arith.constant 0 : i32
      %dma_start3A_262 = tpu.memref_slice %arg39[%add3A_27, %dma_start3A_261] : memref<10000x16xf32, #tpu.memory_space<vmem_shared>> -> memref<80x16xf32, #tpu.memory_space<vmem_shared>>
      %dma_start3A_263 = arith.constant 0 : i32
      %dma_start3A_264 = arith.constant 0 : i32
      %dma_start3A_265 = tpu.memref_slice %arg19[%dma_start3A_263, %dma_start3A_264] : memref<80x16xf32, #tpu.memory_space<vmem>> -> memref<80x16xf32, #tpu.memory_space<vmem>>
      tpu.enqueue_dma source(%dma_start3A_265 : memref<80x16xf32, #tpu.memory_space<vmem>>) target(%dma_start3A_262 : memref<80x16xf32, #tpu.memory_space<vmem_shared>>) target_semaphore(%run_scoped3A : memref<!tpu.dma_semaphore, #tpu.memory_space<semaphore_mem>>)
      %dma_wait3A_266 = arith.constant 0 : i32
      %dma_wait3A_267 = arith.constant 0 : i32
      %dma_wait3A_268 = tpu.memref_slice %arg19[%dma_wait3A_266, %dma_wait3A_267] : memref<80x16xf32, #tpu.memory_space<vmem>> -> memref<80x16xf32, #tpu.memory_space<vmem>>
      %dma_wait3A_269 = arith.constant 0 : i32
      %dma_wait3A_270 = tpu.memref_slice %arg39[%add3A_27, %dma_wait3A_269] : memref<10000x16xf32, #tpu.memory_space<vmem_shared>> -> memref<80x16xf32, #tpu.memory_space<vmem_shared>>
      %dma_wait3A_271 = arith.constant 0 : i32
      %dma_wait3A_272 = tpu.memref_slice %arg39[%add3A_27, %dma_wait3A_271] : memref<10000x16xf32, #tpu.memory_space<vmem_shared>> -> memref<80x16xf32, #tpu.memory_space<vmem_shared>>
      %dma_wait3A_273 = arith.constant 0 : i32
      %dma_wait3A_274 = arith.constant 0 : i32
      %dma_wait3A_275 = tpu.memref_slice %arg19[%dma_wait3A_273, %dma_wait3A_274] : memref<80x16xf32, #tpu.memory_space<vmem>> -> memref<80x16xf32, #tpu.memory_space<vmem>>
      tpu.wait_dma2 semaphore(%run_scoped3A : memref<!tpu.dma_semaphore, #tpu.memory_space<semaphore_mem>>) src(%dma_wait3A_275 : memref<80x16xf32, #tpu.memory_space<vmem>>) dst(%dma_wait3A_272 : memref<80x16xf32, #tpu.memory_space<vmem_shared>>)
      tpu.yield
    }) : () -> ()
    %add3A_28 = arith.constant 400 : i32
    %add3A_29 = arith.addi %mul3A_7, %add3A_28 : i32
    "tpu.region"() ({
      %run_scoped3A = tpu.sem_alloc : memref<!tpu.dma_semaphore, #tpu.memory_space<semaphore_mem>>
      %dma_start3A_256 = arith.constant 0 : i32
      %dma_start3A_257 = arith.constant 0 : i32
      %dma_start3A_258 = tpu.memref_slice %arg25[%dma_start3A_256, %dma_start3A_257] : memref<80x128xf32, #tpu.memory_space<vmem>> -> memref<80x128xf32, #tpu.memory_space<vmem>>
      %dma_start3A_259 = arith.constant 0 : i32
      %dma_start3A_260 = tpu.memref_slice %arg38[%add3A_29, %dma_start3A_259] : memref<10000x128xf32, #tpu.memory_space<vmem_shared>> -> memref<80x128xf32, #tpu.memory_space<vmem_shared>>
      %dma_start3A_261 = arith.constant 0 : i32
      %dma_start3A_262 = tpu.memref_slice %arg38[%add3A_29, %dma_start3A_261] : memref<10000x128xf32, #tpu.memory_space<vmem_shared>> -> memref<80x128xf32, #tpu.memory_space<vmem_shared>>
      %dma_start3A_263 = arith.constant 0 : i32
      %dma_start3A_264 = arith.constant 0 : i32
      %dma_start3A_265 = tpu.memref_slice %arg25[%dma_start3A_263, %dma_start3A_264] : memref<80x128xf32, #tpu.memory_space<vmem>> -> memref<80x128xf32, #tpu.memory_space<vmem>>
      tpu.enqueue_dma source(%dma_start3A_265 : memref<80x128xf32, #tpu.memory_space<vmem>>) target(%dma_start3A_262 : memref<80x128xf32, #tpu.memory_space<vmem_shared>>) target_semaphore(%run_scoped3A : memref<!tpu.dma_semaphore, #tpu.memory_space<semaphore_mem>>)
      %dma_wait3A_266 = arith.constant 0 : i32
      %dma_wait3A_267 = arith.constant 0 : i32
      %dma_wait3A_268 = tpu.memref_slice %arg25[%dma_wait3A_266, %dma_wait3A_267] : memref<80x128xf32, #tpu.memory_space<vmem>> -> memref<80x128xf32, #tpu.memory_space<vmem>>
      %dma_wait3A_269 = arith.constant 0 : i32
      %dma_wait3A_270 = tpu.memref_slice %arg38[%add3A_29, %dma_wait3A_269] : memref<10000x128xf32, #tpu.memory_space<vmem_shared>> -> memref<80x128xf32, #tpu.memory_space<vmem_shared>>
      %dma_wait3A_271 = arith.constant 0 : i32
      %dma_wait3A_272 = tpu.memref_slice %arg38[%add3A_29, %dma_wait3A_271] : memref<10000x128xf32, #tpu.memory_space<vmem_shared>> -> memref<80x128xf32, #tpu.memory_space<vmem_shared>>
      %dma_wait3A_273 = arith.constant 0 : i32
      %dma_wait3A_274 = arith.constant 0 : i32
      %dma_wait3A_275 = tpu.memref_slice %arg25[%dma_wait3A_273, %dma_wait3A_274] : memref<80x128xf32, #tpu.memory_space<vmem>> -> memref<80x128xf32, #tpu.memory_space<vmem>>
      tpu.wait_dma2 semaphore(%run_scoped3A : memref<!tpu.dma_semaphore, #tpu.memory_space<semaphore_mem>>) src(%dma_wait3A_275 : memref<80x128xf32, #tpu.memory_space<vmem>>) dst(%dma_wait3A_272 : memref<80x128xf32, #tpu.memory_space<vmem_shared>>)
      tpu.yield
    }) : () -> ()
    %add3A_30 = arith.constant 400 : i32
    %add3A_31 = arith.addi %mul3A_7, %add3A_30 : i32
    "tpu.region"() ({
      %run_scoped3A = tpu.sem_alloc : memref<!tpu.dma_semaphore, #tpu.memory_space<semaphore_mem>>
      %dma_start3A_256 = arith.constant 0 : i32
      %dma_start3A_257 = arith.constant 0 : i32
      %dma_start3A_258 = tpu.memref_slice %arg19[%dma_start3A_256, %dma_start3A_257] : memref<80x16xf32, #tpu.memory_space<vmem>> -> memref<80x16xf32, #tpu.memory_space<vmem>>
      %dma_start3A_259 = arith.constant 0 : i32
      %dma_start3A_260 = tpu.memref_slice %arg39[%add3A_31, %dma_start3A_259] : memref<10000x16xf32, #tpu.memory_space<vmem_shared>> -> memref<80x16xf32, #tpu.memory_space<vmem_shared>>
      %dma_start3A_261 = arith.constant 0 : i32
      %dma_start3A_262 = tpu.memref_slice %arg39[%add3A_31, %dma_start3A_261] : memref<10000x16xf32, #tpu.memory_space<vmem_shared>> -> memref<80x16xf32, #tpu.memory_space<vmem_shared>>
      %dma_start3A_263 = arith.constant 0 : i32
      %dma_start3A_264 = arith.constant 0 : i32
      %dma_start3A_265 = tpu.memref_slice %arg19[%dma_start3A_263, %dma_start3A_264] : memref<80x16xf32, #tpu.memory_space<vmem>> -> memref<80x16xf32, #tpu.memory_space<vmem>>
      tpu.enqueue_dma source(%dma_start3A_265 : memref<80x16xf32, #tpu.memory_space<vmem>>) target(%dma_start3A_262 : memref<80x16xf32, #tpu.memory_space<vmem_shared>>) target_semaphore(%run_scoped3A : memref<!tpu.dma_semaphore, #tpu.memory_space<semaphore_mem>>)
      %dma_wait3A_266 = arith.constant 0 : i32
      %dma_wait3A_267 = arith.constant 0 : i32
      %dma_wait3A_268 = tpu.memref_slice %arg19[%dma_wait3A_266, %dma_wait3A_267] : memref<80x16xf32, #tpu.memory_space<vmem>> -> memref<80x16xf32, #tpu.memory_space<vmem>>
      %dma_wait3A_269 = arith.constant 0 : i32
      %dma_wait3A_270 = tpu.memref_slice %arg39[%add3A_31, %dma_wait3A_269] : memref<10000x16xf32, #tpu.memory_space<vmem_shared>> -> memref<80x16xf32, #tpu.memory_space<vmem_shared>>
      %dma_wait3A_271 = arith.constant 0 : i32
      %dma_wait3A_272 = tpu.memref_slice %arg39[%add3A_31, %dma_wait3A_271] : memref<10000x16xf32, #tpu.memory_space<vmem_shared>> -> memref<80x16xf32, #tpu.memory_space<vmem_shared>>
      %dma_wait3A_273 = arith.constant 0 : i32
      %dma_wait3A_274 = arith.constant 0 : i32
      %dma_wait3A_275 = tpu.memref_slice %arg19[%dma_wait3A_273, %dma_wait3A_274] : memref<80x16xf32, #tpu.memory_space<vmem>> -> memref<80x16xf32, #tpu.memory_space<vmem>>
      tpu.wait_dma2 semaphore(%run_scoped3A : memref<!tpu.dma_semaphore, #tpu.memory_space<semaphore_mem>>) src(%dma_wait3A_275 : memref<80x16xf32, #tpu.memory_space<vmem>>) dst(%dma_wait3A_272 : memref<80x16xf32, #tpu.memory_space<vmem_shared>>)
      tpu.yield
    }) : () -> ()
    %add3A_32 = arith.constant 480 : i32
    %add3A_33 = arith.addi %mul3A_7, %add3A_32 : i32
    "tpu.region"() ({
      %run_scoped3A = tpu.sem_alloc : memref<!tpu.dma_semaphore, #tpu.memory_space<semaphore_mem>>
      %dma_start3A_256 = arith.constant 0 : i32
      %dma_start3A_257 = arith.constant 0 : i32
      %dma_start3A_258 = tpu.memref_slice %arg25[%dma_start3A_256, %dma_start3A_257] : memref<80x128xf32, #tpu.memory_space<vmem>> -> memref<80x128xf32, #tpu.memory_space<vmem>>
      %dma_start3A_259 = arith.constant 0 : i32
      %dma_start3A_260 = tpu.memref_slice %arg38[%add3A_33, %dma_start3A_259] : memref<10000x128xf32, #tpu.memory_space<vmem_shared>> -> memref<80x128xf32, #tpu.memory_space<vmem_shared>>
      %dma_start3A_261 = arith.constant 0 : i32
      %dma_start3A_262 = tpu.memref_slice %arg38[%add3A_33, %dma_start3A_261] : memref<10000x128xf32, #tpu.memory_space<vmem_shared>> -> memref<80x128xf32, #tpu.memory_space<vmem_shared>>
      %dma_start3A_263 = arith.constant 0 : i32
      %dma_start3A_264 = arith.constant 0 : i32
      %dma_start3A_265 = tpu.memref_slice %arg25[%dma_start3A_263, %dma_start3A_264] : memref<80x128xf32, #tpu.memory_space<vmem>> -> memref<80x128xf32, #tpu.memory_space<vmem>>
      tpu.enqueue_dma source(%dma_start3A_265 : memref<80x128xf32, #tpu.memory_space<vmem>>) target(%dma_start3A_262 : memref<80x128xf32, #tpu.memory_space<vmem_shared>>) target_semaphore(%run_scoped3A : memref<!tpu.dma_semaphore, #tpu.memory_space<semaphore_mem>>)
      %dma_wait3A_266 = arith.constant 0 : i32
      %dma_wait3A_267 = arith.constant 0 : i32
      %dma_wait3A_268 = tpu.memref_slice %arg25[%dma_wait3A_266, %dma_wait3A_267] : memref<80x128xf32, #tpu.memory_space<vmem>> -> memref<80x128xf32, #tpu.memory_space<vmem>>
      %dma_wait3A_269 = arith.constant 0 : i32
      %dma_wait3A_270 = tpu.memref_slice %arg38[%add3A_33, %dma_wait3A_269] : memref<10000x128xf32, #tpu.memory_space<vmem_shared>> -> memref<80x128xf32, #tpu.memory_space<vmem_shared>>
      %dma_wait3A_271 = arith.constant 0 : i32
      %dma_wait3A_272 = tpu.memref_slice %arg38[%add3A_33, %dma_wait3A_271] : memref<10000x128xf32, #tpu.memory_space<vmem_shared>> -> memref<80x128xf32, #tpu.memory_space<vmem_shared>>
      %dma_wait3A_273 = arith.constant 0 : i32
      %dma_wait3A_274 = arith.constant 0 : i32
      %dma_wait3A_275 = tpu.memref_slice %arg25[%dma_wait3A_273, %dma_wait3A_274] : memref<80x128xf32, #tpu.memory_space<vmem>> -> memref<80x128xf32, #tpu.memory_space<vmem>>
      tpu.wait_dma2 semaphore(%run_scoped3A : memref<!tpu.dma_semaphore, #tpu.memory_space<semaphore_mem>>) src(%dma_wait3A_275 : memref<80x128xf32, #tpu.memory_space<vmem>>) dst(%dma_wait3A_272 : memref<80x128xf32, #tpu.memory_space<vmem_shared>>)
      tpu.yield
    }) : () -> ()
    %add3A_34 = arith.constant 480 : i32
    %add3A_35 = arith.addi %mul3A_7, %add3A_34 : i32
    "tpu.region"() ({
      %run_scoped3A = tpu.sem_alloc : memref<!tpu.dma_semaphore, #tpu.memory_space<semaphore_mem>>
      %dma_start3A_256 = arith.constant 0 : i32
      %dma_start3A_257 = arith.constant 0 : i32
      %dma_start3A_258 = tpu.memref_slice %arg19[%dma_start3A_256, %dma_start3A_257] : memref<80x16xf32, #tpu.memory_space<vmem>> -> memref<80x16xf32, #tpu.memory_space<vmem>>
      %dma_start3A_259 = arith.constant 0 : i32
      %dma_start3A_260 = tpu.memref_slice %arg39[%add3A_35, %dma_start3A_259] : memref<10000x16xf32, #tpu.memory_space<vmem_shared>> -> memref<80x16xf32, #tpu.memory_space<vmem_shared>>
      %dma_start3A_261 = arith.constant 0 : i32
      %dma_start3A_262 = tpu.memref_slice %arg39[%add3A_35, %dma_start3A_261] : memref<10000x16xf32, #tpu.memory_space<vmem_shared>> -> memref<80x16xf32, #tpu.memory_space<vmem_shared>>
      %dma_start3A_263 = arith.constant 0 : i32
      %dma_start3A_264 = arith.constant 0 : i32
      %dma_start3A_265 = tpu.memref_slice %arg19[%dma_start3A_263, %dma_start3A_264] : memref<80x16xf32, #tpu.memory_space<vmem>> -> memref<80x16xf32, #tpu.memory_space<vmem>>
      tpu.enqueue_dma source(%dma_start3A_265 : memref<80x16xf32, #tpu.memory_space<vmem>>) target(%dma_start3A_262 : memref<80x16xf32, #tpu.memory_space<vmem_shared>>) target_semaphore(%run_scoped3A : memref<!tpu.dma_semaphore, #tpu.memory_space<semaphore_mem>>)
      %dma_wait3A_266 = arith.constant 0 : i32
      %dma_wait3A_267 = arith.constant 0 : i32
      %dma_wait3A_268 = tpu.memref_slice %arg19[%dma_wait3A_266, %dma_wait3A_267] : memref<80x16xf32, #tpu.memory_space<vmem>> -> memref<80x16xf32, #tpu.memory_space<vmem>>
      %dma_wait3A_269 = arith.constant 0 : i32
      %dma_wait3A_270 = tpu.memref_slice %arg39[%add3A_35, %dma_wait3A_269] : memref<10000x16xf32, #tpu.memory_space<vmem_shared>> -> memref<80x16xf32, #tpu.memory_space<vmem_shared>>
      %dma_wait3A_271 = arith.constant 0 : i32
      %dma_wait3A_272 = tpu.memref_slice %arg39[%add3A_35, %dma_wait3A_271] : memref<10000x16xf32, #tpu.memory_space<vmem_shared>> -> memref<80x16xf32, #tpu.memory_space<vmem_shared>>
      %dma_wait3A_273 = arith.constant 0 : i32
      %dma_wait3A_274 = arith.constant 0 : i32
      %dma_wait3A_275 = tpu.memref_slice %arg19[%dma_wait3A_273, %dma_wait3A_274] : memref<80x16xf32, #tpu.memory_space<vmem>> -> memref<80x16xf32, #tpu.memory_space<vmem>>
      tpu.wait_dma2 semaphore(%run_scoped3A : memref<!tpu.dma_semaphore, #tpu.memory_space<semaphore_mem>>) src(%dma_wait3A_275 : memref<80x16xf32, #tpu.memory_space<vmem>>) dst(%dma_wait3A_272 : memref<80x16xf32, #tpu.memory_space<vmem_shared>>)
      tpu.yield
    }) : () -> ()
    %add3A_36 = arith.constant 560 : i32
    %add3A_37 = arith.addi %mul3A_7, %add3A_36 : i32
    "tpu.region"() ({
      %run_scoped3A = tpu.sem_alloc : memref<!tpu.dma_semaphore, #tpu.memory_space<semaphore_mem>>
      %dma_start3A_256 = arith.constant 0 : i32
      %dma_start3A_257 = arith.constant 0 : i32
      %dma_start3A_258 = tpu.memref_slice %arg25[%dma_start3A_256, %dma_start3A_257] : memref<80x128xf32, #tpu.memory_space<vmem>> -> memref<64x128xf32, #tpu.memory_space<vmem>>
      %dma_start3A_259 = arith.constant 0 : i32
      %dma_start3A_260 = tpu.memref_slice %arg38[%add3A_37, %dma_start3A_259] : memref<10000x128xf32, #tpu.memory_space<vmem_shared>> -> memref<64x128xf32, #tpu.memory_space<vmem_shared>>
      %dma_start3A_261 = arith.constant 0 : i32
      %dma_start3A_262 = tpu.memref_slice %arg38[%add3A_37, %dma_start3A_261] : memref<10000x128xf32, #tpu.memory_space<vmem_shared>> -> memref<64x128xf32, #tpu.memory_space<vmem_shared>>
      %dma_start3A_263 = arith.constant 0 : i32
      %dma_start3A_264 = arith.constant 0 : i32
      %dma_start3A_265 = tpu.memref_slice %arg25[%dma_start3A_263, %dma_start3A_264] : memref<80x128xf32, #tpu.memory_space<vmem>> -> memref<64x128xf32, #tpu.memory_space<vmem>>
      tpu.enqueue_dma source(%dma_start3A_265 : memref<64x128xf32, #tpu.memory_space<vmem>>) target(%dma_start3A_262 : memref<64x128xf32, #tpu.memory_space<vmem_shared>>) target_semaphore(%run_scoped3A : memref<!tpu.dma_semaphore, #tpu.memory_space<semaphore_mem>>)
      %dma_wait3A_266 = arith.constant 0 : i32
      %dma_wait3A_267 = arith.constant 0 : i32
      %dma_wait3A_268 = tpu.memref_slice %arg25[%dma_wait3A_266, %dma_wait3A_267] : memref<80x128xf32, #tpu.memory_space<vmem>> -> memref<64x128xf32, #tpu.memory_space<vmem>>
      %dma_wait3A_269 = arith.constant 0 : i32
      %dma_wait3A_270 = tpu.memref_slice %arg38[%add3A_37, %dma_wait3A_269] : memref<10000x128xf32, #tpu.memory_space<vmem_shared>> -> memref<64x128xf32, #tpu.memory_space<vmem_shared>>
      %dma_wait3A_271 = arith.constant 0 : i32
      %dma_wait3A_272 = tpu.memref_slice %arg38[%add3A_37, %dma_wait3A_271] : memref<10000x128xf32, #tpu.memory_space<vmem_shared>> -> memref<64x128xf32, #tpu.memory_space<vmem_shared>>
      %dma_wait3A_273 = arith.constant 0 : i32
      %dma_wait3A_274 = arith.constant 0 : i32
      %dma_wait3A_275 = tpu.memref_slice %arg25[%dma_wait3A_273, %dma_wait3A_274] : memref<80x128xf32, #tpu.memory_space<vmem>> -> memref<64x128xf32, #tpu.memory_space<vmem>>
      tpu.wait_dma2 semaphore(%run_scoped3A : memref<!tpu.dma_semaphore, #tpu.memory_space<semaphore_mem>>) src(%dma_wait3A_275 : memref<64x128xf32, #tpu.memory_space<vmem>>) dst(%dma_wait3A_272 : memref<64x128xf32, #tpu.memory_space<vmem_shared>>)
      tpu.yield
    }) : () -> ()
    %add3A_38 = arith.constant 560 : i32
    %add3A_39 = arith.addi %mul3A_7, %add3A_38 : i32
    "tpu.region"() ({
      %run_scoped3A = tpu.sem_alloc : memref<!tpu.dma_semaphore, #tpu.memory_space<semaphore_mem>>
      %dma_start3A_256 = arith.constant 0 : i32
      %dma_start3A_257 = arith.constant 0 : i32
      %dma_start3A_258 = tpu.memref_slice %arg19[%dma_start3A_256, %dma_start3A_257] : memref<80x16xf32, #tpu.memory_space<vmem>> -> memref<64x16xf32, #tpu.memory_space<vmem>>
      %dma_start3A_259 = arith.constant 0 : i32
      %dma_start3A_260 = tpu.memref_slice %arg39[%add3A_39, %dma_start3A_259] : memref<10000x16xf32, #tpu.memory_space<vmem_shared>> -> memref<64x16xf32, #tpu.memory_space<vmem_shared>>
      %dma_start3A_261 = arith.constant 0 : i32
      %dma_start3A_262 = tpu.memref_slice %arg39[%add3A_39, %dma_start3A_261] : memref<10000x16xf32, #tpu.memory_space<vmem_shared>> -> memref<64x16xf32, #tpu.memory_space<vmem_shared>>
      %dma_start3A_263 = arith.constant 0 : i32
      %dma_start3A_264 = arith.constant 0 : i32
      %dma_start3A_265 = tpu.memref_slice %arg19[%dma_start3A_263, %dma_start3A_264] : memref<80x16xf32, #tpu.memory_space<vmem>> -> memref<64x16xf32, #tpu.memory_space<vmem>>
      tpu.enqueue_dma source(%dma_start3A_265 : memref<64x16xf32, #tpu.memory_space<vmem>>) target(%dma_start3A_262 : memref<64x16xf32, #tpu.memory_space<vmem_shared>>) target_semaphore(%run_scoped3A : memref<!tpu.dma_semaphore, #tpu.memory_space<semaphore_mem>>)
      %dma_wait3A_266 = arith.constant 0 : i32
      %dma_wait3A_267 = arith.constant 0 : i32
      %dma_wait3A_268 = tpu.memref_slice %arg19[%dma_wait3A_266, %dma_wait3A_267] : memref<80x16xf32, #tpu.memory_space<vmem>> -> memref<64x16xf32, #tpu.memory_space<vmem>>
      %dma_wait3A_269 = arith.constant 0 : i32
      %dma_wait3A_270 = tpu.memref_slice %arg39[%add3A_39, %dma_wait3A_269] : memref<10000x16xf32, #tpu.memory_space<vmem_shared>> -> memref<64x16xf32, #tpu.memory_space<vmem_shared>>
      %dma_wait3A_271 = arith.constant 0 : i32
      %dma_wait3A_272 = tpu.memref_slice %arg39[%add3A_39, %dma_wait3A_271] : memref<10000x16xf32, #tpu.memory_space<vmem_shared>> -> memref<64x16xf32, #tpu.memory_space<vmem_shared>>
      %dma_wait3A_273 = arith.constant 0 : i32
      %dma_wait3A_274 = arith.constant 0 : i32
      %dma_wait3A_275 = tpu.memref_slice %arg19[%dma_wait3A_273, %dma_wait3A_274] : memref<80x16xf32, #tpu.memory_space<vmem>> -> memref<64x16xf32, #tpu.memory_space<vmem>>
      tpu.wait_dma2 semaphore(%run_scoped3A : memref<!tpu.dma_semaphore, #tpu.memory_space<semaphore_mem>>) src(%dma_wait3A_275 : memref<64x16xf32, #tpu.memory_space<vmem>>) dst(%dma_wait3A_272 : memref<64x16xf32, #tpu.memory_space<vmem_shared>>)
      tpu.yield
    }) : () -> ()
    %eq3A = arith.constant 15 : i32
    %eq3A_40 = arith.cmpi eq, %arg1, %eq3A : i32
    %convert_element_type3A = arith.extui %eq3A_40 : i1 to i32
    %cond3A = arith.constant 0 : i32
    %cond3A_41 = arith.cmpi ne, %convert_element_type3A, %cond3A : i32
    scf.if %cond3A_41 {
      "tpu.region"() ({
        %run_scoped3A = tpu.sem_alloc : memref<!tpu.dma_semaphore, #tpu.memory_space<semaphore_mem>>
        %dma_start3A_256 = arith.constant 0 : i32
        %dma_start3A_257 = arith.constant 0 : i32
        %dma_start3A_258 = tpu.memref_slice %arg25[%dma_start3A_256, %dma_start3A_257] : memref<80x128xf32, #tpu.memory_space<vmem>> -> memref<16x128xf32, #tpu.memory_space<vmem>>
        %dma_start3A_259 = arith.constant 9984 : i32
        %dma_start3A_260 = arith.constant 0 : i32
        %dma_start3A_261 = tpu.memref_slice %arg38[%dma_start3A_259, %dma_start3A_260] : memref<10000x128xf32, #tpu.memory_space<vmem_shared>> -> memref<16x128xf32, #tpu.memory_space<vmem_shared>>
        %dma_start3A_262 = arith.constant 9984 : i32
        %dma_start3A_263 = arith.constant 0 : i32
        %dma_start3A_264 = tpu.memref_slice %arg38[%dma_start3A_262, %dma_start3A_263] : memref<10000x128xf32, #tpu.memory_space<vmem_shared>> -> memref<16x128xf32, #tpu.memory_space<vmem_shared>>
        %dma_start3A_265 = arith.constant 0 : i32
        %dma_start3A_266 = arith.constant 0 : i32
        %dma_start3A_267 = tpu.memref_slice %arg25[%dma_start3A_265, %dma_start3A_266] : memref<80x128xf32, #tpu.memory_space<vmem>> -> memref<16x128xf32, #tpu.memory_space<vmem>>
        tpu.enqueue_dma source(%dma_start3A_267 : memref<16x128xf32, #tpu.memory_space<vmem>>) target(%dma_start3A_264 : memref<16x128xf32, #tpu.memory_space<vmem_shared>>) target_semaphore(%run_scoped3A : memref<!tpu.dma_semaphore, #tpu.memory_space<semaphore_mem>>)
        %dma_wait3A_268 = arith.constant 0 : i32
        %dma_wait3A_269 = arith.constant 0 : i32
        %dma_wait3A_270 = tpu.memref_slice %arg25[%dma_wait3A_268, %dma_wait3A_269] : memref<80x128xf32, #tpu.memory_space<vmem>> -> memref<16x128xf32, #tpu.memory_space<vmem>>
        %dma_wait3A_271 = arith.constant 9984 : i32
        %dma_wait3A_272 = arith.constant 0 : i32
        %dma_wait3A_273 = tpu.memref_slice %arg38[%dma_wait3A_271, %dma_wait3A_272] : memref<10000x128xf32, #tpu.memory_space<vmem_shared>> -> memref<16x128xf32, #tpu.memory_space<vmem_shared>>
        %dma_wait3A_274 = arith.constant 9984 : i32
        %dma_wait3A_275 = arith.constant 0 : i32
        %dma_wait3A_276 = tpu.memref_slice %arg38[%dma_wait3A_274, %dma_wait3A_275] : memref<10000x128xf32, #tpu.memory_space<vmem_shared>> -> memref<16x128xf32, #tpu.memory_space<vmem_shared>>
        %dma_wait3A_277 = arith.constant 0 : i32
        %dma_wait3A_278 = arith.constant 0 : i32
        %dma_wait3A_279 = tpu.memref_slice %arg25[%dma_wait3A_277, %dma_wait3A_278] : memref<80x128xf32, #tpu.memory_space<vmem>> -> memref<16x128xf32, #tpu.memory_space<vmem>>
        tpu.wait_dma2 semaphore(%run_scoped3A : memref<!tpu.dma_semaphore, #tpu.memory_space<semaphore_mem>>) src(%dma_wait3A_279 : memref<16x128xf32, #tpu.memory_space<vmem>>) dst(%dma_wait3A_276 : memref<16x128xf32, #tpu.memory_space<vmem_shared>>)
        tpu.yield
      }) : () -> ()
      "tpu.region"() ({
        %run_scoped3A = tpu.sem_alloc : memref<!tpu.dma_semaphore, #tpu.memory_space<semaphore_mem>>
        %dma_start3A_256 = arith.constant 0 : i32
        %dma_start3A_257 = arith.constant 0 : i32
        %dma_start3A_258 = tpu.memref_slice %arg19[%dma_start3A_256, %dma_start3A_257] : memref<80x16xf32, #tpu.memory_space<vmem>> -> memref<16x16xf32, #tpu.memory_space<vmem>>
        %dma_start3A_259 = arith.constant 9984 : i32
        %dma_start3A_260 = arith.constant 0 : i32
        %dma_start3A_261 = tpu.memref_slice %arg39[%dma_start3A_259, %dma_start3A_260] : memref<10000x16xf32, #tpu.memory_space<vmem_shared>> -> memref<16x16xf32, #tpu.memory_space<vmem_shared>>
        %dma_start3A_262 = arith.constant 9984 : i32
        %dma_start3A_263 = arith.constant 0 : i32
        %dma_start3A_264 = tpu.memref_slice %arg39[%dma_start3A_262, %dma_start3A_263] : memref<10000x16xf32, #tpu.memory_space<vmem_shared>> -> memref<16x16xf32, #tpu.memory_space<vmem_shared>>
        %dma_start3A_265 = arith.constant 0 : i32
        %dma_start3A_266 = arith.constant 0 : i32
        %dma_start3A_267 = tpu.memref_slice %arg19[%dma_start3A_265, %dma_start3A_266] : memref<80x16xf32, #tpu.memory_space<vmem>> -> memref<16x16xf32, #tpu.memory_space<vmem>>
        tpu.enqueue_dma source(%dma_start3A_267 : memref<16x16xf32, #tpu.memory_space<vmem>>) target(%dma_start3A_264 : memref<16x16xf32, #tpu.memory_space<vmem_shared>>) target_semaphore(%run_scoped3A : memref<!tpu.dma_semaphore, #tpu.memory_space<semaphore_mem>>)
        %dma_wait3A_268 = arith.constant 0 : i32
        %dma_wait3A_269 = arith.constant 0 : i32
        %dma_wait3A_270 = tpu.memref_slice %arg19[%dma_wait3A_268, %dma_wait3A_269] : memref<80x16xf32, #tpu.memory_space<vmem>> -> memref<16x16xf32, #tpu.memory_space<vmem>>
        %dma_wait3A_271 = arith.constant 9984 : i32
        %dma_wait3A_272 = arith.constant 0 : i32
        %dma_wait3A_273 = tpu.memref_slice %arg39[%dma_wait3A_271, %dma_wait3A_272] : memref<10000x16xf32, #tpu.memory_space<vmem_shared>> -> memref<16x16xf32, #tpu.memory_space<vmem_shared>>
        %dma_wait3A_274 = arith.constant 9984 : i32
        %dma_wait3A_275 = arith.constant 0 : i32
        %dma_wait3A_276 = tpu.memref_slice %arg39[%dma_wait3A_274, %dma_wait3A_275] : memref<10000x16xf32, #tpu.memory_space<vmem_shared>> -> memref<16x16xf32, #tpu.memory_space<vmem_shared>>
        %dma_wait3A_277 = arith.constant 0 : i32
        %dma_wait3A_278 = arith.constant 0 : i32
        %dma_wait3A_279 = tpu.memref_slice %arg19[%dma_wait3A_277, %dma_wait3A_278] : memref<80x16xf32, #tpu.memory_space<vmem>> -> memref<16x16xf32, #tpu.memory_space<vmem>>
        tpu.wait_dma2 semaphore(%run_scoped3A : memref<!tpu.dma_semaphore, #tpu.memory_space<semaphore_mem>>) src(%dma_wait3A_279 : memref<16x16xf32, #tpu.memory_space<vmem>>) dst(%dma_wait3A_276 : memref<16x16xf32, #tpu.memory_space<vmem_shared>>)
        tpu.yield
      }) : () -> ()
    } else {
    }
    %barrier3A = arith.constant 0 : index
    tpu.barrier barrier_id(%barrier3A)
    "tpu.region"() ({
      %run_scoped3A = tpu.sem_alloc : memref<!tpu.dma_semaphore, #tpu.memory_space<semaphore_mem>>
      tpu.enqueue_dma source(%arg6 : memref<8x16xf32, #tpu.memory_space<hbm>>) target(%arg37 : memref<8x16xf32, #tpu.memory_space<vmem>>) target_semaphore(%run_scoped3A : memref<!tpu.dma_semaphore, #tpu.memory_space<semaphore_mem>>)
      tpu.wait_dma2 semaphore(%run_scoped3A : memref<!tpu.dma_semaphore, #tpu.memory_space<semaphore_mem>>) src(%arg6 : memref<8x16xf32, #tpu.memory_space<hbm>>) dst(%arg37 : memref<8x16xf32, #tpu.memory_space<vmem>>)
      tpu.yield
    }) : () -> ()
    %get3A = arith.constant 0 : i32
    %get3A_42 = arith.index_cast %get3A : i32 to index
    %get3A_43 = arith.constant 0 : index
    %get3A_44 = tpu.vector_load %arg37[%get3A_42, %get3A_43] {strides = array<i32>} : memref<8x16xf32, #tpu.memory_space<vmem>>, vector<1x16xf32>,
    %get3A_45 = vector.shape_cast %get3A_44 : vector<1x16xf32> to vector<16xf32>
    %get3A_46 = arith.constant 1 : i32
    %get3A_47 = arith.index_cast %get3A_46 : i32 to index
    %get3A_48 = arith.constant 0 : index
    %get3A_49 = tpu.vector_load %arg37[%get3A_47, %get3A_48] {strides = array<i32>} : memref<8x16xf32, #tpu.memory_space<vmem>>, vector<1x16xf32>,
    %get3A_50 = vector.shape_cast %get3A_49 : vector<1x16xf32> to vector<16xf32>
    %add3A_51 = arith.addf %get3A_45, %get3A_50 : vector<16xf32>
    %ge3A = arith.constant 0.000000e+00 : f32
    %ge3A_52 = vector.broadcast %ge3A : f32 to vector<16xf32>
    %ge3A_53 = arith.cmpf oge, %add3A_51, %ge3A_52 : vector<16xf32>
    %mul3A_54 = arith.constant 2.000000e-01 : f32
    %mul3A_55 = vector.broadcast %mul3A_54 : f32 to vector<16xf32>
    %mul3A_56 = arith.mulf %mul3A_55, %add3A_51 : vector<16xf32>
    %select_n3A = arith.select %ge3A_53, %add3A_51, %mul3A_56 : vector<16xi1>, vector<16xf32>
    %lt3A = arith.constant 0 : i32
    %lt3A_57 = arith.constant 125 : i32
    %lt3A_58 = arith.cmpi slt, %lt3A, %lt3A_57 : i32
    %convert_element_type3A_59 = arith.extui %lt3A_58 : i1 to i32
    %cond3A_60 = arith.constant 0 : i32
    %cond3A_61 = arith.constant 0 : i32
    %cond3A_62 = arith.cmpi ne, %convert_element_type3A_59, %cond3A_61 : i32
    scf.if %cond3A_62 {
      %mul3A_256 = arith.constant 10000 : i32
      %mul3A_257 = arith.muli %add3A, %mul3A_256 : i32
      %mul3A_258 = arith.constant 80 : i32
      %mul3A_259 = arith.muli %cond3A_60, %mul3A_258 : i32
      %add3A_260 = arith.addi %mul3A_257, %mul3A_259 : i32
      %dma_start3A_261 = tpu.memref_slice %arg2[%add3A_260] : memref<320000xi32, #tpu.memory_space<hbm>> -> memref<80xi32, #tpu.memory_space<hbm>>
      %dma_start3A_262 = tpu.memref_slice %arg2[%add3A_260] : memref<320000xi32, #tpu.memory_space<hbm>> -> memref<80xi32, #tpu.memory_space<hbm>>
      tpu.enqueue_dma source(%dma_start3A_262 : memref<80xi32, #tpu.memory_space<hbm>>) target(%arg10 : memref<80xi32, #tpu.memory_space<vmem>>) target_semaphore(%arg28 : memref<!tpu.dma_semaphore, #tpu.memory_space<semaphore_mem>>)
      %dma_start3A_263 = tpu.memref_slice %arg3[%add3A_260] : memref<320000xi32, #tpu.memory_space<hbm>> -> memref<80xi32, #tpu.memory_space<hbm>>
      %dma_start3A_264 = tpu.memref_slice %arg3[%add3A_260] : memref<320000xi32, #tpu.memory_space<hbm>> -> memref<80xi32, #tpu.memory_space<hbm>>
      tpu.enqueue_dma source(%dma_start3A_264 : memref<80xi32, #tpu.memory_space<hbm>>) target(%arg13 : memref<80xi32, #tpu.memory_space<vmem>>) target_semaphore(%arg28 : memref<!tpu.dma_semaphore, #tpu.memory_space<semaphore_mem>>)
    } else {
    }
    %lt3A_63 = arith.constant 1 : i32
    %lt3A_64 = arith.constant 125 : i32
    %lt3A_65 = arith.cmpi slt, %lt3A_63, %lt3A_64 : i32
    %convert_element_type3A_66 = arith.extui %lt3A_65 : i1 to i32
    %cond3A_67 = arith.constant 1 : i32
    %cond3A_68 = arith.constant 0 : i32
    %cond3A_69 = arith.cmpi ne, %convert_element_type3A_66, %cond3A_68 : i32
    scf.if %cond3A_69 {
      %mul3A_256 = arith.constant 10000 : i32
      %mul3A_257 = arith.muli %add3A, %mul3A_256 : i32
      %mul3A_258 = arith.constant 80 : i32
      %mul3A_259 = arith.muli %cond3A_67, %mul3A_258 : i32
      %add3A_260 = arith.addi %mul3A_257, %mul3A_259 : i32
      %dma_start3A_261 = tpu.memref_slice %arg2[%add3A_260] : memref<320000xi32, #tpu.memory_space<hbm>> -> memref<80xi32, #tpu.memory_space<hbm>>
      %dma_start3A_262 = tpu.memref_slice %arg2[%add3A_260] : memref<320000xi32, #tpu.memory_space<hbm>> -> memref<80xi32, #tpu.memory_space<hbm>>
      tpu.enqueue_dma source(%dma_start3A_262 : memref<80xi32, #tpu.memory_space<hbm>>) target(%arg11 : memref<80xi32, #tpu.memory_space<vmem>>) target_semaphore(%arg29 : memref<!tpu.dma_semaphore, #tpu.memory_space<semaphore_mem>>)
      %dma_start3A_263 = tpu.memref_slice %arg3[%add3A_260] : memref<320000xi32, #tpu.memory_space<hbm>> -> memref<80xi32, #tpu.memory_space<hbm>>
      %dma_start3A_264 = tpu.memref_slice %arg3[%add3A_260] : memref<320000xi32, #tpu.memory_space<hbm>> -> memref<80xi32, #tpu.memory_space<hbm>>
      tpu.enqueue_dma source(%dma_start3A_264 : memref<80xi32, #tpu.memory_space<hbm>>) target(%arg14 : memref<80xi32, #tpu.memory_space<vmem>>) target_semaphore(%arg29 : memref<!tpu.dma_semaphore, #tpu.memory_space<semaphore_mem>>)
    } else {
    }
    %lt3A_70 = arith.constant 2 : i32
    %lt3A_71 = arith.constant 125 : i32
    %lt3A_72 = arith.cmpi slt, %lt3A_70, %lt3A_71 : i32
    %convert_element_type3A_73 = arith.extui %lt3A_72 : i1 to i32
    %cond3A_74 = arith.constant 2 : i32
    %cond3A_75 = arith.constant 0 : i32
    %cond3A_76 = arith.cmpi ne, %convert_element_type3A_73, %cond3A_75 : i32
    scf.if %cond3A_76 {
      %mul3A_256 = arith.constant 10000 : i32
      %mul3A_257 = arith.muli %add3A, %mul3A_256 : i32
      %mul3A_258 = arith.constant 80 : i32
      %mul3A_259 = arith.muli %cond3A_74, %mul3A_258 : i32
      %add3A_260 = arith.addi %mul3A_257, %mul3A_259 : i32
      %dma_start3A_261 = tpu.memref_slice %arg2[%add3A_260] : memref<320000xi32, #tpu.memory_space<hbm>> -> memref<80xi32, #tpu.memory_space<hbm>>
      %dma_start3A_262 = tpu.memref_slice %arg2[%add3A_260] : memref<320000xi32, #tpu.memory_space<hbm>> -> memref<80xi32, #tpu.memory_space<hbm>>
      tpu.enqueue_dma source(%dma_start3A_262 : memref<80xi32, #tpu.memory_space<hbm>>) target(%arg12 : memref<80xi32, #tpu.memory_space<vmem>>) target_semaphore(%arg30 : memref<!tpu.dma_semaphore, #tpu.memory_space<semaphore_mem>>)
      %dma_start3A_263 = tpu.memref_slice %arg3[%add3A_260] : memref<320000xi32, #tpu.memory_space<hbm>> -> memref<80xi32, #tpu.memory_space<hbm>>
      %dma_start3A_264 = tpu.memref_slice %arg3[%add3A_260] : memref<320000xi32, #tpu.memory_space<hbm>> -> memref<80xi32, #tpu.memory_space<hbm>>
      tpu.enqueue_dma source(%dma_start3A_264 : memref<80xi32, #tpu.memory_space<hbm>>) target(%arg15 : memref<80xi32, #tpu.memory_space<vmem>>) target_semaphore(%arg30 : memref<!tpu.dma_semaphore, #tpu.memory_space<semaphore_mem>>)
    } else {
    }
    %dma_wait3A = arith.constant 0 : i32
    %dma_wait3A_77 = tpu.memref_slice %arg2[%dma_wait3A] : memref<320000xi32, #tpu.memory_space<hbm>> -> memref<80xi32, #tpu.memory_space<hbm>>
    %dma_wait3A_78 = arith.constant 0 : i32
    %dma_wait3A_79 = tpu.memref_slice %arg2[%dma_wait3A_78] : memref<320000xi32, #tpu.memory_space<hbm>> -> memref<80xi32, #tpu.memory_space<hbm>>
    tpu.wait_dma2 semaphore(%arg28 : memref<!tpu.dma_semaphore, #tpu.memory_space<semaphore_mem>>) src(%dma_wait3A_79 : memref<80xi32, #tpu.memory_space<hbm>>) dst(%arg10 : memref<80xi32, #tpu.memory_space<vmem>>)
    %dma_wait3A_80 = arith.constant 0 : i32
    %dma_wait3A_81 = tpu.memref_slice %arg3[%dma_wait3A_80] : memref<320000xi32, #tpu.memory_space<hbm>> -> memref<80xi32, #tpu.memory_space<hbm>>
    %dma_wait3A_82 = arith.constant 0 : i32
    %dma_wait3A_83 = tpu.memref_slice %arg3[%dma_wait3A_82] : memref<320000xi32, #tpu.memory_space<hbm>> -> memref<80xi32, #tpu.memory_space<hbm>>
    tpu.wait_dma2 semaphore(%arg28 : memref<!tpu.dma_semaphore, #tpu.memory_space<semaphore_mem>>) src(%dma_wait3A_83 : memref<80xi32, #tpu.memory_space<hbm>>) dst(%arg13 : memref<80xi32, #tpu.memory_space<vmem>>)
    %dma_start3A = arith.constant 0 : i32
    %dma_start3A_84 = arith.constant 0 : i32
    %dma_start3A_85 = tpu.memref_slice %arg4[%dma_start3A, %dma_start3A_84] : memref<10000x16xf32, #tpu.memory_space<hbm>> -> memref<10000x16xf32, #tpu.memory_space<hbm>>
    tpu.enqueue_indirect_dma source(%dma_start3A_85 : memref<10000x16xf32, #tpu.memory_space<hbm>>) target(%arg19 : memref<80x16xf32, #tpu.memory_space<vmem>>) offsets(%arg10 : memref<80xi32, #tpu.memory_space<vmem>>) semaphore(%arg31 : memref<!tpu.dma_semaphore, #tpu.memory_space<semaphore_mem>>)
    %dma_start3A_86 = arith.constant 0 : i32
    %dma_start3A_87 = arith.constant 0 : i32
    %dma_start3A_88 = tpu.memref_slice %arg5[%dma_start3A_86, %dma_start3A_87] : memref<10000x16xf32, #tpu.memory_space<hbm>> -> memref<10000x16xf32, #tpu.memory_space<hbm>>
    tpu.enqueue_indirect_dma source(%dma_start3A_88 : memref<10000x16xf32, #tpu.memory_space<hbm>>) target(%arg22 : memref<80x16xf32, #tpu.memory_space<vmem>>) offsets(%arg13 : memref<80xi32, #tpu.memory_space<vmem>>) semaphore(%arg31 : memref<!tpu.dma_semaphore, #tpu.memory_space<semaphore_mem>>)
    %dma_start3A_89 = arith.constant 0 : i32
    %dma_start3A_90 = arith.constant 0 : i32
    %dma_start3A_91 = tpu.memref_slice %arg7[%dma_start3A_89, %dma_start3A_90] : memref<10000x128xf32, #tpu.memory_space<hbm>> -> memref<10000x128xf32, #tpu.memory_space<hbm>>
    tpu.enqueue_indirect_dma source(%dma_start3A_91 : memref<10000x128xf32, #tpu.memory_space<hbm>>) target(%arg25 : memref<80x128xf32, #tpu.memory_space<vmem>>) offsets(%arg10 : memref<80xi32, #tpu.memory_space<vmem>>) semaphore(%arg31 : memref<!tpu.dma_semaphore, #tpu.memory_space<semaphore_mem>>)
    %scan3A_92 = arith.constant 0 : i32
    %scan3A_93 = arith.constant 0 : i32
    %scan3A_94 = arith.constant 41 : i32
    %scan3A_95 = arith.addi %scan3A_93, %scan3A_94 : i32
    %scan3A_96 = arith.constant 1 : i32
    scf.for %scan3A_256 = %scan3A_93 to %scan3A_95 step %scan3A_96  : i32 {
      %mul3A_257 = arith.constant 3 : i32
      %mul3A_258 = arith.muli %scan3A_256, %mul3A_257 : i32
      %add3A_259 = arith.constant 0 : i32
      %add3A_260 = arith.addi %mul3A_258, %add3A_259 : i32
      %dma_wait3A_261 = arith.constant 0 : i32
      %dma_wait3A_262 = arith.constant 0 : i32
      %dma_wait3A_263 = tpu.memref_slice %arg4[%dma_wait3A_261, %dma_wait3A_262] : memref<10000x16xf32, #tpu.memory_space<hbm>> -> memref<10000x16xf32, #tpu.memory_space<hbm>>
      tpu.wait_indirect_dma semaphore(%arg31 : memref<!tpu.dma_semaphore, #tpu.memory_space<semaphore_mem>>) src(%dma_wait3A_263 : memref<10000x16xf32, #tpu.memory_space<hbm>>) dst(%arg19 : memref<80x16xf32, #tpu.memory_space<vmem>>)
      %dma_wait3A_264 = arith.constant 0 : i32
      %dma_wait3A_265 = arith.constant 0 : i32
      %dma_wait3A_266 = tpu.memref_slice %arg5[%dma_wait3A_264, %dma_wait3A_265] : memref<10000x16xf32, #tpu.memory_space<hbm>> -> memref<10000x16xf32, #tpu.memory_space<hbm>>
      tpu.wait_indirect_dma semaphore(%arg31 : memref<!tpu.dma_semaphore, #tpu.memory_space<semaphore_mem>>) src(%dma_wait3A_266 : memref<10000x16xf32, #tpu.memory_space<hbm>>) dst(%arg22 : memref<80x16xf32, #tpu.memory_space<vmem>>)
      %dma_wait3A_267 = arith.constant 0 : i32
      %dma_wait3A_268 = arith.constant 0 : i32
      %dma_wait3A_269 = tpu.memref_slice %arg7[%dma_wait3A_267, %dma_wait3A_268] : memref<10000x128xf32, #tpu.memory_space<hbm>> -> memref<10000x128xf32, #tpu.memory_space<hbm>>
      tpu.wait_indirect_dma semaphore(%arg31 : memref<!tpu.dma_semaphore, #tpu.memory_space<semaphore_mem>>) src(%dma_wait3A_269 : memref<10000x128xf32, #tpu.memory_space<hbm>>) dst(%arg25 : memref<80x128xf32, #tpu.memory_space<vmem>>)
      %get3A_270 = arith.constant 0 : index
      %get3A_271 = tpu.vector_load %arg13[%get3A_270] {strides = array<i32>} : memref<80xi32, #tpu.memory_space<vmem>>, vector<16xi32>,
      %get3A_272 = vector.shape_cast %get3A_271 : vector<16xi32> to vector<16xi32>
      %swap3A_273 = arith.constant 0 : index
      %swap3A_274 = tpu.vector_load %arg16[%swap3A_273] {strides = array<i32>} : memref<80xi32, #tpu.memory_space<vmem>>, vector<16xi32>,
      %swap3A_275 = vector.shape_cast %swap3A_274 : vector<16xi32> to vector<16xi32>
      %swap3A_276 = vector.shape_cast %get3A_272 : vector<16xi32> to vector<16xi32>
      tpu.vector_store %arg16[%swap3A_273], %swap3A_276 {strides = array<i32>} : memref<80xi32, #tpu.memory_space<vmem>>, vector<16xi32>,
      %get3A_277 = arith.constant 16 : index
      %get3A_278 = tpu.vector_load %arg13[%get3A_277] {strides = array<i32>} : memref<80xi32, #tpu.memory_space<vmem>>, vector<16xi32>,
      %get3A_279 = vector.shape_cast %get3A_278 : vector<16xi32> to vector<16xi32>
      %swap3A_280 = arith.constant 16 : index
      %swap3A_281 = tpu.vector_load %arg16[%swap3A_280] {strides = array<i32>} : memref<80xi32, #tpu.memory_space<vmem>>, vector<16xi32>,
      %swap3A_282 = vector.shape_cast %swap3A_281 : vector<16xi32> to vector<16xi32>
      %swap3A_283 = vector.shape_cast %get3A_279 : vector<16xi32> to vector<16xi32>
      tpu.vector_store %arg16[%swap3A_280], %swap3A_283 {strides = array<i32>} : memref<80xi32, #tpu.memory_space<vmem>>, vector<16xi32>,
      %get3A_284 = arith.constant 32 : index
      %get3A_285 = tpu.vector_load %arg13[%get3A_284] {strides = array<i32>} : memref<80xi32, #tpu.memory_space<vmem>>, vector<16xi32>,
      %get3A_286 = vector.shape_cast %get3A_285 : vector<16xi32> to vector<16xi32>
      %swap3A_287 = arith.constant 32 : index
      %swap3A_288 = tpu.vector_load %arg16[%swap3A_287] {strides = array<i32>} : memref<80xi32, #tpu.memory_space<vmem>>, vector<16xi32>,
      %swap3A_289 = vector.shape_cast %swap3A_288 : vector<16xi32> to vector<16xi32>
      %swap3A_290 = vector.shape_cast %get3A_286 : vector<16xi32> to vector<16xi32>
      tpu.vector_store %arg16[%swap3A_287], %swap3A_290 {strides = array<i32>} : memref<80xi32, #tpu.memory_space<vmem>>, vector<16xi32>,
      %get3A_291 = arith.constant 48 : index
      %get3A_292 = tpu.vector_load %arg13[%get3A_291] {strides = array<i32>} : memref<80xi32, #tpu.memory_space<vmem>>, vector<16xi32>,
      %get3A_293 = vector.shape_cast %get3A_292 : vector<16xi32> to vector<16xi32>
      %swap3A_294 = arith.constant 48 : index
      %swap3A_295 = tpu.vector_load %arg16[%swap3A_294] {strides = array<i32>} : memref<80xi32, #tpu.memory_space<vmem>>, vector<16xi32>,
      %swap3A_296 = vector.shape_cast %swap3A_295 : vector<16xi32> to vector<16xi32>
      %swap3A_297 = vector.shape_cast %get3A_293 : vector<16xi32> to vector<16xi32>
      tpu.vector_store %arg16[%swap3A_294], %swap3A_297 {strides = array<i32>} : memref<80xi32, #tpu.memory_space<vmem>>, vector<16xi32>,
      %get3A_298 = arith.constant 64 : index
      %get3A_299 = tpu.vector_load %arg13[%get3A_298] {strides = array<i32>} : memref<80xi32, #tpu.memory_space<vmem>>, vector<16xi32>,
      %get3A_300 = vector.shape_cast %get3A_299 : vector<16xi32> to vector<16xi32>
      %swap3A_301 = arith.constant 64 : index
      %swap3A_302 = tpu.vector_load %arg16[%swap3A_301] {strides = array<i32>} : memref<80xi32, #tpu.memory_space<vmem>>, vector<16xi32>,
      %swap3A_303 = vector.shape_cast %swap3A_302 : vector<16xi32> to vector<16xi32>
      %swap3A_304 = vector.shape_cast %get3A_300 : vector<16xi32> to vector<16xi32>
      tpu.vector_store %arg16[%swap3A_301], %swap3A_304 {strides = array<i32>} : memref<80xi32, #tpu.memory_space<vmem>>, vector<16xi32>,
      %add3A_305 = arith.constant 3 : i32
      %add3A_306 = arith.addi %add3A_260, %add3A_305 : i32
      %lt3A_307 = arith.constant 125 : i32
      %lt3A_308 = arith.cmpi slt, %add3A_306, %lt3A_307 : i32
      %convert_element_type3A_309 = arith.extui %lt3A_308 : i1 to i32
      %cond3A_310 = arith.constant 0 : i32
      %cond3A_311 = arith.cmpi ne, %convert_element_type3A_309, %cond3A_310 : i32
      scf.if %cond3A_311 {
        %mul3A_517 = arith.constant 10000 : i32
        %mul3A_518 = arith.muli %add3A, %mul3A_517 : i32
        %mul3A_519 = arith.constant 80 : i32
        %mul3A_520 = arith.muli %add3A_306, %mul3A_519 : i32
        %add3A_521 = arith.addi %mul3A_518, %mul3A_520 : i32
        %dma_start3A_522 = tpu.memref_slice %arg2[%add3A_521] : memref<320000xi32, #tpu.memory_space<hbm>> -> memref<80xi32, #tpu.memory_space<hbm>>
        %dma_start3A_523 = tpu.memref_slice %arg2[%add3A_521] : memref<320000xi32, #tpu.memory_space<hbm>> -> memref<80xi32, #tpu.memory_space<hbm>>
        tpu.enqueue_dma source(%dma_start3A_523 : memref<80xi32, #tpu.memory_space<hbm>>) target(%arg10 : memref<80xi32, #tpu.memory_space<vmem>>) target_semaphore(%arg28 : memref<!tpu.dma_semaphore, #tpu.memory_space<semaphore_mem>>)
        %dma_start3A_524 = tpu.memref_slice %arg3[%add3A_521] : memref<320000xi32, #tpu.memory_space<hbm>> -> memref<80xi32, #tpu.memory_space<hbm>>
        %dma_start3A_525 = tpu.memref_slice %arg3[%add3A_521] : memref<320000xi32, #tpu.memory_space<hbm>> -> memref<80xi32, #tpu.memory_space<hbm>>
        tpu.enqueue_dma source(%dma_start3A_525 : memref<80xi32, #tpu.memory_space<hbm>>) target(%arg13 : memref<80xi32, #tpu.memory_space<vmem>>) target_semaphore(%arg28 : memref<!tpu.dma_semaphore, #tpu.memory_space<semaphore_mem>>)
      } else {
      }
      %parallel_loop3A_312 = arith.constant 0 : i32
      %parallel_loop3A_313 = arith.constant 80 : i32
      %parallel_loop3A_314 = arith.constant 1 : i32
      scf.for %parallel_loop3A_517 = %parallel_loop3A_312 to %parallel_loop3A_313 step %parallel_loop3A_314  : i32 {
        %parallel_loop3A_518 = arith.index_cast %parallel_loop3A_517 : i32 to index
        %parallel_loop3A_519 = arith.constant 0 : index
        %parallel_loop3A_520 = tpu.vector_load %arg19[%parallel_loop3A_518, %parallel_loop3A_519] {strides = array<i32>} : memref<80x16xf32, #tpu.memory_space<vmem>>, vector<1x16xf32>,
        %parallel_loop3A_521 = vector.shape_cast %parallel_loop3A_520 : vector<1x16xf32> to vector<16xf32>
        %parallel_loop3A_522 = arith.index_cast %parallel_loop3A_517 : i32 to index
        %parallel_loop3A_523 = arith.constant 0 : index
        %parallel_loop3A_524 = tpu.vector_load %arg22[%parallel_loop3A_522, %parallel_loop3A_523] {strides = array<i32>} : memref<80x16xf32, #tpu.memory_space<vmem>>, vector<1x16xf32>,
        %parallel_loop3A_525 = vector.shape_cast %parallel_loop3A_524 : vector<1x16xf32> to vector<16xf32>
        %parallel_loop3A_526 = arith.addf %parallel_loop3A_521, %parallel_loop3A_525 : vector<16xf32>
        %parallel_loop3A_527 = arith.constant 0.000000e+00 : f32
        %parallel_loop3A_528 = vector.broadcast %parallel_loop3A_527 : f32 to vector<16xf32>
        %parallel_loop3A_529 = arith.cmpf oge, %parallel_loop3A_526, %parallel_loop3A_528 : vector<16xf32>
        %parallel_loop3A_530 = arith.constant 2.000000e-01 : f32
        %parallel_loop3A_531 = vector.broadcast %parallel_loop3A_530 : f32 to vector<16xf32>
        %parallel_loop3A_532 = arith.mulf %parallel_loop3A_531, %parallel_loop3A_526 : vector<16xf32>
        %parallel_loop3A_533 = arith.select %parallel_loop3A_529, %parallel_loop3A_526, %parallel_loop3A_532 : vector<16xi1>, vector<16xf32>
        %parallel_loop3A_534 = arith.subf %parallel_loop3A_533, %select_n3A : vector<16xf32>
        %parallel_loop3A_535 = math.exp %parallel_loop3A_534 : vector<16xf32>
        %parallel_loop3A_536 = arith.index_cast %parallel_loop3A_517 : i32 to index
        %parallel_loop3A_537 = arith.constant 0 : index
        %parallel_loop3A_538 = tpu.vector_load %arg19[%parallel_loop3A_536, %parallel_loop3A_537] {strides = array<i32>} : memref<80x16xf32, #tpu.memory_space<vmem>>, vector<1x16xf32>,
        %parallel_loop3A_539 = vector.shape_cast %parallel_loop3A_538 : vector<1x16xf32> to vector<16xf32>
        %parallel_loop3A_540 = vector.shape_cast %parallel_loop3A_535 : vector<16xf32> to vector<1x16xf32>
        tpu.vector_store %arg19[%parallel_loop3A_536, %parallel_loop3A_537], %parallel_loop3A_540 {strides = array<i32>} : memref<80x16xf32, #tpu.memory_space<vmem>>, vector<1x16xf32>,
        %parallel_loop3A_541 = arith.constant 0 : i32
        %parallel_loop3A_542 = vector.broadcast %parallel_loop3A_541 : i32 to vector<16xi32>
        %parallel_loop3A_543 = arith.constant 0 : i32
        %parallel_loop3A_544 = vector.broadcast %parallel_loop3A_543 : i32 to vector<16xi32>
        %parallel_loop3A_545 = arith.cmpi slt, %parallel_loop3A_542, %parallel_loop3A_544 : vector<16xi32>
        %parallel_loop3A_546 = arith.constant 16 : i32
        %parallel_loop3A_547 = vector.broadcast %parallel_loop3A_546 : i32 to vector<16xi32>
        %parallel_loop3A_548 = arith.addi %parallel_loop3A_542, %parallel_loop3A_547 : vector<16xi32>
        %parallel_loop3A_549 = arith.select %parallel_loop3A_545, %parallel_loop3A_548, %parallel_loop3A_542 : vector<16xi1>, vector<16xi32>
        %parallel_loop3A_550 = vector.shape_cast %parallel_loop3A_549 : vector<16xi32> to vector<16x1xi32>
        %parallel_loop3A_551 = vector.shape_cast %parallel_loop3A_550 : vector<16x1xi32> to vector<16xi32>
        %parallel_loop3A_552 = tpu.dynamic_gather %parallel_loop3A_535[%parallel_loop3A_551] in [0] : vector<16xf32>, vector<16xi32> -> vector<16xf32>
        %parallel_loop3A_553 = arith.index_cast %parallel_loop3A_517 : i32 to index
        %parallel_loop3A_554 = arith.constant 0 : index
        %parallel_loop3A_555 = tpu.vector_load %arg25[%parallel_loop3A_553, %parallel_loop3A_554] {strides = array<i32>} : memref<80x128xf32, #tpu.memory_space<vmem>>, vector<1x16xf32>,
        %parallel_loop3A_556 = vector.shape_cast %parallel_loop3A_555 : vector<1x16xf32> to vector<16xf32>
        %parallel_loop3A_557 = arith.mulf %parallel_loop3A_556, %parallel_loop3A_552 : vector<16xf32>
        %parallel_loop3A_558 = arith.index_cast %parallel_loop3A_517 : i32 to index
        %parallel_loop3A_559 = arith.constant 0 : index
        %parallel_loop3A_560 = tpu.vector_load %arg25[%parallel_loop3A_558, %parallel_loop3A_559] {strides = array<i32>} : memref<80x128xf32, #tpu.memory_space<vmem>>, vector<1x16xf32>,
        %parallel_loop3A_561 = vector.shape_cast %parallel_loop3A_560 : vector<1x16xf32> to vector<16xf32>
        %parallel_loop3A_562 = vector.shape_cast %parallel_loop3A_557 : vector<16xf32> to vector<1x16xf32>
        tpu.vector_store %arg25[%parallel_loop3A_558, %parallel_loop3A_559], %parallel_loop3A_562 {strides = array<i32>} : memref<80x128xf32, #tpu.memory_space<vmem>>, vector<1x16xf32>,
        %parallel_loop3A_563 = arith.constant 1 : i32
        %parallel_loop3A_564 = vector.broadcast %parallel_loop3A_563 : i32 to vector<16xi32>
        %parallel_loop3A_565 = arith.constant 0 : i32
        %parallel_loop3A_566 = vector.broadcast %parallel_loop3A_565 : i32 to vector<16xi32>
        %parallel_loop3A_567 = arith.cmpi slt, %parallel_loop3A_564, %parallel_loop3A_566 : vector<16xi32>
        %parallel_loop3A_568 = arith.constant 16 : i32
        %parallel_loop3A_569 = vector.broadcast %parallel_loop3A_568 : i32 to vector<16xi32>
        %parallel_loop3A_570 = arith.addi %parallel_loop3A_564, %parallel_loop3A_569 : vector<16xi32>
        %parallel_loop3A_571 = arith.select %parallel_loop3A_567, %parallel_loop3A_570, %parallel_loop3A_564 : vector<16xi1>, vector<16xi32>
        %parallel_loop3A_572 = vector.shape_cast %parallel_loop3A_571 : vector<16xi32> to vector<16x1xi32>
        %parallel_loop3A_573 = vector.shape_cast %parallel_loop3A_572 : vector<16x1xi32> to vector<16xi32>
        %parallel_loop3A_574 = tpu.dynamic_gather %parallel_loop3A_535[%parallel_loop3A_573] in [0] : vector<16xf32>, vector<16xi32> -> vector<16xf32>
        %parallel_loop3A_575 = arith.index_cast %parallel_loop3A_517 : i32 to index
        %parallel_loop3A_576 = arith.constant 16 : index
        %parallel_loop3A_577 = tpu.vector_load %arg25[%parallel_loop3A_575, %parallel_loop3A_576] {strides = array<i32>} : memref<80x128xf32, #tpu.memory_space<vmem>>, vector<1x16xf32>,
        %parallel_loop3A_578 = vector.shape_cast %parallel_loop3A_577 : vector<1x16xf32> to vector<16xf32>
        %parallel_loop3A_579 = arith.mulf %parallel_loop3A_578, %parallel_loop3A_574 : vector<16xf32>
        %parallel_loop3A_580 = arith.index_cast %parallel_loop3A_517 : i32 to index
        %parallel_loop3A_581 = arith.constant 16 : index
        %parallel_loop3A_582 = tpu.vector_load %arg25[%parallel_loop3A_580, %parallel_loop3A_581] {strides = array<i32>} : memref<80x128xf32, #tpu.memory_space<vmem>>, vector<1x16xf32>,
        %parallel_loop3A_583 = vector.shape_cast %parallel_loop3A_582 : vector<1x16xf32> to vector<16xf32>
        %parallel_loop3A_584 = vector.shape_cast %parallel_loop3A_579 : vector<16xf32> to vector<1x16xf32>
        tpu.vector_store %arg25[%parallel_loop3A_580, %parallel_loop3A_581], %parallel_loop3A_584 {strides = array<i32>} : memref<80x128xf32, #tpu.memory_space<vmem>>, vector<1x16xf32>,
        %parallel_loop3A_585 = arith.constant 2 : i32
        %parallel_loop3A_586 = vector.broadcast %parallel_loop3A_585 : i32 to vector<16xi32>
        %parallel_loop3A_587 = arith.constant 0 : i32
        %parallel_loop3A_588 = vector.broadcast %parallel_loop3A_587 : i32 to vector<16xi32>
        %parallel_loop3A_589 = arith.cmpi slt, %parallel_loop3A_586, %parallel_loop3A_588 : vector<16xi32>
        %parallel_loop3A_590 = arith.constant 16 : i32
        %parallel_loop3A_591 = vector.broadcast %parallel_loop3A_590 : i32 to vector<16xi32>
        %parallel_loop3A_592 = arith.addi %parallel_loop3A_586, %parallel_loop3A_591 : vector<16xi32>
        %parallel_loop3A_593 = arith.select %parallel_loop3A_589, %parallel_loop3A_592, %parallel_loop3A_586 : vector<16xi1>, vector<16xi32>
        %parallel_loop3A_594 = vector.shape_cast %parallel_loop3A_593 : vector<16xi32> to vector<16x1xi32>
        %parallel_loop3A_595 = vector.shape_cast %parallel_loop3A_594 : vector<16x1xi32> to vector<16xi32>
        %parallel_loop3A_596 = tpu.dynamic_gather %parallel_loop3A_535[%parallel_loop3A_595] in [0] : vector<16xf32>, vector<16xi32> -> vector<16xf32>
        %parallel_loop3A_597 = arith.index_cast %parallel_loop3A_517 : i32 to index
        %parallel_loop3A_598 = arith.constant 32 : index
        %parallel_loop3A_599 = tpu.vector_load %arg25[%parallel_loop3A_597, %parallel_loop3A_598] {strides = array<i32>} : memref<80x128xf32, #tpu.memory_space<vmem>>, vector<1x16xf32>,
        %parallel_loop3A_600 = vector.shape_cast %parallel_loop3A_599 : vector<1x16xf32> to vector<16xf32>
        %parallel_loop3A_601 = arith.mulf %parallel_loop3A_600, %parallel_loop3A_596 : vector<16xf32>
        %parallel_loop3A_602 = arith.index_cast %parallel_loop3A_517 : i32 to index
        %parallel_loop3A_603 = arith.constant 32 : index
        %parallel_loop3A_604 = tpu.vector_load %arg25[%parallel_loop3A_602, %parallel_loop3A_603] {strides = array<i32>} : memref<80x128xf32, #tpu.memory_space<vmem>>, vector<1x16xf32>,
        %parallel_loop3A_605 = vector.shape_cast %parallel_loop3A_604 : vector<1x16xf32> to vector<16xf32>
        %parallel_loop3A_606 = vector.shape_cast %parallel_loop3A_601 : vector<16xf32> to vector<1x16xf32>
        tpu.vector_store %arg25[%parallel_loop3A_602, %parallel_loop3A_603], %parallel_loop3A_606 {strides = array<i32>} : memref<80x128xf32, #tpu.memory_space<vmem>>, vector<1x16xf32>,
        %parallel_loop3A_607 = arith.constant 3 : i32
        %parallel_loop3A_608 = vector.broadcast %parallel_loop3A_607 : i32 to vector<16xi32>
        %parallel_loop3A_609 = arith.constant 0 : i32
        %parallel_loop3A_610 = vector.broadcast %parallel_loop3A_609 : i32 to vector<16xi32>
        %parallel_loop3A_611 = arith.cmpi slt, %parallel_loop3A_608, %parallel_loop3A_610 : vector<16xi32>
        %parallel_loop3A_612 = arith.constant 16 : i32
        %parallel_loop3A_613 = vector.broadcast %parallel_loop3A_612 : i32 to vector<16xi32>
        %parallel_loop3A_614 = arith.addi %parallel_loop3A_608, %parallel_loop3A_613 : vector<16xi32>
        %parallel_loop3A_615 = arith.select %parallel_loop3A_611, %parallel_loop3A_614, %parallel_loop3A_608 : vector<16xi1>, vector<16xi32>
        %parallel_loop3A_616 = vector.shape_cast %parallel_loop3A_615 : vector<16xi32> to vector<16x1xi32>
        %parallel_loop3A_617 = vector.shape_cast %parallel_loop3A_616 : vector<16x1xi32> to vector<16xi32>
        %parallel_loop3A_618 = tpu.dynamic_gather %parallel_loop3A_535[%parallel_loop3A_617] in [0] : vector<16xf32>, vector<16xi32> -> vector<16xf32>
        %parallel_loop3A_619 = arith.index_cast %parallel_loop3A_517 : i32 to index
        %parallel_loop3A_620 = arith.constant 48 : index
        %parallel_loop3A_621 = tpu.vector_load %arg25[%parallel_loop3A_619, %parallel_loop3A_620] {strides = array<i32>} : memref<80x128xf32, #tpu.memory_space<vmem>>, vector<1x16xf32>,
        %parallel_loop3A_622 = vector.shape_cast %parallel_loop3A_621 : vector<1x16xf32> to vector<16xf32>
        %parallel_loop3A_623 = arith.mulf %parallel_loop3A_622, %parallel_loop3A_618 : vector<16xf32>
        %parallel_loop3A_624 = arith.index_cast %parallel_loop3A_517 : i32 to index
        %parallel_loop3A_625 = arith.constant 48 : index
        %parallel_loop3A_626 = tpu.vector_load %arg25[%parallel_loop3A_624, %parallel_loop3A_625] {strides = array<i32>} : memref<80x128xf32, #tpu.memory_space<vmem>>, vector<1x16xf32>,
        %parallel_loop3A_627 = vector.shape_cast %parallel_loop3A_626 : vector<1x16xf32> to vector<16xf32>
        %parallel_loop3A_628 = vector.shape_cast %parallel_loop3A_623 : vector<16xf32> to vector<1x16xf32>
        tpu.vector_store %arg25[%parallel_loop3A_624, %parallel_loop3A_625], %parallel_loop3A_628 {strides = array<i32>} : memref<80x128xf32, #tpu.memory_space<vmem>>, vector<1x16xf32>,
        %parallel_loop3A_629 = arith.constant 4 : i32
        %parallel_loop3A_630 = vector.broadcast %parallel_loop3A_629 : i32 to vector<16xi32>
        %parallel_loop3A_631 = arith.constant 0 : i32
        %parallel_loop3A_632 = vector.broadcast %parallel_loop3A_631 : i32 to vector<16xi32>
        %parallel_loop3A_633 = arith.cmpi slt, %parallel_loop3A_630, %parallel_loop3A_632 : vector<16xi32>
        %parallel_loop3A_634 = arith.constant 16 : i32
        %parallel_loop3A_635 = vector.broadcast %parallel_loop3A_634 : i32 to vector<16xi32>
        %parallel_loop3A_636 = arith.addi %parallel_loop3A_630, %parallel_loop3A_635 : vector<16xi32>
        %parallel_loop3A_637 = arith.select %parallel_loop3A_633, %parallel_loop3A_636, %parallel_loop3A_630 : vector<16xi1>, vector<16xi32>
        %parallel_loop3A_638 = vector.shape_cast %parallel_loop3A_637 : vector<16xi32> to vector<16x1xi32>
        %parallel_loop3A_639 = vector.shape_cast %parallel_loop3A_638 : vector<16x1xi32> to vector<16xi32>
        %parallel_loop3A_640 = tpu.dynamic_gather %parallel_loop3A_535[%parallel_loop3A_639] in [0] : vector<16xf32>, vector<16xi32> -> vector<16xf32>
        %parallel_loop3A_641 = arith.index_cast %parallel_loop3A_517 : i32 to index
        %parallel_loop3A_642 = arith.constant 64 : index
        %parallel_loop3A_643 = tpu.vector_load %arg25[%parallel_loop3A_641, %parallel_loop3A_642] {strides = array<i32>} : memref<80x128xf32, #tpu.memory_space<vmem>>, vector<1x16xf32>,
        %parallel_loop3A_644 = vector.shape_cast %parallel_loop3A_643 : vector<1x16xf32> to vector<16xf32>
        %parallel_loop3A_645 = arith.mulf %parallel_loop3A_644, %parallel_loop3A_640 : vector<16xf32>
        %parallel_loop3A_646 = arith.index_cast %parallel_loop3A_517 : i32 to index
        %parallel_loop3A_647 = arith.constant 64 : index
        %parallel_loop3A_648 = tpu.vector_load %arg25[%parallel_loop3A_646, %parallel_loop3A_647] {strides = array<i32>} : memref<80x128xf32, #tpu.memory_space<vmem>>, vector<1x16xf32>,
        %parallel_loop3A_649 = vector.shape_cast %parallel_loop3A_648 : vector<1x16xf32> to vector<16xf32>
        %parallel_loop3A_650 = vector.shape_cast %parallel_loop3A_645 : vector<16xf32> to vector<1x16xf32>
        tpu.vector_store %arg25[%parallel_loop3A_646, %parallel_loop3A_647], %parallel_loop3A_650 {strides = array<i32>} : memref<80x128xf32, #tpu.memory_space<vmem>>, vector<1x16xf32>,
        %parallel_loop3A_651 = arith.constant 5 : i32
        %parallel_loop3A_652 = vector.broadcast %parallel_loop3A_651 : i32 to vector<16xi32>
        %parallel_loop3A_653 = arith.constant 0 : i32
        %parallel_loop3A_654 = vector.broadcast %parallel_loop3A_653 : i32 to vector<16xi32>
        %parallel_loop3A_655 = arith.cmpi slt, %parallel_loop3A_652, %parallel_loop3A_654 : vector<16xi32>
        %parallel_loop3A_656 = arith.constant 16 : i32
        %parallel_loop3A_657 = vector.broadcast %parallel_loop3A_656 : i32 to vector<16xi32>
        %parallel_loop3A_658 = arith.addi %parallel_loop3A_652, %parallel_loop3A_657 : vector<16xi32>
        %parallel_loop3A_659 = arith.select %parallel_loop3A_655, %parallel_loop3A_658, %parallel_loop3A_652 : vector<16xi1>, vector<16xi32>
        %parallel_loop3A_660 = vector.shape_cast %parallel_loop3A_659 : vector<16xi32> to vector<16x1xi32>
        %parallel_loop3A_661 = vector.shape_cast %parallel_loop3A_660 : vector<16x1xi32> to vector<16xi32>
        %parallel_loop3A_662 = tpu.dynamic_gather %parallel_loop3A_535[%parallel_loop3A_661] in [0] : vector<16xf32>, vector<16xi32> -> vector<16xf32>
        %parallel_loop3A_663 = arith.index_cast %parallel_loop3A_517 : i32 to index
        %parallel_loop3A_664 = arith.constant 80 : index
        %parallel_loop3A_665 = tpu.vector_load %arg25[%parallel_loop3A_663, %parallel_loop3A_664] {strides = array<i32>} : memref<80x128xf32, #tpu.memory_space<vmem>>, vector<1x16xf32>,
        %parallel_loop3A_666 = vector.shape_cast %parallel_loop3A_665 : vector<1x16xf32> to vector<16xf32>
        %parallel_loop3A_667 = arith.mulf %parallel_loop3A_666, %parallel_loop3A_662 : vector<16xf32>
        %parallel_loop3A_668 = arith.index_cast %parallel_loop3A_517 : i32 to index
        %parallel_loop3A_669 = arith.constant 80 : index
        %parallel_loop3A_670 = tpu.vector_load %arg25[%parallel_loop3A_668, %parallel_loop3A_669] {strides = array<i32>} : memref<80x128xf32, #tpu.memory_space<vmem>>, vector<1x16xf32>,
        %parallel_loop3A_671 = vector.shape_cast %parallel_loop3A_670 : vector<1x16xf32> to vector<16xf32>
        %parallel_loop3A_672 = vector.shape_cast %parallel_loop3A_667 : vector<16xf32> to vector<1x16xf32>
        tpu.vector_store %arg25[%parallel_loop3A_668, %parallel_loop3A_669], %parallel_loop3A_672 {strides = array<i32>} : memref<80x128xf32, #tpu.memory_space<vmem>>, vector<1x16xf32>,
        %parallel_loop3A_673 = arith.constant 6 : i32
        %parallel_loop3A_674 = vector.broadcast %parallel_loop3A_673 : i32 to vector<16xi32>
        %parallel_loop3A_675 = arith.constant 0 : i32
        %parallel_loop3A_676 = vector.broadcast %parallel_loop3A_675 : i32 to vector<16xi32>
        %parallel_loop3A_677 = arith.cmpi slt, %parallel_loop3A_674, %parallel_loop3A_676 : vector<16xi32>
        %parallel_loop3A_678 = arith.constant 16 : i32
        %parallel_loop3A_679 = vector.broadcast %parallel_loop3A_678 : i32 to vector<16xi32>
        %parallel_loop3A_680 = arith.addi %parallel_loop3A_674, %parallel_loop3A_679 : vector<16xi32>
        %parallel_loop3A_681 = arith.select %parallel_loop3A_677, %parallel_loop3A_680, %parallel_loop3A_674 : vector<16xi1>, vector<16xi32>
        %parallel_loop3A_682 = vector.shape_cast %parallel_loop3A_681 : vector<16xi32> to vector<16x1xi32>
        %parallel_loop3A_683 = vector.shape_cast %parallel_loop3A_682 : vector<16x1xi32> to vector<16xi32>
        %parallel_loop3A_684 = tpu.dynamic_gather %parallel_loop3A_535[%parallel_loop3A_683] in [0] : vector<16xf32>, vector<16xi32> -> vector<16xf32>
        %parallel_loop3A_685 = arith.index_cast %parallel_loop3A_517 : i32 to index
        %parallel_loop3A_686 = arith.constant 96 : index
        %parallel_loop3A_687 = tpu.vector_load %arg25[%parallel_loop3A_685, %parallel_loop3A_686] {strides = array<i32>} : memref<80x128xf32, #tpu.memory_space<vmem>>, vector<1x16xf32>,
        %parallel_loop3A_688 = vector.shape_cast %parallel_loop3A_687 : vector<1x16xf32> to vector<16xf32>
        %parallel_loop3A_689 = arith.mulf %parallel_loop3A_688, %parallel_loop3A_684 : vector<16xf32>
        %parallel_loop3A_690 = arith.index_cast %parallel_loop3A_517 : i32 to index
        %parallel_loop3A_691 = arith.constant 96 : index
        %parallel_loop3A_692 = tpu.vector_load %arg25[%parallel_loop3A_690, %parallel_loop3A_691] {strides = array<i32>} : memref<80x128xf32, #tpu.memory_space<vmem>>, vector<1x16xf32>,
        %parallel_loop3A_693 = vector.shape_cast %parallel_loop3A_692 : vector<1x16xf32> to vector<16xf32>
        %parallel_loop3A_694 = vector.shape_cast %parallel_loop3A_689 : vector<16xf32> to vector<1x16xf32>
        tpu.vector_store %arg25[%parallel_loop3A_690, %parallel_loop3A_691], %parallel_loop3A_694 {strides = array<i32>} : memref<80x128xf32, #tpu.memory_space<vmem>>, vector<1x16xf32>,
        %parallel_loop3A_695 = arith.constant 7 : i32
        %parallel_loop3A_696 = vector.broadcast %parallel_loop3A_695 : i32 to vector<16xi32>
        %parallel_loop3A_697 = arith.constant 0 : i32
        %parallel_loop3A_698 = vector.broadcast %parallel_loop3A_697 : i32 to vector<16xi32>
        %parallel_loop3A_699 = arith.cmpi slt, %parallel_loop3A_696, %parallel_loop3A_698 : vector<16xi32>
        %parallel_loop3A_700 = arith.constant 16 : i32
        %parallel_loop3A_701 = vector.broadcast %parallel_loop3A_700 : i32 to vector<16xi32>
        %parallel_loop3A_702 = arith.addi %parallel_loop3A_696, %parallel_loop3A_701 : vector<16xi32>
        %parallel_loop3A_703 = arith.select %parallel_loop3A_699, %parallel_loop3A_702, %parallel_loop3A_696 : vector<16xi1>, vector<16xi32>
        %parallel_loop3A_704 = vector.shape_cast %parallel_loop3A_703 : vector<16xi32> to vector<16x1xi32>
        %parallel_loop3A_705 = vector.shape_cast %parallel_loop3A_704 : vector<16x1xi32> to vector<16xi32>
        %parallel_loop3A_706 = tpu.dynamic_gather %parallel_loop3A_535[%parallel_loop3A_705] in [0] : vector<16xf32>, vector<16xi32> -> vector<16xf32>
        %parallel_loop3A_707 = arith.index_cast %parallel_loop3A_517 : i32 to index
        %parallel_loop3A_708 = arith.constant 112 : index
        %parallel_loop3A_709 = tpu.vector_load %arg25[%parallel_loop3A_707, %parallel_loop3A_708] {strides = array<i32>} : memref<80x128xf32, #tpu.memory_space<vmem>>, vector<1x16xf32>,
        %parallel_loop3A_710 = vector.shape_cast %parallel_loop3A_709 : vector<1x16xf32> to vector<16xf32>
        %parallel_loop3A_711 = arith.mulf %parallel_loop3A_710, %parallel_loop3A_706 : vector<16xf32>
        %parallel_loop3A_712 = arith.index_cast %parallel_loop3A_517 : i32 to index
        %parallel_loop3A_713 = arith.constant 112 : index
        %parallel_loop3A_714 = tpu.vector_load %arg25[%parallel_loop3A_712, %parallel_loop3A_713] {strides = array<i32>} : memref<80x128xf32, #tpu.memory_space<vmem>>, vector<1x16xf32>,
        %parallel_loop3A_715 = vector.shape_cast %parallel_loop3A_714 : vector<1x16xf32> to vector<16xf32>
        %parallel_loop3A_716 = vector.shape_cast %parallel_loop3A_711 : vector<16xf32> to vector<1x16xf32>
        tpu.vector_store %arg25[%parallel_loop3A_712, %parallel_loop3A_713], %parallel_loop3A_716 {strides = array<i32>} : memref<80x128xf32, #tpu.memory_space<vmem>>, vector<1x16xf32>,
      } {sc.loop_unroll_factor = 4 : i64, sc.parallel_access}
      %dma_start3A_315 = arith.constant 0 : i32
      %dma_start3A_316 = arith.constant 0 : i32
      %dma_start3A_317 = tpu.memref_slice %arg39[%dma_start3A_315, %dma_start3A_316] : memref<10000x16xf32, #tpu.memory_space<vmem_shared>> -> memref<10000x16xf32, #tpu.memory_space<vmem_shared>>
      tpu.enqueue_indirect_dma source(%arg19 : memref<80x16xf32, #tpu.memory_space<vmem>>) target(%dma_start3A_317 : memref<10000x16xf32, #tpu.memory_space<vmem_shared>>) offsets(%arg16 : memref<80xi32, #tpu.memory_space<vmem>>) semaphore(%arg34 : memref<!tpu.dma_semaphore, #tpu.memory_space<semaphore_mem>>) {add = true}
      %dma_start3A_318 = arith.constant 0 : i32
      %dma_start3A_319 = arith.constant 0 : i32
      %dma_start3A_320 = tpu.memref_slice %arg38[%dma_start3A_318, %dma_start3A_319] : memref<10000x128xf32, #tpu.memory_space<vmem_shared>> -> memref<10000x128xf32, #tpu.memory_space<vmem_shared>>
      tpu.enqueue_indirect_dma source(%arg25 : memref<80x128xf32, #tpu.memory_space<vmem>>) target(%dma_start3A_320 : memref<10000x128xf32, #tpu.memory_space<vmem_shared>>) offsets(%arg16 : memref<80xi32, #tpu.memory_space<vmem>>) semaphore(%arg34 : memref<!tpu.dma_semaphore, #tpu.memory_space<semaphore_mem>>) {add = true}
      %add3A_321 = arith.constant 1 : i32
      %add3A_322 = arith.addi %add3A_260, %add3A_321 : i32
      %ge3A_323 = arith.constant 3 : i32
      %ge3A_324 = arith.cmpi sge, %add3A_322, %ge3A_323 : i32
      %convert_element_type3A_325 = arith.extui %ge3A_324 : i1 to i32
      %cond3A_326 = arith.constant 0 : i32
      %cond3A_327 = arith.cmpi ne, %convert_element_type3A_325, %cond3A_326 : i32
      scf.if %cond3A_327 {
        %dma_wait3A_517 = arith.constant 0 : i32
        %dma_wait3A_518 = arith.constant 0 : i32
        %dma_wait3A_519 = tpu.memref_slice %arg39[%dma_wait3A_517, %dma_wait3A_518] : memref<10000x16xf32, #tpu.memory_space<vmem_shared>> -> memref<10000x16xf32, #tpu.memory_space<vmem_shared>>
        tpu.wait_indirect_dma semaphore(%arg35 : memref<!tpu.dma_semaphore, #tpu.memory_space<semaphore_mem>>) src(%arg20 : memref<80x16xf32, #tpu.memory_space<vmem>>) dst(%dma_wait3A_519 : memref<10000x16xf32, #tpu.memory_space<vmem_shared>>)
        %dma_wait3A_520 = arith.constant 0 : i32
        %dma_wait3A_521 = arith.constant 0 : i32
        %dma_wait3A_522 = tpu.memref_slice %arg38[%dma_wait3A_520, %dma_wait3A_521] : memref<10000x128xf32, #tpu.memory_space<vmem_shared>> -> memref<10000x128xf32, #tpu.memory_space<vmem_shared>>
        tpu.wait_indirect_dma semaphore(%arg35 : memref<!tpu.dma_semaphore, #tpu.memory_space<semaphore_mem>>) src(%arg26 : memref<80x128xf32, #tpu.memory_space<vmem>>) dst(%dma_wait3A_522 : memref<10000x128xf32, #tpu.memory_space<vmem_shared>>)
      } else {
      }
      %dma_wait3A_328 = arith.constant 0 : i32
      %dma_wait3A_329 = tpu.memref_slice %arg2[%dma_wait3A_328] : memref<320000xi32, #tpu.memory_space<hbm>> -> memref<80xi32, #tpu.memory_space<hbm>>
      %dma_wait3A_330 = arith.constant 0 : i32
      %dma_wait3A_331 = tpu.memref_slice %arg2[%dma_wait3A_330] : memref<320000xi32, #tpu.memory_space<hbm>> -> memref<80xi32, #tpu.memory_space<hbm>>
      tpu.wait_dma2 semaphore(%arg29 : memref<!tpu.dma_semaphore, #tpu.memory_space<semaphore_mem>>) src(%dma_wait3A_331 : memref<80xi32, #tpu.memory_space<hbm>>) dst(%arg11 : memref<80xi32, #tpu.memory_space<vmem>>)
      %dma_wait3A_332 = arith.constant 0 : i32
      %dma_wait3A_333 = tpu.memref_slice %arg3[%dma_wait3A_332] : memref<320000xi32, #tpu.memory_space<hbm>> -> memref<80xi32, #tpu.memory_space<hbm>>
      %dma_wait3A_334 = arith.constant 0 : i32
      %dma_wait3A_335 = tpu.memref_slice %arg3[%dma_wait3A_334] : memref<320000xi32, #tpu.memory_space<hbm>> -> memref<80xi32, #tpu.memory_space<hbm>>
      tpu.wait_dma2 semaphore(%arg29 : memref<!tpu.dma_semaphore, #tpu.memory_space<semaphore_mem>>) src(%dma_wait3A_335 : memref<80xi32, #tpu.memory_space<hbm>>) dst(%arg14 : memref<80xi32, #tpu.memory_space<vmem>>)
      %dma_start3A_336 = arith.constant 0 : i32
      %dma_start3A_337 = arith.constant 0 : i32
      %dma_start3A_338 = tpu.memref_slice %arg4[%dma_start3A_336, %dma_start3A_337] : memref<10000x16xf32, #tpu.memory_space<hbm>> -> memref<10000x16xf32, #tpu.memory_space<hbm>>
      tpu.enqueue_indirect_dma source(%dma_start3A_338 : memref<10000x16xf32, #tpu.memory_space<hbm>>) target(%arg20 : memref<80x16xf32, #tpu.memory_space<vmem>>) offsets(%arg11 : memref<80xi32, #tpu.memory_space<vmem>>) semaphore(%arg32 : memref<!tpu.dma_semaphore, #tpu.memory_space<semaphore_mem>>)
      %dma_start3A_339 = arith.constant 0 : i32
      %dma_start3A_340 = arith.constant 0 : i32
      %dma_start3A_341 = tpu.memref_slice %arg5[%dma_start3A_339, %dma_start3A_340] : memref<10000x16xf32, #tpu.memory_space<hbm>> -> memref<10000x16xf32, #tpu.memory_space<hbm>>
      tpu.enqueue_indirect_dma source(%dma_start3A_341 : memref<10000x16xf32, #tpu.memory_space<hbm>>) target(%arg23 : memref<80x16xf32, #tpu.memory_space<vmem>>) offsets(%arg14 : memref<80xi32, #tpu.memory_space<vmem>>) semaphore(%arg32 : memref<!tpu.dma_semaphore, #tpu.memory_space<semaphore_mem>>)
      %dma_start3A_342 = arith.constant 0 : i32
      %dma_start3A_343 = arith.constant 0 : i32
      %dma_start3A_344 = tpu.memref_slice %arg7[%dma_start3A_342, %dma_start3A_343] : memref<10000x128xf32, #tpu.memory_space<hbm>> -> memref<10000x128xf32, #tpu.memory_space<hbm>>
      tpu.enqueue_indirect_dma source(%dma_start3A_344 : memref<10000x128xf32, #tpu.memory_space<hbm>>) target(%arg26 : memref<80x128xf32, #tpu.memory_space<vmem>>) offsets(%arg11 : memref<80xi32, #tpu.memory_space<vmem>>) semaphore(%arg32 : memref<!tpu.dma_semaphore, #tpu.memory_space<semaphore_mem>>)
      %add3A_345 = arith.constant 1 : i32
      %add3A_346 = arith.addi %mul3A_258, %add3A_345 : i32
      %dma_wait3A_347 = arith.constant 0 : i32
      %dma_wait3A_348 = arith.constant 0 : i32
      %dma_wait3A_349 = tpu.memref_slice %arg4[%dma_wait3A_347, %dma_wait3A_348] : memref<10000x16xf32, #tpu.memory_space<hbm>> -> memref<10000x16xf32, #tpu.memory_space<hbm>>
      tpu.wait_indirect_dma semaphore(%arg32 : memref<!tpu.dma_semaphore, #tpu.memory_space<semaphore_mem>>) src(%dma_wait3A_349 : memref<10000x16xf32, #tpu.memory_space<hbm>>) dst(%arg20 : memref<80x16xf32, #tpu.memory_space<vmem>>)
      %dma_wait3A_350 = arith.constant 0 : i32
      %dma_wait3A_351 = arith.constant 0 : i32
      %dma_wait3A_352 = tpu.memref_slice %arg5[%dma_wait3A_350, %dma_wait3A_351] : memref<10000x16xf32, #tpu.memory_space<hbm>> -> memref<10000x16xf32, #tpu.memory_space<hbm>>
      tpu.wait_indirect_dma semaphore(%arg32 : memref<!tpu.dma_semaphore, #tpu.memory_space<semaphore_mem>>) src(%dma_wait3A_352 : memref<10000x16xf32, #tpu.memory_space<hbm>>) dst(%arg23 : memref<80x16xf32, #tpu.memory_space<vmem>>)
      %dma_wait3A_353 = arith.constant 0 : i32
      %dma_wait3A_354 = arith.constant 0 : i32
      %dma_wait3A_355 = tpu.memref_slice %arg7[%dma_wait3A_353, %dma_wait3A_354] : memref<10000x128xf32, #tpu.memory_space<hbm>> -> memref<10000x128xf32, #tpu.memory_space<hbm>>
      tpu.wait_indirect_dma semaphore(%arg32 : memref<!tpu.dma_semaphore, #tpu.memory_space<semaphore_mem>>) src(%dma_wait3A_355 : memref<10000x128xf32, #tpu.memory_space<hbm>>) dst(%arg26 : memref<80x128xf32, #tpu.memory_space<vmem>>)
      %get3A_356 = arith.constant 0 : index
      %get3A_357 = tpu.vector_load %arg14[%get3A_356] {strides = array<i32>} : memref<80xi32, #tpu.memory_space<vmem>>, vector<16xi32>,
      %get3A_358 = vector.shape_cast %get3A_357 : vector<16xi32> to vector<16xi32>
      %swap3A_359 = arith.constant 0 : index
      %swap3A_360 = tpu.vector_load %arg17[%swap3A_359] {strides = array<i32>} : memref<80xi32, #tpu.memory_space<vmem>>, vector<16xi32>,
      %swap3A_361 = vector.shape_cast %swap3A_360 : vector<16xi32> to vector<16xi32>
      %swap3A_362 = vector.shape_cast %get3A_358 : vector<16xi32> to vector<16xi32>
      tpu.vector_store %arg17[%swap3A_359], %swap3A_362 {strides = array<i32>} : memref<80xi32, #tpu.memory_space<vmem>>, vector<16xi32>,
      %get3A_363 = arith.constant 16 : index
      %get3A_364 = tpu.vector_load %arg14[%get3A_363] {strides = array<i32>} : memref<80xi32, #tpu.memory_space<vmem>>, vector<16xi32>,
      %get3A_365 = vector.shape_cast %get3A_364 : vector<16xi32> to vector<16xi32>
      %swap3A_366 = arith.constant 16 : index
      %swap3A_367 = tpu.vector_load %arg17[%swap3A_366] {strides = array<i32>} : memref<80xi32, #tpu.memory_space<vmem>>, vector<16xi32>,
      %swap3A_368 = vector.shape_cast %swap3A_367 : vector<16xi32> to vector<16xi32>
      %swap3A_369 = vector.shape_cast %get3A_365 : vector<16xi32> to vector<16xi32>
      tpu.vector_store %arg17[%swap3A_366], %swap3A_369 {strides = array<i32>} : memref<80xi32, #tpu.memory_space<vmem>>, vector<16xi32>,
      %get3A_370 = arith.constant 32 : index
      %get3A_371 = tpu.vector_load %arg14[%get3A_370] {strides = array<i32>} : memref<80xi32, #tpu.memory_space<vmem>>, vector<16xi32>,
      %get3A_372 = vector.shape_cast %get3A_371 : vector<16xi32> to vector<16xi32>
      %swap3A_373 = arith.constant 32 : index
      %swap3A_374 = tpu.vector_load %arg17[%swap3A_373] {strides = array<i32>} : memref<80xi32, #tpu.memory_space<vmem>>, vector<16xi32>,
      %swap3A_375 = vector.shape_cast %swap3A_374 : vector<16xi32> to vector<16xi32>
      %swap3A_376 = vector.shape_cast %get3A_372 : vector<16xi32> to vector<16xi32>
      tpu.vector_store %arg17[%swap3A_373], %swap3A_376 {strides = array<i32>} : memref<80xi32, #tpu.memory_space<vmem>>, vector<16xi32>,
      %get3A_377 = arith.constant 48 : index
      %get3A_378 = tpu.vector_load %arg14[%get3A_377] {strides = array<i32>} : memref<80xi32, #tpu.memory_space<vmem>>, vector<16xi32>,
      %get3A_379 = vector.shape_cast %get3A_378 : vector<16xi32> to vector<16xi32>
      %swap3A_380 = arith.constant 48 : index
      %swap3A_381 = tpu.vector_load %arg17[%swap3A_380] {strides = array<i32>} : memref<80xi32, #tpu.memory_space<vmem>>, vector<16xi32>,
      %swap3A_382 = vector.shape_cast %swap3A_381 : vector<16xi32> to vector<16xi32>
      %swap3A_383 = vector.shape_cast %get3A_379 : vector<16xi32> to vector<16xi32>
      tpu.vector_store %arg17[%swap3A_380], %swap3A_383 {strides = array<i32>} : memref<80xi32, #tpu.memory_space<vmem>>, vector<16xi32>,
      %get3A_384 = arith.constant 64 : index
      %get3A_385 = tpu.vector_load %arg14[%get3A_384] {strides = array<i32>} : memref<80xi32, #tpu.memory_space<vmem>>, vector<16xi32>,
      %get3A_386 = vector.shape_cast %get3A_385 : vector<16xi32> to vector<16xi32>
      %swap3A_387 = arith.constant 64 : index
      %swap3A_388 = tpu.vector_load %arg17[%swap3A_387] {strides = array<i32>} : memref<80xi32, #tpu.memory_space<vmem>>, vector<16xi32>,
      %swap3A_389 = vector.shape_cast %swap3A_388 : vector<16xi32> to vector<16xi32>
      %swap3A_390 = vector.shape_cast %get3A_386 : vector<16xi32> to vector<16xi32>
      tpu.vector_store %arg17[%swap3A_387], %swap3A_390 {strides = array<i32>} : memref<80xi32, #tpu.memory_space<vmem>>, vector<16xi32>,
      %add3A_391 = arith.constant 3 : i32
      %add3A_392 = arith.addi %add3A_346, %add3A_391 : i32
      %lt3A_393 = arith.constant 125 : i32
      %lt3A_394 = arith.cmpi slt, %add3A_392, %lt3A_393 : i32
      %convert_element_type3A_395 = arith.extui %lt3A_394 : i1 to i32
      %cond3A_396 = arith.constant 0 : i32
      %cond3A_397 = arith.cmpi ne, %convert_element_type3A_395, %cond3A_396 : i32
      scf.if %cond3A_397 {
        %mul3A_517 = arith.constant 10000 : i32
        %mul3A_518 = arith.muli %add3A, %mul3A_517 : i32
        %mul3A_519 = arith.constant 80 : i32
        %mul3A_520 = arith.muli %add3A_392, %mul3A_519 : i32
        %add3A_521 = arith.addi %mul3A_518, %mul3A_520 : i32
        %dma_start3A_522 = tpu.memref_slice %arg2[%add3A_521] : memref<320000xi32, #tpu.memory_space<hbm>> -> memref<80xi32, #tpu.memory_space<hbm>>
        %dma_start3A_523 = tpu.memref_slice %arg2[%add3A_521] : memref<320000xi32, #tpu.memory_space<hbm>> -> memref<80xi32, #tpu.memory_space<hbm>>
        tpu.enqueue_dma source(%dma_start3A_523 : memref<80xi32, #tpu.memory_space<hbm>>) target(%arg11 : memref<80xi32, #tpu.memory_space<vmem>>) target_semaphore(%arg29 : memref<!tpu.dma_semaphore, #tpu.memory_space<semaphore_mem>>)
        %dma_start3A_524 = tpu.memref_slice %arg3[%add3A_521] : memref<320000xi32, #tpu.memory_space<hbm>> -> memref<80xi32, #tpu.memory_space<hbm>>
        %dma_start3A_525 = tpu.memref_slice %arg3[%add3A_521] : memref<320000xi32, #tpu.memory_space<hbm>> -> memref<80xi32, #tpu.memory_space<hbm>>
        tpu.enqueue_dma source(%dma_start3A_525 : memref<80xi32, #tpu.memory_space<hbm>>) target(%arg14 : memref<80xi32, #tpu.memory_space<vmem>>) target_semaphore(%arg29 : memref<!tpu.dma_semaphore, #tpu.memory_space<semaphore_mem>>)
      } else {
      }
      %parallel_loop3A_398 = arith.constant 0 : i32
      %parallel_loop3A_399 = arith.constant 80 : i32
      %parallel_loop3A_400 = arith.constant 1 : i32
      scf.for %parallel_loop3A_517 = %parallel_loop3A_398 to %parallel_loop3A_399 step %parallel_loop3A_400  : i32 {
        %parallel_loop3A_518 = arith.index_cast %parallel_loop3A_517 : i32 to index
        %parallel_loop3A_519 = arith.constant 0 : index
        %parallel_loop3A_520 = tpu.vector_load %arg20[%parallel_loop3A_518, %parallel_loop3A_519] {strides = array<i32>} : memref<80x16xf32, #tpu.memory_space<vmem>>, vector<1x16xf32>,
        %parallel_loop3A_521 = vector.shape_cast %parallel_loop3A_520 : vector<1x16xf32> to vector<16xf32>
        %parallel_loop3A_522 = arith.index_cast %parallel_loop3A_517 : i32 to index
        %parallel_loop3A_523 = arith.constant 0 : index
        %parallel_loop3A_524 = tpu.vector_load %arg23[%parallel_loop3A_522, %parallel_loop3A_523] {strides = array<i32>} : memref<80x16xf32, #tpu.memory_space<vmem>>, vector<1x16xf32>,
        %parallel_loop3A_525 = vector.shape_cast %parallel_loop3A_524 : vector<1x16xf32> to vector<16xf32>
        %parallel_loop3A_526 = arith.addf %parallel_loop3A_521, %parallel_loop3A_525 : vector<16xf32>
        %parallel_loop3A_527 = arith.constant 0.000000e+00 : f32
        %parallel_loop3A_528 = vector.broadcast %parallel_loop3A_527 : f32 to vector<16xf32>
        %parallel_loop3A_529 = arith.cmpf oge, %parallel_loop3A_526, %parallel_loop3A_528 : vector<16xf32>
        %parallel_loop3A_530 = arith.constant 2.000000e-01 : f32
        %parallel_loop3A_531 = vector.broadcast %parallel_loop3A_530 : f32 to vector<16xf32>
        %parallel_loop3A_532 = arith.mulf %parallel_loop3A_531, %parallel_loop3A_526 : vector<16xf32>
        %parallel_loop3A_533 = arith.select %parallel_loop3A_529, %parallel_loop3A_526, %parallel_loop3A_532 : vector<16xi1>, vector<16xf32>
        %parallel_loop3A_534 = arith.subf %parallel_loop3A_533, %select_n3A : vector<16xf32>
        %parallel_loop3A_535 = math.exp %parallel_loop3A_534 : vector<16xf32>
        %parallel_loop3A_536 = arith.index_cast %parallel_loop3A_517 : i32 to index
        %parallel_loop3A_537 = arith.constant 0 : index
        %parallel_loop3A_538 = tpu.vector_load %arg20[%parallel_loop3A_536, %parallel_loop3A_537] {strides = array<i32>} : memref<80x16xf32, #tpu.memory_space<vmem>>, vector<1x16xf32>,
        %parallel_loop3A_539 = vector.shape_cast %parallel_loop3A_538 : vector<1x16xf32> to vector<16xf32>
        %parallel_loop3A_540 = vector.shape_cast %parallel_loop3A_535 : vector<16xf32> to vector<1x16xf32>
        tpu.vector_store %arg20[%parallel_loop3A_536, %parallel_loop3A_537], %parallel_loop3A_540 {strides = array<i32>} : memref<80x16xf32, #tpu.memory_space<vmem>>, vector<1x16xf32>,
        %parallel_loop3A_541 = arith.constant 0 : i32
        %parallel_loop3A_542 = vector.broadcast %parallel_loop3A_541 : i32 to vector<16xi32>
        %parallel_loop3A_543 = arith.constant 0 : i32
        %parallel_loop3A_544 = vector.broadcast %parallel_loop3A_543 : i32 to vector<16xi32>
        %parallel_loop3A_545 = arith.cmpi slt, %parallel_loop3A_542, %parallel_loop3A_544 : vector<16xi32>
        %parallel_loop3A_546 = arith.constant 16 : i32
        %parallel_loop3A_547 = vector.broadcast %parallel_loop3A_546 : i32 to vector<16xi32>
        %parallel_loop3A_548 = arith.addi %parallel_loop3A_542, %parallel_loop3A_547 : vector<16xi32>
        %parallel_loop3A_549 = arith.select %parallel_loop3A_545, %parallel_loop3A_548, %parallel_loop3A_542 : vector<16xi1>, vector<16xi32>
        %parallel_loop3A_550 = vector.shape_cast %parallel_loop3A_549 : vector<16xi32> to vector<16x1xi32>
        %parallel_loop3A_551 = vector.shape_cast %parallel_loop3A_550 : vector<16x1xi32> to vector<16xi32>
        %parallel_loop3A_552 = tpu.dynamic_gather %parallel_loop3A_535[%parallel_loop3A_551] in [0] : vector<16xf32>, vector<16xi32> -> vector<16xf32>
        %parallel_loop3A_553 = arith.index_cast %parallel_loop3A_517 : i32 to index
        %parallel_loop3A_554 = arith.constant 0 : index
        %parallel_loop3A_555 = tpu.vector_load %arg26[%parallel_loop3A_553, %parallel_loop3A_554] {strides = array<i32>} : memref<80x128xf32, #tpu.memory_space<vmem>>, vector<1x16xf32>,
        %parallel_loop3A_556 = vector.shape_cast %parallel_loop3A_555 : vector<1x16xf32> to vector<16xf32>
        %parallel_loop3A_557 = arith.mulf %parallel_loop3A_556, %parallel_loop3A_552 : vector<16xf32>
        %parallel_loop3A_558 = arith.index_cast %parallel_loop3A_517 : i32 to index
        %parallel_loop3A_559 = arith.constant 0 : index
        %parallel_loop3A_560 = tpu.vector_load %arg26[%parallel_loop3A_558, %parallel_loop3A_559] {strides = array<i32>} : memref<80x128xf32, #tpu.memory_space<vmem>>, vector<1x16xf32>,
        %parallel_loop3A_561 = vector.shape_cast %parallel_loop3A_560 : vector<1x16xf32> to vector<16xf32>
        %parallel_loop3A_562 = vector.shape_cast %parallel_loop3A_557 : vector<16xf32> to vector<1x16xf32>
        tpu.vector_store %arg26[%parallel_loop3A_558, %parallel_loop3A_559], %parallel_loop3A_562 {strides = array<i32>} : memref<80x128xf32, #tpu.memory_space<vmem>>, vector<1x16xf32>,
        %parallel_loop3A_563 = arith.constant 1 : i32
        %parallel_loop3A_564 = vector.broadcast %parallel_loop3A_563 : i32 to vector<16xi32>
        %parallel_loop3A_565 = arith.constant 0 : i32
        %parallel_loop3A_566 = vector.broadcast %parallel_loop3A_565 : i32 to vector<16xi32>
        %parallel_loop3A_567 = arith.cmpi slt, %parallel_loop3A_564, %parallel_loop3A_566 : vector<16xi32>
        %parallel_loop3A_568 = arith.constant 16 : i32
        %parallel_loop3A_569 = vector.broadcast %parallel_loop3A_568 : i32 to vector<16xi32>
        %parallel_loop3A_570 = arith.addi %parallel_loop3A_564, %parallel_loop3A_569 : vector<16xi32>
        %parallel_loop3A_571 = arith.select %parallel_loop3A_567, %parallel_loop3A_570, %parallel_loop3A_564 : vector<16xi1>, vector<16xi32>
        %parallel_loop3A_572 = vector.shape_cast %parallel_loop3A_571 : vector<16xi32> to vector<16x1xi32>
        %parallel_loop3A_573 = vector.shape_cast %parallel_loop3A_572 : vector<16x1xi32> to vector<16xi32>
        %parallel_loop3A_574 = tpu.dynamic_gather %parallel_loop3A_535[%parallel_loop3A_573] in [0] : vector<16xf32>, vector<16xi32> -> vector<16xf32>
        %parallel_loop3A_575 = arith.index_cast %parallel_loop3A_517 : i32 to index
        %parallel_loop3A_576 = arith.constant 16 : index
        %parallel_loop3A_577 = tpu.vector_load %arg26[%parallel_loop3A_575, %parallel_loop3A_576] {strides = array<i32>} : memref<80x128xf32, #tpu.memory_space<vmem>>, vector<1x16xf32>,
        %parallel_loop3A_578 = vector.shape_cast %parallel_loop3A_577 : vector<1x16xf32> to vector<16xf32>
        %parallel_loop3A_579 = arith.mulf %parallel_loop3A_578, %parallel_loop3A_574 : vector<16xf32>
        %parallel_loop3A_580 = arith.index_cast %parallel_loop3A_517 : i32 to index
        %parallel_loop3A_581 = arith.constant 16 : index
        %parallel_loop3A_582 = tpu.vector_load %arg26[%parallel_loop3A_580, %parallel_loop3A_581] {strides = array<i32>} : memref<80x128xf32, #tpu.memory_space<vmem>>, vector<1x16xf32>,
        %parallel_loop3A_583 = vector.shape_cast %parallel_loop3A_582 : vector<1x16xf32> to vector<16xf32>
        %parallel_loop3A_584 = vector.shape_cast %parallel_loop3A_579 : vector<16xf32> to vector<1x16xf32>
        tpu.vector_store %arg26[%parallel_loop3A_580, %parallel_loop3A_581], %parallel_loop3A_584 {strides = array<i32>} : memref<80x128xf32, #tpu.memory_space<vmem>>, vector<1x16xf32>,
        %parallel_loop3A_585 = arith.constant 2 : i32
        %parallel_loop3A_586 = vector.broadcast %parallel_loop3A_585 : i32 to vector<16xi32>
        %parallel_loop3A_587 = arith.constant 0 : i32
        %parallel_loop3A_588 = vector.broadcast %parallel_loop3A_587 : i32 to vector<16xi32>
        %parallel_loop3A_589 = arith.cmpi slt, %parallel_loop3A_586, %parallel_loop3A_588 : vector<16xi32>
        %parallel_loop3A_590 = arith.constant 16 : i32
        %parallel_loop3A_591 = vector.broadcast %parallel_loop3A_590 : i32 to vector<16xi32>
        %parallel_loop3A_592 = arith.addi %parallel_loop3A_586, %parallel_loop3A_591 : vector<16xi32>
        %parallel_loop3A_593 = arith.select %parallel_loop3A_589, %parallel_loop3A_592, %parallel_loop3A_586 : vector<16xi1>, vector<16xi32>
        %parallel_loop3A_594 = vector.shape_cast %parallel_loop3A_593 : vector<16xi32> to vector<16x1xi32>
        %parallel_loop3A_595 = vector.shape_cast %parallel_loop3A_594 : vector<16x1xi32> to vector<16xi32>
        %parallel_loop3A_596 = tpu.dynamic_gather %parallel_loop3A_535[%parallel_loop3A_595] in [0] : vector<16xf32>, vector<16xi32> -> vector<16xf32>
        %parallel_loop3A_597 = arith.index_cast %parallel_loop3A_517 : i32 to index
        %parallel_loop3A_598 = arith.constant 32 : index
        %parallel_loop3A_599 = tpu.vector_load %arg26[%parallel_loop3A_597, %parallel_loop3A_598] {strides = array<i32>} : memref<80x128xf32, #tpu.memory_space<vmem>>, vector<1x16xf32>,
        %parallel_loop3A_600 = vector.shape_cast %parallel_loop3A_599 : vector<1x16xf32> to vector<16xf32>
        %parallel_loop3A_601 = arith.mulf %parallel_loop3A_600, %parallel_loop3A_596 : vector<16xf32>
        %parallel_loop3A_602 = arith.index_cast %parallel_loop3A_517 : i32 to index
        %parallel_loop3A_603 = arith.constant 32 : index
        %parallel_loop3A_604 = tpu.vector_load %arg26[%parallel_loop3A_602, %parallel_loop3A_603] {strides = array<i32>} : memref<80x128xf32, #tpu.memory_space<vmem>>, vector<1x16xf32>,
        %parallel_loop3A_605 = vector.shape_cast %parallel_loop3A_604 : vector<1x16xf32> to vector<16xf32>
        %parallel_loop3A_606 = vector.shape_cast %parallel_loop3A_601 : vector<16xf32> to vector<1x16xf32>
        tpu.vector_store %arg26[%parallel_loop3A_602, %parallel_loop3A_603], %parallel_loop3A_606 {strides = array<i32>} : memref<80x128xf32, #tpu.memory_space<vmem>>, vector<1x16xf32>,
        %parallel_loop3A_607 = arith.constant 3 : i32
        %parallel_loop3A_608 = vector.broadcast %parallel_loop3A_607 : i32 to vector<16xi32>
        %parallel_loop3A_609 = arith.constant 0 : i32
        %parallel_loop3A_610 = vector.broadcast %parallel_loop3A_609 : i32 to vector<16xi32>
        %parallel_loop3A_611 = arith.cmpi slt, %parallel_loop3A_608, %parallel_loop3A_610 : vector<16xi32>
        %parallel_loop3A_612 = arith.constant 16 : i32
        %parallel_loop3A_613 = vector.broadcast %parallel_loop3A_612 : i32 to vector<16xi32>
        %parallel_loop3A_614 = arith.addi %parallel_loop3A_608, %parallel_loop3A_613 : vector<16xi32>
        %parallel_loop3A_615 = arith.select %parallel_loop3A_611, %parallel_loop3A_614, %parallel_loop3A_608 : vector<16xi1>, vector<16xi32>
        %parallel_loop3A_616 = vector.shape_cast %parallel_loop3A_615 : vector<16xi32> to vector<16x1xi32>
        %parallel_loop3A_617 = vector.shape_cast %parallel_loop3A_616 : vector<16x1xi32> to vector<16xi32>
        %parallel_loop3A_618 = tpu.dynamic_gather %parallel_loop3A_535[%parallel_loop3A_617] in [0] : vector<16xf32>, vector<16xi32> -> vector<16xf32>
        %parallel_loop3A_619 = arith.index_cast %parallel_loop3A_517 : i32 to index
        %parallel_loop3A_620 = arith.constant 48 : index
        %parallel_loop3A_621 = tpu.vector_load %arg26[%parallel_loop3A_619, %parallel_loop3A_620] {strides = array<i32>} : memref<80x128xf32, #tpu.memory_space<vmem>>, vector<1x16xf32>,
        %parallel_loop3A_622 = vector.shape_cast %parallel_loop3A_621 : vector<1x16xf32> to vector<16xf32>
        %parallel_loop3A_623 = arith.mulf %parallel_loop3A_622, %parallel_loop3A_618 : vector<16xf32>
        %parallel_loop3A_624 = arith.index_cast %parallel_loop3A_517 : i32 to index
        %parallel_loop3A_625 = arith.constant 48 : index
        %parallel_loop3A_626 = tpu.vector_load %arg26[%parallel_loop3A_624, %parallel_loop3A_625] {strides = array<i32>} : memref<80x128xf32, #tpu.memory_space<vmem>>, vector<1x16xf32>,
        %parallel_loop3A_627 = vector.shape_cast %parallel_loop3A_626 : vector<1x16xf32> to vector<16xf32>
        %parallel_loop3A_628 = vector.shape_cast %parallel_loop3A_623 : vector<16xf32> to vector<1x16xf32>
        tpu.vector_store %arg26[%parallel_loop3A_624, %parallel_loop3A_625], %parallel_loop3A_628 {strides = array<i32>} : memref<80x128xf32, #tpu.memory_space<vmem>>, vector<1x16xf32>,
        %parallel_loop3A_629 = arith.constant 4 : i32
        %parallel_loop3A_630 = vector.broadcast %parallel_loop3A_629 : i32 to vector<16xi32>
        %parallel_loop3A_631 = arith.constant 0 : i32
        %parallel_loop3A_632 = vector.broadcast %parallel_loop3A_631 : i32 to vector<16xi32>
        %parallel_loop3A_633 = arith.cmpi slt, %parallel_loop3A_630, %parallel_loop3A_632 : vector<16xi32>
        %parallel_loop3A_634 = arith.constant 16 : i32
        %parallel_loop3A_635 = vector.broadcast %parallel_loop3A_634 : i32 to vector<16xi32>
        %parallel_loop3A_636 = arith.addi %parallel_loop3A_630, %parallel_loop3A_635 : vector<16xi32>
        %parallel_loop3A_637 = arith.select %parallel_loop3A_633, %parallel_loop3A_636, %parallel_loop3A_630 : vector<16xi1>, vector<16xi32>
        %parallel_loop3A_638 = vector.shape_cast %parallel_loop3A_637 : vector<16xi32> to vector<16x1xi32>
        %parallel_loop3A_639 = vector.shape_cast %parallel_loop3A_638 : vector<16x1xi32> to vector<16xi32>
        %parallel_loop3A_640 = tpu.dynamic_gather %parallel_loop3A_535[%parallel_loop3A_639] in [0] : vector<16xf32>, vector<16xi32> -> vector<16xf32>
        %parallel_loop3A_641 = arith.index_cast %parallel_loop3A_517 : i32 to index
        %parallel_loop3A_642 = arith.constant 64 : index
        %parallel_loop3A_643 = tpu.vector_load %arg26[%parallel_loop3A_641, %parallel_loop3A_642] {strides = array<i32>} : memref<80x128xf32, #tpu.memory_space<vmem>>, vector<1x16xf32>,
        %parallel_loop3A_644 = vector.shape_cast %parallel_loop3A_643 : vector<1x16xf32> to vector<16xf32>
        %parallel_loop3A_645 = arith.mulf %parallel_loop3A_644, %parallel_loop3A_640 : vector<16xf32>
        %parallel_loop3A_646 = arith.index_cast %parallel_loop3A_517 : i32 to index
        %parallel_loop3A_647 = arith.constant 64 : index
        %parallel_loop3A_648 = tpu.vector_load %arg26[%parallel_loop3A_646, %parallel_loop3A_647] {strides = array<i32>} : memref<80x128xf32, #tpu.memory_space<vmem>>, vector<1x16xf32>,
        %parallel_loop3A_649 = vector.shape_cast %parallel_loop3A_648 : vector<1x16xf32> to vector<16xf32>
        %parallel_loop3A_650 = vector.shape_cast %parallel_loop3A_645 : vector<16xf32> to vector<1x16xf32>
        tpu.vector_store %arg26[%parallel_loop3A_646, %parallel_loop3A_647], %parallel_loop3A_650 {strides = array<i32>} : memref<80x128xf32, #tpu.memory_space<vmem>>, vector<1x16xf32>,
        %parallel_loop3A_651 = arith.constant 5 : i32
        %parallel_loop3A_652 = vector.broadcast %parallel_loop3A_651 : i32 to vector<16xi32>
        %parallel_loop3A_653 = arith.constant 0 : i32
        %parallel_loop3A_654 = vector.broadcast %parallel_loop3A_653 : i32 to vector<16xi32>
        %parallel_loop3A_655 = arith.cmpi slt, %parallel_loop3A_652, %parallel_loop3A_654 : vector<16xi32>
        %parallel_loop3A_656 = arith.constant 16 : i32
        %parallel_loop3A_657 = vector.broadcast %parallel_loop3A_656 : i32 to vector<16xi32>
        %parallel_loop3A_658 = arith.addi %parallel_loop3A_652, %parallel_loop3A_657 : vector<16xi32>
        %parallel_loop3A_659 = arith.select %parallel_loop3A_655, %parallel_loop3A_658, %parallel_loop3A_652 : vector<16xi1>, vector<16xi32>
        %parallel_loop3A_660 = vector.shape_cast %parallel_loop3A_659 : vector<16xi32> to vector<16x1xi32>
        %parallel_loop3A_661 = vector.shape_cast %parallel_loop3A_660 : vector<16x1xi32> to vector<16xi32>
        %parallel_loop3A_662 = tpu.dynamic_gather %parallel_loop3A_535[%parallel_loop3A_661] in [0] : vector<16xf32>, vector<16xi32> -> vector<16xf32>
        %parallel_loop3A_663 = arith.index_cast %parallel_loop3A_517 : i32 to index
        %parallel_loop3A_664 = arith.constant 80 : index
        %parallel_loop3A_665 = tpu.vector_load %arg26[%parallel_loop3A_663, %parallel_loop3A_664] {strides = array<i32>} : memref<80x128xf32, #tpu.memory_space<vmem>>, vector<1x16xf32>,
        %parallel_loop3A_666 = vector.shape_cast %parallel_loop3A_665 : vector<1x16xf32> to vector<16xf32>
        %parallel_loop3A_667 = arith.mulf %parallel_loop3A_666, %parallel_loop3A_662 : vector<16xf32>
        %parallel_loop3A_668 = arith.index_cast %parallel_loop3A_517 : i32 to index
        %parallel_loop3A_669 = arith.constant 80 : index
        %parallel_loop3A_670 = tpu.vector_load %arg26[%parallel_loop3A_668, %parallel_loop3A_669] {strides = array<i32>} : memref<80x128xf32, #tpu.memory_space<vmem>>, vector<1x16xf32>,
        %parallel_loop3A_671 = vector.shape_cast %parallel_loop3A_670 : vector<1x16xf32> to vector<16xf32>
        %parallel_loop3A_672 = vector.shape_cast %parallel_loop3A_667 : vector<16xf32> to vector<1x16xf32>
        tpu.vector_store %arg26[%parallel_loop3A_668, %parallel_loop3A_669], %parallel_loop3A_672 {strides = array<i32>} : memref<80x128xf32, #tpu.memory_space<vmem>>, vector<1x16xf32>,
        %parallel_loop3A_673 = arith.constant 6 : i32
        %parallel_loop3A_674 = vector.broadcast %parallel_loop3A_673 : i32 to vector<16xi32>
        %parallel_loop3A_675 = arith.constant 0 : i32
        %parallel_loop3A_676 = vector.broadcast %parallel_loop3A_675 : i32 to vector<16xi32>
        %parallel_loop3A_677 = arith.cmpi slt, %parallel_loop3A_674, %parallel_loop3A_676 : vector<16xi32>
        %parallel_loop3A_678 = arith.constant 16 : i32
        %parallel_loop3A_679 = vector.broadcast %parallel_loop3A_678 : i32 to vector<16xi32>
        %parallel_loop3A_680 = arith.addi %parallel_loop3A_674, %parallel_loop3A_679 : vector<16xi32>
        %parallel_loop3A_681 = arith.select %parallel_loop3A_677, %parallel_loop3A_680, %parallel_loop3A_674 : vector<16xi1>, vector<16xi32>
        %parallel_loop3A_682 = vector.shape_cast %parallel_loop3A_681 : vector<16xi32> to vector<16x1xi32>
        %parallel_loop3A_683 = vector.shape_cast %parallel_loop3A_682 : vector<16x1xi32> to vector<16xi32>
        %parallel_loop3A_684 = tpu.dynamic_gather %parallel_loop3A_535[%parallel_loop3A_683] in [0] : vector<16xf32>, vector<16xi32> -> vector<16xf32>
        %parallel_loop3A_685 = arith.index_cast %parallel_loop3A_517 : i32 to index
        %parallel_loop3A_686 = arith.constant 96 : index
        %parallel_loop3A_687 = tpu.vector_load %arg26[%parallel_loop3A_685, %parallel_loop3A_686] {strides = array<i32>} : memref<80x128xf32, #tpu.memory_space<vmem>>, vector<1x16xf32>,
        %parallel_loop3A_688 = vector.shape_cast %parallel_loop3A_687 : vector<1x16xf32> to vector<16xf32>
        %parallel_loop3A_689 = arith.mulf %parallel_loop3A_688, %parallel_loop3A_684 : vector<16xf32>
        %parallel_loop3A_690 = arith.index_cast %parallel_loop3A_517 : i32 to index
        %parallel_loop3A_691 = arith.constant 96 : index
        %parallel_loop3A_692 = tpu.vector_load %arg26[%parallel_loop3A_690, %parallel_loop3A_691] {strides = array<i32>} : memref<80x128xf32, #tpu.memory_space<vmem>>, vector<1x16xf32>,
        %parallel_loop3A_693 = vector.shape_cast %parallel_loop3A_692 : vector<1x16xf32> to vector<16xf32>
        %parallel_loop3A_694 = vector.shape_cast %parallel_loop3A_689 : vector<16xf32> to vector<1x16xf32>
        tpu.vector_store %arg26[%parallel_loop3A_690, %parallel_loop3A_691], %parallel_loop3A_694 {strides = array<i32>} : memref<80x128xf32, #tpu.memory_space<vmem>>, vector<1x16xf32>,
        %parallel_loop3A_695 = arith.constant 7 : i32
        %parallel_loop3A_696 = vector.broadcast %parallel_loop3A_695 : i32 to vector<16xi32>
        %parallel_loop3A_697 = arith.constant 0 : i32
        %parallel_loop3A_698 = vector.broadcast %parallel_loop3A_697 : i32 to vector<16xi32>
        %parallel_loop3A_699 = arith.cmpi slt, %parallel_loop3A_696, %parallel_loop3A_698 : vector<16xi32>
        %parallel_loop3A_700 = arith.constant 16 : i32
        %parallel_loop3A_701 = vector.broadcast %parallel_loop3A_700 : i32 to vector<16xi32>
        %parallel_loop3A_702 = arith.addi %parallel_loop3A_696, %parallel_loop3A_701 : vector<16xi32>
        %parallel_loop3A_703 = arith.select %parallel_loop3A_699, %parallel_loop3A_702, %parallel_loop3A_696 : vector<16xi1>, vector<16xi32>
        %parallel_loop3A_704 = vector.shape_cast %parallel_loop3A_703 : vector<16xi32> to vector<16x1xi32>
        %parallel_loop3A_705 = vector.shape_cast %parallel_loop3A_704 : vector<16x1xi32> to vector<16xi32>
        %parallel_loop3A_706 = tpu.dynamic_gather %parallel_loop3A_535[%parallel_loop3A_705] in [0] : vector<16xf32>, vector<16xi32> -> vector<16xf32>
        %parallel_loop3A_707 = arith.index_cast %parallel_loop3A_517 : i32 to index
        %parallel_loop3A_708 = arith.constant 112 : index
        %parallel_loop3A_709 = tpu.vector_load %arg26[%parallel_loop3A_707, %parallel_loop3A_708] {strides = array<i32>} : memref<80x128xf32, #tpu.memory_space<vmem>>, vector<1x16xf32>,
        %parallel_loop3A_710 = vector.shape_cast %parallel_loop3A_709 : vector<1x16xf32> to vector<16xf32>
        %parallel_loop3A_711 = arith.mulf %parallel_loop3A_710, %parallel_loop3A_706 : vector<16xf32>
        %parallel_loop3A_712 = arith.index_cast %parallel_loop3A_517 : i32 to index
        %parallel_loop3A_713 = arith.constant 112 : index
        %parallel_loop3A_714 = tpu.vector_load %arg26[%parallel_loop3A_712, %parallel_loop3A_713] {strides = array<i32>} : memref<80x128xf32, #tpu.memory_space<vmem>>, vector<1x16xf32>,
        %parallel_loop3A_715 = vector.shape_cast %parallel_loop3A_714 : vector<1x16xf32> to vector<16xf32>
        %parallel_loop3A_716 = vector.shape_cast %parallel_loop3A_711 : vector<16xf32> to vector<1x16xf32>
        tpu.vector_store %arg26[%parallel_loop3A_712, %parallel_loop3A_713], %parallel_loop3A_716 {strides = array<i32>} : memref<80x128xf32, #tpu.memory_space<vmem>>, vector<1x16xf32>,
      } {sc.loop_unroll_factor = 4 : i64, sc.parallel_access}
      %dma_start3A_401 = arith.constant 0 : i32
      %dma_start3A_402 = arith.constant 0 : i32
      %dma_start3A_403 = tpu.memref_slice %arg39[%dma_start3A_401, %dma_start3A_402] : memref<10000x16xf32, #tpu.memory_space<vmem_shared>> -> memref<10000x16xf32, #tpu.memory_space<vmem_shared>>
      tpu.enqueue_indirect_dma source(%arg20 : memref<80x16xf32, #tpu.memory_space<vmem>>) target(%dma_start3A_403 : memref<10000x16xf32, #tpu.memory_space<vmem_shared>>) offsets(%arg17 : memref<80xi32, #tpu.memory_space<vmem>>) semaphore(%arg35 : memref<!tpu.dma_semaphore, #tpu.memory_space<semaphore_mem>>) {add = true}
      %dma_start3A_404 = arith.constant 0 : i32
      %dma_start3A_405 = arith.constant 0 : i32
      %dma_start3A_406 = tpu.memref_slice %arg38[%dma_start3A_404, %dma_start3A_405] : memref<10000x128xf32, #tpu.memory_space<vmem_shared>> -> memref<10000x128xf32, #tpu.memory_space<vmem_shared>>
      tpu.enqueue_indirect_dma source(%arg26 : memref<80x128xf32, #tpu.memory_space<vmem>>) target(%dma_start3A_406 : memref<10000x128xf32, #tpu.memory_space<vmem_shared>>) offsets(%arg17 : memref<80xi32, #tpu.memory_space<vmem>>) semaphore(%arg35 : memref<!tpu.dma_semaphore, #tpu.memory_space<semaphore_mem>>) {add = true}
      %add3A_407 = arith.constant 1 : i32
      %add3A_408 = arith.addi %add3A_346, %add3A_407 : i32
      %ge3A_409 = arith.constant 3 : i32
      %ge3A_410 = arith.cmpi sge, %add3A_408, %ge3A_409 : i32
      %convert_element_type3A_411 = arith.extui %ge3A_410 : i1 to i32
      %cond3A_412 = arith.constant 0 : i32
      %cond3A_413 = arith.cmpi ne, %convert_element_type3A_411, %cond3A_412 : i32
      scf.if %cond3A_413 {
        %dma_wait3A_517 = arith.constant 0 : i32
        %dma_wait3A_518 = arith.constant 0 : i32
        %dma_wait3A_519 = tpu.memref_slice %arg39[%dma_wait3A_517, %dma_wait3A_518] : memref<10000x16xf32, #tpu.memory_space<vmem_shared>> -> memref<10000x16xf32, #tpu.memory_space<vmem_shared>>
        tpu.wait_indirect_dma semaphore(%arg36 : memref<!tpu.dma_semaphore, #tpu.memory_space<semaphore_mem>>) src(%arg21 : memref<80x16xf32, #tpu.memory_space<vmem>>) dst(%dma_wait3A_519 : memref<10000x16xf32, #tpu.memory_space<vmem_shared>>)
        %dma_wait3A_520 = arith.constant 0 : i32
        %dma_wait3A_521 = arith.constant 0 : i32
        %dma_wait3A_522 = tpu.memref_slice %arg38[%dma_wait3A_520, %dma_wait3A_521] : memref<10000x128xf32, #tpu.memory_space<vmem_shared>> -> memref<10000x128xf32, #tpu.memory_space<vmem_shared>>
        tpu.wait_indirect_dma semaphore(%arg36 : memref<!tpu.dma_semaphore, #tpu.memory_space<semaphore_mem>>) src(%arg27 : memref<80x128xf32, #tpu.memory_space<vmem>>) dst(%dma_wait3A_522 : memref<10000x128xf32, #tpu.memory_space<vmem_shared>>)
      } else {
      }
      %dma_wait3A_414 = arith.constant 0 : i32
      %dma_wait3A_415 = tpu.memref_slice %arg2[%dma_wait3A_414] : memref<320000xi32, #tpu.memory_space<hbm>> -> memref<80xi32, #tpu.memory_space<hbm>>
      %dma_wait3A_416 = arith.constant 0 : i32
      %dma_wait3A_417 = tpu.memref_slice %arg2[%dma_wait3A_416] : memref<320000xi32, #tpu.memory_space<hbm>> -> memref<80xi32, #tpu.memory_space<hbm>>
      tpu.wait_dma2 semaphore(%arg30 : memref<!tpu.dma_semaphore, #tpu.memory_space<semaphore_mem>>) src(%dma_wait3A_417 : memref<80xi32, #tpu.memory_space<hbm>>) dst(%arg12 : memref<80xi32, #tpu.memory_space<vmem>>)
      %dma_wait3A_418 = arith.constant 0 : i32
      %dma_wait3A_419 = tpu.memref_slice %arg3[%dma_wait3A_418] : memref<320000xi32, #tpu.memory_space<hbm>> -> memref<80xi32, #tpu.memory_space<hbm>>
      %dma_wait3A_420 = arith.constant 0 : i32
      %dma_wait3A_421 = tpu.memref_slice %arg3[%dma_wait3A_420] : memref<320000xi32, #tpu.memory_space<hbm>> -> memref<80xi32, #tpu.memory_space<hbm>>
      tpu.wait_dma2 semaphore(%arg30 : memref<!tpu.dma_semaphore, #tpu.memory_space<semaphore_mem>>) src(%dma_wait3A_421 : memref<80xi32, #tpu.memory_space<hbm>>) dst(%arg15 : memref<80xi32, #tpu.memory_space<vmem>>)
      %dma_start3A_422 = arith.constant 0 : i32
      %dma_start3A_423 = arith.constant 0 : i32
      %dma_start3A_424 = tpu.memref_slice %arg4[%dma_start3A_422, %dma_start3A_423] : memref<10000x16xf32, #tpu.memory_space<hbm>> -> memref<10000x16xf32, #tpu.memory_space<hbm>>
      tpu.enqueue_indirect_dma source(%dma_start3A_424 : memref<10000x16xf32, #tpu.memory_space<hbm>>) target(%arg21 : memref<80x16xf32, #tpu.memory_space<vmem>>) offsets(%arg12 : memref<80xi32, #tpu.memory_space<vmem>>) semaphore(%arg33 : memref<!tpu.dma_semaphore, #tpu.memory_space<semaphore_mem>>)
      %dma_start3A_425 = arith.constant 0 : i32
      %dma_start3A_426 = arith.constant 0 : i32
      %dma_start3A_427 = tpu.memref_slice %arg5[%dma_start3A_425, %dma_start3A_426] : memref<10000x16xf32, #tpu.memory_space<hbm>> -> memref<10000x16xf32, #tpu.memory_space<hbm>>
      tpu.enqueue_indirect_dma source(%dma_start3A_427 : memref<10000x16xf32, #tpu.memory_space<hbm>>) target(%arg24 : memref<80x16xf32, #tpu.memory_space<vmem>>) offsets(%arg15 : memref<80xi32, #tpu.memory_space<vmem>>) semaphore(%arg33 : memref<!tpu.dma_semaphore, #tpu.memory_space<semaphore_mem>>)
      %dma_start3A_428 = arith.constant 0 : i32
      %dma_start3A_429 = arith.constant 0 : i32
      %dma_start3A_430 = tpu.memref_slice %arg7[%dma_start3A_428, %dma_start3A_429] : memref<10000x128xf32, #tpu.memory_space<hbm>> -> memref<10000x128xf32, #tpu.memory_space<hbm>>
      tpu.enqueue_indirect_dma source(%dma_start3A_430 : memref<10000x128xf32, #tpu.memory_space<hbm>>) target(%arg27 : memref<80x128xf32, #tpu.memory_space<vmem>>) offsets(%arg12 : memref<80xi32, #tpu.memory_space<vmem>>) semaphore(%arg33 : memref<!tpu.dma_semaphore, #tpu.memory_space<semaphore_mem>>)
      %add3A_431 = arith.constant 2 : i32
      %add3A_432 = arith.addi %mul3A_258, %add3A_431 : i32
      %dma_wait3A_433 = arith.constant 0 : i32
      %dma_wait3A_434 = arith.constant 0 : i32
      %dma_wait3A_435 = tpu.memref_slice %arg4[%dma_wait3A_433, %dma_wait3A_434] : memref<10000x16xf32, #tpu.memory_space<hbm>> -> memref<10000x16xf32, #tpu.memory_space<hbm>>
      tpu.wait_indirect_dma semaphore(%arg33 : memref<!tpu.dma_semaphore, #tpu.memory_space<semaphore_mem>>) src(%dma_wait3A_435 : memref<10000x16xf32, #tpu.memory_space<hbm>>) dst(%arg21 : memref<80x16xf32, #tpu.memory_space<vmem>>)
      %dma_wait3A_436 = arith.constant 0 : i32
      %dma_wait3A_437 = arith.constant 0 : i32
      %dma_wait3A_438 = tpu.memref_slice %arg5[%dma_wait3A_436, %dma_wait3A_437] : memref<10000x16xf32, #tpu.memory_space<hbm>> -> memref<10000x16xf32, #tpu.memory_space<hbm>>
      tpu.wait_indirect_dma semaphore(%arg33 : memref<!tpu.dma_semaphore, #tpu.memory_space<semaphore_mem>>) src(%dma_wait3A_438 : memref<10000x16xf32, #tpu.memory_space<hbm>>) dst(%arg24 : memref<80x16xf32, #tpu.memory_space<vmem>>)
      %dma_wait3A_439 = arith.constant 0 : i32
      %dma_wait3A_440 = arith.constant 0 : i32
      %dma_wait3A_441 = tpu.memref_slice %arg7[%dma_wait3A_439, %dma_wait3A_440] : memref<10000x128xf32, #tpu.memory_space<hbm>> -> memref<10000x128xf32, #tpu.memory_space<hbm>>
      tpu.wait_indirect_dma semaphore(%arg33 : memref<!tpu.dma_semaphore, #tpu.memory_space<semaphore_mem>>) src(%dma_wait3A_441 : memref<10000x128xf32, #tpu.memory_space<hbm>>) dst(%arg27 : memref<80x128xf32, #tpu.memory_space<vmem>>)
      %get3A_442 = arith.constant 0 : index
      %get3A_443 = tpu.vector_load %arg15[%get3A_442] {strides = array<i32>} : memref<80xi32, #tpu.memory_space<vmem>>, vector<16xi32>,
      %get3A_444 = vector.shape_cast %get3A_443 : vector<16xi32> to vector<16xi32>
      %swap3A_445 = arith.constant 0 : index
      %swap3A_446 = tpu.vector_load %arg18[%swap3A_445] {strides = array<i32>} : memref<80xi32, #tpu.memory_space<vmem>>, vector<16xi32>,
      %swap3A_447 = vector.shape_cast %swap3A_446 : vector<16xi32> to vector<16xi32>
      %swap3A_448 = vector.shape_cast %get3A_444 : vector<16xi32> to vector<16xi32>
      tpu.vector_store %arg18[%swap3A_445], %swap3A_448 {strides = array<i32>} : memref<80xi32, #tpu.memory_space<vmem>>, vector<16xi32>,
      %get3A_449 = arith.constant 16 : index
      %get3A_450 = tpu.vector_load %arg15[%get3A_449] {strides = array<i32>} : memref<80xi32, #tpu.memory_space<vmem>>, vector<16xi32>,
      %get3A_451 = vector.shape_cast %get3A_450 : vector<16xi32> to vector<16xi32>
      %swap3A_452 = arith.constant 16 : index
      %swap3A_453 = tpu.vector_load %arg18[%swap3A_452] {strides = array<i32>} : memref<80xi32, #tpu.memory_space<vmem>>, vector<16xi32>,
      %swap3A_454 = vector.shape_cast %swap3A_453 : vector<16xi32> to vector<16xi32>
      %swap3A_455 = vector.shape_cast %get3A_451 : vector<16xi32> to vector<16xi32>
      tpu.vector_store %arg18[%swap3A_452], %swap3A_455 {strides = array<i32>} : memref<80xi32, #tpu.memory_space<vmem>>, vector<16xi32>,
      %get3A_456 = arith.constant 32 : index
      %get3A_457 = tpu.vector_load %arg15[%get3A_456] {strides = array<i32>} : memref<80xi32, #tpu.memory_space<vmem>>, vector<16xi32>,
      %get3A_458 = vector.shape_cast %get3A_457 : vector<16xi32> to vector<16xi32>
      %swap3A_459 = arith.constant 32 : index
      %swap3A_460 = tpu.vector_load %arg18[%swap3A_459] {strides = array<i32>} : memref<80xi32, #tpu.memory_space<vmem>>, vector<16xi32>,
      %swap3A_461 = vector.shape_cast %swap3A_460 : vector<16xi32> to vector<16xi32>
      %swap3A_462 = vector.shape_cast %get3A_458 : vector<16xi32> to vector<16xi32>
      tpu.vector_store %arg18[%swap3A_459], %swap3A_462 {strides = array<i32>} : memref<80xi32, #tpu.memory_space<vmem>>, vector<16xi32>,
      %get3A_463 = arith.constant 48 : index
      %get3A_464 = tpu.vector_load %arg15[%get3A_463] {strides = array<i32>} : memref<80xi32, #tpu.memory_space<vmem>>, vector<16xi32>,
      %get3A_465 = vector.shape_cast %get3A_464 : vector<16xi32> to vector<16xi32>
      %swap3A_466 = arith.constant 48 : index
      %swap3A_467 = tpu.vector_load %arg18[%swap3A_466] {strides = array<i32>} : memref<80xi32, #tpu.memory_space<vmem>>, vector<16xi32>,
      %swap3A_468 = vector.shape_cast %swap3A_467 : vector<16xi32> to vector<16xi32>
      %swap3A_469 = vector.shape_cast %get3A_465 : vector<16xi32> to vector<16xi32>
      tpu.vector_store %arg18[%swap3A_466], %swap3A_469 {strides = array<i32>} : memref<80xi32, #tpu.memory_space<vmem>>, vector<16xi32>,
      %get3A_470 = arith.constant 64 : index
      %get3A_471 = tpu.vector_load %arg15[%get3A_470] {strides = array<i32>} : memref<80xi32, #tpu.memory_space<vmem>>, vector<16xi32>,
      %get3A_472 = vector.shape_cast %get3A_471 : vector<16xi32> to vector<16xi32>
      %swap3A_473 = arith.constant 64 : index
      %swap3A_474 = tpu.vector_load %arg18[%swap3A_473] {strides = array<i32>} : memref<80xi32, #tpu.memory_space<vmem>>, vector<16xi32>,
      %swap3A_475 = vector.shape_cast %swap3A_474 : vector<16xi32> to vector<16xi32>
      %swap3A_476 = vector.shape_cast %get3A_472 : vector<16xi32> to vector<16xi32>
      tpu.vector_store %arg18[%swap3A_473], %swap3A_476 {strides = array<i32>} : memref<80xi32, #tpu.memory_space<vmem>>, vector<16xi32>,
      %add3A_477 = arith.constant 3 : i32
      %add3A_478 = arith.addi %add3A_432, %add3A_477 : i32
      %lt3A_479 = arith.constant 125 : i32
      %lt3A_480 = arith.cmpi slt, %add3A_478, %lt3A_479 : i32
      %convert_element_type3A_481 = arith.extui %lt3A_480 : i1 to i32
      %cond3A_482 = arith.constant 0 : i32
      %cond3A_483 = arith.cmpi ne, %convert_element_type3A_481, %cond3A_482 : i32
      scf.if %cond3A_483 {
        %mul3A_517 = arith.constant 10000 : i32
        %mul3A_518 = arith.muli %add3A, %mul3A_517 : i32
        %mul3A_519 = arith.constant 80 : i32
        %mul3A_520 = arith.muli %add3A_478, %mul3A_519 : i32
        %add3A_521 = arith.addi %mul3A_518, %mul3A_520 : i32
        %dma_start3A_522 = tpu.memref_slice %arg2[%add3A_521] : memref<320000xi32, #tpu.memory_space<hbm>> -> memref<80xi32, #tpu.memory_space<hbm>>
        %dma_start3A_523 = tpu.memref_slice %arg2[%add3A_521] : memref<320000xi32, #tpu.memory_space<hbm>> -> memref<80xi32, #tpu.memory_space<hbm>>
        tpu.enqueue_dma source(%dma_start3A_523 : memref<80xi32, #tpu.memory_space<hbm>>) target(%arg12 : memref<80xi32, #tpu.memory_space<vmem>>) target_semaphore(%arg30 : memref<!tpu.dma_semaphore, #tpu.memory_space<semaphore_mem>>)
        %dma_start3A_524 = tpu.memref_slice %arg3[%add3A_521] : memref<320000xi32, #tpu.memory_space<hbm>> -> memref<80xi32, #tpu.memory_space<hbm>>
        %dma_start3A_525 = tpu.memref_slice %arg3[%add3A_521] : memref<320000xi32, #tpu.memory_space<hbm>> -> memref<80xi32, #tpu.memory_space<hbm>>
        tpu.enqueue_dma source(%dma_start3A_525 : memref<80xi32, #tpu.memory_space<hbm>>) target(%arg15 : memref<80xi32, #tpu.memory_space<vmem>>) target_semaphore(%arg30 : memref<!tpu.dma_semaphore, #tpu.memory_space<semaphore_mem>>)
      } else {
      }
      %parallel_loop3A_484 = arith.constant 0 : i32
      %parallel_loop3A_485 = arith.constant 80 : i32
      %parallel_loop3A_486 = arith.constant 1 : i32
      scf.for %parallel_loop3A_517 = %parallel_loop3A_484 to %parallel_loop3A_485 step %parallel_loop3A_486  : i32 {
        %parallel_loop3A_518 = arith.index_cast %parallel_loop3A_517 : i32 to index
        %parallel_loop3A_519 = arith.constant 0 : index
        %parallel_loop3A_520 = tpu.vector_load %arg21[%parallel_loop3A_518, %parallel_loop3A_519] {strides = array<i32>} : memref<80x16xf32, #tpu.memory_space<vmem>>, vector<1x16xf32>,
        %parallel_loop3A_521 = vector.shape_cast %parallel_loop3A_520 : vector<1x16xf32> to vector<16xf32>
        %parallel_loop3A_522 = arith.index_cast %parallel_loop3A_517 : i32 to index
        %parallel_loop3A_523 = arith.constant 0 : index
        %parallel_loop3A_524 = tpu.vector_load %arg24[%parallel_loop3A_522, %parallel_loop3A_523] {strides = array<i32>} : memref<80x16xf32, #tpu.memory_space<vmem>>, vector<1x16xf32>,
        %parallel_loop3A_525 = vector.shape_cast %parallel_loop3A_524 : vector<1x16xf32> to vector<16xf32>
        %parallel_loop3A_526 = arith.addf %parallel_loop3A_521, %parallel_loop3A_525 : vector<16xf32>
        %parallel_loop3A_527 = arith.constant 0.000000e+00 : f32
        %parallel_loop3A_528 = vector.broadcast %parallel_loop3A_527 : f32 to vector<16xf32>
        %parallel_loop3A_529 = arith.cmpf oge, %parallel_loop3A_526, %parallel_loop3A_528 : vector<16xf32>
        %parallel_loop3A_530 = arith.constant 2.000000e-01 : f32
        %parallel_loop3A_531 = vector.broadcast %parallel_loop3A_530 : f32 to vector<16xf32>
        %parallel_loop3A_532 = arith.mulf %parallel_loop3A_531, %parallel_loop3A_526 : vector<16xf32>
        %parallel_loop3A_533 = arith.select %parallel_loop3A_529, %parallel_loop3A_526, %parallel_loop3A_532 : vector<16xi1>, vector<16xf32>
        %parallel_loop3A_534 = arith.subf %parallel_loop3A_533, %select_n3A : vector<16xf32>
        %parallel_loop3A_535 = math.exp %parallel_loop3A_534 : vector<16xf32>
        %parallel_loop3A_536 = arith.index_cast %parallel_loop3A_517 : i32 to index
        %parallel_loop3A_537 = arith.constant 0 : index
        %parallel_loop3A_538 = tpu.vector_load %arg21[%parallel_loop3A_536, %parallel_loop3A_537] {strides = array<i32>} : memref<80x16xf32, #tpu.memory_space<vmem>>, vector<1x16xf32>,
        %parallel_loop3A_539 = vector.shape_cast %parallel_loop3A_538 : vector<1x16xf32> to vector<16xf32>
        %parallel_loop3A_540 = vector.shape_cast %parallel_loop3A_535 : vector<16xf32> to vector<1x16xf32>
        tpu.vector_store %arg21[%parallel_loop3A_536, %parallel_loop3A_537], %parallel_loop3A_540 {strides = array<i32>} : memref<80x16xf32, #tpu.memory_space<vmem>>, vector<1x16xf32>,
        %parallel_loop3A_541 = arith.constant 0 : i32
        %parallel_loop3A_542 = vector.broadcast %parallel_loop3A_541 : i32 to vector<16xi32>
        %parallel_loop3A_543 = arith.constant 0 : i32
        %parallel_loop3A_544 = vector.broadcast %parallel_loop3A_543 : i32 to vector<16xi32>
        %parallel_loop3A_545 = arith.cmpi slt, %parallel_loop3A_542, %parallel_loop3A_544 : vector<16xi32>
        %parallel_loop3A_546 = arith.constant 16 : i32
        %parallel_loop3A_547 = vector.broadcast %parallel_loop3A_546 : i32 to vector<16xi32>
        %parallel_loop3A_548 = arith.addi %parallel_loop3A_542, %parallel_loop3A_547 : vector<16xi32>
        %parallel_loop3A_549 = arith.select %parallel_loop3A_545, %parallel_loop3A_548, %parallel_loop3A_542 : vector<16xi1>, vector<16xi32>
        %parallel_loop3A_550 = vector.shape_cast %parallel_loop3A_549 : vector<16xi32> to vector<16x1xi32>
        %parallel_loop3A_551 = vector.shape_cast %parallel_loop3A_550 : vector<16x1xi32> to vector<16xi32>
        %parallel_loop3A_552 = tpu.dynamic_gather %parallel_loop3A_535[%parallel_loop3A_551] in [0] : vector<16xf32>, vector<16xi32> -> vector<16xf32>
        %parallel_loop3A_553 = arith.index_cast %parallel_loop3A_517 : i32 to index
        %parallel_loop3A_554 = arith.constant 0 : index
        %parallel_loop3A_555 = tpu.vector_load %arg27[%parallel_loop3A_553, %parallel_loop3A_554] {strides = array<i32>} : memref<80x128xf32, #tpu.memory_space<vmem>>, vector<1x16xf32>,
        %parallel_loop3A_556 = vector.shape_cast %parallel_loop3A_555 : vector<1x16xf32> to vector<16xf32>
        %parallel_loop3A_557 = arith.mulf %parallel_loop3A_556, %parallel_loop3A_552 : vector<16xf32>
        %parallel_loop3A_558 = arith.index_cast %parallel_loop3A_517 : i32 to index
        %parallel_loop3A_559 = arith.constant 0 : index
        %parallel_loop3A_560 = tpu.vector_load %arg27[%parallel_loop3A_558, %parallel_loop3A_559] {strides = array<i32>} : memref<80x128xf32, #tpu.memory_space<vmem>>, vector<1x16xf32>,
        %parallel_loop3A_561 = vector.shape_cast %parallel_loop3A_560 : vector<1x16xf32> to vector<16xf32>
        %parallel_loop3A_562 = vector.shape_cast %parallel_loop3A_557 : vector<16xf32> to vector<1x16xf32>
        tpu.vector_store %arg27[%parallel_loop3A_558, %parallel_loop3A_559], %parallel_loop3A_562 {strides = array<i32>} : memref<80x128xf32, #tpu.memory_space<vmem>>, vector<1x16xf32>,
        %parallel_loop3A_563 = arith.constant 1 : i32
        %parallel_loop3A_564 = vector.broadcast %parallel_loop3A_563 : i32 to vector<16xi32>
        %parallel_loop3A_565 = arith.constant 0 : i32
        %parallel_loop3A_566 = vector.broadcast %parallel_loop3A_565 : i32 to vector<16xi32>
        %parallel_loop3A_567 = arith.cmpi slt, %parallel_loop3A_564, %parallel_loop3A_566 : vector<16xi32>
        %parallel_loop3A_568 = arith.constant 16 : i32
        %parallel_loop3A_569 = vector.broadcast %parallel_loop3A_568 : i32 to vector<16xi32>
        %parallel_loop3A_570 = arith.addi %parallel_loop3A_564, %parallel_loop3A_569 : vector<16xi32>
        %parallel_loop3A_571 = arith.select %parallel_loop3A_567, %parallel_loop3A_570, %parallel_loop3A_564 : vector<16xi1>, vector<16xi32>
        %parallel_loop3A_572 = vector.shape_cast %parallel_loop3A_571 : vector<16xi32> to vector<16x1xi32>
        %parallel_loop3A_573 = vector.shape_cast %parallel_loop3A_572 : vector<16x1xi32> to vector<16xi32>
        %parallel_loop3A_574 = tpu.dynamic_gather %parallel_loop3A_535[%parallel_loop3A_573] in [0] : vector<16xf32>, vector<16xi32> -> vector<16xf32>
        %parallel_loop3A_575 = arith.index_cast %parallel_loop3A_517 : i32 to index
        %parallel_loop3A_576 = arith.constant 16 : index
        %parallel_loop3A_577 = tpu.vector_load %arg27[%parallel_loop3A_575, %parallel_loop3A_576] {strides = array<i32>} : memref<80x128xf32, #tpu.memory_space<vmem>>, vector<1x16xf32>,
        %parallel_loop3A_578 = vector.shape_cast %parallel_loop3A_577 : vector<1x16xf32> to vector<16xf32>
        %parallel_loop3A_579 = arith.mulf %parallel_loop3A_578, %parallel_loop3A_574 : vector<16xf32>
        %parallel_loop3A_580 = arith.index_cast %parallel_loop3A_517 : i32 to index
        %parallel_loop3A_581 = arith.constant 16 : index
        %parallel_loop3A_582 = tpu.vector_load %arg27[%parallel_loop3A_580, %parallel_loop3A_581] {strides = array<i32>} : memref<80x128xf32, #tpu.memory_space<vmem>>, vector<1x16xf32>,
        %parallel_loop3A_583 = vector.shape_cast %parallel_loop3A_582 : vector<1x16xf32> to vector<16xf32>
        %parallel_loop3A_584 = vector.shape_cast %parallel_loop3A_579 : vector<16xf32> to vector<1x16xf32>
        tpu.vector_store %arg27[%parallel_loop3A_580, %parallel_loop3A_581], %parallel_loop3A_584 {strides = array<i32>} : memref<80x128xf32, #tpu.memory_space<vmem>>, vector<1x16xf32>,
        %parallel_loop3A_585 = arith.constant 2 : i32
        %parallel_loop3A_586 = vector.broadcast %parallel_loop3A_585 : i32 to vector<16xi32>
        %parallel_loop3A_587 = arith.constant 0 : i32
        %parallel_loop3A_588 = vector.broadcast %parallel_loop3A_587 : i32 to vector<16xi32>
        %parallel_loop3A_589 = arith.cmpi slt, %parallel_loop3A_586, %parallel_loop3A_588 : vector<16xi32>
        %parallel_loop3A_590 = arith.constant 16 : i32
        %parallel_loop3A_591 = vector.broadcast %parallel_loop3A_590 : i32 to vector<16xi32>
        %parallel_loop3A_592 = arith.addi %parallel_loop3A_586, %parallel_loop3A_591 : vector<16xi32>
        %parallel_loop3A_593 = arith.select %parallel_loop3A_589, %parallel_loop3A_592, %parallel_loop3A_586 : vector<16xi1>, vector<16xi32>
        %parallel_loop3A_594 = vector.shape_cast %parallel_loop3A_593 : vector<16xi32> to vector<16x1xi32>
        %parallel_loop3A_595 = vector.shape_cast %parallel_loop3A_594 : vector<16x1xi32> to vector<16xi32>
        %parallel_loop3A_596 = tpu.dynamic_gather %parallel_loop3A_535[%parallel_loop3A_595] in [0] : vector<16xf32>, vector<16xi32> -> vector<16xf32>
        %parallel_loop3A_597 = arith.index_cast %parallel_loop3A_517 : i32 to index
        %parallel_loop3A_598 = arith.constant 32 : index
        %parallel_loop3A_599 = tpu.vector_load %arg27[%parallel_loop3A_597, %parallel_loop3A_598] {strides = array<i32>} : memref<80x128xf32, #tpu.memory_space<vmem>>, vector<1x16xf32>,
        %parallel_loop3A_600 = vector.shape_cast %parallel_loop3A_599 : vector<1x16xf32> to vector<16xf32>
        %parallel_loop3A_601 = arith.mulf %parallel_loop3A_600, %parallel_loop3A_596 : vector<16xf32>
        %parallel_loop3A_602 = arith.index_cast %parallel_loop3A_517 : i32 to index
        %parallel_loop3A_603 = arith.constant 32 : index
        %parallel_loop3A_604 = tpu.vector_load %arg27[%parallel_loop3A_602, %parallel_loop3A_603] {strides = array<i32>} : memref<80x128xf32, #tpu.memory_space<vmem>>, vector<1x16xf32>,
        %parallel_loop3A_605 = vector.shape_cast %parallel_loop3A_604 : vector<1x16xf32> to vector<16xf32>
        %parallel_loop3A_606 = vector.shape_cast %parallel_loop3A_601 : vector<16xf32> to vector<1x16xf32>
        tpu.vector_store %arg27[%parallel_loop3A_602, %parallel_loop3A_603], %parallel_loop3A_606 {strides = array<i32>} : memref<80x128xf32, #tpu.memory_space<vmem>>, vector<1x16xf32>,
        %parallel_loop3A_607 = arith.constant 3 : i32
        %parallel_loop3A_608 = vector.broadcast %parallel_loop3A_607 : i32 to vector<16xi32>
        %parallel_loop3A_609 = arith.constant 0 : i32
        %parallel_loop3A_610 = vector.broadcast %parallel_loop3A_609 : i32 to vector<16xi32>
        %parallel_loop3A_611 = arith.cmpi slt, %parallel_loop3A_608, %parallel_loop3A_610 : vector<16xi32>
        %parallel_loop3A_612 = arith.constant 16 : i32
        %parallel_loop3A_613 = vector.broadcast %parallel_loop3A_612 : i32 to vector<16xi32>
        %parallel_loop3A_614 = arith.addi %parallel_loop3A_608, %parallel_loop3A_613 : vector<16xi32>
        %parallel_loop3A_615 = arith.select %parallel_loop3A_611, %parallel_loop3A_614, %parallel_loop3A_608 : vector<16xi1>, vector<16xi32>
        %parallel_loop3A_616 = vector.shape_cast %parallel_loop3A_615 : vector<16xi32> to vector<16x1xi32>
        %parallel_loop3A_617 = vector.shape_cast %parallel_loop3A_616 : vector<16x1xi32> to vector<16xi32>
        %parallel_loop3A_618 = tpu.dynamic_gather %parallel_loop3A_535[%parallel_loop3A_617] in [0] : vector<16xf32>, vector<16xi32> -> vector<16xf32>
        %parallel_loop3A_619 = arith.index_cast %parallel_loop3A_517 : i32 to index
        %parallel_loop3A_620 = arith.constant 48 : index
        %parallel_loop3A_621 = tpu.vector_load %arg27[%parallel_loop3A_619, %parallel_loop3A_620] {strides = array<i32>} : memref<80x128xf32, #tpu.memory_space<vmem>>, vector<1x16xf32>,
        %parallel_loop3A_622 = vector.shape_cast %parallel_loop3A_621 : vector<1x16xf32> to vector<16xf32>
        %parallel_loop3A_623 = arith.mulf %parallel_loop3A_622, %parallel_loop3A_618 : vector<16xf32>
        %parallel_loop3A_624 = arith.index_cast %parallel_loop3A_517 : i32 to index
        %parallel_loop3A_625 = arith.constant 48 : index
        %parallel_loop3A_626 = tpu.vector_load %arg27[%parallel_loop3A_624, %parallel_loop3A_625] {strides = array<i32>} : memref<80x128xf32, #tpu.memory_space<vmem>>, vector<1x16xf32>,
        %parallel_loop3A_627 = vector.shape_cast %parallel_loop3A_626 : vector<1x16xf32> to vector<16xf32>
        %parallel_loop3A_628 = vector.shape_cast %parallel_loop3A_623 : vector<16xf32> to vector<1x16xf32>
        tpu.vector_store %arg27[%parallel_loop3A_624, %parallel_loop3A_625], %parallel_loop3A_628 {strides = array<i32>} : memref<80x128xf32, #tpu.memory_space<vmem>>, vector<1x16xf32>,
        %parallel_loop3A_629 = arith.constant 4 : i32
        %parallel_loop3A_630 = vector.broadcast %parallel_loop3A_629 : i32 to vector<16xi32>
        %parallel_loop3A_631 = arith.constant 0 : i32
        %parallel_loop3A_632 = vector.broadcast %parallel_loop3A_631 : i32 to vector<16xi32>
        %parallel_loop3A_633 = arith.cmpi slt, %parallel_loop3A_630, %parallel_loop3A_632 : vector<16xi32>
        %parallel_loop3A_634 = arith.constant 16 : i32
        %parallel_loop3A_635 = vector.broadcast %parallel_loop3A_634 : i32 to vector<16xi32>
        %parallel_loop3A_636 = arith.addi %parallel_loop3A_630, %parallel_loop3A_635 : vector<16xi32>
        %parallel_loop3A_637 = arith.select %parallel_loop3A_633, %parallel_loop3A_636, %parallel_loop3A_630 : vector<16xi1>, vector<16xi32>
        %parallel_loop3A_638 = vector.shape_cast %parallel_loop3A_637 : vector<16xi32> to vector<16x1xi32>
        %parallel_loop3A_639 = vector.shape_cast %parallel_loop3A_638 : vector<16x1xi32> to vector<16xi32>
        %parallel_loop3A_640 = tpu.dynamic_gather %parallel_loop3A_535[%parallel_loop3A_639] in [0] : vector<16xf32>, vector<16xi32> -> vector<16xf32>
        %parallel_loop3A_641 = arith.index_cast %parallel_loop3A_517 : i32 to index
        %parallel_loop3A_642 = arith.constant 64 : index
        %parallel_loop3A_643 = tpu.vector_load %arg27[%parallel_loop3A_641, %parallel_loop3A_642] {strides = array<i32>} : memref<80x128xf32, #tpu.memory_space<vmem>>, vector<1x16xf32>,
        %parallel_loop3A_644 = vector.shape_cast %parallel_loop3A_643 : vector<1x16xf32> to vector<16xf32>
        %parallel_loop3A_645 = arith.mulf %parallel_loop3A_644, %parallel_loop3A_640 : vector<16xf32>
        %parallel_loop3A_646 = arith.index_cast %parallel_loop3A_517 : i32 to index
        %parallel_loop3A_647 = arith.constant 64 : index
        %parallel_loop3A_648 = tpu.vector_load %arg27[%parallel_loop3A_646, %parallel_loop3A_647] {strides = array<i32>} : memref<80x128xf32, #tpu.memory_space<vmem>>, vector<1x16xf32>,
        %parallel_loop3A_649 = vector.shape_cast %parallel_loop3A_648 : vector<1x16xf32> to vector<16xf32>
        %parallel_loop3A_650 = vector.shape_cast %parallel_loop3A_645 : vector<16xf32> to vector<1x16xf32>
        tpu.vector_store %arg27[%parallel_loop3A_646, %parallel_loop3A_647], %parallel_loop3A_650 {strides = array<i32>} : memref<80x128xf32, #tpu.memory_space<vmem>>, vector<1x16xf32>,
        %parallel_loop3A_651 = arith.constant 5 : i32
        %parallel_loop3A_652 = vector.broadcast %parallel_loop3A_651 : i32 to vector<16xi32>
        %parallel_loop3A_653 = arith.constant 0 : i32
        %parallel_loop3A_654 = vector.broadcast %parallel_loop3A_653 : i32 to vector<16xi32>
        %parallel_loop3A_655 = arith.cmpi slt, %parallel_loop3A_652, %parallel_loop3A_654 : vector<16xi32>
        %parallel_loop3A_656 = arith.constant 16 : i32
        %parallel_loop3A_657 = vector.broadcast %parallel_loop3A_656 : i32 to vector<16xi32>
        %parallel_loop3A_658 = arith.addi %parallel_loop3A_652, %parallel_loop3A_657 : vector<16xi32>
        %parallel_loop3A_659 = arith.select %parallel_loop3A_655, %parallel_loop3A_658, %parallel_loop3A_652 : vector<16xi1>, vector<16xi32>
        %parallel_loop3A_660 = vector.shape_cast %parallel_loop3A_659 : vector<16xi32> to vector<16x1xi32>
        %parallel_loop3A_661 = vector.shape_cast %parallel_loop3A_660 : vector<16x1xi32> to vector<16xi32>
        %parallel_loop3A_662 = tpu.dynamic_gather %parallel_loop3A_535[%parallel_loop3A_661] in [0] : vector<16xf32>, vector<16xi32> -> vector<16xf32>
        %parallel_loop3A_663 = arith.index_cast %parallel_loop3A_517 : i32 to index
        %parallel_loop3A_664 = arith.constant 80 : index
        %parallel_loop3A_665 = tpu.vector_load %arg27[%parallel_loop3A_663, %parallel_loop3A_664] {strides = array<i32>} : memref<80x128xf32, #tpu.memory_space<vmem>>, vector<1x16xf32>,
        %parallel_loop3A_666 = vector.shape_cast %parallel_loop3A_665 : vector<1x16xf32> to vector<16xf32>
        %parallel_loop3A_667 = arith.mulf %parallel_loop3A_666, %parallel_loop3A_662 : vector<16xf32>
        %parallel_loop3A_668 = arith.index_cast %parallel_loop3A_517 : i32 to index
        %parallel_loop3A_669 = arith.constant 80 : index
        %parallel_loop3A_670 = tpu.vector_load %arg27[%parallel_loop3A_668, %parallel_loop3A_669] {strides = array<i32>} : memref<80x128xf32, #tpu.memory_space<vmem>>, vector<1x16xf32>,
        %parallel_loop3A_671 = vector.shape_cast %parallel_loop3A_670 : vector<1x16xf32> to vector<16xf32>
        %parallel_loop3A_672 = vector.shape_cast %parallel_loop3A_667 : vector<16xf32> to vector<1x16xf32>
        tpu.vector_store %arg27[%parallel_loop3A_668, %parallel_loop3A_669], %parallel_loop3A_672 {strides = array<i32>} : memref<80x128xf32, #tpu.memory_space<vmem>>, vector<1x16xf32>,
        %parallel_loop3A_673 = arith.constant 6 : i32
        %parallel_loop3A_674 = vector.broadcast %parallel_loop3A_673 : i32 to vector<16xi32>
        %parallel_loop3A_675 = arith.constant 0 : i32
        %parallel_loop3A_676 = vector.broadcast %parallel_loop3A_675 : i32 to vector<16xi32>
        %parallel_loop3A_677 = arith.cmpi slt, %parallel_loop3A_674, %parallel_loop3A_676 : vector<16xi32>
        %parallel_loop3A_678 = arith.constant 16 : i32
        %parallel_loop3A_679 = vector.broadcast %parallel_loop3A_678 : i32 to vector<16xi32>
        %parallel_loop3A_680 = arith.addi %parallel_loop3A_674, %parallel_loop3A_679 : vector<16xi32>
        %parallel_loop3A_681 = arith.select %parallel_loop3A_677, %parallel_loop3A_680, %parallel_loop3A_674 : vector<16xi1>, vector<16xi32>
        %parallel_loop3A_682 = vector.shape_cast %parallel_loop3A_681 : vector<16xi32> to vector<16x1xi32>
        %parallel_loop3A_683 = vector.shape_cast %parallel_loop3A_682 : vector<16x1xi32> to vector<16xi32>
        %parallel_loop3A_684 = tpu.dynamic_gather %parallel_loop3A_535[%parallel_loop3A_683] in [0] : vector<16xf32>, vector<16xi32> -> vector<16xf32>
        %parallel_loop3A_685 = arith.index_cast %parallel_loop3A_517 : i32 to index
        %parallel_loop3A_686 = arith.constant 96 : index
        %parallel_loop3A_687 = tpu.vector_load %arg27[%parallel_loop3A_685, %parallel_loop3A_686] {strides = array<i32>} : memref<80x128xf32, #tpu.memory_space<vmem>>, vector<1x16xf32>,
        %parallel_loop3A_688 = vector.shape_cast %parallel_loop3A_687 : vector<1x16xf32> to vector<16xf32>
        %parallel_loop3A_689 = arith.mulf %parallel_loop3A_688, %parallel_loop3A_684 : vector<16xf32>
        %parallel_loop3A_690 = arith.index_cast %parallel_loop3A_517 : i32 to index
        %parallel_loop3A_691 = arith.constant 96 : index
        %parallel_loop3A_692 = tpu.vector_load %arg27[%parallel_loop3A_690, %parallel_loop3A_691] {strides = array<i32>} : memref<80x128xf32, #tpu.memory_space<vmem>>, vector<1x16xf32>,
        %parallel_loop3A_693 = vector.shape_cast %parallel_loop3A_692 : vector<1x16xf32> to vector<16xf32>
        %parallel_loop3A_694 = vector.shape_cast %parallel_loop3A_689 : vector<16xf32> to vector<1x16xf32>
        tpu.vector_store %arg27[%parallel_loop3A_690, %parallel_loop3A_691], %parallel_loop3A_694 {strides = array<i32>} : memref<80x128xf32, #tpu.memory_space<vmem>>, vector<1x16xf32>,
        %parallel_loop3A_695 = arith.constant 7 : i32
        %parallel_loop3A_696 = vector.broadcast %parallel_loop3A_695 : i32 to vector<16xi32>
        %parallel_loop3A_697 = arith.constant 0 : i32
        %parallel_loop3A_698 = vector.broadcast %parallel_loop3A_697 : i32 to vector<16xi32>
        %parallel_loop3A_699 = arith.cmpi slt, %parallel_loop3A_696, %parallel_loop3A_698 : vector<16xi32>
        %parallel_loop3A_700 = arith.constant 16 : i32
        %parallel_loop3A_701 = vector.broadcast %parallel_loop3A_700 : i32 to vector<16xi32>
        %parallel_loop3A_702 = arith.addi %parallel_loop3A_696, %parallel_loop3A_701 : vector<16xi32>
        %parallel_loop3A_703 = arith.select %parallel_loop3A_699, %parallel_loop3A_702, %parallel_loop3A_696 : vector<16xi1>, vector<16xi32>
        %parallel_loop3A_704 = vector.shape_cast %parallel_loop3A_703 : vector<16xi32> to vector<16x1xi32>
        %parallel_loop3A_705 = vector.shape_cast %parallel_loop3A_704 : vector<16x1xi32> to vector<16xi32>
        %parallel_loop3A_706 = tpu.dynamic_gather %parallel_loop3A_535[%parallel_loop3A_705] in [0] : vector<16xf32>, vector<16xi32> -> vector<16xf32>
        %parallel_loop3A_707 = arith.index_cast %parallel_loop3A_517 : i32 to index
        %parallel_loop3A_708 = arith.constant 112 : index
        %parallel_loop3A_709 = tpu.vector_load %arg27[%parallel_loop3A_707, %parallel_loop3A_708] {strides = array<i32>} : memref<80x128xf32, #tpu.memory_space<vmem>>, vector<1x16xf32>,
        %parallel_loop3A_710 = vector.shape_cast %parallel_loop3A_709 : vector<1x16xf32> to vector<16xf32>
        %parallel_loop3A_711 = arith.mulf %parallel_loop3A_710, %parallel_loop3A_706 : vector<16xf32>
        %parallel_loop3A_712 = arith.index_cast %parallel_loop3A_517 : i32 to index
        %parallel_loop3A_713 = arith.constant 112 : index
        %parallel_loop3A_714 = tpu.vector_load %arg27[%parallel_loop3A_712, %parallel_loop3A_713] {strides = array<i32>} : memref<80x128xf32, #tpu.memory_space<vmem>>, vector<1x16xf32>,
        %parallel_loop3A_715 = vector.shape_cast %parallel_loop3A_714 : vector<1x16xf32> to vector<16xf32>
        %parallel_loop3A_716 = vector.shape_cast %parallel_loop3A_711 : vector<16xf32> to vector<1x16xf32>
        tpu.vector_store %arg27[%parallel_loop3A_712, %parallel_loop3A_713], %parallel_loop3A_716 {strides = array<i32>} : memref<80x128xf32, #tpu.memory_space<vmem>>, vector<1x16xf32>,
      } {sc.loop_unroll_factor = 4 : i64, sc.parallel_access}
      %dma_start3A_487 = arith.constant 0 : i32
      %dma_start3A_488 = arith.constant 0 : i32
      %dma_start3A_489 = tpu.memref_slice %arg39[%dma_start3A_487, %dma_start3A_488] : memref<10000x16xf32, #tpu.memory_space<vmem_shared>> -> memref<10000x16xf32, #tpu.memory_space<vmem_shared>>
      tpu.enqueue_indirect_dma source(%arg21 : memref<80x16xf32, #tpu.memory_space<vmem>>) target(%dma_start3A_489 : memref<10000x16xf32, #tpu.memory_space<vmem_shared>>) offsets(%arg18 : memref<80xi32, #tpu.memory_space<vmem>>) semaphore(%arg36 : memref<!tpu.dma_semaphore, #tpu.memory_space<semaphore_mem>>) {add = true}
      %dma_start3A_490 = arith.constant 0 : i32
      %dma_start3A_491 = arith.constant 0 : i32
      %dma_start3A_492 = tpu.memref_slice %arg38[%dma_start3A_490, %dma_start3A_491] : memref<10000x128xf32, #tpu.memory_space<vmem_shared>> -> memref<10000x128xf32, #tpu.memory_space<vmem_shared>>
      tpu.enqueue_indirect_dma source(%arg27 : memref<80x128xf32, #tpu.memory_space<vmem>>) target(%dma_start3A_492 : memref<10000x128xf32, #tpu.memory_space<vmem_shared>>) offsets(%arg18 : memref<80xi32, #tpu.memory_space<vmem>>) semaphore(%arg36 : memref<!tpu.dma_semaphore, #tpu.memory_space<semaphore_mem>>) {add = true}
      %add3A_493 = arith.constant 1 : i32
      %add3A_494 = arith.addi %add3A_432, %add3A_493 : i32
      %ge3A_495 = arith.constant 3 : i32
      %ge3A_496 = arith.cmpi sge, %add3A_494, %ge3A_495 : i32
      %convert_element_type3A_497 = arith.extui %ge3A_496 : i1 to i32
      %cond3A_498 = arith.constant 0 : i32
      %cond3A_499 = arith.cmpi ne, %convert_element_type3A_497, %cond3A_498 : i32
      scf.if %cond3A_499 {
        %dma_wait3A_517 = arith.constant 0 : i32
        %dma_wait3A_518 = arith.constant 0 : i32
        %dma_wait3A_519 = tpu.memref_slice %arg39[%dma_wait3A_517, %dma_wait3A_518] : memref<10000x16xf32, #tpu.memory_space<vmem_shared>> -> memref<10000x16xf32, #tpu.memory_space<vmem_shared>>
        tpu.wait_indirect_dma semaphore(%arg34 : memref<!tpu.dma_semaphore, #tpu.memory_space<semaphore_mem>>) src(%arg19 : memref<80x16xf32, #tpu.memory_space<vmem>>) dst(%dma_wait3A_519 : memref<10000x16xf32, #tpu.memory_space<vmem_shared>>)
        %dma_wait3A_520 = arith.constant 0 : i32
        %dma_wait3A_521 = arith.constant 0 : i32
        %dma_wait3A_522 = tpu.memref_slice %arg38[%dma_wait3A_520, %dma_wait3A_521] : memref<10000x128xf32, #tpu.memory_space<vmem_shared>> -> memref<10000x128xf32, #tpu.memory_space<vmem_shared>>
        tpu.wait_indirect_dma semaphore(%arg34 : memref<!tpu.dma_semaphore, #tpu.memory_space<semaphore_mem>>) src(%arg25 : memref<80x128xf32, #tpu.memory_space<vmem>>) dst(%dma_wait3A_522 : memref<10000x128xf32, #tpu.memory_space<vmem_shared>>)
      } else {
      }
      %dma_wait3A_500 = arith.constant 0 : i32
      %dma_wait3A_501 = tpu.memref_slice %arg2[%dma_wait3A_500] : memref<320000xi32, #tpu.memory_space<hbm>> -> memref<80xi32, #tpu.memory_space<hbm>>
      %dma_wait3A_502 = arith.constant 0 : i32
      %dma_wait3A_503 = tpu.memref_slice %arg2[%dma_wait3A_502] : memref<320000xi32, #tpu.memory_space<hbm>> -> memref<80xi32, #tpu.memory_space<hbm>>
      tpu.wait_dma2 semaphore(%arg28 : memref<!tpu.dma_semaphore, #tpu.memory_space<semaphore_mem>>) src(%dma_wait3A_503 : memref<80xi32, #tpu.memory_space<hbm>>) dst(%arg10 : memref<80xi32, #tpu.memory_space<vmem>>)
      %dma_wait3A_504 = arith.constant 0 : i32
      %dma_wait3A_505 = tpu.memref_slice %arg3[%dma_wait3A_504] : memref<320000xi32, #tpu.memory_space<hbm>> -> memref<80xi32, #tpu.memory_space<hbm>>
      %dma_wait3A_506 = arith.constant 0 : i32
      %dma_wait3A_507 = tpu.memref_slice %arg3[%dma_wait3A_506] : memref<320000xi32, #tpu.memory_space<hbm>> -> memref<80xi32, #tpu.memory_space<hbm>>
      tpu.wait_dma2 semaphore(%arg28 : memref<!tpu.dma_semaphore, #tpu.memory_space<semaphore_mem>>) src(%dma_wait3A_507 : memref<80xi32, #tpu.memory_space<hbm>>) dst(%arg13 : memref<80xi32, #tpu.memory_space<vmem>>)
      %dma_start3A_508 = arith.constant 0 : i32
      %dma_start3A_509 = arith.constant 0 : i32
      %dma_start3A_510 = tpu.memref_slice %arg4[%dma_start3A_508, %dma_start3A_509] : memref<10000x16xf32, #tpu.memory_space<hbm>> -> memref<10000x16xf32, #tpu.memory_space<hbm>>
      tpu.enqueue_indirect_dma source(%dma_start3A_510 : memref<10000x16xf32, #tpu.memory_space<hbm>>) target(%arg19 : memref<80x16xf32, #tpu.memory_space<vmem>>) offsets(%arg10 : memref<80xi32, #tpu.memory_space<vmem>>) semaphore(%arg31 : memref<!tpu.dma_semaphore, #tpu.memory_space<semaphore_mem>>)
      %dma_start3A_511 = arith.constant 0 : i32
      %dma_start3A_512 = arith.constant 0 : i32
      %dma_start3A_513 = tpu.memref_slice %arg5[%dma_start3A_511, %dma_start3A_512] : memref<10000x16xf32, #tpu.memory_space<hbm>> -> memref<10000x16xf32, #tpu.memory_space<hbm>>
      tpu.enqueue_indirect_dma source(%dma_start3A_513 : memref<10000x16xf32, #tpu.memory_space<hbm>>) target(%arg22 : memref<80x16xf32, #tpu.memory_space<vmem>>) offsets(%arg13 : memref<80xi32, #tpu.memory_space<vmem>>) semaphore(%arg31 : memref<!tpu.dma_semaphore, #tpu.memory_space<semaphore_mem>>)
      %dma_start3A_514 = arith.constant 0 : i32
      %dma_start3A_515 = arith.constant 0 : i32
      %dma_start3A_516 = tpu.memref_slice %arg7[%dma_start3A_514, %dma_start3A_515] : memref<10000x128xf32, #tpu.memory_space<hbm>> -> memref<10000x128xf32, #tpu.memory_space<hbm>>
      tpu.enqueue_indirect_dma source(%dma_start3A_516 : memref<10000x128xf32, #tpu.memory_space<hbm>>) target(%arg25 : memref<80x128xf32, #tpu.memory_space<vmem>>) offsets(%arg10 : memref<80xi32, #tpu.memory_space<vmem>>) semaphore(%arg31 : memref<!tpu.dma_semaphore, #tpu.memory_space<semaphore_mem>>)
    }
    %scan3A_97 = arith.constant 41 : i32
    %dma_wait3A_98 = arith.constant 0 : i32
    %dma_wait3A_99 = arith.constant 0 : i32
    %dma_wait3A_100 = tpu.memref_slice %arg4[%dma_wait3A_98, %dma_wait3A_99] : memref<10000x16xf32, #tpu.memory_space<hbm>> -> memref<10000x16xf32, #tpu.memory_space<hbm>>
    tpu.wait_indirect_dma semaphore(%arg31 : memref<!tpu.dma_semaphore, #tpu.memory_space<semaphore_mem>>) src(%dma_wait3A_100 : memref<10000x16xf32, #tpu.memory_space<hbm>>) dst(%arg19 : memref<80x16xf32, #tpu.memory_space<vmem>>)
    %dma_wait3A_101 = arith.constant 0 : i32
    %dma_wait3A_102 = arith.constant 0 : i32
    %dma_wait3A_103 = tpu.memref_slice %arg5[%dma_wait3A_101, %dma_wait3A_102] : memref<10000x16xf32, #tpu.memory_space<hbm>> -> memref<10000x16xf32, #tpu.memory_space<hbm>>
    tpu.wait_indirect_dma semaphore(%arg31 : memref<!tpu.dma_semaphore, #tpu.memory_space<semaphore_mem>>) src(%dma_wait3A_103 : memref<10000x16xf32, #tpu.memory_space<hbm>>) dst(%arg22 : memref<80x16xf32, #tpu.memory_space<vmem>>)
    %dma_wait3A_104 = arith.constant 0 : i32
    %dma_wait3A_105 = arith.constant 0 : i32
    %dma_wait3A_106 = tpu.memref_slice %arg7[%dma_wait3A_104, %dma_wait3A_105] : memref<10000x128xf32, #tpu.memory_space<hbm>> -> memref<10000x128xf32, #tpu.memory_space<hbm>>
    tpu.wait_indirect_dma semaphore(%arg31 : memref<!tpu.dma_semaphore, #tpu.memory_space<semaphore_mem>>) src(%dma_wait3A_106 : memref<10000x128xf32, #tpu.memory_space<hbm>>) dst(%arg25 : memref<80x128xf32, #tpu.memory_space<vmem>>)
    %get3A_107 = arith.constant 0 : index
    %get3A_108 = tpu.vector_load %arg13[%get3A_107] {strides = array<i32>} : memref<80xi32, #tpu.memory_space<vmem>>, vector<16xi32>,
    %get3A_109 = vector.shape_cast %get3A_108 : vector<16xi32> to vector<16xi32>
    %swap3A = arith.constant 0 : index
    %swap3A_110 = tpu.vector_load %arg16[%swap3A] {strides = array<i32>} : memref<80xi32, #tpu.memory_space<vmem>>, vector<16xi32>,
    %swap3A_111 = vector.shape_cast %swap3A_110 : vector<16xi32> to vector<16xi32>
    %swap3A_112 = vector.shape_cast %get3A_109 : vector<16xi32> to vector<16xi32>
    tpu.vector_store %arg16[%swap3A], %swap3A_112 {strides = array<i32>} : memref<80xi32, #tpu.memory_space<vmem>>, vector<16xi32>,
    %get3A_113 = arith.constant 16 : index
    %get3A_114 = tpu.vector_load %arg13[%get3A_113] {strides = array<i32>} : memref<80xi32, #tpu.memory_space<vmem>>, vector<16xi32>,
    %get3A_115 = vector.shape_cast %get3A_114 : vector<16xi32> to vector<16xi32>
    %swap3A_116 = arith.constant 16 : index
    %swap3A_117 = tpu.vector_load %arg16[%swap3A_116] {strides = array<i32>} : memref<80xi32, #tpu.memory_space<vmem>>, vector<16xi32>,
    %swap3A_118 = vector.shape_cast %swap3A_117 : vector<16xi32> to vector<16xi32>
    %swap3A_119 = vector.shape_cast %get3A_115 : vector<16xi32> to vector<16xi32>
    tpu.vector_store %arg16[%swap3A_116], %swap3A_119 {strides = array<i32>} : memref<80xi32, #tpu.memory_space<vmem>>, vector<16xi32>,
    %get3A_120 = arith.constant 32 : index
    %get3A_121 = tpu.vector_load %arg13[%get3A_120] {strides = array<i32>} : memref<80xi32, #tpu.memory_space<vmem>>, vector<16xi32>,
    %get3A_122 = vector.shape_cast %get3A_121 : vector<16xi32> to vector<16xi32>
    %swap3A_123 = arith.constant 32 : index
    %swap3A_124 = tpu.vector_load %arg16[%swap3A_123] {strides = array<i32>} : memref<80xi32, #tpu.memory_space<vmem>>, vector<16xi32>,
    %swap3A_125 = vector.shape_cast %swap3A_124 : vector<16xi32> to vector<16xi32>
    %swap3A_126 = vector.shape_cast %get3A_122 : vector<16xi32> to vector<16xi32>
    tpu.vector_store %arg16[%swap3A_123], %swap3A_126 {strides = array<i32>} : memref<80xi32, #tpu.memory_space<vmem>>, vector<16xi32>,
    %get3A_127 = arith.constant 48 : index
    %get3A_128 = tpu.vector_load %arg13[%get3A_127] {strides = array<i32>} : memref<80xi32, #tpu.memory_space<vmem>>, vector<16xi32>,
    %get3A_129 = vector.shape_cast %get3A_128 : vector<16xi32> to vector<16xi32>
    %swap3A_130 = arith.constant 48 : index
    %swap3A_131 = tpu.vector_load %arg16[%swap3A_130] {strides = array<i32>} : memref<80xi32, #tpu.memory_space<vmem>>, vector<16xi32>,
    %swap3A_132 = vector.shape_cast %swap3A_131 : vector<16xi32> to vector<16xi32>
    %swap3A_133 = vector.shape_cast %get3A_129 : vector<16xi32> to vector<16xi32>
    tpu.vector_store %arg16[%swap3A_130], %swap3A_133 {strides = array<i32>} : memref<80xi32, #tpu.memory_space<vmem>>, vector<16xi32>,
    %get3A_134 = arith.constant 64 : index
    %get3A_135 = tpu.vector_load %arg13[%get3A_134] {strides = array<i32>} : memref<80xi32, #tpu.memory_space<vmem>>, vector<16xi32>,
    %get3A_136 = vector.shape_cast %get3A_135 : vector<16xi32> to vector<16xi32>
    %swap3A_137 = arith.constant 64 : index
    %swap3A_138 = tpu.vector_load %arg16[%swap3A_137] {strides = array<i32>} : memref<80xi32, #tpu.memory_space<vmem>>, vector<16xi32>,
    %swap3A_139 = vector.shape_cast %swap3A_138 : vector<16xi32> to vector<16xi32>
    %swap3A_140 = vector.shape_cast %get3A_136 : vector<16xi32> to vector<16xi32>
    tpu.vector_store %arg16[%swap3A_137], %swap3A_140 {strides = array<i32>} : memref<80xi32, #tpu.memory_space<vmem>>, vector<16xi32>,
    %lt3A_141 = arith.constant 125 : i32
    %lt3A_142 = arith.constant 125 : i32
    %lt3A_143 = arith.cmpi slt, %lt3A_141, %lt3A_142 : i32
    %convert_element_type3A_144 = arith.extui %lt3A_143 : i1 to i32
    %cond3A_145 = arith.constant 125 : i32
    %cond3A_146 = arith.constant 0 : i32
    %cond3A_147 = arith.cmpi ne, %convert_element_type3A_144, %cond3A_146 : i32
    scf.if %cond3A_147 {
      %mul3A_256 = arith.constant 10000 : i32
      %mul3A_257 = arith.muli %add3A, %mul3A_256 : i32
      %mul3A_258 = arith.constant 80 : i32
      %mul3A_259 = arith.muli %cond3A_145, %mul3A_258 : i32
      %add3A_260 = arith.addi %mul3A_257, %mul3A_259 : i32
      %dma_start3A_261 = tpu.memref_slice %arg2[%add3A_260] : memref<320000xi32, #tpu.memory_space<hbm>> -> memref<80xi32, #tpu.memory_space<hbm>>
      %dma_start3A_262 = tpu.memref_slice %arg2[%add3A_260] : memref<320000xi32, #tpu.memory_space<hbm>> -> memref<80xi32, #tpu.memory_space<hbm>>
      tpu.enqueue_dma source(%dma_start3A_262 : memref<80xi32, #tpu.memory_space<hbm>>) target(%arg10 : memref<80xi32, #tpu.memory_space<vmem>>) target_semaphore(%arg28 : memref<!tpu.dma_semaphore, #tpu.memory_space<semaphore_mem>>)
      %dma_start3A_263 = tpu.memref_slice %arg3[%add3A_260] : memref<320000xi32, #tpu.memory_space<hbm>> -> memref<80xi32, #tpu.memory_space<hbm>>
      %dma_start3A_264 = tpu.memref_slice %arg3[%add3A_260] : memref<320000xi32, #tpu.memory_space<hbm>> -> memref<80xi32, #tpu.memory_space<hbm>>
      tpu.enqueue_dma source(%dma_start3A_264 : memref<80xi32, #tpu.memory_space<hbm>>) target(%arg13 : memref<80xi32, #tpu.memory_space<vmem>>) target_semaphore(%arg28 : memref<!tpu.dma_semaphore, #tpu.memory_space<semaphore_mem>>)
    } else {
    }
    %parallel_loop3A = arith.constant 0 : i32
    %parallel_loop3A_148 = arith.constant 80 : i32
    %parallel_loop3A_149 = arith.constant 1 : i32
    scf.for %parallel_loop3A_256 = %parallel_loop3A to %parallel_loop3A_148 step %parallel_loop3A_149  : i32 {
      %parallel_loop3A_257 = arith.index_cast %parallel_loop3A_256 : i32 to index
      %parallel_loop3A_258 = arith.constant 0 : index
      %parallel_loop3A_259 = tpu.vector_load %arg19[%parallel_loop3A_257, %parallel_loop3A_258] {strides = array<i32>} : memref<80x16xf32, #tpu.memory_space<vmem>>, vector<1x16xf32>,
      %parallel_loop3A_260 = vector.shape_cast %parallel_loop3A_259 : vector<1x16xf32> to vector<16xf32>
      %parallel_loop3A_261 = arith.index_cast %parallel_loop3A_256 : i32 to index
      %parallel_loop3A_262 = arith.constant 0 : index
      %parallel_loop3A_263 = tpu.vector_load %arg22[%parallel_loop3A_261, %parallel_loop3A_262] {strides = array<i32>} : memref<80x16xf32, #tpu.memory_space<vmem>>, vector<1x16xf32>,
      %parallel_loop3A_264 = vector.shape_cast %parallel_loop3A_263 : vector<1x16xf32> to vector<16xf32>
      %parallel_loop3A_265 = arith.addf %parallel_loop3A_260, %parallel_loop3A_264 : vector<16xf32>
      %parallel_loop3A_266 = arith.constant 0.000000e+00 : f32
      %parallel_loop3A_267 = vector.broadcast %parallel_loop3A_266 : f32 to vector<16xf32>
      %parallel_loop3A_268 = arith.cmpf oge, %parallel_loop3A_265, %parallel_loop3A_267 : vector<16xf32>
      %parallel_loop3A_269 = arith.constant 2.000000e-01 : f32
      %parallel_loop3A_270 = vector.broadcast %parallel_loop3A_269 : f32 to vector<16xf32>
      %parallel_loop3A_271 = arith.mulf %parallel_loop3A_270, %parallel_loop3A_265 : vector<16xf32>
      %parallel_loop3A_272 = arith.select %parallel_loop3A_268, %parallel_loop3A_265, %parallel_loop3A_271 : vector<16xi1>, vector<16xf32>
      %parallel_loop3A_273 = arith.subf %parallel_loop3A_272, %select_n3A : vector<16xf32>
      %parallel_loop3A_274 = math.exp %parallel_loop3A_273 : vector<16xf32>
      %parallel_loop3A_275 = arith.index_cast %parallel_loop3A_256 : i32 to index
      %parallel_loop3A_276 = arith.constant 0 : index
      %parallel_loop3A_277 = tpu.vector_load %arg19[%parallel_loop3A_275, %parallel_loop3A_276] {strides = array<i32>} : memref<80x16xf32, #tpu.memory_space<vmem>>, vector<1x16xf32>,
      %parallel_loop3A_278 = vector.shape_cast %parallel_loop3A_277 : vector<1x16xf32> to vector<16xf32>
      %parallel_loop3A_279 = vector.shape_cast %parallel_loop3A_274 : vector<16xf32> to vector<1x16xf32>
      tpu.vector_store %arg19[%parallel_loop3A_275, %parallel_loop3A_276], %parallel_loop3A_279 {strides = array<i32>} : memref<80x16xf32, #tpu.memory_space<vmem>>, vector<1x16xf32>,
      %parallel_loop3A_280 = arith.constant 0 : i32
      %parallel_loop3A_281 = vector.broadcast %parallel_loop3A_280 : i32 to vector<16xi32>
      %parallel_loop3A_282 = arith.constant 0 : i32
      %parallel_loop3A_283 = vector.broadcast %parallel_loop3A_282 : i32 to vector<16xi32>
      %parallel_loop3A_284 = arith.cmpi slt, %parallel_loop3A_281, %parallel_loop3A_283 : vector<16xi32>
      %parallel_loop3A_285 = arith.constant 16 : i32
      %parallel_loop3A_286 = vector.broadcast %parallel_loop3A_285 : i32 to vector<16xi32>
      %parallel_loop3A_287 = arith.addi %parallel_loop3A_281, %parallel_loop3A_286 : vector<16xi32>
      %parallel_loop3A_288 = arith.select %parallel_loop3A_284, %parallel_loop3A_287, %parallel_loop3A_281 : vector<16xi1>, vector<16xi32>
      %parallel_loop3A_289 = vector.shape_cast %parallel_loop3A_288 : vector<16xi32> to vector<16x1xi32>
      %parallel_loop3A_290 = vector.shape_cast %parallel_loop3A_289 : vector<16x1xi32> to vector<16xi32>
      %parallel_loop3A_291 = tpu.dynamic_gather %parallel_loop3A_274[%parallel_loop3A_290] in [0] : vector<16xf32>, vector<16xi32> -> vector<16xf32>
      %parallel_loop3A_292 = arith.index_cast %parallel_loop3A_256 : i32 to index
      %parallel_loop3A_293 = arith.constant 0 : index
      %parallel_loop3A_294 = tpu.vector_load %arg25[%parallel_loop3A_292, %parallel_loop3A_293] {strides = array<i32>} : memref<80x128xf32, #tpu.memory_space<vmem>>, vector<1x16xf32>,
      %parallel_loop3A_295 = vector.shape_cast %parallel_loop3A_294 : vector<1x16xf32> to vector<16xf32>
      %parallel_loop3A_296 = arith.mulf %parallel_loop3A_295, %parallel_loop3A_291 : vector<16xf32>
      %parallel_loop3A_297 = arith.index_cast %parallel_loop3A_256 : i32 to index
      %parallel_loop3A_298 = arith.constant 0 : index
      %parallel_loop3A_299 = tpu.vector_load %arg25[%parallel_loop3A_297, %parallel_loop3A_298] {strides = array<i32>} : memref<80x128xf32, #tpu.memory_space<vmem>>, vector<1x16xf32>,
      %parallel_loop3A_300 = vector.shape_cast %parallel_loop3A_299 : vector<1x16xf32> to vector<16xf32>
      %parallel_loop3A_301 = vector.shape_cast %parallel_loop3A_296 : vector<16xf32> to vector<1x16xf32>
      tpu.vector_store %arg25[%parallel_loop3A_297, %parallel_loop3A_298], %parallel_loop3A_301 {strides = array<i32>} : memref<80x128xf32, #tpu.memory_space<vmem>>, vector<1x16xf32>,
      %parallel_loop3A_302 = arith.constant 1 : i32
      %parallel_loop3A_303 = vector.broadcast %parallel_loop3A_302 : i32 to vector<16xi32>
      %parallel_loop3A_304 = arith.constant 0 : i32
      %parallel_loop3A_305 = vector.broadcast %parallel_loop3A_304 : i32 to vector<16xi32>
      %parallel_loop3A_306 = arith.cmpi slt, %parallel_loop3A_303, %parallel_loop3A_305 : vector<16xi32>
      %parallel_loop3A_307 = arith.constant 16 : i32
      %parallel_loop3A_308 = vector.broadcast %parallel_loop3A_307 : i32 to vector<16xi32>
      %parallel_loop3A_309 = arith.addi %parallel_loop3A_303, %parallel_loop3A_308 : vector<16xi32>
      %parallel_loop3A_310 = arith.select %parallel_loop3A_306, %parallel_loop3A_309, %parallel_loop3A_303 : vector<16xi1>, vector<16xi32>
      %parallel_loop3A_311 = vector.shape_cast %parallel_loop3A_310 : vector<16xi32> to vector<16x1xi32>
      %parallel_loop3A_312 = vector.shape_cast %parallel_loop3A_311 : vector<16x1xi32> to vector<16xi32>
      %parallel_loop3A_313 = tpu.dynamic_gather %parallel_loop3A_274[%parallel_loop3A_312] in [0] : vector<16xf32>, vector<16xi32> -> vector<16xf32>
      %parallel_loop3A_314 = arith.index_cast %parallel_loop3A_256 : i32 to index
      %parallel_loop3A_315 = arith.constant 16 : index
      %parallel_loop3A_316 = tpu.vector_load %arg25[%parallel_loop3A_314, %parallel_loop3A_315] {strides = array<i32>} : memref<80x128xf32, #tpu.memory_space<vmem>>, vector<1x16xf32>,
      %parallel_loop3A_317 = vector.shape_cast %parallel_loop3A_316 : vector<1x16xf32> to vector<16xf32>
      %parallel_loop3A_318 = arith.mulf %parallel_loop3A_317, %parallel_loop3A_313 : vector<16xf32>
      %parallel_loop3A_319 = arith.index_cast %parallel_loop3A_256 : i32 to index
      %parallel_loop3A_320 = arith.constant 16 : index
      %parallel_loop3A_321 = tpu.vector_load %arg25[%parallel_loop3A_319, %parallel_loop3A_320] {strides = array<i32>} : memref<80x128xf32, #tpu.memory_space<vmem>>, vector<1x16xf32>,
      %parallel_loop3A_322 = vector.shape_cast %parallel_loop3A_321 : vector<1x16xf32> to vector<16xf32>
      %parallel_loop3A_323 = vector.shape_cast %parallel_loop3A_318 : vector<16xf32> to vector<1x16xf32>
      tpu.vector_store %arg25[%parallel_loop3A_319, %parallel_loop3A_320], %parallel_loop3A_323 {strides = array<i32>} : memref<80x128xf32, #tpu.memory_space<vmem>>, vector<1x16xf32>,
      %parallel_loop3A_324 = arith.constant 2 : i32
      %parallel_loop3A_325 = vector.broadcast %parallel_loop3A_324 : i32 to vector<16xi32>
      %parallel_loop3A_326 = arith.constant 0 : i32
      %parallel_loop3A_327 = vector.broadcast %parallel_loop3A_326 : i32 to vector<16xi32>
      %parallel_loop3A_328 = arith.cmpi slt, %parallel_loop3A_325, %parallel_loop3A_327 : vector<16xi32>
      %parallel_loop3A_329 = arith.constant 16 : i32
      %parallel_loop3A_330 = vector.broadcast %parallel_loop3A_329 : i32 to vector<16xi32>
      %parallel_loop3A_331 = arith.addi %parallel_loop3A_325, %parallel_loop3A_330 : vector<16xi32>
      %parallel_loop3A_332 = arith.select %parallel_loop3A_328, %parallel_loop3A_331, %parallel_loop3A_325 : vector<16xi1>, vector<16xi32>
      %parallel_loop3A_333 = vector.shape_cast %parallel_loop3A_332 : vector<16xi32> to vector<16x1xi32>
      %parallel_loop3A_334 = vector.shape_cast %parallel_loop3A_333 : vector<16x1xi32> to vector<16xi32>
      %parallel_loop3A_335 = tpu.dynamic_gather %parallel_loop3A_274[%parallel_loop3A_334] in [0] : vector<16xf32>, vector<16xi32> -> vector<16xf32>
      %parallel_loop3A_336 = arith.index_cast %parallel_loop3A_256 : i32 to index
      %parallel_loop3A_337 = arith.constant 32 : index
      %parallel_loop3A_338 = tpu.vector_load %arg25[%parallel_loop3A_336, %parallel_loop3A_337] {strides = array<i32>} : memref<80x128xf32, #tpu.memory_space<vmem>>, vector<1x16xf32>,
      %parallel_loop3A_339 = vector.shape_cast %parallel_loop3A_338 : vector<1x16xf32> to vector<16xf32>
      %parallel_loop3A_340 = arith.mulf %parallel_loop3A_339, %parallel_loop3A_335 : vector<16xf32>
      %parallel_loop3A_341 = arith.index_cast %parallel_loop3A_256 : i32 to index
      %parallel_loop3A_342 = arith.constant 32 : index
      %parallel_loop3A_343 = tpu.vector_load %arg25[%parallel_loop3A_341, %parallel_loop3A_342] {strides = array<i32>} : memref<80x128xf32, #tpu.memory_space<vmem>>, vector<1x16xf32>,
      %parallel_loop3A_344 = vector.shape_cast %parallel_loop3A_343 : vector<1x16xf32> to vector<16xf32>
      %parallel_loop3A_345 = vector.shape_cast %parallel_loop3A_340 : vector<16xf32> to vector<1x16xf32>
      tpu.vector_store %arg25[%parallel_loop3A_341, %parallel_loop3A_342], %parallel_loop3A_345 {strides = array<i32>} : memref<80x128xf32, #tpu.memory_space<vmem>>, vector<1x16xf32>,
      %parallel_loop3A_346 = arith.constant 3 : i32
      %parallel_loop3A_347 = vector.broadcast %parallel_loop3A_346 : i32 to vector<16xi32>
      %parallel_loop3A_348 = arith.constant 0 : i32
      %parallel_loop3A_349 = vector.broadcast %parallel_loop3A_348 : i32 to vector<16xi32>
      %parallel_loop3A_350 = arith.cmpi slt, %parallel_loop3A_347, %parallel_loop3A_349 : vector<16xi32>
      %parallel_loop3A_351 = arith.constant 16 : i32
      %parallel_loop3A_352 = vector.broadcast %parallel_loop3A_351 : i32 to vector<16xi32>
      %parallel_loop3A_353 = arith.addi %parallel_loop3A_347, %parallel_loop3A_352 : vector<16xi32>
      %parallel_loop3A_354 = arith.select %parallel_loop3A_350, %parallel_loop3A_353, %parallel_loop3A_347 : vector<16xi1>, vector<16xi32>
      %parallel_loop3A_355 = vector.shape_cast %parallel_loop3A_354 : vector<16xi32> to vector<16x1xi32>
      %parallel_loop3A_356 = vector.shape_cast %parallel_loop3A_355 : vector<16x1xi32> to vector<16xi32>
      %parallel_loop3A_357 = tpu.dynamic_gather %parallel_loop3A_274[%parallel_loop3A_356] in [0] : vector<16xf32>, vector<16xi32> -> vector<16xf32>
      %parallel_loop3A_358 = arith.index_cast %parallel_loop3A_256 : i32 to index
      %parallel_loop3A_359 = arith.constant 48 : index
      %parallel_loop3A_360 = tpu.vector_load %arg25[%parallel_loop3A_358, %parallel_loop3A_359] {strides = array<i32>} : memref<80x128xf32, #tpu.memory_space<vmem>>, vector<1x16xf32>,
      %parallel_loop3A_361 = vector.shape_cast %parallel_loop3A_360 : vector<1x16xf32> to vector<16xf32>
      %parallel_loop3A_362 = arith.mulf %parallel_loop3A_361, %parallel_loop3A_357 : vector<16xf32>
      %parallel_loop3A_363 = arith.index_cast %parallel_loop3A_256 : i32 to index
      %parallel_loop3A_364 = arith.constant 48 : index
      %parallel_loop3A_365 = tpu.vector_load %arg25[%parallel_loop3A_363, %parallel_loop3A_364] {strides = array<i32>} : memref<80x128xf32, #tpu.memory_space<vmem>>, vector<1x16xf32>,
      %parallel_loop3A_366 = vector.shape_cast %parallel_loop3A_365 : vector<1x16xf32> to vector<16xf32>
      %parallel_loop3A_367 = vector.shape_cast %parallel_loop3A_362 : vector<16xf32> to vector<1x16xf32>
      tpu.vector_store %arg25[%parallel_loop3A_363, %parallel_loop3A_364], %parallel_loop3A_367 {strides = array<i32>} : memref<80x128xf32, #tpu.memory_space<vmem>>, vector<1x16xf32>,
      %parallel_loop3A_368 = arith.constant 4 : i32
      %parallel_loop3A_369 = vector.broadcast %parallel_loop3A_368 : i32 to vector<16xi32>
      %parallel_loop3A_370 = arith.constant 0 : i32
      %parallel_loop3A_371 = vector.broadcast %parallel_loop3A_370 : i32 to vector<16xi32>
      %parallel_loop3A_372 = arith.cmpi slt, %parallel_loop3A_369, %parallel_loop3A_371 : vector<16xi32>
      %parallel_loop3A_373 = arith.constant 16 : i32
      %parallel_loop3A_374 = vector.broadcast %parallel_loop3A_373 : i32 to vector<16xi32>
      %parallel_loop3A_375 = arith.addi %parallel_loop3A_369, %parallel_loop3A_374 : vector<16xi32>
      %parallel_loop3A_376 = arith.select %parallel_loop3A_372, %parallel_loop3A_375, %parallel_loop3A_369 : vector<16xi1>, vector<16xi32>
      %parallel_loop3A_377 = vector.shape_cast %parallel_loop3A_376 : vector<16xi32> to vector<16x1xi32>
      %parallel_loop3A_378 = vector.shape_cast %parallel_loop3A_377 : vector<16x1xi32> to vector<16xi32>
      %parallel_loop3A_379 = tpu.dynamic_gather %parallel_loop3A_274[%parallel_loop3A_378] in [0] : vector<16xf32>, vector<16xi32> -> vector<16xf32>
      %parallel_loop3A_380 = arith.index_cast %parallel_loop3A_256 : i32 to index
      %parallel_loop3A_381 = arith.constant 64 : index
      %parallel_loop3A_382 = tpu.vector_load %arg25[%parallel_loop3A_380, %parallel_loop3A_381] {strides = array<i32>} : memref<80x128xf32, #tpu.memory_space<vmem>>, vector<1x16xf32>,
      %parallel_loop3A_383 = vector.shape_cast %parallel_loop3A_382 : vector<1x16xf32> to vector<16xf32>
      %parallel_loop3A_384 = arith.mulf %parallel_loop3A_383, %parallel_loop3A_379 : vector<16xf32>
      %parallel_loop3A_385 = arith.index_cast %parallel_loop3A_256 : i32 to index
      %parallel_loop3A_386 = arith.constant 64 : index
      %parallel_loop3A_387 = tpu.vector_load %arg25[%parallel_loop3A_385, %parallel_loop3A_386] {strides = array<i32>} : memref<80x128xf32, #tpu.memory_space<vmem>>, vector<1x16xf32>,
      %parallel_loop3A_388 = vector.shape_cast %parallel_loop3A_387 : vector<1x16xf32> to vector<16xf32>
      %parallel_loop3A_389 = vector.shape_cast %parallel_loop3A_384 : vector<16xf32> to vector<1x16xf32>
      tpu.vector_store %arg25[%parallel_loop3A_385, %parallel_loop3A_386], %parallel_loop3A_389 {strides = array<i32>} : memref<80x128xf32, #tpu.memory_space<vmem>>, vector<1x16xf32>,
      %parallel_loop3A_390 = arith.constant 5 : i32
      %parallel_loop3A_391 = vector.broadcast %parallel_loop3A_390 : i32 to vector<16xi32>
      %parallel_loop3A_392 = arith.constant 0 : i32
      %parallel_loop3A_393 = vector.broadcast %parallel_loop3A_392 : i32 to vector<16xi32>
      %parallel_loop3A_394 = arith.cmpi slt, %parallel_loop3A_391, %parallel_loop3A_393 : vector<16xi32>
      %parallel_loop3A_395 = arith.constant 16 : i32
      %parallel_loop3A_396 = vector.broadcast %parallel_loop3A_395 : i32 to vector<16xi32>
      %parallel_loop3A_397 = arith.addi %parallel_loop3A_391, %parallel_loop3A_396 : vector<16xi32>
      %parallel_loop3A_398 = arith.select %parallel_loop3A_394, %parallel_loop3A_397, %parallel_loop3A_391 : vector<16xi1>, vector<16xi32>
      %parallel_loop3A_399 = vector.shape_cast %parallel_loop3A_398 : vector<16xi32> to vector<16x1xi32>
      %parallel_loop3A_400 = vector.shape_cast %parallel_loop3A_399 : vector<16x1xi32> to vector<16xi32>
      %parallel_loop3A_401 = tpu.dynamic_gather %parallel_loop3A_274[%parallel_loop3A_400] in [0] : vector<16xf32>, vector<16xi32> -> vector<16xf32>
      %parallel_loop3A_402 = arith.index_cast %parallel_loop3A_256 : i32 to index
      %parallel_loop3A_403 = arith.constant 80 : index
      %parallel_loop3A_404 = tpu.vector_load %arg25[%parallel_loop3A_402, %parallel_loop3A_403] {strides = array<i32>} : memref<80x128xf32, #tpu.memory_space<vmem>>, vector<1x16xf32>,
      %parallel_loop3A_405 = vector.shape_cast %parallel_loop3A_404 : vector<1x16xf32> to vector<16xf32>
      %parallel_loop3A_406 = arith.mulf %parallel_loop3A_405, %parallel_loop3A_401 : vector<16xf32>
      %parallel_loop3A_407 = arith.index_cast %parallel_loop3A_256 : i32 to index
      %parallel_loop3A_408 = arith.constant 80 : index
      %parallel_loop3A_409 = tpu.vector_load %arg25[%parallel_loop3A_407, %parallel_loop3A_408] {strides = array<i32>} : memref<80x128xf32, #tpu.memory_space<vmem>>, vector<1x16xf32>,
      %parallel_loop3A_410 = vector.shape_cast %parallel_loop3A_409 : vector<1x16xf32> to vector<16xf32>
      %parallel_loop3A_411 = vector.shape_cast %parallel_loop3A_406 : vector<16xf32> to vector<1x16xf32>
      tpu.vector_store %arg25[%parallel_loop3A_407, %parallel_loop3A_408], %parallel_loop3A_411 {strides = array<i32>} : memref<80x128xf32, #tpu.memory_space<vmem>>, vector<1x16xf32>,
      %parallel_loop3A_412 = arith.constant 6 : i32
      %parallel_loop3A_413 = vector.broadcast %parallel_loop3A_412 : i32 to vector<16xi32>
      %parallel_loop3A_414 = arith.constant 0 : i32
      %parallel_loop3A_415 = vector.broadcast %parallel_loop3A_414 : i32 to vector<16xi32>
      %parallel_loop3A_416 = arith.cmpi slt, %parallel_loop3A_413, %parallel_loop3A_415 : vector<16xi32>
      %parallel_loop3A_417 = arith.constant 16 : i32
      %parallel_loop3A_418 = vector.broadcast %parallel_loop3A_417 : i32 to vector<16xi32>
      %parallel_loop3A_419 = arith.addi %parallel_loop3A_413, %parallel_loop3A_418 : vector<16xi32>
      %parallel_loop3A_420 = arith.select %parallel_loop3A_416, %parallel_loop3A_419, %parallel_loop3A_413 : vector<16xi1>, vector<16xi32>
      %parallel_loop3A_421 = vector.shape_cast %parallel_loop3A_420 : vector<16xi32> to vector<16x1xi32>
      %parallel_loop3A_422 = vector.shape_cast %parallel_loop3A_421 : vector<16x1xi32> to vector<16xi32>
      %parallel_loop3A_423 = tpu.dynamic_gather %parallel_loop3A_274[%parallel_loop3A_422] in [0] : vector<16xf32>, vector<16xi32> -> vector<16xf32>
      %parallel_loop3A_424 = arith.index_cast %parallel_loop3A_256 : i32 to index
      %parallel_loop3A_425 = arith.constant 96 : index
      %parallel_loop3A_426 = tpu.vector_load %arg25[%parallel_loop3A_424, %parallel_loop3A_425] {strides = array<i32>} : memref<80x128xf32, #tpu.memory_space<vmem>>, vector<1x16xf32>,
      %parallel_loop3A_427 = vector.shape_cast %parallel_loop3A_426 : vector<1x16xf32> to vector<16xf32>
      %parallel_loop3A_428 = arith.mulf %parallel_loop3A_427, %parallel_loop3A_423 : vector<16xf32>
      %parallel_loop3A_429 = arith.index_cast %parallel_loop3A_256 : i32 to index
      %parallel_loop3A_430 = arith.constant 96 : index
      %parallel_loop3A_431 = tpu.vector_load %arg25[%parallel_loop3A_429, %parallel_loop3A_430] {strides = array<i32>} : memref<80x128xf32, #tpu.memory_space<vmem>>, vector<1x16xf32>,
      %parallel_loop3A_432 = vector.shape_cast %parallel_loop3A_431 : vector<1x16xf32> to vector<16xf32>
      %parallel_loop3A_433 = vector.shape_cast %parallel_loop3A_428 : vector<16xf32> to vector<1x16xf32>
      tpu.vector_store %arg25[%parallel_loop3A_429, %parallel_loop3A_430], %parallel_loop3A_433 {strides = array<i32>} : memref<80x128xf32, #tpu.memory_space<vmem>>, vector<1x16xf32>,
      %parallel_loop3A_434 = arith.constant 7 : i32
      %parallel_loop3A_435 = vector.broadcast %parallel_loop3A_434 : i32 to vector<16xi32>
      %parallel_loop3A_436 = arith.constant 0 : i32
      %parallel_loop3A_437 = vector.broadcast %parallel_loop3A_436 : i32 to vector<16xi32>
      %parallel_loop3A_438 = arith.cmpi slt, %parallel_loop3A_435, %parallel_loop3A_437 : vector<16xi32>
      %parallel_loop3A_439 = arith.constant 16 : i32
      %parallel_loop3A_440 = vector.broadcast %parallel_loop3A_439 : i32 to vector<16xi32>
      %parallel_loop3A_441 = arith.addi %parallel_loop3A_435, %parallel_loop3A_440 : vector<16xi32>
      %parallel_loop3A_442 = arith.select %parallel_loop3A_438, %parallel_loop3A_441, %parallel_loop3A_435 : vector<16xi1>, vector<16xi32>
      %parallel_loop3A_443 = vector.shape_cast %parallel_loop3A_442 : vector<16xi32> to vector<16x1xi32>
      %parallel_loop3A_444 = vector.shape_cast %parallel_loop3A_443 : vector<16x1xi32> to vector<16xi32>
      %parallel_loop3A_445 = tpu.dynamic_gather %parallel_loop3A_274[%parallel_loop3A_444] in [0] : vector<16xf32>, vector<16xi32> -> vector<16xf32>
      %parallel_loop3A_446 = arith.index_cast %parallel_loop3A_256 : i32 to index
      %parallel_loop3A_447 = arith.constant 112 : index
      %parallel_loop3A_448 = tpu.vector_load %arg25[%parallel_loop3A_446, %parallel_loop3A_447] {strides = array<i32>} : memref<80x128xf32, #tpu.memory_space<vmem>>, vector<1x16xf32>,
      %parallel_loop3A_449 = vector.shape_cast %parallel_loop3A_448 : vector<1x16xf32> to vector<16xf32>
      %parallel_loop3A_450 = arith.mulf %parallel_loop3A_449, %parallel_loop3A_445 : vector<16xf32>
      %parallel_loop3A_451 = arith.index_cast %parallel_loop3A_256 : i32 to index
      %parallel_loop3A_452 = arith.constant 112 : index
      %parallel_loop3A_453 = tpu.vector_load %arg25[%parallel_loop3A_451, %parallel_loop3A_452] {strides = array<i32>} : memref<80x128xf32, #tpu.memory_space<vmem>>, vector<1x16xf32>,
      %parallel_loop3A_454 = vector.shape_cast %parallel_loop3A_453 : vector<1x16xf32> to vector<16xf32>
      %parallel_loop3A_455 = vector.shape_cast %parallel_loop3A_450 : vector<16xf32> to vector<1x16xf32>
      tpu.vector_store %arg25[%parallel_loop3A_451, %parallel_loop3A_452], %parallel_loop3A_455 {strides = array<i32>} : memref<80x128xf32, #tpu.memory_space<vmem>>, vector<1x16xf32>,
    } {sc.loop_unroll_factor = 4 : i64, sc.parallel_access}
    %dma_start3A_150 = arith.constant 0 : i32
    %dma_start3A_151 = arith.constant 0 : i32
    %dma_start3A_152 = tpu.memref_slice %arg39[%dma_start3A_150, %dma_start3A_151] : memref<10000x16xf32, #tpu.memory_space<vmem_shared>> -> memref<10000x16xf32, #tpu.memory_space<vmem_shared>>
    tpu.enqueue_indirect_dma source(%arg19 : memref<80x16xf32, #tpu.memory_space<vmem>>) target(%dma_start3A_152 : memref<10000x16xf32, #tpu.memory_space<vmem_shared>>) offsets(%arg16 : memref<80xi32, #tpu.memory_space<vmem>>) semaphore(%arg34 : memref<!tpu.dma_semaphore, #tpu.memory_space<semaphore_mem>>) {add = true}
    %dma_start3A_153 = arith.constant 0 : i32
    %dma_start3A_154 = arith.constant 0 : i32
    %dma_start3A_155 = tpu.memref_slice %arg38[%dma_start3A_153, %dma_start3A_154] : memref<10000x128xf32, #tpu.memory_space<vmem_shared>> -> memref<10000x128xf32, #tpu.memory_space<vmem_shared>>
    tpu.enqueue_indirect_dma source(%arg25 : memref<80x128xf32, #tpu.memory_space<vmem>>) target(%dma_start3A_155 : memref<10000x128xf32, #tpu.memory_space<vmem_shared>>) offsets(%arg16 : memref<80xi32, #tpu.memory_space<vmem>>) semaphore(%arg34 : memref<!tpu.dma_semaphore, #tpu.memory_space<semaphore_mem>>) {add = true}
    %dma_wait3A_156 = arith.constant 0 : i32
    %dma_wait3A_157 = arith.constant 0 : i32
    %dma_wait3A_158 = tpu.memref_slice %arg39[%dma_wait3A_156, %dma_wait3A_157] : memref<10000x16xf32, #tpu.memory_space<vmem_shared>> -> memref<10000x16xf32, #tpu.memory_space<vmem_shared>>
    tpu.wait_indirect_dma semaphore(%arg35 : memref<!tpu.dma_semaphore, #tpu.memory_space<semaphore_mem>>) src(%arg20 : memref<80x16xf32, #tpu.memory_space<vmem>>) dst(%dma_wait3A_158 : memref<10000x16xf32, #tpu.memory_space<vmem_shared>>)
    %dma_wait3A_159 = arith.constant 0 : i32
    %dma_wait3A_160 = arith.constant 0 : i32
    %dma_wait3A_161 = tpu.memref_slice %arg38[%dma_wait3A_159, %dma_wait3A_160] : memref<10000x128xf32, #tpu.memory_space<vmem_shared>> -> memref<10000x128xf32, #tpu.memory_space<vmem_shared>>
    tpu.wait_indirect_dma semaphore(%arg35 : memref<!tpu.dma_semaphore, #tpu.memory_space<semaphore_mem>>) src(%arg26 : memref<80x128xf32, #tpu.memory_space<vmem>>) dst(%dma_wait3A_161 : memref<10000x128xf32, #tpu.memory_space<vmem_shared>>)
    %dma_wait3A_162 = arith.constant 0 : i32
    %dma_wait3A_163 = tpu.memref_slice %arg2[%dma_wait3A_162] : memref<320000xi32, #tpu.memory_space<hbm>> -> memref<80xi32, #tpu.memory_space<hbm>>
    %dma_wait3A_164 = arith.constant 0 : i32
    %dma_wait3A_165 = tpu.memref_slice %arg2[%dma_wait3A_164] : memref<320000xi32, #tpu.memory_space<hbm>> -> memref<80xi32, #tpu.memory_space<hbm>>
    tpu.wait_dma2 semaphore(%arg29 : memref<!tpu.dma_semaphore, #tpu.memory_space<semaphore_mem>>) src(%dma_wait3A_165 : memref<80xi32, #tpu.memory_space<hbm>>) dst(%arg11 : memref<80xi32, #tpu.memory_space<vmem>>)
    %dma_wait3A_166 = arith.constant 0 : i32
    %dma_wait3A_167 = tpu.memref_slice %arg3[%dma_wait3A_166] : memref<320000xi32, #tpu.memory_space<hbm>> -> memref<80xi32, #tpu.memory_space<hbm>>
    %dma_wait3A_168 = arith.constant 0 : i32
    %dma_wait3A_169 = tpu.memref_slice %arg3[%dma_wait3A_168] : memref<320000xi32, #tpu.memory_space<hbm>> -> memref<80xi32, #tpu.memory_space<hbm>>
    tpu.wait_dma2 semaphore(%arg29 : memref<!tpu.dma_semaphore, #tpu.memory_space<semaphore_mem>>) src(%dma_wait3A_169 : memref<80xi32, #tpu.memory_space<hbm>>) dst(%arg14 : memref<80xi32, #tpu.memory_space<vmem>>)
    %dma_start3A_170 = arith.constant 0 : i32
    %dma_start3A_171 = arith.constant 0 : i32
    %dma_start3A_172 = tpu.memref_slice %arg4[%dma_start3A_170, %dma_start3A_171] : memref<10000x16xf32, #tpu.memory_space<hbm>> -> memref<10000x16xf32, #tpu.memory_space<hbm>>
    tpu.enqueue_indirect_dma source(%dma_start3A_172 : memref<10000x16xf32, #tpu.memory_space<hbm>>) target(%arg20 : memref<80x16xf32, #tpu.memory_space<vmem>>) offsets(%arg11 : memref<80xi32, #tpu.memory_space<vmem>>) semaphore(%arg32 : memref<!tpu.dma_semaphore, #tpu.memory_space<semaphore_mem>>)
    %dma_start3A_173 = arith.constant 0 : i32
    %dma_start3A_174 = arith.constant 0 : i32
    %dma_start3A_175 = tpu.memref_slice %arg5[%dma_start3A_173, %dma_start3A_174] : memref<10000x16xf32, #tpu.memory_space<hbm>> -> memref<10000x16xf32, #tpu.memory_space<hbm>>
    tpu.enqueue_indirect_dma source(%dma_start3A_175 : memref<10000x16xf32, #tpu.memory_space<hbm>>) target(%arg23 : memref<80x16xf32, #tpu.memory_space<vmem>>) offsets(%arg14 : memref<80xi32, #tpu.memory_space<vmem>>) semaphore(%arg32 : memref<!tpu.dma_semaphore, #tpu.memory_space<semaphore_mem>>)
    %dma_start3A_176 = arith.constant 0 : i32
    %dma_start3A_177 = arith.constant 0 : i32
    %dma_start3A_178 = tpu.memref_slice %arg7[%dma_start3A_176, %dma_start3A_177] : memref<10000x128xf32, #tpu.memory_space<hbm>> -> memref<10000x128xf32, #tpu.memory_space<hbm>>
    tpu.enqueue_indirect_dma source(%dma_start3A_178 : memref<10000x128xf32, #tpu.memory_space<hbm>>) target(%arg26 : memref<80x128xf32, #tpu.memory_space<vmem>>) offsets(%arg11 : memref<80xi32, #tpu.memory_space<vmem>>) semaphore(%arg32 : memref<!tpu.dma_semaphore, #tpu.memory_space<semaphore_mem>>)
    %dma_wait3A_179 = arith.constant 0 : i32
    %dma_wait3A_180 = arith.constant 0 : i32
    %dma_wait3A_181 = tpu.memref_slice %arg4[%dma_wait3A_179, %dma_wait3A_180] : memref<10000x16xf32, #tpu.memory_space<hbm>> -> memref<10000x16xf32, #tpu.memory_space<hbm>>
    tpu.wait_indirect_dma semaphore(%arg32 : memref<!tpu.dma_semaphore, #tpu.memory_space<semaphore_mem>>) src(%dma_wait3A_181 : memref<10000x16xf32, #tpu.memory_space<hbm>>) dst(%arg20 : memref<80x16xf32, #tpu.memory_space<vmem>>)
    %dma_wait3A_182 = arith.constant 0 : i32
    %dma_wait3A_183 = arith.constant 0 : i32
    %dma_wait3A_184 = tpu.memref_slice %arg5[%dma_wait3A_182, %dma_wait3A_183] : memref<10000x16xf32, #tpu.memory_space<hbm>> -> memref<10000x16xf32, #tpu.memory_space<hbm>>
    tpu.wait_indirect_dma semaphore(%arg32 : memref<!tpu.dma_semaphore, #tpu.memory_space<semaphore_mem>>) src(%dma_wait3A_184 : memref<10000x16xf32, #tpu.memory_space<hbm>>) dst(%arg23 : memref<80x16xf32, #tpu.memory_space<vmem>>)
    %dma_wait3A_185 = arith.constant 0 : i32
    %dma_wait3A_186 = arith.constant 0 : i32
    %dma_wait3A_187 = tpu.memref_slice %arg7[%dma_wait3A_185, %dma_wait3A_186] : memref<10000x128xf32, #tpu.memory_space<hbm>> -> memref<10000x128xf32, #tpu.memory_space<hbm>>
    tpu.wait_indirect_dma semaphore(%arg32 : memref<!tpu.dma_semaphore, #tpu.memory_space<semaphore_mem>>) src(%dma_wait3A_187 : memref<10000x128xf32, #tpu.memory_space<hbm>>) dst(%arg26 : memref<80x128xf32, #tpu.memory_space<vmem>>)
    %get3A_188 = arith.constant 0 : index
    %get3A_189 = tpu.vector_load %arg14[%get3A_188] {strides = array<i32>} : memref<80xi32, #tpu.memory_space<vmem>>, vector<16xi32>,
    %get3A_190 = vector.shape_cast %get3A_189 : vector<16xi32> to vector<16xi32>
    %swap3A_191 = arith.constant 0 : index
    %swap3A_192 = tpu.vector_load %arg17[%swap3A_191] {strides = array<i32>} : memref<80xi32, #tpu.memory_space<vmem>>, vector<16xi32>,
    %swap3A_193 = vector.shape_cast %swap3A_192 : vector<16xi32> to vector<16xi32>
    %swap3A_194 = vector.shape_cast %get3A_190 : vector<16xi32> to vector<16xi32>
    tpu.vector_store %arg17[%swap3A_191], %swap3A_194 {strides = array<i32>} : memref<80xi32, #tpu.memory_space<vmem>>, vector<16xi32>,
    %get3A_195 = arith.constant 16 : index
    %get3A_196 = tpu.vector_load %arg14[%get3A_195] {strides = array<i32>} : memref<80xi32, #tpu.memory_space<vmem>>, vector<16xi32>,
    %get3A_197 = vector.shape_cast %get3A_196 : vector<16xi32> to vector<16xi32>
    %swap3A_198 = arith.constant 16 : index
    %swap3A_199 = tpu.vector_load %arg17[%swap3A_198] {strides = array<i32>} : memref<80xi32, #tpu.memory_space<vmem>>, vector<16xi32>,
    %swap3A_200 = vector.shape_cast %swap3A_199 : vector<16xi32> to vector<16xi32>
    %swap3A_201 = vector.shape_cast %get3A_197 : vector<16xi32> to vector<16xi32>
    tpu.vector_store %arg17[%swap3A_198], %swap3A_201 {strides = array<i32>} : memref<80xi32, #tpu.memory_space<vmem>>, vector<16xi32>,
    %get3A_202 = arith.constant 32 : index
    %get3A_203 = tpu.vector_load %arg14[%get3A_202] {strides = array<i32>} : memref<80xi32, #tpu.memory_space<vmem>>, vector<16xi32>,
    %get3A_204 = vector.shape_cast %get3A_203 : vector<16xi32> to vector<16xi32>
    %swap3A_205 = arith.constant 32 : index
    %swap3A_206 = tpu.vector_load %arg17[%swap3A_205] {strides = array<i32>} : memref<80xi32, #tpu.memory_space<vmem>>, vector<16xi32>,
    %swap3A_207 = vector.shape_cast %swap3A_206 : vector<16xi32> to vector<16xi32>
    %swap3A_208 = vector.shape_cast %get3A_204 : vector<16xi32> to vector<16xi32>
    tpu.vector_store %arg17[%swap3A_205], %swap3A_208 {strides = array<i32>} : memref<80xi32, #tpu.memory_space<vmem>>, vector<16xi32>,
    %get3A_209 = arith.constant 48 : index
    %get3A_210 = tpu.vector_load %arg14[%get3A_209] {strides = array<i32>} : memref<80xi32, #tpu.memory_space<vmem>>, vector<16xi32>,
    %get3A_211 = vector.shape_cast %get3A_210 : vector<16xi32> to vector<16xi32>
    %swap3A_212 = arith.constant 48 : index
    %swap3A_213 = tpu.vector_load %arg17[%swap3A_212] {strides = array<i32>} : memref<80xi32, #tpu.memory_space<vmem>>, vector<16xi32>,
    %swap3A_214 = vector.shape_cast %swap3A_213 : vector<16xi32> to vector<16xi32>
    %swap3A_215 = vector.shape_cast %get3A_211 : vector<16xi32> to vector<16xi32>
    tpu.vector_store %arg17[%swap3A_212], %swap3A_215 {strides = array<i32>} : memref<80xi32, #tpu.memory_space<vmem>>, vector<16xi32>,
    %get3A_216 = arith.constant 64 : index
    %get3A_217 = tpu.vector_load %arg14[%get3A_216] {strides = array<i32>} : memref<80xi32, #tpu.memory_space<vmem>>, vector<16xi32>,
    %get3A_218 = vector.shape_cast %get3A_217 : vector<16xi32> to vector<16xi32>
    %swap3A_219 = arith.constant 64 : index
    %swap3A_220 = tpu.vector_load %arg17[%swap3A_219] {strides = array<i32>} : memref<80xi32, #tpu.memory_space<vmem>>, vector<16xi32>,
    %swap3A_221 = vector.shape_cast %swap3A_220 : vector<16xi32> to vector<16xi32>
    %swap3A_222 = vector.shape_cast %get3A_218 : vector<16xi32> to vector<16xi32>
    tpu.vector_store %arg17[%swap3A_219], %swap3A_222 {strides = array<i32>} : memref<80xi32, #tpu.memory_space<vmem>>, vector<16xi32>,
    %parallel_loop3A_223 = arith.constant 0 : i32
    %parallel_loop3A_224 = arith.constant 80 : i32
    %parallel_loop3A_225 = arith.constant 1 : i32
    scf.for %parallel_loop3A_256 = %parallel_loop3A_223 to %parallel_loop3A_224 step %parallel_loop3A_225  : i32 {
      %parallel_loop3A_257 = arith.index_cast %parallel_loop3A_256 : i32 to index
      %parallel_loop3A_258 = arith.constant 0 : index
      %parallel_loop3A_259 = tpu.vector_load %arg20[%parallel_loop3A_257, %parallel_loop3A_258] {strides = array<i32>} : memref<80x16xf32, #tpu.memory_space<vmem>>, vector<1x16xf32>,
      %parallel_loop3A_260 = vector.shape_cast %parallel_loop3A_259 : vector<1x16xf32> to vector<16xf32>
      %parallel_loop3A_261 = arith.index_cast %parallel_loop3A_256 : i32 to index
      %parallel_loop3A_262 = arith.constant 0 : index
      %parallel_loop3A_263 = tpu.vector_load %arg23[%parallel_loop3A_261, %parallel_loop3A_262] {strides = array<i32>} : memref<80x16xf32, #tpu.memory_space<vmem>>, vector<1x16xf32>,
      %parallel_loop3A_264 = vector.shape_cast %parallel_loop3A_263 : vector<1x16xf32> to vector<16xf32>
      %parallel_loop3A_265 = arith.addf %parallel_loop3A_260, %parallel_loop3A_264 : vector<16xf32>
      %parallel_loop3A_266 = arith.constant 0.000000e+00 : f32
      %parallel_loop3A_267 = vector.broadcast %parallel_loop3A_266 : f32 to vector<16xf32>
      %parallel_loop3A_268 = arith.cmpf oge, %parallel_loop3A_265, %parallel_loop3A_267 : vector<16xf32>
      %parallel_loop3A_269 = arith.constant 2.000000e-01 : f32
      %parallel_loop3A_270 = vector.broadcast %parallel_loop3A_269 : f32 to vector<16xf32>
      %parallel_loop3A_271 = arith.mulf %parallel_loop3A_270, %parallel_loop3A_265 : vector<16xf32>
      %parallel_loop3A_272 = arith.select %parallel_loop3A_268, %parallel_loop3A_265, %parallel_loop3A_271 : vector<16xi1>, vector<16xf32>
      %parallel_loop3A_273 = arith.subf %parallel_loop3A_272, %select_n3A : vector<16xf32>
      %parallel_loop3A_274 = math.exp %parallel_loop3A_273 : vector<16xf32>
      %parallel_loop3A_275 = arith.index_cast %parallel_loop3A_256 : i32 to index
      %parallel_loop3A_276 = arith.constant 0 : index
      %parallel_loop3A_277 = tpu.vector_load %arg20[%parallel_loop3A_275, %parallel_loop3A_276] {strides = array<i32>} : memref<80x16xf32, #tpu.memory_space<vmem>>, vector<1x16xf32>,
      %parallel_loop3A_278 = vector.shape_cast %parallel_loop3A_277 : vector<1x16xf32> to vector<16xf32>
      %parallel_loop3A_279 = vector.shape_cast %parallel_loop3A_274 : vector<16xf32> to vector<1x16xf32>
      tpu.vector_store %arg20[%parallel_loop3A_275, %parallel_loop3A_276], %parallel_loop3A_279 {strides = array<i32>} : memref<80x16xf32, #tpu.memory_space<vmem>>, vector<1x16xf32>,
      %parallel_loop3A_280 = arith.constant 0 : i32
      %parallel_loop3A_281 = vector.broadcast %parallel_loop3A_280 : i32 to vector<16xi32>
      %parallel_loop3A_282 = arith.constant 0 : i32
      %parallel_loop3A_283 = vector.broadcast %parallel_loop3A_282 : i32 to vector<16xi32>
      %parallel_loop3A_284 = arith.cmpi slt, %parallel_loop3A_281, %parallel_loop3A_283 : vector<16xi32>
      %parallel_loop3A_285 = arith.constant 16 : i32
      %parallel_loop3A_286 = vector.broadcast %parallel_loop3A_285 : i32 to vector<16xi32>
      %parallel_loop3A_287 = arith.addi %parallel_loop3A_281, %parallel_loop3A_286 : vector<16xi32>
      %parallel_loop3A_288 = arith.select %parallel_loop3A_284, %parallel_loop3A_287, %parallel_loop3A_281 : vector<16xi1>, vector<16xi32>
      %parallel_loop3A_289 = vector.shape_cast %parallel_loop3A_288 : vector<16xi32> to vector<16x1xi32>
      %parallel_loop3A_290 = vector.shape_cast %parallel_loop3A_289 : vector<16x1xi32> to vector<16xi32>
      %parallel_loop3A_291 = tpu.dynamic_gather %parallel_loop3A_274[%parallel_loop3A_290] in [0] : vector<16xf32>, vector<16xi32> -> vector<16xf32>
      %parallel_loop3A_292 = arith.index_cast %parallel_loop3A_256 : i32 to index
      %parallel_loop3A_293 = arith.constant 0 : index
      %parallel_loop3A_294 = tpu.vector_load %arg26[%parallel_loop3A_292, %parallel_loop3A_293] {strides = array<i32>} : memref<80x128xf32, #tpu.memory_space<vmem>>, vector<1x16xf32>,
      %parallel_loop3A_295 = vector.shape_cast %parallel_loop3A_294 : vector<1x16xf32> to vector<16xf32>
      %parallel_loop3A_296 = arith.mulf %parallel_loop3A_295, %parallel_loop3A_291 : vector<16xf32>
      %parallel_loop3A_297 = arith.index_cast %parallel_loop3A_256 : i32 to index
      %parallel_loop3A_298 = arith.constant 0 : index
      %parallel_loop3A_299 = tpu.vector_load %arg26[%parallel_loop3A_297, %parallel_loop3A_298] {strides = array<i32>} : memref<80x128xf32, #tpu.memory_space<vmem>>, vector<1x16xf32>,
      %parallel_loop3A_300 = vector.shape_cast %parallel_loop3A_299 : vector<1x16xf32> to vector<16xf32>
      %parallel_loop3A_301 = vector.shape_cast %parallel_loop3A_296 : vector<16xf32> to vector<1x16xf32>
      tpu.vector_store %arg26[%parallel_loop3A_297, %parallel_loop3A_298], %parallel_loop3A_301 {strides = array<i32>} : memref<80x128xf32, #tpu.memory_space<vmem>>, vector<1x16xf32>,
      %parallel_loop3A_302 = arith.constant 1 : i32
      %parallel_loop3A_303 = vector.broadcast %parallel_loop3A_302 : i32 to vector<16xi32>
      %parallel_loop3A_304 = arith.constant 0 : i32
      %parallel_loop3A_305 = vector.broadcast %parallel_loop3A_304 : i32 to vector<16xi32>
      %parallel_loop3A_306 = arith.cmpi slt, %parallel_loop3A_303, %parallel_loop3A_305 : vector<16xi32>
      %parallel_loop3A_307 = arith.constant 16 : i32
      %parallel_loop3A_308 = vector.broadcast %parallel_loop3A_307 : i32 to vector<16xi32>
      %parallel_loop3A_309 = arith.addi %parallel_loop3A_303, %parallel_loop3A_308 : vector<16xi32>
      %parallel_loop3A_310 = arith.select %parallel_loop3A_306, %parallel_loop3A_309, %parallel_loop3A_303 : vector<16xi1>, vector<16xi32>
      %parallel_loop3A_311 = vector.shape_cast %parallel_loop3A_310 : vector<16xi32> to vector<16x1xi32>
      %parallel_loop3A_312 = vector.shape_cast %parallel_loop3A_311 : vector<16x1xi32> to vector<16xi32>
      %parallel_loop3A_313 = tpu.dynamic_gather %parallel_loop3A_274[%parallel_loop3A_312] in [0] : vector<16xf32>, vector<16xi32> -> vector<16xf32>
      %parallel_loop3A_314 = arith.index_cast %parallel_loop3A_256 : i32 to index
      %parallel_loop3A_315 = arith.constant 16 : index
      %parallel_loop3A_316 = tpu.vector_load %arg26[%parallel_loop3A_314, %parallel_loop3A_315] {strides = array<i32>} : memref<80x128xf32, #tpu.memory_space<vmem>>, vector<1x16xf32>,
      %parallel_loop3A_317 = vector.shape_cast %parallel_loop3A_316 : vector<1x16xf32> to vector<16xf32>
      %parallel_loop3A_318 = arith.mulf %parallel_loop3A_317, %parallel_loop3A_313 : vector<16xf32>
      %parallel_loop3A_319 = arith.index_cast %parallel_loop3A_256 : i32 to index
      %parallel_loop3A_320 = arith.constant 16 : index
      %parallel_loop3A_321 = tpu.vector_load %arg26[%parallel_loop3A_319, %parallel_loop3A_320] {strides = array<i32>} : memref<80x128xf32, #tpu.memory_space<vmem>>, vector<1x16xf32>,
      %parallel_loop3A_322 = vector.shape_cast %parallel_loop3A_321 : vector<1x16xf32> to vector<16xf32>
      %parallel_loop3A_323 = vector.shape_cast %parallel_loop3A_318 : vector<16xf32> to vector<1x16xf32>
      tpu.vector_store %arg26[%parallel_loop3A_319, %parallel_loop3A_320], %parallel_loop3A_323 {strides = array<i32>} : memref<80x128xf32, #tpu.memory_space<vmem>>, vector<1x16xf32>,
      %parallel_loop3A_324 = arith.constant 2 : i32
      %parallel_loop3A_325 = vector.broadcast %parallel_loop3A_324 : i32 to vector<16xi32>
      %parallel_loop3A_326 = arith.constant 0 : i32
      %parallel_loop3A_327 = vector.broadcast %parallel_loop3A_326 : i32 to vector<16xi32>
      %parallel_loop3A_328 = arith.cmpi slt, %parallel_loop3A_325, %parallel_loop3A_327 : vector<16xi32>
      %parallel_loop3A_329 = arith.constant 16 : i32
      %parallel_loop3A_330 = vector.broadcast %parallel_loop3A_329 : i32 to vector<16xi32>
      %parallel_loop3A_331 = arith.addi %parallel_loop3A_325, %parallel_loop3A_330 : vector<16xi32>
      %parallel_loop3A_332 = arith.select %parallel_loop3A_328, %parallel_loop3A_331, %parallel_loop3A_325 : vector<16xi1>, vector<16xi32>
      %parallel_loop3A_333 = vector.shape_cast %parallel_loop3A_332 : vector<16xi32> to vector<16x1xi32>
      %parallel_loop3A_334 = vector.shape_cast %parallel_loop3A_333 : vector<16x1xi32> to vector<16xi32>
      %parallel_loop3A_335 = tpu.dynamic_gather %parallel_loop3A_274[%parallel_loop3A_334] in [0] : vector<16xf32>, vector<16xi32> -> vector<16xf32>
      %parallel_loop3A_336 = arith.index_cast %parallel_loop3A_256 : i32 to index
      %parallel_loop3A_337 = arith.constant 32 : index
      %parallel_loop3A_338 = tpu.vector_load %arg26[%parallel_loop3A_336, %parallel_loop3A_337] {strides = array<i32>} : memref<80x128xf32, #tpu.memory_space<vmem>>, vector<1x16xf32>,
      %parallel_loop3A_339 = vector.shape_cast %parallel_loop3A_338 : vector<1x16xf32> to vector<16xf32>
      %parallel_loop3A_340 = arith.mulf %parallel_loop3A_339, %parallel_loop3A_335 : vector<16xf32>
      %parallel_loop3A_341 = arith.index_cast %parallel_loop3A_256 : i32 to index
      %parallel_loop3A_342 = arith.constant 32 : index
      %parallel_loop3A_343 = tpu.vector_load %arg26[%parallel_loop3A_341, %parallel_loop3A_342] {strides = array<i32>} : memref<80x128xf32, #tpu.memory_space<vmem>>, vector<1x16xf32>,
      %parallel_loop3A_344 = vector.shape_cast %parallel_loop3A_343 : vector<1x16xf32> to vector<16xf32>
      %parallel_loop3A_345 = vector.shape_cast %parallel_loop3A_340 : vector<16xf32> to vector<1x16xf32>
      tpu.vector_store %arg26[%parallel_loop3A_341, %parallel_loop3A_342], %parallel_loop3A_345 {strides = array<i32>} : memref<80x128xf32, #tpu.memory_space<vmem>>, vector<1x16xf32>,
      %parallel_loop3A_346 = arith.constant 3 : i32
      %parallel_loop3A_347 = vector.broadcast %parallel_loop3A_346 : i32 to vector<16xi32>
      %parallel_loop3A_348 = arith.constant 0 : i32
      %parallel_loop3A_349 = vector.broadcast %parallel_loop3A_348 : i32 to vector<16xi32>
      %parallel_loop3A_350 = arith.cmpi slt, %parallel_loop3A_347, %parallel_loop3A_349 : vector<16xi32>
      %parallel_loop3A_351 = arith.constant 16 : i32
      %parallel_loop3A_352 = vector.broadcast %parallel_loop3A_351 : i32 to vector<16xi32>
      %parallel_loop3A_353 = arith.addi %parallel_loop3A_347, %parallel_loop3A_352 : vector<16xi32>
      %parallel_loop3A_354 = arith.select %parallel_loop3A_350, %parallel_loop3A_353, %parallel_loop3A_347 : vector<16xi1>, vector<16xi32>
      %parallel_loop3A_355 = vector.shape_cast %parallel_loop3A_354 : vector<16xi32> to vector<16x1xi32>
      %parallel_loop3A_356 = vector.shape_cast %parallel_loop3A_355 : vector<16x1xi32> to vector<16xi32>
      %parallel_loop3A_357 = tpu.dynamic_gather %parallel_loop3A_274[%parallel_loop3A_356] in [0] : vector<16xf32>, vector<16xi32> -> vector<16xf32>
      %parallel_loop3A_358 = arith.index_cast %parallel_loop3A_256 : i32 to index
      %parallel_loop3A_359 = arith.constant 48 : index
      %parallel_loop3A_360 = tpu.vector_load %arg26[%parallel_loop3A_358, %parallel_loop3A_359] {strides = array<i32>} : memref<80x128xf32, #tpu.memory_space<vmem>>, vector<1x16xf32>,
      %parallel_loop3A_361 = vector.shape_cast %parallel_loop3A_360 : vector<1x16xf32> to vector<16xf32>
      %parallel_loop3A_362 = arith.mulf %parallel_loop3A_361, %parallel_loop3A_357 : vector<16xf32>
      %parallel_loop3A_363 = arith.index_cast %parallel_loop3A_256 : i32 to index
      %parallel_loop3A_364 = arith.constant 48 : index
      %parallel_loop3A_365 = tpu.vector_load %arg26[%parallel_loop3A_363, %parallel_loop3A_364] {strides = array<i32>} : memref<80x128xf32, #tpu.memory_space<vmem>>, vector<1x16xf32>,
      %parallel_loop3A_366 = vector.shape_cast %parallel_loop3A_365 : vector<1x16xf32> to vector<16xf32>
      %parallel_loop3A_367 = vector.shape_cast %parallel_loop3A_362 : vector<16xf32> to vector<1x16xf32>
      tpu.vector_store %arg26[%parallel_loop3A_363, %parallel_loop3A_364], %parallel_loop3A_367 {strides = array<i32>} : memref<80x128xf32, #tpu.memory_space<vmem>>, vector<1x16xf32>,
      %parallel_loop3A_368 = arith.constant 4 : i32
      %parallel_loop3A_369 = vector.broadcast %parallel_loop3A_368 : i32 to vector<16xi32>
      %parallel_loop3A_370 = arith.constant 0 : i32
      %parallel_loop3A_371 = vector.broadcast %parallel_loop3A_370 : i32 to vector<16xi32>
      %parallel_loop3A_372 = arith.cmpi slt, %parallel_loop3A_369, %parallel_loop3A_371 : vector<16xi32>
      %parallel_loop3A_373 = arith.constant 16 : i32
      %parallel_loop3A_374 = vector.broadcast %parallel_loop3A_373 : i32 to vector<16xi32>
      %parallel_loop3A_375 = arith.addi %parallel_loop3A_369, %parallel_loop3A_374 : vector<16xi32>
      %parallel_loop3A_376 = arith.select %parallel_loop3A_372, %parallel_loop3A_375, %parallel_loop3A_369 : vector<16xi1>, vector<16xi32>
      %parallel_loop3A_377 = vector.shape_cast %parallel_loop3A_376 : vector<16xi32> to vector<16x1xi32>
      %parallel_loop3A_378 = vector.shape_cast %parallel_loop3A_377 : vector<16x1xi32> to vector<16xi32>
      %parallel_loop3A_379 = tpu.dynamic_gather %parallel_loop3A_274[%parallel_loop3A_378] in [0] : vector<16xf32>, vector<16xi32> -> vector<16xf32>
      %parallel_loop3A_380 = arith.index_cast %parallel_loop3A_256 : i32 to index
      %parallel_loop3A_381 = arith.constant 64 : index
      %parallel_loop3A_382 = tpu.vector_load %arg26[%parallel_loop3A_380, %parallel_loop3A_381] {strides = array<i32>} : memref<80x128xf32, #tpu.memory_space<vmem>>, vector<1x16xf32>,
      %parallel_loop3A_383 = vector.shape_cast %parallel_loop3A_382 : vector<1x16xf32> to vector<16xf32>
      %parallel_loop3A_384 = arith.mulf %parallel_loop3A_383, %parallel_loop3A_379 : vector<16xf32>
      %parallel_loop3A_385 = arith.index_cast %parallel_loop3A_256 : i32 to index
      %parallel_loop3A_386 = arith.constant 64 : index
      %parallel_loop3A_387 = tpu.vector_load %arg26[%parallel_loop3A_385, %parallel_loop3A_386] {strides = array<i32>} : memref<80x128xf32, #tpu.memory_space<vmem>>, vector<1x16xf32>,
      %parallel_loop3A_388 = vector.shape_cast %parallel_loop3A_387 : vector<1x16xf32> to vector<16xf32>
      %parallel_loop3A_389 = vector.shape_cast %parallel_loop3A_384 : vector<16xf32> to vector<1x16xf32>
      tpu.vector_store %arg26[%parallel_loop3A_385, %parallel_loop3A_386], %parallel_loop3A_389 {strides = array<i32>} : memref<80x128xf32, #tpu.memory_space<vmem>>, vector<1x16xf32>,
      %parallel_loop3A_390 = arith.constant 5 : i32
      %parallel_loop3A_391 = vector.broadcast %parallel_loop3A_390 : i32 to vector<16xi32>
      %parallel_loop3A_392 = arith.constant 0 : i32
      %parallel_loop3A_393 = vector.broadcast %parallel_loop3A_392 : i32 to vector<16xi32>
      %parallel_loop3A_394 = arith.cmpi slt, %parallel_loop3A_391, %parallel_loop3A_393 : vector<16xi32>
      %parallel_loop3A_395 = arith.constant 16 : i32
      %parallel_loop3A_396 = vector.broadcast %parallel_loop3A_395 : i32 to vector<16xi32>
      %parallel_loop3A_397 = arith.addi %parallel_loop3A_391, %parallel_loop3A_396 : vector<16xi32>
      %parallel_loop3A_398 = arith.select %parallel_loop3A_394, %parallel_loop3A_397, %parallel_loop3A_391 : vector<16xi1>, vector<16xi32>
      %parallel_loop3A_399 = vector.shape_cast %parallel_loop3A_398 : vector<16xi32> to vector<16x1xi32>
      %parallel_loop3A_400 = vector.shape_cast %parallel_loop3A_399 : vector<16x1xi32> to vector<16xi32>
      %parallel_loop3A_401 = tpu.dynamic_gather %parallel_loop3A_274[%parallel_loop3A_400] in [0] : vector<16xf32>, vector<16xi32> -> vector<16xf32>
      %parallel_loop3A_402 = arith.index_cast %parallel_loop3A_256 : i32 to index
      %parallel_loop3A_403 = arith.constant 80 : index
      %parallel_loop3A_404 = tpu.vector_load %arg26[%parallel_loop3A_402, %parallel_loop3A_403] {strides = array<i32>} : memref<80x128xf32, #tpu.memory_space<vmem>>, vector<1x16xf32>,
      %parallel_loop3A_405 = vector.shape_cast %parallel_loop3A_404 : vector<1x16xf32> to vector<16xf32>
      %parallel_loop3A_406 = arith.mulf %parallel_loop3A_405, %parallel_loop3A_401 : vector<16xf32>
      %parallel_loop3A_407 = arith.index_cast %parallel_loop3A_256 : i32 to index
      %parallel_loop3A_408 = arith.constant 80 : index
      %parallel_loop3A_409 = tpu.vector_load %arg26[%parallel_loop3A_407, %parallel_loop3A_408] {strides = array<i32>} : memref<80x128xf32, #tpu.memory_space<vmem>>, vector<1x16xf32>,
      %parallel_loop3A_410 = vector.shape_cast %parallel_loop3A_409 : vector<1x16xf32> to vector<16xf32>
      %parallel_loop3A_411 = vector.shape_cast %parallel_loop3A_406 : vector<16xf32> to vector<1x16xf32>
      tpu.vector_store %arg26[%parallel_loop3A_407, %parallel_loop3A_408], %parallel_loop3A_411 {strides = array<i32>} : memref<80x128xf32, #tpu.memory_space<vmem>>, vector<1x16xf32>,
      %parallel_loop3A_412 = arith.constant 6 : i32
      %parallel_loop3A_413 = vector.broadcast %parallel_loop3A_412 : i32 to vector<16xi32>
      %parallel_loop3A_414 = arith.constant 0 : i32
      %parallel_loop3A_415 = vector.broadcast %parallel_loop3A_414 : i32 to vector<16xi32>
      %parallel_loop3A_416 = arith.cmpi slt, %parallel_loop3A_413, %parallel_loop3A_415 : vector<16xi32>
      %parallel_loop3A_417 = arith.constant 16 : i32
      %parallel_loop3A_418 = vector.broadcast %parallel_loop3A_417 : i32 to vector<16xi32>
      %parallel_loop3A_419 = arith.addi %parallel_loop3A_413, %parallel_loop3A_418 : vector<16xi32>
      %parallel_loop3A_420 = arith.select %parallel_loop3A_416, %parallel_loop3A_419, %parallel_loop3A_413 : vector<16xi1>, vector<16xi32>
      %parallel_loop3A_421 = vector.shape_cast %parallel_loop3A_420 : vector<16xi32> to vector<16x1xi32>
      %parallel_loop3A_422 = vector.shape_cast %parallel_loop3A_421 : vector<16x1xi32> to vector<16xi32>
      %parallel_loop3A_423 = tpu.dynamic_gather %parallel_loop3A_274[%parallel_loop3A_422] in [0] : vector<16xf32>, vector<16xi32> -> vector<16xf32>
      %parallel_loop3A_424 = arith.index_cast %parallel_loop3A_256 : i32 to index
      %parallel_loop3A_425 = arith.constant 96 : index
      %parallel_loop3A_426 = tpu.vector_load %arg26[%parallel_loop3A_424, %parallel_loop3A_425] {strides = array<i32>} : memref<80x128xf32, #tpu.memory_space<vmem>>, vector<1x16xf32>,
      %parallel_loop3A_427 = vector.shape_cast %parallel_loop3A_426 : vector<1x16xf32> to vector<16xf32>
      %parallel_loop3A_428 = arith.mulf %parallel_loop3A_427, %parallel_loop3A_423 : vector<16xf32>
      %parallel_loop3A_429 = arith.index_cast %parallel_loop3A_256 : i32 to index
      %parallel_loop3A_430 = arith.constant 96 : index
      %parallel_loop3A_431 = tpu.vector_load %arg26[%parallel_loop3A_429, %parallel_loop3A_430] {strides = array<i32>} : memref<80x128xf32, #tpu.memory_space<vmem>>, vector<1x16xf32>,
      %parallel_loop3A_432 = vector.shape_cast %parallel_loop3A_431 : vector<1x16xf32> to vector<16xf32>
      %parallel_loop3A_433 = vector.shape_cast %parallel_loop3A_428 : vector<16xf32> to vector<1x16xf32>
      tpu.vector_store %arg26[%parallel_loop3A_429, %parallel_loop3A_430], %parallel_loop3A_433 {strides = array<i32>} : memref<80x128xf32, #tpu.memory_space<vmem>>, vector<1x16xf32>,
      %parallel_loop3A_434 = arith.constant 7 : i32
      %parallel_loop3A_435 = vector.broadcast %parallel_loop3A_434 : i32 to vector<16xi32>
      %parallel_loop3A_436 = arith.constant 0 : i32
      %parallel_loop3A_437 = vector.broadcast %parallel_loop3A_436 : i32 to vector<16xi32>
      %parallel_loop3A_438 = arith.cmpi slt, %parallel_loop3A_435, %parallel_loop3A_437 : vector<16xi32>
      %parallel_loop3A_439 = arith.constant 16 : i32
      %parallel_loop3A_440 = vector.broadcast %parallel_loop3A_439 : i32 to vector<16xi32>
      %parallel_loop3A_441 = arith.addi %parallel_loop3A_435, %parallel_loop3A_440 : vector<16xi32>
      %parallel_loop3A_442 = arith.select %parallel_loop3A_438, %parallel_loop3A_441, %parallel_loop3A_435 : vector<16xi1>, vector<16xi32>
      %parallel_loop3A_443 = vector.shape_cast %parallel_loop3A_442 : vector<16xi32> to vector<16x1xi32>
      %parallel_loop3A_444 = vector.shape_cast %parallel_loop3A_443 : vector<16x1xi32> to vector<16xi32>
      %parallel_loop3A_445 = tpu.dynamic_gather %parallel_loop3A_274[%parallel_loop3A_444] in [0] : vector<16xf32>, vector<16xi32> -> vector<16xf32>
      %parallel_loop3A_446 = arith.index_cast %parallel_loop3A_256 : i32 to index
      %parallel_loop3A_447 = arith.constant 112 : index
      %parallel_loop3A_448 = tpu.vector_load %arg26[%parallel_loop3A_446, %parallel_loop3A_447] {strides = array<i32>} : memref<80x128xf32, #tpu.memory_space<vmem>>, vector<1x16xf32>,
      %parallel_loop3A_449 = vector.shape_cast %parallel_loop3A_448 : vector<1x16xf32> to vector<16xf32>
      %parallel_loop3A_450 = arith.mulf %parallel_loop3A_449, %parallel_loop3A_445 : vector<16xf32>
      %parallel_loop3A_451 = arith.index_cast %parallel_loop3A_256 : i32 to index
      %parallel_loop3A_452 = arith.constant 112 : index
      %parallel_loop3A_453 = tpu.vector_load %arg26[%parallel_loop3A_451, %parallel_loop3A_452] {strides = array<i32>} : memref<80x128xf32, #tpu.memory_space<vmem>>, vector<1x16xf32>,
      %parallel_loop3A_454 = vector.shape_cast %parallel_loop3A_453 : vector<1x16xf32> to vector<16xf32>
      %parallel_loop3A_455 = vector.shape_cast %parallel_loop3A_450 : vector<16xf32> to vector<1x16xf32>
      tpu.vector_store %arg26[%parallel_loop3A_451, %parallel_loop3A_452], %parallel_loop3A_455 {strides = array<i32>} : memref<80x128xf32, #tpu.memory_space<vmem>>, vector<1x16xf32>,
    } {sc.loop_unroll_factor = 4 : i64, sc.parallel_access}
    %dma_start3A_226 = arith.constant 0 : i32
    %dma_start3A_227 = arith.constant 0 : i32
    %dma_start3A_228 = tpu.memref_slice %arg39[%dma_start3A_226, %dma_start3A_227] : memref<10000x16xf32, #tpu.memory_space<vmem_shared>> -> memref<10000x16xf32, #tpu.memory_space<vmem_shared>>
    tpu.enqueue_indirect_dma source(%arg20 : memref<80x16xf32, #tpu.memory_space<vmem>>) target(%dma_start3A_228 : memref<10000x16xf32, #tpu.memory_space<vmem_shared>>) offsets(%arg17 : memref<80xi32, #tpu.memory_space<vmem>>) semaphore(%arg35 : memref<!tpu.dma_semaphore, #tpu.memory_space<semaphore_mem>>) {add = true}
    %dma_start3A_229 = arith.constant 0 : i32
    %dma_start3A_230 = arith.constant 0 : i32
    %dma_start3A_231 = tpu.memref_slice %arg38[%dma_start3A_229, %dma_start3A_230] : memref<10000x128xf32, #tpu.memory_space<vmem_shared>> -> memref<10000x128xf32, #tpu.memory_space<vmem_shared>>
    tpu.enqueue_indirect_dma source(%arg26 : memref<80x128xf32, #tpu.memory_space<vmem>>) target(%dma_start3A_231 : memref<10000x128xf32, #tpu.memory_space<vmem_shared>>) offsets(%arg17 : memref<80xi32, #tpu.memory_space<vmem>>) semaphore(%arg35 : memref<!tpu.dma_semaphore, #tpu.memory_space<semaphore_mem>>) {add = true}
    %dma_wait3A_232 = arith.constant 0 : i32
    %dma_wait3A_233 = arith.constant 0 : i32
    %dma_wait3A_234 = tpu.memref_slice %arg39[%dma_wait3A_232, %dma_wait3A_233] : memref<10000x16xf32, #tpu.memory_space<vmem_shared>> -> memref<10000x16xf32, #tpu.memory_space<vmem_shared>>
    tpu.wait_indirect_dma semaphore(%arg36 : memref<!tpu.dma_semaphore, #tpu.memory_space<semaphore_mem>>) src(%arg21 : memref<80x16xf32, #tpu.memory_space<vmem>>) dst(%dma_wait3A_234 : memref<10000x16xf32, #tpu.memory_space<vmem_shared>>)
    %dma_wait3A_235 = arith.constant 0 : i32
    %dma_wait3A_236 = arith.constant 0 : i32
    %dma_wait3A_237 = tpu.memref_slice %arg38[%dma_wait3A_235, %dma_wait3A_236] : memref<10000x128xf32, #tpu.memory_space<vmem_shared>> -> memref<10000x128xf32, #tpu.memory_space<vmem_shared>>
    tpu.wait_indirect_dma semaphore(%arg36 : memref<!tpu.dma_semaphore, #tpu.memory_space<semaphore_mem>>) src(%arg27 : memref<80x128xf32, #tpu.memory_space<vmem>>) dst(%dma_wait3A_237 : memref<10000x128xf32, #tpu.memory_space<vmem_shared>>)
    %dma_wait3A_238 = arith.constant 0 : i32
    %dma_wait3A_239 = arith.constant 0 : i32
    %dma_wait3A_240 = tpu.memref_slice %arg39[%dma_wait3A_238, %dma_wait3A_239] : memref<10000x16xf32, #tpu.memory_space<vmem_shared>> -> memref<10000x16xf32, #tpu.memory_space<vmem_shared>>
    tpu.wait_indirect_dma semaphore(%arg34 : memref<!tpu.dma_semaphore, #tpu.memory_space<semaphore_mem>>) src(%arg19 : memref<80x16xf32, #tpu.memory_space<vmem>>) dst(%dma_wait3A_240 : memref<10000x16xf32, #tpu.memory_space<vmem_shared>>)
    %dma_wait3A_241 = arith.constant 0 : i32
    %dma_wait3A_242 = arith.constant 0 : i32
    %dma_wait3A_243 = tpu.memref_slice %arg38[%dma_wait3A_241, %dma_wait3A_242] : memref<10000x128xf32, #tpu.memory_space<vmem_shared>> -> memref<10000x128xf32, #tpu.memory_space<vmem_shared>>
    tpu.wait_indirect_dma semaphore(%arg34 : memref<!tpu.dma_semaphore, #tpu.memory_space<semaphore_mem>>) src(%arg25 : memref<80x128xf32, #tpu.memory_space<vmem>>) dst(%dma_wait3A_243 : memref<10000x128xf32, #tpu.memory_space<vmem_shared>>)
    %dma_wait3A_244 = arith.constant 0 : i32
    %dma_wait3A_245 = arith.constant 0 : i32
    %dma_wait3A_246 = tpu.memref_slice %arg39[%dma_wait3A_244, %dma_wait3A_245] : memref<10000x16xf32, #tpu.memory_space<vmem_shared>> -> memref<10000x16xf32, #tpu.memory_space<vmem_shared>>
    tpu.wait_indirect_dma semaphore(%arg35 : memref<!tpu.dma_semaphore, #tpu.memory_space<semaphore_mem>>) src(%arg20 : memref<80x16xf32, #tpu.memory_space<vmem>>) dst(%dma_wait3A_246 : memref<10000x16xf32, #tpu.memory_space<vmem_shared>>)
    %dma_wait3A_247 = arith.constant 0 : i32
    %dma_wait3A_248 = arith.constant 0 : i32
    %dma_wait3A_249 = tpu.memref_slice %arg38[%dma_wait3A_247, %dma_wait3A_248] : memref<10000x128xf32, #tpu.memory_space<vmem_shared>> -> memref<10000x128xf32, #tpu.memory_space<vmem_shared>>
    tpu.wait_indirect_dma semaphore(%arg35 : memref<!tpu.dma_semaphore, #tpu.memory_space<semaphore_mem>>) src(%arg26 : memref<80x128xf32, #tpu.memory_space<vmem>>) dst(%dma_wait3A_249 : memref<10000x128xf32, #tpu.memory_space<vmem_shared>>)
    %barrier3A_250 = arith.constant 0 : index
    tpu.barrier barrier_id(%barrier3A_250)
    "tpu.region"() ({
      %run_scoped3A = tpu.sem_alloc : memref<!tpu.dma_semaphore, #tpu.memory_space<semaphore_mem>>
      %dma_start3A_256 = arith.constant 0 : i32
      %dma_start3A_257 = tpu.memref_slice %arg8[%arg0, %mul3A_7, %dma_start3A_256] : memref<2x10000x128xf32, #tpu.memory_space<hbm>> -> memref<1x624x128xf32, #tpu.memory_space<hbm>>
      %dma_start3A_258 = tpu.memref_squeeze %dma_start3A_257 : memref<1x624x128xf32, #tpu.memory_space<hbm>> -> memref<624x128xf32, #tpu.memory_space<hbm>>
      %dma_start3A_259 = arith.constant 0 : i32
      %dma_start3A_260 = tpu.memref_slice %arg38[%mul3A_7, %dma_start3A_259] : memref<10000x128xf32, #tpu.memory_space<vmem_shared>> -> memref<624x128xf32, #tpu.memory_space<vmem_shared>>
      tpu.enqueue_dma source(%dma_start3A_260 : memref<624x128xf32, #tpu.memory_space<vmem_shared>>) target(%dma_start3A_258 : memref<624x128xf32, #tpu.memory_space<hbm>>) target_semaphore(%run_scoped3A : memref<!tpu.dma_semaphore, #tpu.memory_space<semaphore_mem>>)
      %dma_wait3A_261 = arith.constant 0 : i32
      %dma_wait3A_262 = tpu.memref_slice %arg8[%arg0, %mul3A_7, %dma_wait3A_261] : memref<2x10000x128xf32, #tpu.memory_space<hbm>> -> memref<1x624x128xf32, #tpu.memory_space<hbm>>
      %dma_wait3A_263 = tpu.memref_squeeze %dma_wait3A_262 : memref<1x624x128xf32, #tpu.memory_space<hbm>> -> memref<624x128xf32, #tpu.memory_space<hbm>>
      %dma_wait3A_264 = arith.constant 0 : i32
      %dma_wait3A_265 = tpu.memref_slice %arg38[%mul3A_7, %dma_wait3A_264] : memref<10000x128xf32, #tpu.memory_space<vmem_shared>> -> memref<624x128xf32, #tpu.memory_space<vmem_shared>>
      tpu.wait_dma2 semaphore(%run_scoped3A : memref<!tpu.dma_semaphore, #tpu.memory_space<semaphore_mem>>) src(%dma_wait3A_265 : memref<624x128xf32, #tpu.memory_space<vmem_shared>>) dst(%dma_wait3A_263 : memref<624x128xf32, #tpu.memory_space<hbm>>)
      tpu.yield
    }) : () -> ()
    "tpu.region"() ({
      %run_scoped3A = tpu.sem_alloc : memref<!tpu.dma_semaphore, #tpu.memory_space<semaphore_mem>>
      %dma_start3A_256 = arith.constant 0 : i32
      %dma_start3A_257 = tpu.memref_slice %arg9[%arg0, %mul3A_7, %dma_start3A_256] : memref<2x10000x16xf32, #tpu.memory_space<hbm>> -> memref<1x624x16xf32, #tpu.memory_space<hbm>>
      %dma_start3A_258 = tpu.memref_squeeze %dma_start3A_257 : memref<1x624x16xf32, #tpu.memory_space<hbm>> -> memref<624x16xf32, #tpu.memory_space<hbm>>
      %dma_start3A_259 = arith.constant 0 : i32
      %dma_start3A_260 = tpu.memref_slice %arg39[%mul3A_7, %dma_start3A_259] : memref<10000x16xf32, #tpu.memory_space<vmem_shared>> -> memref<624x16xf32, #tpu.memory_space<vmem_shared>>
      tpu.enqueue_dma source(%dma_start3A_260 : memref<624x16xf32, #tpu.memory_space<vmem_shared>>) target(%dma_start3A_258 : memref<624x16xf32, #tpu.memory_space<hbm>>) target_semaphore(%run_scoped3A : memref<!tpu.dma_semaphore, #tpu.memory_space<semaphore_mem>>)
      %dma_wait3A_261 = arith.constant 0 : i32
      %dma_wait3A_262 = tpu.memref_slice %arg9[%arg0, %mul3A_7, %dma_wait3A_261] : memref<2x10000x16xf32, #tpu.memory_space<hbm>> -> memref<1x624x16xf32, #tpu.memory_space<hbm>>
      %dma_wait3A_263 = tpu.memref_squeeze %dma_wait3A_262 : memref<1x624x16xf32, #tpu.memory_space<hbm>> -> memref<624x16xf32, #tpu.memory_space<hbm>>
      %dma_wait3A_264 = arith.constant 0 : i32
      %dma_wait3A_265 = tpu.memref_slice %arg39[%mul3A_7, %dma_wait3A_264] : memref<10000x16xf32, #tpu.memory_space<vmem_shared>> -> memref<624x16xf32, #tpu.memory_space<vmem_shared>>
      tpu.wait_dma2 semaphore(%run_scoped3A : memref<!tpu.dma_semaphore, #tpu.memory_space<semaphore_mem>>) src(%dma_wait3A_265 : memref<624x16xf32, #tpu.memory_space<vmem_shared>>) dst(%dma_wait3A_263 : memref<624x16xf32, #tpu.memory_space<hbm>>)
      tpu.yield
    }) : () -> ()
    %eq3A_251 = arith.constant 15 : i32
    %eq3A_252 = arith.cmpi eq, %arg1, %eq3A_251 : i32
    %convert_element_type3A_253 = arith.extui %eq3A_252 : i1 to i32
    %cond3A_254 = arith.constant 0 : i32
    %cond3A_255 = arith.cmpi ne, %convert_element_type3A_253, %cond3A_254 : i32
    scf.if %cond3A_255 {
      "tpu.region"() ({
        %run_scoped3A = tpu.sem_alloc : memref<!tpu.dma_semaphore, #tpu.memory_space<semaphore_mem>>
        %dma_start3A_256 = arith.constant 9984 : i32
        %dma_start3A_257 = arith.constant 0 : i32
        %dma_start3A_258 = tpu.memref_slice %arg8[%arg0, %dma_start3A_256, %dma_start3A_257] : memref<2x10000x128xf32, #tpu.memory_space<hbm>> -> memref<1x16x128xf32, #tpu.memory_space<hbm>>
        %dma_start3A_259 = tpu.memref_squeeze %dma_start3A_258 : memref<1x16x128xf32, #tpu.memory_space<hbm>> -> memref<16x128xf32, #tpu.memory_space<hbm>>
        %dma_start3A_260 = arith.constant 9984 : i32
        %dma_start3A_261 = arith.constant 0 : i32
        %dma_start3A_262 = tpu.memref_slice %arg38[%dma_start3A_260, %dma_start3A_261] : memref<10000x128xf32, #tpu.memory_space<vmem_shared>> -> memref<16x128xf32, #tpu.memory_space<vmem_shared>>
        tpu.enqueue_dma source(%dma_start3A_262 : memref<16x128xf32, #tpu.memory_space<vmem_shared>>) target(%dma_start3A_259 : memref<16x128xf32, #tpu.memory_space<hbm>>) target_semaphore(%run_scoped3A : memref<!tpu.dma_semaphore, #tpu.memory_space<semaphore_mem>>)
        %dma_wait3A_263 = arith.constant 9984 : i32
        %dma_wait3A_264 = arith.constant 0 : i32
        %dma_wait3A_265 = tpu.memref_slice %arg8[%arg0, %dma_wait3A_263, %dma_wait3A_264] : memref<2x10000x128xf32, #tpu.memory_space<hbm>> -> memref<1x16x128xf32, #tpu.memory_space<hbm>>
        %dma_wait3A_266 = tpu.memref_squeeze %dma_wait3A_265 : memref<1x16x128xf32, #tpu.memory_space<hbm>> -> memref<16x128xf32, #tpu.memory_space<hbm>>
        %dma_wait3A_267 = arith.constant 9984 : i32
        %dma_wait3A_268 = arith.constant 0 : i32
        %dma_wait3A_269 = tpu.memref_slice %arg38[%dma_wait3A_267, %dma_wait3A_268] : memref<10000x128xf32, #tpu.memory_space<vmem_shared>> -> memref<16x128xf32, #tpu.memory_space<vmem_shared>>
        tpu.wait_dma2 semaphore(%run_scoped3A : memref<!tpu.dma_semaphore, #tpu.memory_space<semaphore_mem>>) src(%dma_wait3A_269 : memref<16x128xf32, #tpu.memory_space<vmem_shared>>) dst(%dma_wait3A_266 : memref<16x128xf32, #tpu.memory_space<hbm>>)
        tpu.yield
      }) : () -> ()
      "tpu.region"() ({
        %run_scoped3A = tpu.sem_alloc : memref<!tpu.dma_semaphore, #tpu.memory_space<semaphore_mem>>
        %dma_start3A_256 = arith.constant 9984 : i32
        %dma_start3A_257 = arith.constant 0 : i32
        %dma_start3A_258 = tpu.memref_slice %arg9[%arg0, %dma_start3A_256, %dma_start3A_257] : memref<2x10000x16xf32, #tpu.memory_space<hbm>> -> memref<1x16x16xf32, #tpu.memory_space<hbm>>
        %dma_start3A_259 = tpu.memref_squeeze %dma_start3A_258 : memref<1x16x16xf32, #tpu.memory_space<hbm>> -> memref<16x16xf32, #tpu.memory_space<hbm>>
        %dma_start3A_260 = arith.constant 9984 : i32
        %dma_start3A_261 = arith.constant 0 : i32
        %dma_start3A_262 = tpu.memref_slice %arg39[%dma_start3A_260, %dma_start3A_261] : memref<10000x16xf32, #tpu.memory_space<vmem_shared>> -> memref<16x16xf32, #tpu.memory_space<vmem_shared>>
        tpu.enqueue_dma source(%dma_start3A_262 : memref<16x16xf32, #tpu.memory_space<vmem_shared>>) target(%dma_start3A_259 : memref<16x16xf32, #tpu.memory_space<hbm>>) target_semaphore(%run_scoped3A : memref<!tpu.dma_semaphore, #tpu.memory_space<semaphore_mem>>)
        %dma_wait3A_263 = arith.constant 9984 : i32
        %dma_wait3A_264 = arith.constant 0 : i32
        %dma_wait3A_265 = tpu.memref_slice %arg9[%arg0, %dma_wait3A_263, %dma_wait3A_264] : memref<2x10000x16xf32, #tpu.memory_space<hbm>> -> memref<1x16x16xf32, #tpu.memory_space<hbm>>
        %dma_wait3A_266 = tpu.memref_squeeze %dma_wait3A_265 : memref<1x16x16xf32, #tpu.memory_space<hbm>> -> memref<16x16xf32, #tpu.memory_space<hbm>>
        %dma_wait3A_267 = arith.constant 9984 : i32
        %dma_wait3A_268 = arith.constant 0 : i32
        %dma_wait3A_269 = tpu.memref_slice %arg39[%dma_wait3A_267, %dma_wait3A_268] : memref<10000x16xf32, #tpu.memory_space<vmem_shared>> -> memref<16x16xf32, #tpu.memory_space<vmem_shared>>
        tpu.wait_dma2 semaphore(%run_scoped3A : memref<!tpu.dma_semaphore, #tpu.memory_space<semaphore_mem>>) src(%dma_wait3A_269 : memref<16x16xf32, #tpu.memory_space<vmem_shared>>) dst(%dma_wait3A_266 : memref<16x16xf32, #tpu.memory_space<hbm>>)
        tpu.yield
      }) : () -> ()
    } else {
    }
    return
  }
}

module attributes {stable_mosaic.version = 14 : i64} {
  func.func @_tc_prep_body(%arg0: i32, %arg1: memref<2000x128xf32, #tpu.memory_space<vmem>>, %arg2: memref<2000x128xf32, #tpu.memory_space<vmem>>, %arg3: memref<128x128xf32, #tpu.memory_space<vmem>>, %arg4: memref<1x128xf32, #tpu.memory_space<vmem>>, %arg5: memref<128x128xf32, #tpu.memory_space<vmem>>, %arg6: memref<1x128xf32, #tpu.memory_space<vmem>>, %arg7: memref<128x16xf32, #tpu.memory_space<vmem>>, %arg8: memref<128x16xf32, #tpu.memory_space<vmem>>, %arg9: memref<2000x128xf32, #tpu.memory_space<vmem>>, %arg10: memref<2000x16xf32, #tpu.memory_space<vmem>>, %arg11: memref<2000x16xf32, #tpu.memory_space<vmem>>, %arg12: memref<8x16xf32, #tpu.memory_space<vmem>>) attributes {dimension_semantics = [#tpu.dimension_semantics<arbitrary>], iteration_bounds = array<i64: 5>, scalar_prefetch = 0 : i64, scratch_operands = 0 : i64, tpu.core_type = #tpu.core_type<tc>, window_params = [{transform_indices = @transform_0, window_bounds = array<i64: 2000, 128>}, {transform_indices = @transform_1, window_bounds = array<i64: 2000, 128>}, {pipeline_mode = #tpu.pipeline_mode<synchronous>, transform_indices = @transform_2, window_bounds = array<i64: 128, 128>}, {pipeline_mode = #tpu.pipeline_mode<synchronous>, transform_indices = @transform_3, window_bounds = array<i64: 1, 128>}, {pipeline_mode = #tpu.pipeline_mode<synchronous>, transform_indices = @transform_4, window_bounds = array<i64: 128, 128>}, {pipeline_mode = #tpu.pipeline_mode<synchronous>, transform_indices = @transform_5, window_bounds = array<i64: 1, 128>}, {pipeline_mode = #tpu.pipeline_mode<synchronous>, transform_indices = @transform_6, window_bounds = array<i64: 128, 16>}, {pipeline_mode = #tpu.pipeline_mode<synchronous>, transform_indices = @transform_7, window_bounds = array<i64: 128, 16>}, {transform_indices = @transform_8, window_bounds = array<i64: 2000, 128>}, {transform_indices = @transform_9, window_bounds = array<i64: 2000, 16>}, {transform_indices = @transform_10, window_bounds = array<i64: 2000, 16>}, {pipeline_mode = #tpu.pipeline_mode<synchronous>, transform_indices = @transform_11, window_bounds = array<i64: 8, 16>}]} {
    %get3A = arith.constant 0 : index
    %get3A_0 = arith.constant 0 : index
    %get3A_1 = vector.load %arg1[%get3A, %get3A_0] : memref<2000x128xf32, #tpu.memory_space<vmem>>, vector<2000x128xf32>
    %get3A_2 = arith.constant 0 : index
    %get3A_3 = arith.constant 0 : index
    %get3A_4 = vector.load %arg3[%get3A_2, %get3A_3] : memref<128x128xf32, #tpu.memory_space<vmem>>, vector<128x128xf32>
    %dot_general3A = arith.constant dense<0.000000e+00> : vector<2000x128xf32>
    %dot_general3A_5 = tpu.matmul %get3A_1, %get3A_4, %dot_general3A {dimension_numbers = #tpu.dot_dimension_numbers<[1], [0], [0], [1], [0, 0, 1, 1], [], []>, transpose_lhs_hint = false} : vector<2000x128xf32>, vector<128x128xf32>, vector<2000x128xf32> -> vector<2000x128xf32>
    %get3A_6 = arith.constant 0 : index
    %get3A_7 = arith.constant 0 : index
    %get3A_8 = vector.load %arg4[%get3A_6, %get3A_7] : memref<1x128xf32, #tpu.memory_space<vmem>>, vector<1x128xf32>
    %add3A = vector.broadcast %get3A_8 : vector<1x128xf32> to vector<2000x128xf32>
    %add3A_9 = arith.addf %dot_general3A_5, %add3A : vector<2000x128xf32>
    %swap3A = arith.constant 0 : index
    %swap3A_10 = arith.constant 0 : index
    %swap3A_11 = vector.load %arg9[%swap3A, %swap3A_10] : memref<2000x128xf32, #tpu.memory_space<vmem>>, vector<2000x128xf32>
    tpu.vector_store %arg9[%swap3A, %swap3A_10], %add3A_9 {strides = array<i32>} : memref<2000x128xf32, #tpu.memory_space<vmem>>, vector<2000x128xf32>,
    %get3A_12 = arith.constant 0 : index
    %get3A_13 = arith.constant 0 : index
    %get3A_14 = vector.load %arg7[%get3A_12, %get3A_13] : memref<128x16xf32, #tpu.memory_space<vmem>>, vector<128x16xf32>
    %dot_general3A_15 = arith.constant dense<0.000000e+00> : vector<2000x16xf32>
    %dot_general3A_16 = tpu.matmul %add3A_9, %get3A_14, %dot_general3A_15 {dimension_numbers = #tpu.dot_dimension_numbers<[1], [0], [0], [1], [0, 0, 1, 1], [], []>, transpose_lhs_hint = false} : vector<2000x128xf32>, vector<128x16xf32>, vector<2000x16xf32> -> vector<2000x16xf32>
    %swap3A_17 = arith.constant 0 : index
    %swap3A_18 = arith.constant 0 : index
    %swap3A_19 = vector.load %arg10[%swap3A_17, %swap3A_18] : memref<2000x16xf32, #tpu.memory_space<vmem>>, vector<2000x16xf32>
    tpu.vector_store %arg10[%swap3A_17, %swap3A_18], %dot_general3A_16 {strides = array<i32>} : memref<2000x16xf32, #tpu.memory_space<vmem>>, vector<2000x16xf32>,
    %get3A_20 = arith.constant 0 : index
    %get3A_21 = arith.constant 0 : index
    %get3A_22 = vector.load %arg2[%get3A_20, %get3A_21] : memref<2000x128xf32, #tpu.memory_space<vmem>>, vector<2000x128xf32>
    %get3A_23 = arith.constant 0 : index
    %get3A_24 = arith.constant 0 : index
    %get3A_25 = vector.load %arg5[%get3A_23, %get3A_24] : memref<128x128xf32, #tpu.memory_space<vmem>>, vector<128x128xf32>
    %dot_general3A_26 = arith.constant dense<0.000000e+00> : vector<2000x128xf32>
    %dot_general3A_27 = tpu.matmul %get3A_22, %get3A_25, %dot_general3A_26 {dimension_numbers = #tpu.dot_dimension_numbers<[1], [0], [0], [1], [0, 0, 1, 1], [], []>, transpose_lhs_hint = false} : vector<2000x128xf32>, vector<128x128xf32>, vector<2000x128xf32> -> vector<2000x128xf32>
    %get3A_28 = arith.constant 0 : index
    %get3A_29 = arith.constant 0 : index
    %get3A_30 = vector.load %arg6[%get3A_28, %get3A_29] : memref<1x128xf32, #tpu.memory_space<vmem>>, vector<1x128xf32>
    %add3A_31 = vector.broadcast %get3A_30 : vector<1x128xf32> to vector<2000x128xf32>
    %add3A_32 = arith.addf %dot_general3A_27, %add3A_31 : vector<2000x128xf32>
    %get3A_33 = arith.constant 0 : index
    %get3A_34 = arith.constant 0 : index
    %get3A_35 = vector.load %arg8[%get3A_33, %get3A_34] : memref<128x16xf32, #tpu.memory_space<vmem>>, vector<128x16xf32>
    %dot_general3A_36 = arith.constant dense<0.000000e+00> : vector<2000x16xf32>
    %dot_general3A_37 = tpu.matmul %add3A_32, %get3A_35, %dot_general3A_36 {dimension_numbers = #tpu.dot_dimension_numbers<[1], [0], [0], [1], [0, 0, 1, 1], [], []>, transpose_lhs_hint = false} : vector<2000x128xf32>, vector<128x16xf32>, vector<2000x16xf32> -> vector<2000x16xf32>
    %swap3A_38 = arith.constant 0 : index
    %swap3A_39 = arith.constant 0 : index
    %swap3A_40 = vector.load %arg11[%swap3A_38, %swap3A_39] : memref<2000x16xf32, #tpu.memory_space<vmem>>, vector<2000x16xf32>
    tpu.vector_store %arg11[%swap3A_38, %swap3A_39], %dot_general3A_37 {strides = array<i32>} : memref<2000x16xf32, #tpu.memory_space<vmem>>, vector<2000x16xf32>,
    %reduce_max3A = arith.constant dense<0xFF800000> : vector<16xf32>
    %reduce_max3A_41 = vector.multi_reduction <maximumf>, %dot_general3A_16, %reduce_max3A [0] : vector<2000x16xf32> to vector<16xf32>
    %broadcast_in_dim3A = vector.shape_cast %reduce_max3A_41 : vector<16xf32> to vector<1x16xf32>
    %reduce_max3A_42 = arith.constant dense<0xFF800000> : vector<16xf32>
    %reduce_max3A_43 = vector.multi_reduction <maximumf>, %dot_general3A_37, %reduce_max3A_42 [0] : vector<2000x16xf32> to vector<16xf32>
    %broadcast_in_dim3A_44 = vector.shape_cast %reduce_max3A_43 : vector<16xf32> to vector<1x16xf32>
    %iota3A = tpu.iota {dimensions = array<i32: 0>} : vector<8x16xi32>
    %eq3A = arith.constant 0 : i32
    %eq3A_45 = vector.broadcast %eq3A : i32 to vector<8x16xi32>
    %eq3A_46 = arith.cmpi eq, %iota3A, %eq3A_45 : vector<8x16xi32>
    %eq3A_47 = arith.constant 1 : i32
    %eq3A_48 = vector.broadcast %eq3A_47 : i32 to vector<8x16xi32>
    %eq3A_49 = arith.cmpi eq, %iota3A, %eq3A_48 : vector<8x16xi32>
    %jit3A = arith.constant 0xFF800000 : f32
    %broadcast_in_dim3A_50 = vector.shape_cast %broadcast_in_dim3A_44 : vector<1x16xf32> to vector<1x16xf32>
    %broadcast_in_dim3A_51 = vector.broadcast %broadcast_in_dim3A_50 : vector<1x16xf32> to vector<8x16xf32>
    %broadcast_in_dim3A_52 = vector.broadcast %jit3A : f32 to vector<8x16xf32>
    %select_n3A = arith.select %eq3A_49, %broadcast_in_dim3A_51, %broadcast_in_dim3A_52 : vector<8x16xi1>, vector<8x16xf32>
    %broadcast_in_dim3A_53 = vector.shape_cast %broadcast_in_dim3A : vector<1x16xf32> to vector<1x16xf32>
    %broadcast_in_dim3A_54 = vector.broadcast %broadcast_in_dim3A_53 : vector<1x16xf32> to vector<8x16xf32>
    %select_n3A_55 = arith.select %eq3A_46, %broadcast_in_dim3A_54, %select_n3A : vector<8x16xi1>, vector<8x16xf32>
    %eq3A_56 = arith.constant 0 : i32
    %eq3A_57 = arith.cmpi eq, %arg0, %eq3A_56 : i32
    %convert_element_type3A = arith.extui %eq3A_57 : i1 to i32
    %cond3A = arith.constant 0 : i32
    %cond3A_58 = arith.cmpi ne, %convert_element_type3A, %cond3A : i32
    scf.if %cond3A_58 {
      %swap3A_63 = arith.constant 0 : index
      %swap3A_64 = arith.constant 0 : index
      %swap3A_65 = vector.load %arg12[%swap3A_63, %swap3A_64] : memref<8x16xf32, #tpu.memory_space<vmem>>, vector<8x16xf32>
      tpu.vector_store %arg12[%swap3A_63, %swap3A_64], %select_n3A_55 {strides = array<i32>} : memref<8x16xf32, #tpu.memory_space<vmem>>, vector<8x16xf32>,
    } else {
    }
    %ne3A = arith.constant 0 : i32
    %ne3A_59 = arith.cmpi ne, %arg0, %ne3A : i32
    %convert_element_type3A_60 = arith.extui %ne3A_59 : i1 to i32
    %cond3A_61 = arith.constant 0 : i32
    %cond3A_62 = arith.cmpi ne, %convert_element_type3A_60, %cond3A_61 : i32
    scf.if %cond3A_62 {
      %get3A_63 = arith.constant 0 : index
      %get3A_64 = arith.constant 0 : index
      %get3A_65 = vector.load %arg12[%get3A_63, %get3A_64] : memref<8x16xf32, #tpu.memory_space<vmem>>, vector<8x16xf32>
      %max3A = arith.maximumf %get3A_65, %select_n3A_55 : vector<8x16xf32>
      %swap3A_66 = arith.constant 0 : index
      %swap3A_67 = arith.constant 0 : index
      %swap3A_68 = vector.load %arg12[%swap3A_66, %swap3A_67] : memref<8x16xf32, #tpu.memory_space<vmem>>, vector<8x16xf32>
      tpu.vector_store %arg12[%swap3A_66, %swap3A_67], %max3A {strides = array<i32>} : memref<8x16xf32, #tpu.memory_space<vmem>>, vector<8x16xf32>,
    } else {
    }
    return
  }
  func.func @transform_0(%arg0: i32) -> (i32, i32) {
    %c0_i32 = arith.constant 0 : i32
    %c0_i32_0 = arith.constant 0 : i32
    return %arg0, %c0_i32 : i32, i32
  }
  func.func @transform_1(%arg0: i32) -> (i32, i32) {
    %c0_i32 = arith.constant 0 : i32
    %c0_i32_0 = arith.constant 0 : i32
    return %arg0, %c0_i32 : i32, i32
  }
  func.func @transform_2(%arg0: i32) -> (i32, i32) {
    %c0_i32 = arith.constant 0 : i32
    %c0_i32_0 = arith.constant 0 : i32
    %c0_i32_1 = arith.constant 0 : i32
    return %c0_i32, %c0_i32_0 : i32, i32
  }
  func.func @transform_3(%arg0: i32) -> (i32, i32) {
    %c0_i32 = arith.constant 0 : i32
    %c0_i32_0 = arith.constant 0 : i32
    %c0_i32_1 = arith.constant 0 : i32
    return %c0_i32, %c0_i32_0 : i32, i32
  }
  func.func @transform_4(%arg0: i32) -> (i32, i32) {
    %c0_i32 = arith.constant 0 : i32
    %c0_i32_0 = arith.constant 0 : i32
    %c0_i32_1 = arith.constant 0 : i32
    return %c0_i32, %c0_i32_0 : i32, i32
  }
  func.func @transform_5(%arg0: i32) -> (i32, i32) {
    %c0_i32 = arith.constant 0 : i32
    %c0_i32_0 = arith.constant 0 : i32
    %c0_i32_1 = arith.constant 0 : i32
    return %c0_i32, %c0_i32_0 : i32, i32
  }
  func.func @transform_6(%arg0: i32) -> (i32, i32) {
    %c0_i32 = arith.constant 0 : i32
    %c0_i32_0 = arith.constant 0 : i32
    %c0_i32_1 = arith.constant 0 : i32
    return %c0_i32, %c0_i32_0 : i32, i32
  }
  func.func @transform_7(%arg0: i32) -> (i32, i32) {
    %c0_i32 = arith.constant 0 : i32
    %c0_i32_0 = arith.constant 0 : i32
    %c0_i32_1 = arith.constant 0 : i32
    return %c0_i32, %c0_i32_0 : i32, i32
  }
  func.func @transform_8(%arg0: i32) -> (i32, i32) {
    %c0_i32 = arith.constant 0 : i32
    %c0_i32_0 = arith.constant 0 : i32
    return %arg0, %c0_i32 : i32, i32
  }
  func.func @transform_9(%arg0: i32) -> (i32, i32) {
    %c0_i32 = arith.constant 0 : i32
    %c0_i32_0 = arith.constant 0 : i32
    return %arg0, %c0_i32 : i32, i32
  }
  func.func @transform_10(%arg0: i32) -> (i32, i32) {
    %c0_i32 = arith.constant 0 : i32
    %c0_i32_0 = arith.constant 0 : i32
    return %arg0, %c0_i32 : i32, i32
  }
  func.func @transform_11(%arg0: i32) -> (i32, i32) {
    %c0_i32 = arith.constant 0 : i32
    %c0_i32_0 = arith.constant 0 : i32
    %c0_i32_1 = arith.constant 0 : i32
    return %c0_i32, %c0_i32_0 : i32, i32
  }
}

module attributes {stable_mosaic.version = 14 : i64} {
  func.func @_tc_final_body(%arg0: i32, %arg1: memref<2x2000x128xf32, #tpu.memory_space<vmem>>, %arg2: memref<2x2000x16xf32, #tpu.memory_space<vmem>>, %arg3: memref<16x128xf32, #tpu.memory_space<vmem>>, %arg4: memref<128x64xf32, #tpu.memory_space<vmem>>, %arg5: memref<1x64xf32, #tpu.memory_space<vmem>>, %arg6: memref<2000x64xf32, #tpu.memory_space<vmem>>) attributes {dimension_semantics = [#tpu.dimension_semantics<arbitrary>], iteration_bounds = array<i64: 5>, scalar_prefetch = 0 : i64, scratch_operands = 0 : i64, tpu.core_type = #tpu.core_type<tc>, window_params = [{transform_indices = @transform_0, window_bounds = array<i64: 2, 2000, 128>}, {transform_indices = @transform_1, window_bounds = array<i64: 2, 2000, 16>}, {pipeline_mode = #tpu.pipeline_mode<synchronous>, transform_indices = @transform_2, window_bounds = array<i64: 16, 128>}, {pipeline_mode = #tpu.pipeline_mode<synchronous>, transform_indices = @transform_3, window_bounds = array<i64: 128, 64>}, {pipeline_mode = #tpu.pipeline_mode<synchronous>, transform_indices = @transform_4, window_bounds = array<i64: 1, 64>}, {transform_indices = @transform_5, window_bounds = array<i64: 2000, 64>}]} {
    %get3A = arith.constant 0 : index
    %get3A_0 = arith.constant 0 : index
    %get3A_1 = arith.constant 0 : index
    %get3A_2 = vector.load %arg1[%get3A, %get3A_0, %get3A_1] : memref<2x2000x128xf32, #tpu.memory_space<vmem>>, vector<1x2000x128xf32>
    %get3A_3 = vector.shape_cast %get3A_2 : vector<1x2000x128xf32> to vector<2000x128xf32>
    %get3A_4 = arith.constant 1 : index
    %get3A_5 = arith.constant 0 : index
    %get3A_6 = arith.constant 0 : index
    %get3A_7 = vector.load %arg1[%get3A_4, %get3A_5, %get3A_6] : memref<2x2000x128xf32, #tpu.memory_space<vmem>>, vector<1x2000x128xf32>
    %get3A_8 = vector.shape_cast %get3A_7 : vector<1x2000x128xf32> to vector<2000x128xf32>
    %add3A = arith.addf %get3A_3, %get3A_8 : vector<2000x128xf32>
    %get3A_9 = arith.constant 0 : index
    %get3A_10 = arith.constant 0 : index
    %get3A_11 = arith.constant 0 : index
    %get3A_12 = vector.load %arg2[%get3A_9, %get3A_10, %get3A_11] : memref<2x2000x16xf32, #tpu.memory_space<vmem>>, vector<1x2000x16xf32>
    %get3A_13 = vector.shape_cast %get3A_12 : vector<1x2000x16xf32> to vector<2000x16xf32>
    %get3A_14 = arith.constant 1 : index
    %get3A_15 = arith.constant 0 : index
    %get3A_16 = arith.constant 0 : index
    %get3A_17 = vector.load %arg2[%get3A_14, %get3A_15, %get3A_16] : memref<2x2000x16xf32, #tpu.memory_space<vmem>>, vector<1x2000x16xf32>
    %get3A_18 = vector.shape_cast %get3A_17 : vector<1x2000x16xf32> to vector<2000x16xf32>
    %add3A_19 = arith.addf %get3A_13, %get3A_18 : vector<2000x16xf32>
    %get3A_20 = arith.constant 0 : index
    %get3A_21 = arith.constant 0 : index
    %get3A_22 = vector.load %arg3[%get3A_20, %get3A_21] : memref<16x128xf32, #tpu.memory_space<vmem>>, vector<16x128xf32>
    %dot_general3A = arith.constant dense<0.000000e+00> : vector<2000x128xf32>
    %dot_general3A_23 = tpu.matmul %add3A_19, %get3A_22, %dot_general3A {dimension_numbers = #tpu.dot_dimension_numbers<[1], [0], [0], [1], [0, 0, 1, 1], [], []>, transpose_lhs_hint = false} : vector<2000x16xf32>, vector<16x128xf32>, vector<2000x128xf32> -> vector<2000x128xf32>
    %max3A = arith.constant 0.000000e+00 : f32
    %max3A_24 = vector.broadcast %max3A : f32 to vector<2000x128xf32>
    %max3A_25 = arith.maximumf %add3A, %max3A_24 : vector<2000x128xf32>
    %add3A_26 = arith.constant 1.000000e-16 : f32
    %add3A_27 = vector.broadcast %add3A_26 : f32 to vector<2000x128xf32>
    %add3A_28 = arith.addf %dot_general3A_23, %add3A_27 : vector<2000x128xf32>
    %div3A = arith.divf %max3A_25, %add3A_28 : vector<2000x128xf32>
    %get3A_29 = arith.constant 0 : index
    %get3A_30 = arith.constant 0 : index
    %get3A_31 = vector.load %arg4[%get3A_29, %get3A_30] : memref<128x64xf32, #tpu.memory_space<vmem>>, vector<128x64xf32>
    %dot_general3A_32 = arith.constant dense<0.000000e+00> : vector<2000x64xf32>
    %dot_general3A_33 = tpu.matmul %div3A, %get3A_31, %dot_general3A_32 {dimension_numbers = #tpu.dot_dimension_numbers<[1], [0], [0], [1], [0, 0, 1, 1], [], []>, transpose_lhs_hint = false} : vector<2000x128xf32>, vector<128x64xf32>, vector<2000x64xf32> -> vector<2000x64xf32>
    %get3A_34 = arith.constant 0 : index
    %get3A_35 = arith.constant 0 : index
    %get3A_36 = vector.load %arg5[%get3A_34, %get3A_35] : memref<1x64xf32, #tpu.memory_space<vmem>>, vector<1x64xf32>
    %add3A_37 = vector.broadcast %get3A_36 : vector<1x64xf32> to vector<2000x64xf32>
    %add3A_38 = arith.addf %dot_general3A_33, %add3A_37 : vector<2000x64xf32>
    %swap3A = arith.constant 0 : index
    %swap3A_39 = arith.constant 0 : index
    %swap3A_40 = vector.load %arg6[%swap3A, %swap3A_39] : memref<2000x64xf32, #tpu.memory_space<vmem>>, vector<2000x64xf32>
    tpu.vector_store %arg6[%swap3A, %swap3A_39], %add3A_38 {strides = array<i32>} : memref<2000x64xf32, #tpu.memory_space<vmem>>, vector<2000x64xf32>,
    return
  }
  func.func @transform_0(%arg0: i32) -> (i32, i32, i32) {
    %c0_i32 = arith.constant 0 : i32
    %c0_i32_0 = arith.constant 0 : i32
    %c0_i32_1 = arith.constant 0 : i32
    return %c0_i32, %arg0, %c0_i32_0 : i32, i32, i32
  }
  func.func @transform_1(%arg0: i32) -> (i32, i32, i32) {
    %c0_i32 = arith.constant 0 : i32
    %c0_i32_0 = arith.constant 0 : i32
    %c0_i32_1 = arith.constant 0 : i32
    return %c0_i32, %arg0, %c0_i32_0 : i32, i32, i32
  }
  func.func @transform_2(%arg0: i32) -> (i32, i32) {
    %c0_i32 = arith.constant 0 : i32
    %c0_i32_0 = arith.constant 0 : i32
    %c0_i32_1 = arith.constant 0 : i32
    return %c0_i32, %c0_i32_0 : i32, i32
  }
  func.func @transform_3(%arg0: i32) -> (i32, i32) {
    %c0_i32 = arith.constant 0 : i32
    %c0_i32_0 = arith.constant 0 : i32
    %c0_i32_1 = arith.constant 0 : i32
    return %c0_i32, %c0_i32_0 : i32, i32
  }
  func.func @transform_4(%arg0: i32) -> (i32, i32) {
    %c0_i32 = arith.constant 0 : i32
    %c0_i32_0 = arith.constant 0 : i32
    %c0_i32_1 = arith.constant 0 : i32
    return %c0_i32, %c0_i32_0 : i32, i32
  }
  func.func @transform_5(%arg0: i32) -> (i32, i32) {
    %c0_i32 = arith.constant 0 : i32
    %c0_i32_0 = arith.constant 0 : i32
    return %arg0, %c0_i32 : i32, i32
  }
}

</mosaic_0001>

<sc_bundles>
// kernel: kernel.5.cloned.1.call-start
scs
__scs_entry_jumppad:
0x0: {  	(pc) =	sbr.rel $0x88, $3  }
0x1: {  	(tag) =	ssettag $0x0;
	lr =	simm.s32 $0x1  }
0x2: {  	[smem:$0x3F96] =	sst lr;
	_ =	strace $0xD0000000  }
0x3: {  	_ = 	snop  }
0x4: {  	_ = 	snop  }
0x5: {  	_ = 	snop  }
0x6: {  	_ = 	snop  }
0x7: {  	_ = 	snop  }
__scs_overlays_trampoline_lowered:
0x8: {  	[smem:$0x3FA5] =	sst s0  }
0x9: {  	[smem:$0x3FA6] =	sst s1  }
0xa: {  	[smem:$0x3FA7] =	sst s2  }
0xb: {  	[smem:$0x3FA8] =	sst s3  }
0xc: {  	[smem:$0x3FA9] =	sst s4  }
0xd: {  	[smem:$0x3FAA] =	sst s5  }
0xe: {  	[smem:$0x3FAB] =	sst s6  }
0xf: {  	[smem:$0x3FAC] =	sst s7  }
0x10: {  	[smem:$0x3FAD] =	sst s8  }
0x11: {  	[smem:$0x3FAE] =	sst s9;
	s0 =	simm.s32 @!p0 $0x0  }
0x12: {  	s1 =	sld [smem:$0x3F94];
	s0 =	simm.s32 @p0 $0x1  }
0x13: {  	[smem:$0x3FAF] =	sst s0;
	s0 =	simm.s32 @!p1 $0x0  }
0x14: {  	s2 =	sld [smem:$0x3F93];
	s0 =	simm.s32 @p1 $0x1  }
0x15: {  	[smem:$0x3FB0] =	sst s0;
	s0 =	simm.s32 @!p2 $0x0  }
0x16: {  	s3 =	sld [smem:$0x3FDB];
	s0 =	simm.s32 @p2 $0x1  }
0x17: {  	s4 =	simm.s32 $0x1BF5;
	[smem:$0x3FB2] =	sst s0  }
0x18: {  	s0 =	sld [smem:$0x3F95];
	_ =	swait.ge [sflag:s4], $0x0  }
0x19: {  	s7 =	sld [smem:$0x3F96]  }
0x1a: {  	s8 =	sadd.s32 $0xFFFFE003, lr  }
0x1b: {  	s9 =	sadd.s32 $0xFFFFFEF7, lr;
	s5 =	simm.s32 $0xFFFFFFFF;
	p2 =	slt.u32 s8, $0xFFFFF086  }
0x1c: {  	p1 =	slt.u32 s9, $0xF7A;
	s5 =	simm.s32 @!p2 $0x0  }
0x1d: {  	s5 =	simm.s32 @p1 $0x1;
	p0 =	seq.s32 s7, s2  }
0x1e: {  	s7 =	smul.u32 @!p0 $0xF7A, s2;
	p2 =	seq.s32 @!p0 s5, $0x0  }
0x1f: {  	s9 =	smul.u32 $0xF7A, s1;
	s8 =	simm.s32 @!p0 $0x1BF5;
	p2 =	por !p2, p0  }
0x20: {  	[sflag:s8] =	ssyncset.s32 @!p0 $0xFFFFF086;
	s6 =	sadd.s32 @!p0 s3, s7;
	s7 =	simm.s32 @!p0 $0x108  }
0x21: {  	s3 =	sadd.s32 s3, s9;
	s6 =	sadd.s32 @!p0 $0x88, s6;
	s7 =	simm.s32 @p2 $0x1082  }
0x22: {  	[simem:s7], [sflag:s8] =	dma.local @!p0 [hbm:s6], $0xF7A  }
0x23: {  	s9 =	sor.u32 $0xD0000000, s2;
	s6 =	simm.s32 $0x108;
	_ =	swait.ge @!p0 [sflag:s8], $0x0  }
0x24: {  	s3 =	sadd.s32 $0x88, s3;
	s6 =	simm.s32 @!p1 $0x1082;
	[sflag:s4] =	ssyncset.s32 $0xFFFFF086  }
0x25: {  	[simem:s6], [sflag:s4] =	dma.local [hbm:s3], $0xF7A  }
0x26: {  	[smem:$0x3F96] =	sst s1;
	(tag) =	ssettag s2;
	_ =	strace s9  }
0x27: {  	s1 =	sld [smem:$0x3FA6]  }
0x28: {  	s2 =	sld [smem:$0x3FA7]  }
0x29: {  	s4 =	sld [smem:$0x3FA9]  }
0x2a: {  	p0 =	seq.s32 s5, $0x0;
	s5 =	sld [smem:$0x3FAA]  }
0x2b: {  	s6 =	sld [smem:$0x3FAB]  }
0x2c: {  	s7 =	sld [smem:$0x3FAC]  }
0x2d: {  	s3 =	simm.s32 $0x108;
	s8 =	sld [smem:$0x3FAD]  }
0x2e: {  	s3 =	simm.s32 @!p0 $0x1082;
	s9 =	sld [smem:$0x3FAE]  }
0x2f: {  	lr =	sadd.s32 s0, s3;
	s0 =	sld [smem:$0x3FA5]  }
0x30: {  	s3 =	sld [smem:$0x3FA8]  }
0x31: {  	[smem:$0x3FB1] =	sst s10  }
0x32: {  	s10 =	sld [smem:$0x3FAF];
	_ =	sdelay $0x3  }
0x33: {  	p0 =	seq.s32 s10, $0x1;
	s10 =	sld [smem:$0x3FB1];
	_ =	sdelay $0x3  }
0x34: {  	[smem:$0x3FB1] =	sst s10  }
0x35: {  	s10 =	sld [smem:$0x3FB0];
	_ =	sdelay $0x3  }
0x36: {  	p1 =	seq.s32 s10, $0x1;
	s10 =	sld [smem:$0x3FB1];
	_ =	sdelay $0x3  }
0x37: {  	[smem:$0x3FB1] =	sst s10  }
0x38: {  	s10 =	sld [smem:$0x3FB2]  }
0x39: {  	_ = 	snop;
	(pc) =	sbr.ind lr, $3  }
0x3a: {  	_ = 	snop  }
0x3b: {  	_ = 	snop  }
0x3c: {  	p2 =	seq.s32 s10, $0x1;
	s10 =	sld [smem:$0x3FB1]  }
0x3d: {  	_ =	shalt  }
0x3e: {  	_ =	shalt  }
0x3f: {  	_ =	shalt  }
0x40: {  	_ =	shalt  }
0x41: {  	_ =	shalt  }
0x42: {  	_ =	shalt  }
0x43: {  	_ =	shalt  }
0x44: {  	_ =	shalt  }
0x45: {  	_ =	shalt  }
0x46: {  	_ =	shalt  }
0x47: {  	_ =	shalt  }
0x48: {  	_ =	shalt  }
0x49: {  	_ =	shalt  }
0x4a: {  	_ =	shalt  }
0x4b: {  	_ =	shalt  }
0x4c: {  	_ =	shalt  }
0x4d: {  	_ =	shalt  }
0x4e: {  	_ =	shalt  }
0x4f: {  	_ =	shalt  }
0x50: {  	_ =	shalt  }
0x51: {  	_ =	shalt  }
0x52: {  	_ =	shalt  }
0x53: {  	_ =	shalt  }
0x54: {  	_ =	shalt  }
0x55: {  	_ =	shalt  }
0x56: {  	_ =	shalt  }
0x57: {  	_ =	shalt  }
0x58: {  	_ =	shalt  }
0x59: {  	_ =	shalt  }
0x5a: {  	_ =	shalt  }
0x5b: {  	_ =	shalt  }
0x5c: {  	_ =	shalt  }
0x5d: {  	_ =	shalt  }
0x5e: {  	_ =	shalt  }
0x5f: {  	_ =	shalt  }
0x60: {  	_ =	shalt  }
0x61: {  	_ =	shalt  }
0x62: {  	_ =	shalt  }
0x63: {  	_ =	shalt  }
0x64: {  	_ =	shalt  }
0x65: {  	_ =	shalt  }
0x66: {  	_ =	shalt  }
0x67: {  	_ =	shalt  }
0x68: {  	_ =	shalt  }
0x69: {  	_ =	shalt  }
0x6a: {  	_ =	shalt  }
0x6b: {  	_ =	shalt  }
0x6c: {  	_ =	shalt  }
0x6d: {  	_ =	shalt  }
0x6e: {  	_ =	shalt  }
0x6f: {  	_ =	shalt  }
0x70: {  	_ =	shalt  }
0x71: {  	_ =	shalt  }
0x72: {  	_ =	shalt  }
0x73: {  	_ =	shalt  }
0x74: {  	_ =	shalt  }
0x75: {  	_ =	shalt  }
0x76: {  	_ =	shalt  }
0x77: {  	_ =	shalt  }
0x78: {  	_ =	shalt  }
0x79: {  	_ =	shalt  }
0x7a: {  	_ =	shalt  }
0x7b: {  	_ =	shalt  }
0x7c: {  	_ =	shalt  }
0x7d: {  	_ =	shalt  }
0x7e: {  	_ =	shalt  }
0x7f: {  	_ =	shalt  }
0x80: {  	_ =	shalt  }
0x81: {  	_ =	shalt  }
0x82: {  	_ =	shalt  }
0x83: {  	_ =	shalt  }
0x84: {  	_ =	shalt  }
0x85: {  	_ =	shalt  }
0x86: {  	_ =	shalt  }
0x87: {  	_ =	shalt  }
.Lfunc_end0:
.L_simem_size_0:
called_computation_lowered:
.L_overlay_start_0:
0x88: {  	s2 =	sld [smem:$0x3FD9]  }
0x89: {  	s3 =	sld [smem:$0x3FFE];
	_ =	sdelay $0x1  }
0x8a: {  	s1 =	srdreg.scid  }
0x8b: {  	s0 =	sand.u32 $0x1, s1  }
0x8c: {  	s17 =	sshll.u32 s0, $0xA;
	s2 =	sadd.s32 s3, s2  }
0x8d: {  	s2 =	sadd.s32 s2, s17  }
0x8e: {  	[smem:$0x3FBD] =	sst s2  }
0x8f: {  	_ = 	snop  }
0x90: {  	s2 =	sld [smem:$0x3FD0];
	(tm) =	ssettm $0x1  }
0x91: {  	s18 =	sld [smem:$0x3FFB];
	_ =	sdelay $0x3  }
0x92: {  	_ =	strace s18  }
0x93: {  	s3 =	sld [smem:$0x3FFC];
	_ =	sdelay $0x3  }
0x94: {  	_ =	strace s3  }
0x95: {  	s3 =	sld [smem:$0x3FFD];
	_ =	sdelay $0x3  }
0x96: {  	_ =	strace s3  }
0x97: {  	_ =	strace $0x8FFFFFFF  }
0x98: {  	s19 =	sld [smem:$0x3FDB];
	_ =	sdelay $0x1  }
0x99: {  	s4 =	simm.s32 $_scs_section_size  }
0x9a: {  	s5 =	simm.s32 $_size__tile_overlayer_lowered;
	s6 =	simm.s32 $_tile_overlayer_lowered  }
0x9b: {  	s22 =	simm.s32 $0x1BFF;
	s21 =	sshll.u32 s6, $0x1;
	s3 =	sadd.s32 s4, s19  }
0x9c: {  	s7 =	simm.s32 $0x0;
	s20 =	sshll.u32 s5, $0x1;
	s5 =	sadd.s32 s21, s3  }
0x9d: {  	[timem:s7], [sflag:s22] =	dma.local [hbm:s5], s20  }
0x9e: {  	_ =	swait.ge [sflag:s22], s20  }
0x9f: {  	s4 =	ssub.s32 $0x0, s20;
	[sflag:s22] =	ssyncset.done $0x0  }
0xa0: {  	[sflag:s22] =	ssyncadd.s32 s4;
	_ =	sdelay $0x1  }
0xa1: {  	s23 =	simm.s32 $0x1B8B  }
0xa2: {  	_ =	swait.ge [sflag:s23], $0x1  }
0xa3: {  	[sflag:s23] =	ssyncset.done $0x0  }
0xa4: {  	s25 =	simm.s32 $0x1B8E;
	s24 =	sld [smem:$0x3FFE];
	[sflag:s23] =	ssyncadd.s32 $0xFFFFFFFF  }
0xa5: {  	s26 =	simm.s32 $execute0_lowered;
	[smem:$0x3FD2] =	sst s25  }
0xa6: {  	s5 =	sshll.u32 s26, $0x1;
	_ =	strace $0x80000046;
	[dreg:$0x1] =	wrdreg $0xFFFFFFFF  }
0xa7: {  	s28 =	simm.s32 $_size_execute0_lowered;
	s3 =	sadd.s32 s3, s5;
	[dreg:$0x0] =	wrdreg $0x0  }
0xa8: {  	s5 =	sshll.u32 s28, $0x1;
	[dreg:$0x2] =	wrdreg s3  }
0xa9: {  	[dreg:$0x3] =	wrdreg s5  }
0xaa: {  	[dreg:$0x4] =	wrdreg $0xC0  }
0xab: {  	_ =	task [dreg:s7], $0x5FFFF  }
0xac: {  	[dreg:$0x1] =	wrdreg $0xFFFFFFFF  }
0xad: {  	[dreg:$0x0] =	wrdreg $0x60  }
0xae: {  	[dreg:$0x2] =	wrdreg s24  }
0xaf: {  	[dreg:$0x3] =	wrdreg s2  }
0xb0: {  	[dreg:$0x4] =	wrdreg $0x99500  }
0xb1: {  	[dreg:$0x5] =	wrdreg $0x1D1D00  }
0xb2: {  	[dreg:$0x6] =	wrdreg $0x9  }
0xb3: {  	_ =	task.clear_ibuf [dreg:s7], $0x7FFFF;
	_ =	strace $0x90000046  }
0xb4: {  	s29 =	simm.s32 $0x9;
	_ =	strace $0x80000048  }
0xb5: {  	_ =	swait.ge [sflag:s29], $0x1  }
0xb6: {  	[sflag:s29] =	ssyncadd.s32 $0xFFFFFFFF  }
0xb7: {  	_ =	strace $0x90000048  }
0xb8: {  	_ =	sfence  }
0xb9: {  	s30 =	sld [smem:$0x0];
	_ =	sdelay $0x2  }
0xba: {  	s31 =	sshll.u32 s1, $0xD;
	s1 =	sshrl.u32 s1, $0x2  }
0xbb: {  	s3 =	sand.u32 $0x4000, s31;
	s1 =	sadd.s32 s1, s30  }
0xbc: {  	s0 =	sor.u32 s3, s0;
	s1 =	sshll.u32 s1, $0x11  }
0xbd: {  	s0 =	sor.u32 s1, s0  }
0xbe: {  	s0 =	sadd.s32 $0x8F2B, s0  }
0xbf: {  	[sflag:s0] =	ssyncadd.remote.s32 $0x1  }
0xc0: {  	_ =	sfence.sel $0xFFFF  }
0xc1: {  	[dreg:$0x0] =	wrdreg $0xFFFFFFFF;
	(pc) =	sbr.abs _section_cstart, $3  }
0xc2: {  	[dreg:$0x1] =	wrdreg $0xFFFFFFFF  }
0xc3: {  	_ =	task.clear_ibuf [dreg:s7], $0x2FFFF;
	_ =	strace $0x9FFFFFFF  }
0xc4: {  	(tm) =	ssettm $0x7FFFFFFF  }
0xc5: {  	_ =	shalt  }
tec
execute0_lowered:
.L_overlay_start_1:
0x0: {  	(tag) =	ssettag $0x1  }
0x1: {  	s0 =	rddreg [dreg:$0x0]  }
0x2: {  	s1 =	rddreg [dreg:$0x1]  }
0x3: {  	s2 =	rddreg [dreg:$0x2]  }
0x4: {  	s3 =	rddreg [dreg:$0x3]  }
0x5: {  	s4 =	simm.s32 $0x0;
	s19 =	srdreg.scid;
	s20 =	stileid.u32  }
0x6: {  	s30 =	simm.s32 $0xA;
	s31 =	simm.s32 $0x1;
	[smem:$0x7FF] =	sst s4  }
0x7: {  	s5 =	sadd.s32 $0xC00, s0;
	s6 =	sadd.s32 $0x31C00, s0;
	s8 =	sadd.s32 $0x36E00, s0  }
0x8: {  	s7 =	sadd.s32 $0x36C00, s0;
	s10 =	sadd.s32 $0xAA00, s0;
	s11 =	smul.u32 $0x270, s20  }
0x9: {  	s9 =	sadd.s32 $0x45C00, s0;
	s12 =	sadd.s32 $0x3BE00, s0;
	s13 =	smul.u32 $0x13800, s20  }
0xa: {  	s15 =	sshll.u32 s20, $0x1;
	s16 =	smul.u32 $0x2700, s20;
	p0 =	sne.s32 s20, $0xF  }
0xb: {  	s28 =	sadd.s32 $0x138000, s2;
	_ =	strace $0x80000047;
	[dreg:$0x5] =	wrdreg s7  }
0xc: {  	s29 =	sadd.s32 $0x27000, s3;
	s7 =	sand.u32 $0x1, s19;
	[smem:$0x7FC] =	sst s28  }
0xd: {  	s20 =	simm.s32 $0x3;
	[smem:$0x7FD] =	sst s29;
	s21 =	ssub.s32 $0x2, s7  }
0xe: {  	s22 =	sadd.s32 $0x50, s11;
	s25 =	sadd.s32 s16, s3;
	s18 =	sadd.s32 $0xA0, s11  }
0xf: {  	s19 =	smul.u32 $0x138800, s7;
	s14 =	sshrl.u32 s21, $0x1;
	s17 =	sshll.u32 s22, $0x7  }
0x10: {  	s23 =	sshll.u32 s18, $0x7;
	s24 =	sshll.u32 s18, $0x4;
	[dreg:$0x7] =	wrdreg s25  }
0x11: {  	s0 =	ssub.s32 s21, s14;
	s14 =	sor.u32 s7, s15;
	s21 =	sadd.s32 s13, s2  }
0x12: {  	s15 =	sshll.u32 s22, $0x4;
	s17 =	sadd.s32 s17, s2;
	s13 =	sadd.s32 s13, s19  }
0x13: {  	s7 =	smul.u32 $0x27100, s7;
	s26 =	sadd.s32 s24, s3;
	s18 =	sshrl.u32 s19, $0x3  }
0x14: {  	s19 =	sadd.s32 $0xF0, s11;
	s24 =	sadd.s32 $0x140, s11;
	[dreg:$0x8] =	wrdreg s17  }
0x15: {  	s15 =	sadd.s32 s15, s3;
	[dreg:$0xb] =	wrdreg s26;
	s13 =	sshrl.u32 s13, $0x3  }
0x16: {  	s22 =	sshll.u32 s19, $0x7;
	s14 =	smul.u32 $0x2710, s14;
	[dreg:$0x6] =	wrdreg s21  }
0x17: {  	s0 =	smax.u32 s0, $0x1;
	[dreg:$0x9] =	wrdreg s15;
	s15 =	sadd.s32 s23, s2  }
0x18: {  	s13 =	sadd.s32 s9, s13;
	s17 =	sadd.s32 s16, s7;
	s9 =	sadd.s32 s9, s18  }
0x19: {  	s7 =	sshrl.u32 s7, $0x3;
	s23 =	sshll.u32 s19, $0x4;
	[smem:$0x7FB] =	sst s0  }
0x1a: {  	s16 =	sshll.u32 s24, $0x4;
	s0 =	simm.s32 $0x6;
	[dreg:$0xa] =	wrdreg s15  }
0x1b: {  	[dreg:$0xc] =	wrdreg s13;
	s13 =	sshrl.u32 s17, $0x3;
	s7 =	sadd.s32 s12, s7  }
0x1c: {  	s26 =	sadd.s32 s23, s3;
	s17 =	sadd.s32 $0x190, s11;
	s9 =	sadd.s32 $0x27000, s9  }
0x1d: {  	s13 =	sadd.s32 s12, s13;
	s12 =	sadd.s32 s22, s2;
	[dreg:$0xf] =	wrdreg s26  }
0x1e: {  	s18 =	sshll.u32 s17, $0x7;
	s22 =	sadd.s32 $0x1E0, s11;
	[smem:$0x7F9] =	sst s9  }
0x1f: {  	s11 =	sadd.s32 $0x230, s11;
	s26 =	sshrl.u32 s14, $0x3;
	[dreg:$0xd] =	wrdreg s13  }
0x20: {  	s7 =	sadd.s32 $0x4E00, s7;
	[dreg:$0xe] =	wrdreg s12;
	s13 =	sshll.u32 s24, $0x7  }
0x21: {  	s24 =	sshll.u32 s11, $0x7;
	s15 =	sadd.s32 s1, s26;
	[smem:$0x7FA] =	sst s7  }
0x22: {  	s11 =	sshll.u32 s11, $0x4;
	s12 =	sadd.s32 s13, s2;
	[dreg:$0x19] =	wrdreg s15  }
0x23: {  	s9 =	simm.s32 $0x140;
	s11 =	sadd.s32 s11, s3;
	[dreg:$0x10] =	wrdreg s12  }
0x24: {  	s13 =	sshll.u32 s17, $0x4;
	s12 =	sadd.s32 s16, s3;
	[dreg:$0x17] =	wrdreg s11  }
0x25: {  	s23 =	sshll.u32 s22, $0x7;
	s19 =	sadd.s32 s13, s3;
	[dreg:$0x11] =	wrdreg s12  }
0x26: {  	s7 =	simm.s32 $0x4;
	s13 =	sadd.s32 s23, s2;
	[dreg:$0x13] =	wrdreg s19  }
0x27: {  	s17 =	sadd.s32 $0x14, s26;
	s23 =	sadd.s32 $0xF0, s14;
	[dreg:$0x14] =	wrdreg s13  }
0x28: {  	s16 =	sadd.s32 $0xA, s26;
	s12 =	sadd.s32 s18, s2;
	[dreg:$0x1e] =	wrdreg s23  }
0x29: {  	s18 =	sadd.s32 s5, s16;
	s11 =	sadd.s32 s1, s16;
	[dreg:$0x12] =	wrdreg s12  }
0x2a: {  	s19 =	sadd.s32 s5, s17;
	s13 =	simm.s32 $0x2;
	[dreg:$0x1a] =	wrdreg s18  }
0x2b: {  	s23 =	simm.s32 $0x7;
	s16 =	simm.s32 $0x0;
	[dreg:$0x1b] =	wrdreg s11  }
0x2c: {  	s12 =	sshll.u32 s22, $0x4;
	[dreg:$0x1c] =	wrdreg s19;
	s22 =	sadd.s32 s1, s17  }
0x2d: {  	s17 =	simm.s32 $0xA0;
	s12 =	sadd.s32 s12, s3;
	[dreg:$0x1d] =	wrdreg s22  }
0x2e: {  	s19 =	simm.s32 $0x48D0;
	[dreg:$0x15] =	wrdreg s12;
	s12 =	sadd.s32 s24, s2  }
0x2f: {  	s11 =	simm.s32 $0x5;
	s24 =	sadd.s32 $0x140, s14;
	[dreg:$0x16] =	wrdreg s12  }
0x30: {  	v0 =	vimm.f32 $0.0e+00;
	v1 =	vimm.s32 $0x0;
	v2 =	vimm.s32 $0x1;
	s22 =	simm.s32 $0x20D0;
	s12 =	sadd.s32 s5, s26;
	[dreg:$0x1f] =	wrdreg s24  }
0x31: {  	v3 =	vimm.s32 $0x2;
	v4 =	vimm.s32 $0x3;
	v5 =	vimm.s32 $0x4;
	s26 =	sadd.s32 $0x190, s14;
	s24 =	simm.s32 $0x2D0;
	[dreg:$0x18] =	wrdreg s12  }
0x32: {  	v6 =	vimm.s32 $0x5;
	v7 =	vimm.s32 $0x6;
	v8 =	vimm.s32 $0x7;
	[smem:$0x7F8] =	sst s26;
	s26 =	simm.s32 $0x50;
	s12 =	simm.s32 $0x230  }
.LBB2_1:
0x33: {  	s14 =	simm.s32 $0x2110  }
0x34: {  	[tilespmem:s14+$0xFFFFFFD0] =	vst v0  }
0x35: {  	[tilespmem:s14+$0xFFFFFFE0] =	vst v0  }
0x36: {  	[tilespmem:s14+$0xFFFFFFF0] =	vst v0  }
0x37: {  	[tilespmem:s14+$0x0] =	vst v0  }
0x38: {  	[tilespmem:s14+$0x10] =	vst v0  }
0x39: {  	[tilespmem:s14+$0x20] =	vst v0  }
0x3a: {  	[tilespmem:s14+$0x30] =	vst v0  }
0x3b: {  	[smem:$0x7F7] =	sst s16;
	s16 =	simm.s32 $0x0;
	s15 =	simm.s32 $0x40;
	[tilespmem:s14+$0xFFFFFFC0] =	vst v0  }
.LBB2_2:
0x3c: {  	p1 =	sne.s32 s15, $0x13C0;
	[tilespmem:s16+$0x2D0] =	vst v0;
	s14 =	sadd.s32 $0x80, s14  }
0x3d: {  	[tilespmem:s14+$0xFFFFFFD0] =	vst v0  }
0x3e: {  	[tilespmem:s14+$0xFFFFFFE0] =	vst v0  }
0x3f: {  	[tilespmem:s14+$0xFFFFFFF0] =	vst v0  }
.Ltmp0:
0x40: {  	[tilespmem:s14+$0x0] =	vst v0;
	(pc) =	sbr.rel @p1 .LBB2_2-.Ltmp0, $4  }
0x41: {  	[tilespmem:s14+$0x10] =	vst v0  }
0x42: {  	[tilespmem:s14+$0x20] =	vst v0  }
0x43: {  	[tilespmem:s14+$0x30] =	vst v0  }
0x44: {  	s16 =	sshra.s32 s15, $0x2;
	s15 =	sadd.s32 $0x40, s15;
	[tilespmem:s14+$0xFFFFFFC0] =	vst v0  }
0x45: {  	[tilespmem:s16+$0x2D0] =	vst v0  }
0x46: {  	[spmem:s21] =	stream.linear.scatter [tilespmem:s22], [sflag:$0xA], $0x2800, $0x38;
	[tilespmem:$0x1F8E0] =	vst v63  }
0x47: {  	_ =	swait.ge [sflag:s30], $0x2800  }
0x48: {  	[sflag:s30] =	ssyncset.done $0x0  }
0x49: {  	[sflag:s30] =	ssyncadd.s32 $0xFFFFD800  }
0x4a: {  	[spmem:s25] =	stream.linear.scatter [tilespmem:s24], [sflag:$0xA], $0x500, $0x38;
	[tilespmem:$0x1F8E0] =	vst v63  }
0x4b: {  	_ =	swait.ge [sflag:s30], $0x500  }
0x4c: {  	[sflag:s30] =	ssyncset.done $0x0  }
0x4d: {  	s14 =	rddreg [dreg:$0x8];
	[sflag:s30] =	ssyncadd.s32 $0xFFFFFB00  }
0x4e: {  	[spmem:s14] =	stream.linear.scatter [tilespmem:s22], [sflag:$0xA], $0x2800, $0x38;
	[tilespmem:$0x1F8E0] =	vst v63  }
0x4f: {  	_ =	swait.ge [sflag:s30], $0x2800  }
0x50: {  	[sflag:s30] =	ssyncset.done $0x0  }
0x51: {  	s16 =	rddreg [dreg:$0x9];
	[sflag:s30] =	ssyncadd.s32 $0xFFFFD800  }
0x52: {  	[spmem:s16] =	stream.linear.scatter [tilespmem:s24], [sflag:$0xA], $0x500, $0x38;
	[tilespmem:$0x1F8E0] =	vst v63  }
0x53: {  	_ =	swait.ge [sflag:s30], $0x500  }
0x54: {  	[sflag:s30] =	ssyncset.done $0x0  }
0x55: {  	s18 =	rddreg [dreg:$0xa];
	[sflag:s30] =	ssyncadd.s32 $0xFFFFFB00  }
0x56: {  	[spmem:s18] =	stream.linear.scatter [tilespmem:s22], [sflag:$0xA], $0x2800, $0x38;
	[tilespmem:$0x1F8E0] =	vst v63  }
0x57: {  	_ =	swait.ge [sflag:s30], $0x2800  }
0x58: {  	[sflag:s30] =	ssyncset.done $0x0  }
0x59: {  	s21 =	rddreg [dreg:$0xb];
	[sflag:s30] =	ssyncadd.s32 $0xFFFFD800  }
0x5a: {  	[spmem:s21] =	stream.linear.scatter [tilespmem:s24], [sflag:$0xA], $0x500, $0x38;
	[tilespmem:$0x1F8E0] =	vst v63  }
0x5b: {  	_ =	swait.ge [sflag:s30], $0x500  }
0x5c: {  	[sflag:s30] =	ssyncset.done $0x0  }
0x5d: {  	s25 =	rddreg [dreg:$0xe];
	[sflag:s30] =	ssyncadd.s32 $0xFFFFFB00  }
0x5e: {  	[spmem:s25] =	stream.linear.scatter [tilespmem:s22], [sflag:$0xA], $0x2800, $0x38;
	[tilespmem:$0x1F8E0] =	vst v63  }
0x5f: {  	_ =	swait.ge [sflag:s30], $0x2800  }
0x60: {  	[sflag:s30] =	ssyncset.done $0x0  }
0x61: {  	s15 =	rddreg [dreg:$0xf];
	[sflag:s30] =	ssyncadd.s32 $0xFFFFD800  }
0x62: {  	[spmem:s15] =	stream.linear.scatter [tilespmem:s24], [sflag:$0xA], $0x500, $0x38;
	[tilespmem:$0x1F8E0] =	vst v63  }
0x63: {  	_ =	swait.ge [sflag:s30], $0x500  }
0x64: {  	[sflag:s30] =	ssyncset.done $0x0  }
0x65: {  	s16 =	rddreg [dreg:$0x10];
	[sflag:s30] =	ssyncadd.s32 $0xFFFFFB00  }
0x66: {  	[spmem:s16] =	stream.linear.scatter [tilespmem:s22], [sflag:$0xA], $0x2800, $0x38;
	[tilespmem:$0x1F8E0] =	vst v63  }
0x67: {  	_ =	swait.ge [sflag:s30], $0x2800  }
0x68: {  	[sflag:s30] =	ssyncset.done $0x0  }
0x69: {  	s18 =	rddreg [dreg:$0x11];
	[sflag:s30] =	ssyncadd.s32 $0xFFFFD800  }
0x6a: {  	[spmem:s18] =	stream.linear.scatter [tilespmem:s24], [sflag:$0xA], $0x500, $0x38;
	[tilespmem:$0x1F8E0] =	vst v63  }
0x6b: {  	_ =	swait.ge [sflag:s30], $0x500  }
0x6c: {  	[sflag:s30] =	ssyncset.done $0x0  }
0x6d: {  	s21 =	rddreg [dreg:$0x12];
	[sflag:s30] =	ssyncadd.s32 $0xFFFFFB00  }
0x6e: {  	[spmem:s21] =	stream.linear.scatter [tilespmem:s22], [sflag:$0xA], $0x2800, $0x38;
	[tilespmem:$0x1F8E0] =	vst v63  }
0x6f: {  	_ =	swait.ge [sflag:s30], $0x2800  }
0x70: {  	[sflag:s30] =	ssyncset.done $0x0  }
0x71: {  	s25 =	rddreg [dreg:$0x13];
	[sflag:s30] =	ssyncadd.s32 $0xFFFFD800  }
0x72: {  	[spmem:s25] =	stream.linear.scatter [tilespmem:s24], [sflag:$0xA], $0x500, $0x38;
	[tilespmem:$0x1F8E0] =	vst v63  }
0x73: {  	_ =	swait.ge [sflag:s30], $0x500  }
0x74: {  	[sflag:s30] =	ssyncset.done $0x0  }
0x75: {  	s15 =	rddreg [dreg:$0x14];
	[sflag:s30] =	ssyncadd.s32 $0xFFFFFB00  }
0x76: {  	[spmem:s15] =	stream.linear.scatter [tilespmem:s22], [sflag:$0xA], $0x2800, $0x38;
	[tilespmem:$0x1F8E0] =	vst v63  }
0x77: {  	_ =	swait.ge [sflag:s30], $0x2800  }
0x78: {  	[sflag:s30] =	ssyncset.done $0x0  }
0x79: {  	s16 =	rddreg [dreg:$0x15];
	[sflag:s30] =	ssyncadd.s32 $0xFFFFD800  }
0x7a: {  	[spmem:s16] =	stream.linear.scatter [tilespmem:s24], [sflag:$0xA], $0x500, $0x38;
	[tilespmem:$0x1F8E0] =	vst v63  }
0x7b: {  	_ =	swait.ge [sflag:s30], $0x500  }
0x7c: {  	[sflag:s30] =	ssyncset.done $0x0  }
0x7d: {  	s18 =	rddreg [dreg:$0x16];
	[sflag:s30] =	ssyncadd.s32 $0xFFFFFB00  }
0x7e: {  	[spmem:s18] =	stream.linear.scatter [tilespmem:s22], [sflag:$0xA], $0x2000, $0x38;
	[tilespmem:$0x1F8E0] =	vst v63  }
0x7f: {  	_ =	swait.ge [sflag:s30], $0x2000  }
0x80: {  	[sflag:s30] =	ssyncset.done $0x0  }
0x81: {  	s21 =	rddreg [dreg:$0x17];
	[sflag:s30] =	ssyncadd.s32 $0xFFFFE000  }
0x82: {  	[spmem:s21] =	stream.linear.scatter [tilespmem:s24], [sflag:$0xA], $0x400, $0x38;
	[tilespmem:$0x1F8E0] =	vst v63  }
0x83: {  	_ =	swait.ge [sflag:s30], $0x400  }
0x84: {  	[sflag:s30] =	ssyncset.done $0x0  }
0x85: {  	s14 =	simm.s32 @!p0 $0x20D0;
	[sflag:s30] =	ssyncadd.s32 $0xFFFFFC00  }
0x86: {  	[spmem:s28] =	stream.linear.scatter @!p0 [tilespmem:s14], [sflag:$0xA], $0x800, $0x38;
	[tilespmem:$0x1F8E0] =	vst v63  }
0x87: {  	s14 =	simm.s32 @!p0 $0xA  }
0x88: {  	_ =	swait.ge @!p0 [sflag:s14], $0x800  }
0x89: {  	[sflag:s14] =	ssyncset.done @!p0 $0x0  }
0x8a: {  	s15 =	simm.s32 @!p0 $0x2D0;
	[sflag:s14] =	ssyncadd.s32 @!p0 $0xFFFFF800  }
0x8b: {  	[spmem:s29] =	stream.linear.scatter @!p0 [tilespmem:s15], [sflag:$0xA], $0x100, $0x38;
	[tilespmem:$0x1F8E0] =	vst v63  }
0x8c: {  	_ =	swait.ge @!p0 [sflag:s14], $0x100  }
0x8d: {  	[sflag:s14] =	ssyncset.done @!p0 $0x0  }
0x8e: {  	[sflag:s14] =	ssyncadd.s32 @!p0 $0xFFFFFF00  }
0x8f: {  	[bflag:$0x0] =	sbarrier.arrive $0xFFFF  }
0x90: {  	s28 =	simm.s32 $0x98D0;
	s14 =	simm.s32 $0x0;
	s25 =	rddreg [dreg:$0x5]  }
0x91: {  	[tilespmem:s28], [sflag:$0xA] =	stream.linear.gather [hbm4b:s25+s14], $0x80, $0x38;
	[tilespmem:$0x1F8E0] =	vst v63  }
0x92: {  	_ =	swait.ge [sflag:s30], $0x80  }
0x93: {  	[sflag:s30] =	ssyncset.done $0x0  }
0x94: {  	[sflag:s30] =	ssyncadd.s32 $0xFFFFFF80  }
0x95: {  	s29 =	rddreg [dreg:$0x18];
	v9 =	vld [tilespmem:$0x98D0]  }
0x96: {  	v10 =	vld [tilespmem:$0x98E0];
	[tilespmem:s14], [sflag:$0x1] =	stream.linear.gather [hbm4b:s29+s14], $0x50, $0x38  }
0x97: {  	s21 =	simm.s32 $0xF0;
	s30 =	rddreg [dreg:$0x19]  }
0x98: {  	[tilespmem:s21], [sflag:$0x1] =	stream.linear.gather [hbm4b:s30+s14], $0x50, $0x38;
	[tilespmem:$0x1F8E0] =	vst v63  }
0x99: {  	s16 =	rddreg [dreg:$0x1a]  }
0x9a: {  	[tilespmem:s26], [sflag:$0x2] =	stream.linear.gather [hbm4b:s16+s14], $0x50, $0x38;
	[tilespmem:$0x1F8E0] =	vst v63  }
0x9b: {  	s18 =	rddreg [dreg:$0x1b]  }
0x9c: {  	[tilespmem:s9], [sflag:$0x2] =	stream.linear.gather [hbm4b:s18+s14], $0x50, $0x38;
	[tilespmem:$0x1F8E0] =	vst v63  }
0x9d: {  	s25 =	rddreg [dreg:$0x1c]  }
0x9e: {  	[tilespmem:s17], [sflag:$0x3] =	stream.linear.gather [hbm4b:s25+s14], $0x50, $0x38;
	[tilespmem:$0x1F8E0] =	vst v63  }
0x9f: {  	s28 =	rddreg [dreg:$0x1d];
	s29 =	simm.s32 $0x190  }
0xa0: {  	[tilespmem:s29], [sflag:$0x3] =	stream.linear.gather [hbm4b:s28+s14], $0x50, $0x38;
	[tilespmem:$0x1F8E0] =	vst v63  }
0xa1: {  	_ =	swait.ge [sflag:s31], $0x50  }
0xa2: {  	[sflag:s31] =	ssyncset.done $0x0  }
0xa3: {  	[sflag:s31] =	ssyncadd.s32 $0xFFFFFFB0  }
0xa4: {  	_ =	swait.ge [sflag:s31], $0x50  }
0xa5: {  	[sflag:s31] =	ssyncset.done $0x0  }
0xa6: {  	[sflag:s31] =	ssyncadd.s32 $0xFFFFFFB0  }
0xa7: {  	v9 =	vadd.f32 v10, v9;
	[tilespmem:s24], [sflag:$0x4] =	stream.indirect.gather [hbm4b:s6+s26], $0x10, s14, s26, $0xb8;
	[tilespmem:$0x1F8E0] =	vst v63  }
0xa8: {  	s30 =	simm.s32 $0x11D0  }
0xa9: {  	v10 =	vmul.f32 $2.000000030e-01, v9;
	[tilespmem:s30], [sflag:$0x4] =	stream.indirect.gather [hbm4b:s8+s26], $0x10, s21, s26, $0xb8;
	[tilespmem:$0x1F8E0] =	vst v63  }
0xaa: {  	vm0 =	vge.f32 v9, $0.0e+00  }
0xab: {  	v9 =	vsel vm0, v9, v10;
	[tilespmem:s22], [sflag:$0x4] =	stream.indirect.gather [hbm4b:s10+s26], $0x80, s14, s26, $0xb8;
	[tilespmem:$0x1F8E0] =	vst v63  }
.LBB2_4:
0xac: {  	_ =	swait.ge [sflag:s7], $0x500  }
0xad: {  	[sflag:s7] =	ssyncset.done $0x0  }
0xae: {  	[sflag:s7] =	ssyncadd.s32 $0xFFFFFB00  }
0xaf: {  	_ =	swait.ge [sflag:s7], $0x500  }
0xb0: {  	[sflag:s7] =	ssyncset.done $0x0  }
0xb1: {  	[sflag:s7] =	ssyncadd.s32 $0xFFFFFB00  }
0xb2: {  	_ =	swait.ge [sflag:s7], $0x2800  }
0xb3: {  	[sflag:s7] =	ssyncset.done $0x0  }
0xb4: {  	[sflag:s7] =	ssyncadd.s32 $0xFFFFD800  }
0xb5: {  	v10 =	vld [tilespmem:$0xF0]  }
0xb6: {  	v11 =	vld [tilespmem:$0x100]  }
0xb7: {  	v12 =	vld [tilespmem:$0x110]  }
0xb8: {  	v13 =	vld [tilespmem:$0x120]  }
0xb9: {  	v14 =	vld [tilespmem:$0x130]  }
0xba: {  	s15 =	smul.u32 $0xF0, s14;
	[tilespmem:$0x1E0] =	vst v10  }
0xbb: {  	s16 =	rddreg [dreg:$0x1e];
	[tilespmem:$0x1F0] =	vst v11  }
0xbc: {  	s16 =	sadd.s32 s15, s16;
	[tilespmem:$0x200] =	vst v12  }
0xbd: {  	s16 =	sshrl.u32 s16, $0x3;
	[tilespmem:$0x210] =	vst v13  }
0xbe: {  	s18 =	sadd.s32 s5, s16;
	[tilespmem:$0x220] =	vst v14  }
0xbf: {  	[tilespmem:s4], [sflag:$0x1] =	stream.linear.gather [hbm4b:s18+s4], $0x50, $0x38;
	[tilespmem:$0x1F8E0] =	vst v63  }
0xc0: {  	s9 =	simm.s32 $0x11F0;
	s16 =	sadd.s32 s1, s16  }
0xc1: {  	[tilespmem:s21], [sflag:$0x1] =	stream.linear.gather [hbm4b:s16+s4], $0x50, $0x38;
	[tilespmem:$0x1F8E0] =	vst v63  }
0xc2: {  	s17 =	simm.s32 $0x2F0;
	v10 =	vld [tilespmem:s9+$0x10]  }
0xc3: {  	v11 =	vld [tilespmem:s17+$0x10];
	_ =	sdelay $0x4  }
0xc4: {  	v10 =	vadd.f32 v10, v11;
	_ =	sdelay $0x1  }
0xc5: {  	v13 =	vld [tilespmem:s17+$0xFFFFFFF0];
	v12 =	vmul.f32 $2.000000030e-01, v10  }
0xc6: {  	v11 =	vld [tilespmem:s9+$0xFFFFFFF0];
	vm0 =	vge.f32 v10, $0.0e+00  }
0xc7: {  	v14 =	vld [tilespmem:s17+$0xFFFFFFE0];
	v10 =	vsel vm0, v10, v12  }
0xc8: {  	v12 =	vld [tilespmem:s9+$0xFFFFFFE0];
	v10 =	vsub.f32 v10, v9;
	_ =	sdelay $0x1  }
0xc9: {  	v15 =	vld [tilespmem:s17+$0x0];
	v10 =	vmul.f32 $1.442695020e+00, v10  }
0xca: {  	v16 =	vld [tilespmem:s9+$0x0];
	v11 =	vadd.f32 v11, v13  }
0xcb: {  	s25 =	simm.s32 $0x1230;
	(erf) = vpow2.f32 v10  }
0xcc: {  	s21 =	simm.s32 $0x330;
	v19 =	vld [tilespmem:s25+$0xFFFFFFF0];
	v10 =	vadd.f32 v12, v14;
	v12 =	vmul.f32 $2.000000030e-01, v11  }
0xcd: {  	v31 =	vld [tilespmem:s21+$0xFFFFFFF0];
	vm10 =	vge.f32 v11, $0.0e+00  }
0xce: {  	v11 =	vsel vm10, v11, v12  }
0xcf: {  	v13 =	vmul.f32 $2.000000030e-01, v10;
	v12 =	vadd.f32 v16, v15;
	v11 =	vsub.f32 v11, v9  }
0xd0: {  	vm11 =	vge.f32 v10, $0.0e+00  }
0xd1: {  	v10 =	vsel vm11, v10, v13;
	v13 =	vmul.f32 $2.000000030e-01, v12;
	v11 =	vmul.f32 $1.442695020e+00, v11  }
0xd2: {  	v19 =	vadd.f32 v19, v31;
	vm12 =	vge.f32 v12, $0.0e+00;
	v10 =	vsub.f32 v10, v9  }
0xd3: {  	(erf) = vpow2.f32 v11;
	v11 =	vsel vm12, v12, v13  }
0xd4: {  	v56 =	vmul.f32 $2.000000030e-01, v19;
	v10 =	vmul.f32 $1.442695020e+00, v10;
	v11 =	vsub.f32 v11, v9;
	v14 =	vpop (erf)  }
0xd5: {  	s16 =	simm.s32 $0x21D0;
	v18 =	vld [tilespmem:s21+$0x0];
	vm14 =	vge.f32 v19, $0.0e+00;
	[tilespmem:s17+$0x10] =	vst v14  }
0xd6: {  	v19 =	vsel vm14, v19, v56;
	(erf) = vpow2.f32 v10;
	v10 =	vmul.f32 $1.442695020e+00, v11;
	v11 =	vld [tilespmem:s16+$0xA0]  }
0xd7: {  	v19 =	vsub.f32 v19, v9;
	v13 =	vld [tilespmem:s16+$0xF0]  }
0xd8: {  	v15 =	vld [tilespmem:s16+$0xD0]  }
0xd9: {  	v19 =	vmul.f32 $1.442695020e+00, v19;
	v21 =	vld [tilespmem:s16+$0x90]  }
0xda: {  	v20 =	vld [tilespmem:s21+$0xFFFFFFE0];
	v16 =	vperm.xlane v14, v3;
	v17 =	vperm.xlane v14, v6  }
0xdb: {  	v28 =	vld [tilespmem:s25+$0xFFFFFFE0];
	v22 =	vperm.xlane v14, v8;
	(erf) = vpow2.f32 v10  }
0xdc: {  	v26 =	vld [tilespmem:s21+$0x10];
	v27 =	vperm.xlane v14, v2;
	v46 =	vperm.xlane v14, v1  }
0xdd: {  	v25 =	vmul.f32 v11, v16;
	v16 =	vmul.f32 v15, v17;
	v15 =	vld [tilespmem:s25+$0x10]  }
0xde: {  	v34 =	vld [tilespmem:s25+$0x0];
	v10 =	vpop (erf);
	v22 =	vmul.f32 v13, v22;
	v21 =	vmul.f32 v21, v27  }
0xdf: {  	v23 =	vld [tilespmem:s16+$0xB0];
	v12 =	vperm.xlane v10, v7;
	[tilespmem:s17+$0xFFFFFFF0] =	vst v10;
	v47 =	vperm.xlane v10, v3  }
0xe0: {  	v20 =	vadd.f32 v28, v20;
	v57 =	vld [tilespmem:s16+$0xE0];
	v28 =	vperm.xlane v10, v5;
	v31 =	vperm.xlane v10, v4;
	[tilespmem:s16+$0xD0] =	vst v16  }
0xe1: {  	v62 =	vld [tilespmem:s16+$0x80];
	v59 =	vperm.xlane v10, v1;
	v60 =	vperm.xlane v10, v2;
	[tilespmem:s16+$0x90] =	vst v21  }
0xe2: {  	v24 =	vpop (erf);
	v16 =	vperm.xlane v14, v5;
	v21 =	vperm.xlane v14, v4;
	[tilespmem:s16+$0xA0] =	vst v25;
	v58 =	vld [tilespmem:s16+$0xFFFFFF80];
	v26 =	vadd.f32 v15, v26  }
0xe3: {  	v14 =	vperm.xlane v14, v7;
	v25 =	vperm.xlane v10, v6;
	v61 =	vld [tilespmem:s16+$0xFFFFFFD0];
	[tilespmem:s17+$0xFFFFFFE0] =	vst v24  }
0xe4: {  	v29 =	vperm.xlane v24, v2;
	v37 =	vld [tilespmem:s16+$0xFFFFFF70];
	v30 =	vpop (erf);
	v43 =	vmul.f32 $2.000000030e-01, v26  }
0xe5: {  	v40 =	vld [tilespmem:s16+$0xFFFFFF10];
	v21 =	vmul.f32 v23, v21;
	v14 =	vmul.f32 v57, v14;
	[tilespmem:s17+$0x0] =	vst v30;
	vm13 =	vge.f32 v26, $0.0e+00  }
0xe6: {  	v33 =	vperm.xlane v30, v3;
	v35 =	vperm.xlane v30, v6;
	v53 =	vld [tilespmem:s16+$0x10];
	v26 =	vsel vm13, v26, v43  }
0xe7: {  	v36 =	vperm.xlane v30, v1;
	v38 =	vperm.xlane v30, v5;
	v41 =	vld [tilespmem:s16+$0x50];
	v26 =	vsub.f32 v26, v9  }
0xe8: {  	v39 =	vperm.xlane v30, v2;
	v27 =	vperm.xlane v30, v4;
	v23 =	vld [tilespmem:s16+$0x20]  }
0xe9: {  	[tilespmem:s16+$0xF0] =	vst v22;
	v42 =	vperm.xlane v30, v8;
	v54 =	vld [tilespmem:s16+$0x30];
	v26 =	vmul.f32 $1.442695020e+00, v26  }
0xea: {  	v22 =	vperm.xlane v30, v7;
	[tilespmem:s16+$0xB0] =	vst v21;
	v30 =	vld [tilespmem:s16+$0x40];
	v29 =	vmul.f32 v40, v29  }
0xeb: {  	[tilespmem:s16+$0xE0] =	vst v14;
	v21 =	vmul.f32 v53, v39;
	(erf) = vpow2.f32 v26;
	v26 =	vld [tilespmem:s16+$0x60]  }
0xec: {  	v32 =	vperm.xlane v24, v8;
	v45 =	vld [tilespmem:s16+$0xFFFFFF00];
	[tilespmem:s16+$0xFFFFFF10] =	vst v29;
	v29 =	vmul.f32 v41, v35  }
0xed: {  	v11 =	vperm.xlane v24, v6;
	v23 =	vmul.f32 v23, v33;
	[tilespmem:s16+$0x10] =	vst v21;
	v21 =	vld [tilespmem:s16+$0xFFFFFF90]  }
0xee: {  	v13 =	vperm.xlane v24, v4;
	v55 =	vld [tilespmem:s16+$0x0];
	v32 =	vmul.f32 v37, v32;
	[tilespmem:s16+$0x50] =	vst v29  }
0xef: {  	v30 =	vmul.f32 v30, v38;
	v29 =	vmul.f32 $2.000000030e-01, v20;
	[tilespmem:s16+$0x20] =	vst v23;
	v23 =	vld [tilespmem:s16+$0xFFFFFFC0]  }
0xf0: {  	vm1 =	vge.f32 v20, $0.0e+00;
	[tilespmem:s16+$0xFFFFFF70] =	vst v32;
	v27 =	vmul.f32 v54, v27;
	v22 =	vmul.f32 v26, v22;
	v26 =	vld [tilespmem:s16+$0xFFFFFFB0]  }
0xf1: {  	v17 =	vperm.xlane v24, v5;
	v52 =	vld [tilespmem:s16+$0xFFFFFF60];
	[tilespmem:s16+$0x40] =	vst v30;
	(erf) = vpow2.f32 v19;
	v20 =	vsel vm1, v20, v29  }
0xf2: {  	v63 =	vld [tilespmem:s16+$0xFFFFFF40];
	[tilespmem:s16+$0x30] =	vst v27;
	v19 =	vperm.xlane v24, v1;
	v20 =	vsub.f32 v20, v9;
	v21 =	vmul.f32 v21, v60  }
0xf3: {  	v18 =	vadd.f32 v34, v18;
	v27 =	vld [tilespmem:s16+$0xFFFFFF20];
	v29 =	vmul.f32 v55, v36;
	[tilespmem:s16+$0x60] =	vst v22;
	v22 =	vmul.f32 v58, v59  }
0xf4: {  	v30 =	vld [tilespmem:s16+$0xFFFFFFA0];
	v20 =	vmul.f32 $1.442695020e+00, v20;
	[tilespmem:s16+$0xFFFFFF90] =	vst v21;
	v21 =	vmul.f32 v23, v28  }
0xf5: {  	v15 =	vld [tilespmem:s16+$0xFFFFFF30];
	[tilespmem:s16+$0xFFFFFF80] =	vst v22;
	v22 =	vmul.f32 v26, v31;
	v26 =	vmul.f32 $2.000000030e-01, v18  }
0xf6: {  	vm15 =	vge.f32 v18, $0.0e+00;
	[tilespmem:s16+$0x0] =	vst v29;
	v29 =	vperm.xlane v24, v3;
	(erf) = vpow2.f32 v20;
	v31 =	vld [tilespmem:s16+$0x70]  }
0xf7: {  	v44 =	vperm.xlane v24, v7;
	v23 =	vld [tilespmem:s16+$0xFFFFFF50];
	[tilespmem:s16+$0xFFFFFFC0] =	vst v21;
	v21 =	vmul.f32 v45, v19;
	v14 =	vpop (erf);
	v18 =	vsel vm15, v18, v26  }
0xf8: {  	v24 =	vmul.f32 v27, v29;
	v27 =	vmul.f32 v62, v46;
	v20 =	vld [tilespmem:s16+$0xC0];
	[tilespmem:s21+$0x10] =	vst v14;
	v19 =	vsub.f32 v18, v9  }
0xf9: {  	s30 =	simm.s32 $0x23D0;
	v29 =	vmul.f32 v63, v17;
	[tilespmem:s16+$0xFFFFFF00] =	vst v21;
	v26 =	vmul.f32 v30, v47;
	v18 =	vld [tilespmem:s16+$0xFFFFFFE0]  }
0xfa: {  	s29 =	simm.s32 $0x1270;
	[tilespmem:s16+$0xFFFFFFB0] =	vst v22;
	v22 =	vmul.f32 v61, v25;
	v25 =	vld [tilespmem:s30+$0xA0];
	v28 =	vmul.f32 $1.442695020e+00, v19  }
0xfb: {  	s28 =	simm.s32 $0x23D0;
	s18 =	simm.s32 $0x4;
	s25 =	simm.s32 $0x370;
	[tilespmem:s16+$0xFFFFFFA0] =	vst v26;
	v26 =	vmul.f32 v52, v44;
	v19 =	vld [tilespmem:s16+$0xFFFFFFF0];
	v17 =	vmul.f32 v31, v42  }
.LBB2_5:
0xfc: {  	s18 =	sadd.s32 $0x4, s18;
	v21 =	vld [tilespmem:s30+$0xF0];
	s28 =	sadd.s32 $0x200, s28;
	(erf) = vpow2.f32 v28;
	v13 =	vmul.f32 v15, v13;
	[tilespmem:s16+$0x80] =	vst v27  }
0xfd: {  	v27 =	vperm.xlane v10, v8;
	p1 =	slt.u32 s18, $0x4C;
	v15 =	vld [tilespmem:s30+$0xD0];
	[tilespmem:s16+$0xFFFFFF40] =	vst v29;
	v10 =	vpop (erf);
	v16 =	vmul.f32 v20, v16  }
0xfe: {  	v28 =	vperm.xlane v14, v3;
	v20 =	vld [tilespmem:s25+$0x0];
	[tilespmem:s16+$0xFFFFFF30] =	vst v13;
	v13 =	vmul.f32 v18, v12  }
0xff: {  	v30 =	vperm.xlane v14, v6;
	v12 =	vperm.xlane v10, v7;
	v29 =	vld [tilespmem:s29+$0xFFFFFFF0];
	v18 =	vpop (erf);
	[tilespmem:s16+$0x70] =	vst v17  }
0x100: {  	v17 =	vperm.xlane v14, v8;
	v31 =	vld [tilespmem:s25+$0xFFFFFFE0];
	v25 =	vmul.f32 v25, v28;
	[tilespmem:s16+$0xC0] =	vst v16  }
0x101: {  	v23 =	vmul.f32 v23, v11;
	v19 =	vmul.f32 v19, v27;
	v16 =	vld [tilespmem:s30+$0x90];
	[tilespmem:s16+$0xFFFFFFE0] =	vst v13  }
0x102: {  	v28 =	vmul.f32 v21, v17;
	v27 =	vld [tilespmem:s30+$0xB0];
	v15 =	vmul.f32 v15, v30;
	[tilespmem:s16+$0xFFFFFF60] =	vst v26  }
0x103: {  	v11 =	vperm.xlane v18, v6;
	v26 =	vperm.xlane v14, v2;
	v21 =	vld [tilespmem:s29+$0x10];
	[tilespmem:s16+$0xFFFFFF20] =	vst v24  }
0x104: {  	v13 =	vperm.xlane v18, v4;
	v17 =	vperm.xlane v18, v5;
	v24 =	vld [tilespmem:s25+$0x10];
	[tilespmem:s16+$0xFFFFFFD0] =	vst v22  }
0x105: {  	v32 =	vperm.xlane v18, v8;
	v30 =	vperm.xlane v18, v2;
	v22 =	vld [tilespmem:s29+$0xFFFFFFE0];
	v33 =	vpop (erf);
	[tilespmem:s16+$0xFFFFFF50] =	vst v23  }
0x106: {  	v23 =	vld [tilespmem:s25+$0xFFFFFFF0];
	v34 =	vperm.xlane v33, v3;
	v35 =	vperm.xlane v33, v6;
	[tilespmem:s16+$0xFFFFFFF0] =	vst v19;
	s16 =	smov.u32 s30;
	s30 =	smov.u32 s28  }
0x107: {  	v37 =	vperm.xlane v33, v1;
	v38 =	vperm.xlane v33, v5;
	v36 =	vld [tilespmem:s29+$0x0];
	[tilespmem:s21+$0xFFFFFFE0] =	vst v18  }
0x108: {  	v40 =	vperm.xlane v33, v2;
	v16 =	vmul.f32 v16, v26;
	v39 =	vld [tilespmem:s16+$0xFFFFFF70];
	[tilespmem:s16+$0xD0] =	vst v15  }
0x109: {  	v41 =	vperm.xlane v33, v4;
	v24 =	vadd.f32 v21, v24;
	v26 =	vld [tilespmem:s16+$0xFFFFFF10];
	[tilespmem:s21+$0x0] =	vst v33;
	v21 =	vperm.xlane v33, v8  }
0x10a: {  	v19 =	vperm.xlane v18, v7;
	v42 =	vld [tilespmem:s16+$0x50];
	[tilespmem:s16+$0x90] =	vst v16  }
0x10b: {  	v43 =	vmul.f32 $2.000000030e-01, v24;
	v15 =	vld [tilespmem:s16+$0xFFFFFF30];
	[tilespmem:s16+$0xA0] =	vst v25  }
0x10c: {  	v44 =	vperm.xlane v14, v1;
	v16 =	vperm.xlane v14, v5;
	vm0 =	vge.f32 v24, $0.0e+00;
	v25 =	vld [tilespmem:s16+$0xFFFFFF00];
	[tilespmem:s16+$0xF0] =	vst v28  }
0x10d: {  	v24 =	vsel vm0, v24, v43;
	v43 =	vld [tilespmem:s16+$0xFFFFFF60];
	v28 =	vmul.f32 v39, v32;
	v32 =	vperm.xlane v14, v4  }
0x10e: {  	v14 =	vperm.xlane v14, v7;
	v24 =	vsub.f32 v24, v9;
	v26 =	vmul.f32 v26, v30;
	v30 =	vld [tilespmem:s16+$0x10]  }
0x10f: {  	v33 =	vperm.xlane v33, v7;
	v22 =	vadd.f32 v22, v31;
	v31 =	vperm.xlane v10, v6;
	[tilespmem:s21+$0xFFFFFFF0] =	vst v10;
	v39 =	vld [tilespmem:s16+$0x30];
	s21 =	smov.u32 s25  }
0x110: {  	v24 =	vmul.f32 $1.442695020e+00, v24;
	[tilespmem:s16+$0xFFFFFF10] =	vst v26;
	v26 =	vperm.xlane v10, v3;
	v45 =	vld [tilespmem:s16+$0x40]  }
0x111: {  	v35 =	vmul.f32 v42, v35;
	v27 =	vmul.f32 v27, v32;
	[tilespmem:s16+$0xFFFFFF70] =	vst v28;
	v28 =	vld [tilespmem:s16+$0x20]  }
0x112: {  	v23 =	vadd.f32 v29, v23;
	(erf) = vpow2.f32 v24;
	v24 =	vperm.xlane v10, v5;
	v29 =	vld [tilespmem:s16+$0x60]  }
0x113: {  	v32 =	vperm.xlane v10, v4;
	v42 =	vld [tilespmem:s16+$0x0];
	v30 =	vmul.f32 v30, v40;
	[tilespmem:s16+$0x50] =	vst v35  }
0x114: {  	vm0 =	vge.f32 v23, $0.0e+00;
	v35 =	vmul.f32 $2.000000030e-01, v23;
	v40 =	vperm.xlane v10, v1;
	[tilespmem:s16+$0xB0] =	vst v27;
	v27 =	vld [tilespmem:s16+$0xE0]  }
0x115: {  	v46 =	vmul.f32 $2.000000030e-01, v22;
	v47 =	vld [tilespmem:s16+$0xFFFFFF80];
	[tilespmem:s16+$0x10] =	vst v30;
	v30 =	vmul.f32 v45, v38  }
0x116: {  	vm1 =	vge.f32 v22, $0.0e+00;
	v23 =	vsel vm0, v23, v35;
	v35 =	vld [tilespmem:s16+$0xFFFFFF90];
	v28 =	vmul.f32 v28, v34  }
0x117: {  	v22 =	vsel vm1, v22, v46;
	v38 =	vmul.f32 v39, v41;
	v34 =	vld [tilespmem:s16+$0xFFFFFFA0];
	[tilespmem:s16+$0x40] =	vst v30;
	v29 =	vmul.f32 v29, v33  }
0x118: {  	v22 =	vsub.f32 v22, v9;
	v23 =	vsub.f32 v23, v9;
	v30 =	vld [tilespmem:s16+$0xFFFFFFB0];
	v33 =	vmul.f32 v42, v37;
	[tilespmem:s16+$0x20] =	vst v28  }
0x119: {  	v28 =	vperm.xlane v10, v2;
	v37 =	vld [tilespmem:s16+$0xFFFFFFC0];
	[tilespmem:s16+$0x60] =	vst v29;
	v27 =	vmul.f32 v27, v14  }
0x11a: {  	v23 =	vmul.f32 $1.442695020e+00, v23;
	v29 =	vmul.f32 v47, v40;
	v39 =	vld [tilespmem:s16+$0xFFFFFFD0];
	[tilespmem:s16+$0x30] =	vst v38  }
0x11b: {  	v20 =	vadd.f32 v36, v20;
	v36 =	vperm.xlane v18, v3;
	v22 =	vmul.f32 $1.442695020e+00, v22;
	v14 =	vpop (erf);
	v38 =	vld [tilespmem:s16+$0xFFFFFF20];
	[tilespmem:s16+$0x0] =	vst v33  }
0x11c: {  	(erf) = vpow2.f32 v23;
	v23 =	vmul.f32 v35, v28;
	v28 =	vld [tilespmem:s16+$0x80];
	[tilespmem:s16+$0xE0] =	vst v27  }
0x11d: {  	v18 =	vperm.xlane v18, v1;
	vm0 =	vge.f32 v20, $0.0e+00;
	v27 =	vmul.f32 $2.000000030e-01, v20;
	[tilespmem:s16+$0xFFFFFF80] =	vst v29;
	v33 =	vld [tilespmem:s16+$0x70]  }
0x11e: {  	(erf) = vpow2.f32 v22;
	v29 =	vld [tilespmem:s16+$0xFFFFFF40];
	[tilespmem:s16+$0xFFFFFF90] =	vst v23;
	v22 =	vmul.f32 v30, v32  }
.Ltmp1:
0x11f: {  	v20 =	vsel vm0, v20, v27;
	v30 =	vmul.f32 v25, v18;
	v18 =	vmul.f32 v37, v24;
	[tilespmem:s25+$0x10] =	vst v14;
	v23 =	vld [tilespmem:s16+$0xFFFFFF50];
	(pc) =	sbr.rel @p1 .LBB2_5-.Ltmp1, $4  }
0x120: {  	v32 =	vmul.f32 v34, v26;
	v25 =	vsub.f32 v20, v9;
	[tilespmem:s16+$0xFFFFFFB0] =	vst v22;
	v22 =	vmul.f32 v39, v31;
	v20 =	vld [tilespmem:s16+$0xC0]  }
0x121: {  	v24 =	vmul.f32 v38, v36;
	[tilespmem:s16+$0xFFFFFFC0] =	vst v18;
	v18 =	vld [tilespmem:s16+$0xFFFFFFE0];
	v27 =	vmul.f32 v28, v44  }
0x122: {  	v26 =	vmul.f32 v43, v19;
	v28 =	vmul.f32 $1.442695020e+00, v25;
	[tilespmem:s16+$0xFFFFFFA0] =	vst v32;
	v19 =	vld [tilespmem:s16+$0xFFFFFFF0]  }
0x123: {  	s29 =	sadd.s32 $0x40, s29;
	s25 =	sadd.s32 $0x40, s25;
	v25 =	vld [tilespmem:s28+$0xA0];
	[tilespmem:s16+$0xFFFFFF00] =	vst v30;
	v29 =	vmul.f32 v29, v17;
	v17 =	vmul.f32 v33, v21  }
0x124: {  	[tilespmem:s16+$0x80] =	vst v27  }
0x125: {  	[tilespmem:s16+$0xFFFFFF60] =	vst v26  }
0x126: {  	(erf) = vpow2.f32 v28;
	[tilespmem:s16+$0xFFFFFF20] =	vst v24  }
0x127: {  	v13 =	vmul.f32 v15, v13;
	[tilespmem:s16+$0xFFFFFFD0] =	vst v22  }
0x128: {  	[tilespmem:s16+$0xFFFFFF40] =	vst v29;
	v15 =	vmul.f32 v20, v16  }
0x129: {  	[tilespmem:s16+$0xFFFFFF30] =	vst v13;
	v13 =	vmul.f32 v18, v12  }
0x12a: {  	v11 =	vmul.f32 v23, v11;
	[tilespmem:s16+$0xC0] =	vst v15;
	v15 =	vld [tilespmem:s30+$0xD0]  }
0x12b: {  	[tilespmem:s16+$0x70] =	vst v17;
	v16 =	vld [tilespmem:s30+$0xF0]  }
0x12c: {  	v17 =	vld [tilespmem:s30+$0x90];
	v12 =	vpop (erf);
	[tilespmem:s16+$0xFFFFFF50] =	vst v11  }
0x12d: {  	v23 =	vperm.xlane v14, v2;
	v20 =	vperm.xlane v14, v6;
	[tilespmem:s16+$0xFFFFFFE0] =	vst v13;
	v13 =	vpop (erf)  }
0x12e: {  	v22 =	vperm.xlane v14, v8;
	v10 =	vperm.xlane v10, v8;
	v18 =	vld [tilespmem:s30+$0xB0];
	[tilespmem:s21+$0xFFFFFFE0] =	vst v13  }
0x12f: {  	v27 =	vperm.xlane v14, v3;
	[tilespmem:s21+$0xFFFFFFF0] =	vst v12;
	v24 =	vld [tilespmem:s30+$0xFFFFFF70];
	v15 =	vmul.f32 v15, v20;
	v21 =	vpop (erf)  }
0x130: {  	v10 =	vmul.f32 v19, v10;
	v16 =	vmul.f32 v16, v22;
	v26 =	vld [tilespmem:s30+$0xFFFFFF10];
	[tilespmem:s21+$0x0] =	vst v21  }
0x131: {  	v11 =	vmul.f32 v17, v23;
	v23 =	vmul.f32 v25, v27;
	[tilespmem:s30+$0xD0] =	vst v15;
	v15 =	vld [tilespmem:s30+$0xFFFFFF00]  }
0x132: {  	v22 =	vperm.xlane v13, v2;
	[tilespmem:s30+$0xF0] =	vst v16;
	v16 =	vperm.xlane v14, v4;
	v20 =	vld [tilespmem:s30+$0x50]  }
0x133: {  	v25 =	vperm.xlane v13, v8;
	v19 =	vperm.xlane v13, v1;
	[tilespmem:s30+$0xA0] =	vst v23;
	v23 =	vld [tilespmem:s30+$0x10]  }
0x134: {  	[tilespmem:s16+$0xFFFFFFF0] =	vst v10;
	v27 =	vperm.xlane v21, v6;
	v16 =	vmul.f32 v18, v16;
	v18 =	vld [tilespmem:s30+$0x60]  }
0x135: {  	[tilespmem:s30+$0x90] =	vst v11;
	v28 =	vperm.xlane v21, v2;
	v22 =	vmul.f32 v26, v22;
	v26 =	vld [tilespmem:s30+$0x40]  }
0x136: {  	[tilespmem:s30+$0xB0] =	vst v16;
	v16 =	vperm.xlane v21, v7;
	v24 =	vmul.f32 v24, v25;
	v25 =	vld [tilespmem:s30+$0x20]  }
0x137: {  	v17 =	vld [tilespmem:s30+$0xFFFFFF30];
	[tilespmem:s30+$0xFFFFFF10] =	vst v22;
	v22 =	vperm.xlane v21, v5;
	v10 =	vmul.f32 v15, v19  }
0x138: {  	v29 =	vld [tilespmem:s30+$0x30];
	[tilespmem:s30+$0xFFFFFF70] =	vst v24;
	v24 =	vperm.xlane v21, v3;
	v20 =	vmul.f32 v20, v27  }
0x139: {  	v19 =	vperm.xlane v13, v4;
	v27 =	vld [tilespmem:s30+$0x0];
	v23 =	vmul.f32 v23, v28;
	[tilespmem:s30+$0xFFFFFF00] =	vst v10  }
0x13a: {  	v28 =	vld [tilespmem:s30+$0xFFFFFF80];
	v16 =	vmul.f32 v18, v16;
	[tilespmem:s30+$0x50] =	vst v20;
	v22 =	vmul.f32 v26, v22  }
0x13b: {  	v20 =	vld [tilespmem:s30+$0xE0];
	v26 =	vperm.xlane v21, v4;
	[tilespmem:s30+$0x10] =	vst v23;
	v23 =	vmul.f32 v25, v24  }
0x13c: {  	v18 =	vperm.xlane v14, v7;
	v24 =	vperm.xlane v21, v1;
	v25 =	vld [tilespmem:s30+$0xFFFFFF90];
	[tilespmem:s30+$0x40] =	vst v22  }
0x13d: {  	v22 =	vmul.f32 v29, v26;
	v26 =	vld [tilespmem:s30+$0xFFFFFFB0];
	[tilespmem:s30+$0x20] =	vst v23;
	v23 =	vperm.xlane v12, v1  }
0x13e: {  	v17 =	vmul.f32 v17, v19;
	[tilespmem:s30+$0x60] =	vst v16;
	v24 =	vmul.f32 v27, v24;
	v27 =	vld [tilespmem:s30+$0xFFFFFFC0]  }
0x13f: {  	v29 =	vperm.xlane v12, v2;
	[tilespmem:s30+$0x30] =	vst v22;
	v22 =	vmul.f32 v28, v23  }
0x140: {  	v16 =	vld [tilespmem:s30+$0xFFFFFFA0];
	[tilespmem:s30+$0xFFFFFF30] =	vst v17;
	v18 =	vmul.f32 v20, v18;
	v20 =	vperm.xlane v12, v4  }
0x141: {  	v15 =	vld [tilespmem:s30+$0xFFFFFFE0];
	[tilespmem:s30+$0x0] =	vst v24;
	v24 =	vperm.xlane v12, v5  }
0x142: {  	v25 =	vmul.f32 v25, v29;
	[tilespmem:s30+$0xFFFFFF80] =	vst v22;
	v20 =	vmul.f32 v26, v20;
	v26 =	vld [tilespmem:s30+$0xFFFFFF40]  }
0x143: {  	v23 =	vld [tilespmem:s30+$0x80];
	v22 =	vperm.xlane v12, v3;
	[tilespmem:s30+$0xE0] =	vst v18;
	v24 =	vmul.f32 v27, v24  }
0x144: {  	v19 =	vperm.xlane v12, v7;
	[tilespmem:s30+$0xFFFFFF90] =	vst v25;
	v25 =	vld [tilespmem:s30+$0x70]  }
0x145: {  	v16 =	vmul.f32 v16, v22;
	v22 =	vld [tilespmem:s30+$0xC0];
	[tilespmem:s30+$0xFFFFFFC0] =	vst v24;
	v24 =	vperm.xlane v13, v5  }
0x146: {  	v11 =	vld [tilespmem:s30+$0xFFFFFF60];
	v15 =	vmul.f32 v15, v19;
	[tilespmem:s30+$0xFFFFFFB0] =	vst v20;
	v20 =	vperm.xlane v14, v1  }
0x147: {  	v18 =	vld [tilespmem:s30+$0xFFFFFF20];
	[tilespmem:s30+$0xFFFFFFA0] =	vst v16;
	v16 =	vperm.xlane v21, v8;
	v10 =	vmul.f32 v26, v24  }
0x148: {  	v28 =	vld [tilespmem:s30+$0xFFFFFFD0];
	[tilespmem:s30+$0xFFFFFFE0] =	vst v15;
	v14 =	vperm.xlane v14, v5;
	v20 =	vmul.f32 v23, v20  }
0x149: {  	v27 =	vld [tilespmem:s30+$0xFFFFFF50];
	v16 =	vmul.f32 v25, v16;
	[tilespmem:s30+$0xFFFFFF40] =	vst v10;
	v10 =	vperm.xlane v13, v7  }
0x14a: {  	v17 =	vperm.xlane v13, v3;
	[tilespmem:s30+$0x80] =	vst v20;
	v14 =	vmul.f32 v22, v14;
	v20 =	vld [tilespmem:s30+$0xFFFFFFF0]  }
0x14b: {  	[tilespmem:s30+$0x70] =	vst v16;
	v16 =	vperm.xlane v12, v6;
	v10 =	vmul.f32 v11, v10  }
0x14c: {  	[tilespmem:s30+$0xC0] =	vst v14;
	v11 =	vperm.xlane v13, v6;
	v13 =	vmul.f32 v18, v17  }
0x14d: {  	v12 =	vperm.xlane v12, v8;
	v14 =	vmul.f32 v28, v16;
	[tilespmem:s30+$0xFFFFFF60] =	vst v10  }
0x14e: {  	v10 =	vmul.f32 v27, v11;
	[tilespmem:s30+$0xFFFFFF20] =	vst v13  }
0x14f: {  	v11 =	vmul.f32 v20, v12;
	[tilespmem:s30+$0xFFFFFFD0] =	vst v14  }
0x150: {  	[tilespmem:s30+$0xFFFFFF50] =	vst v10  }
0x151: {  	s9 =	simm.s32 $0x1E0;
	p1 =	seq.s32 s14, $0x0;
	[tilespmem:s30+$0xFFFFFFF0] =	vst v11  }
0x152: {  	[spmem:s3] =	stream.indirect.scatter.add.f32 [tilespmem:s24], [sflag:$0x7], $0x10, s9, s26, $0xb8;
	[tilespmem:$0x1F8E0] =	vst v63  }
0x153: {  	s16 =	simm.s32 @!p1 $0x8  }
0x154: {  	[spmem:s2] =	stream.indirect.scatter.add.f32 [tilespmem:s22], [sflag:$0x7], $0x80, s9, s26, $0xb8;
	[tilespmem:$0x1F8E0] =	vst v63  }
0x155: {  	_ =	swait.ge @!p1 [sflag:s16], $0x500  }
0x156: {  	[sflag:s16] =	ssyncset.done @!p1 $0x0  }
0x157: {  	[sflag:s16] =	ssyncadd.s32 @!p1 $0xFFFFFB00  }
0x158: {  	_ =	swait.ge @!p1 [sflag:s16], $0x2800  }
0x159: {  	[sflag:s16] =	ssyncset.done @!p1 $0x0  }
0x15a: {  	[sflag:s16] =	ssyncadd.s32 @!p1 $0xFFFFD800  }
0x15b: {  	_ =	swait.ge [sflag:s13], $0x50  }
0x15c: {  	[sflag:s13] =	ssyncset.done $0x0  }
0x15d: {  	[sflag:s13] =	ssyncadd.s32 $0xFFFFFFB0  }
0x15e: {  	_ =	swait.ge [sflag:s13], $0x50  }
0x15f: {  	[sflag:s13] =	ssyncset.done $0x0  }
0x160: {  	s21 =	simm.s32 $0x7D0;
	[sflag:s13] =	ssyncadd.s32 $0xFFFFFFB0  }
0x161: {  	[tilespmem:s21], [sflag:$0x5] =	stream.indirect.gather [hbm4b:s6+s26], $0x10, s26, s26, $0xb8;
	[tilespmem:$0x1F8E0] =	vst v63  }
0x162: {  	s25 =	simm.s32 $0x140;
	s17 =	simm.s32 $0x16D0  }
0x163: {  	[tilespmem:s17], [sflag:$0x5] =	stream.indirect.gather [hbm4b:s8+s26], $0x10, s25, s26, $0xb8;
	[tilespmem:$0x1F8E0] =	vst v63  }
0x164: {  	_ = 	snop  }
0x165: {  	[tilespmem:s19], [sflag:$0x5] =	stream.indirect.gather [hbm4b:s10+s26], $0x80, s26, s26, $0xb8;
	[tilespmem:$0x1F8E0] =	vst v63  }
0x166: {  	_ =	swait.ge [sflag:s11], $0x500  }
0x167: {  	[sflag:s11] =	ssyncset.done $0x0  }
0x168: {  	[sflag:s11] =	ssyncadd.s32 $0xFFFFFB00  }
0x169: {  	_ =	swait.ge [sflag:s11], $0x500  }
0x16a: {  	[sflag:s11] =	ssyncset.done $0x0  }
0x16b: {  	[sflag:s11] =	ssyncadd.s32 $0xFFFFFB00  }
0x16c: {  	_ =	swait.ge [sflag:s11], $0x2800  }
0x16d: {  	[sflag:s11] =	ssyncset.done $0x0  }
0x16e: {  	[sflag:s11] =	ssyncadd.s32 $0xFFFFD800  }
0x16f: {  	v10 =	vld [tilespmem:$0x140]  }
0x170: {  	v11 =	vld [tilespmem:$0x150]  }
0x171: {  	v12 =	vld [tilespmem:$0x160]  }
0x172: {  	v13 =	vld [tilespmem:$0x170]  }
0x173: {  	v14 =	vld [tilespmem:$0x180]  }
0x174: {  	[tilespmem:$0x230] =	vst v10  }
0x175: {  	s18 =	rddreg [dreg:$0x1f];
	[tilespmem:$0x240] =	vst v11  }
0x176: {  	s16 =	sadd.s32 s15, s18;
	[tilespmem:$0x250] =	vst v12  }
0x177: {  	s16 =	sshrl.u32 s16, $0x3;
	[tilespmem:$0x260] =	vst v13  }
0x178: {  	s18 =	sadd.s32 s5, s16;
	[tilespmem:$0x270] =	vst v14  }
0x179: {  	[tilespmem:s26], [sflag:$0x2] =	stream.linear.gather [hbm4b:s18+s4], $0x50, $0x38;
	[tilespmem:$0x1F8E0] =	vst v63  }
0x17a: {  	s16 =	sadd.s32 s1, s16  }
0x17b: {  	[tilespmem:s25], [sflag:$0x2] =	stream.linear.gather [hbm4b:s16+s4], $0x50, $0x38;
	[tilespmem:$0x1F8E0] =	vst v63  }
0x17c: {  	s25 =	simm.s32 $0x16F0  }
0x17d: {  	s17 =	simm.s32 $0x7F0;
	v10 =	vld [tilespmem:s25+$0x10]  }
0x17e: {  	v11 =	vld [tilespmem:s17+$0x10];
	_ =	sdelay $0x4  }
0x17f: {  	v10 =	vadd.f32 v10, v11;
	_ =	sdelay $0x1  }
0x180: {  	v13 =	vld [tilespmem:s17+$0xFFFFFFF0];
	v12 =	vmul.f32 $2.000000030e-01, v10  }
0x181: {  	v11 =	vld [tilespmem:s25+$0xFFFFFFF0];
	vm0 =	vge.f32 v10, $0.0e+00  }
0x182: {  	v14 =	vld [tilespmem:s17+$0xFFFFFFE0];
	v10 =	vsel vm0, v10, v12  }
0x183: {  	v12 =	vld [tilespmem:s25+$0xFFFFFFE0];
	v10 =	vsub.f32 v10, v9;
	_ =	sdelay $0x1  }
0x184: {  	v15 =	vld [tilespmem:s17+$0x0];
	v10 =	vmul.f32 $1.442695020e+00, v10  }
0x185: {  	v16 =	vld [tilespmem:s25+$0x0];
	v11 =	vadd.f32 v11, v13  }
0x186: {  	s21 =	simm.s32 $0x830;
	(erf) = vpow2.f32 v10  }
0x187: {  	v31 =	vld [tilespmem:s21+$0xFFFFFFF0];
	s25 =	simm.s32 $0x1730;
	v10 =	vadd.f32 v12, v14;
	v12 =	vmul.f32 $2.000000030e-01, v11  }
0x188: {  	v19 =	vld [tilespmem:s25+$0xFFFFFFF0];
	vm10 =	vge.f32 v11, $0.0e+00  }
0x189: {  	v11 =	vsel vm10, v11, v12  }
0x18a: {  	v13 =	vmul.f32 $2.000000030e-01, v10;
	v12 =	vadd.f32 v16, v15;
	v11 =	vsub.f32 v11, v9  }
0x18b: {  	vm11 =	vge.f32 v10, $0.0e+00  }
0x18c: {  	v10 =	vsel vm11, v10, v13;
	v13 =	vmul.f32 $2.000000030e-01, v12;
	v11 =	vmul.f32 $1.442695020e+00, v11  }
0x18d: {  	v19 =	vadd.f32 v19, v31;
	vm12 =	vge.f32 v12, $0.0e+00;
	v10 =	vsub.f32 v10, v9  }
0x18e: {  	(erf) = vpow2.f32 v11;
	v11 =	vsel vm12, v12, v13  }
0x18f: {  	v56 =	vmul.f32 $2.000000030e-01, v19;
	v10 =	vmul.f32 $1.442695020e+00, v10;
	v11 =	vsub.f32 v11, v9;
	v14 =	vpop (erf)  }
0x190: {  	s16 =	simm.s32 $0x49D0;
	v18 =	vld [tilespmem:s21+$0x0];
	vm14 =	vge.f32 v19, $0.0e+00;
	[tilespmem:s17+$0x10] =	vst v14  }
0x191: {  	v19 =	vsel vm14, v19, v56;
	(erf) = vpow2.f32 v10;
	v10 =	vmul.f32 $1.442695020e+00, v11;
	v11 =	vld [tilespmem:s16+$0xA0]  }
0x192: {  	v19 =	vsub.f32 v19, v9;
	v13 =	vld [tilespmem:s16+$0xF0]  }
0x193: {  	v15 =	vld [tilespmem:s16+$0xD0]  }
0x194: {  	v19 =	vmul.f32 $1.442695020e+00, v19;
	v21 =	vld [tilespmem:s16+$0x90]  }
0x195: {  	v20 =	vld [tilespmem:s21+$0xFFFFFFE0];
	v16 =	vperm.xlane v14, v3;
	v17 =	vperm.xlane v14, v6  }
0x196: {  	v28 =	vld [tilespmem:s25+$0xFFFFFFE0];
	v22 =	vperm.xlane v14, v8;
	(erf) = vpow2.f32 v10  }
0x197: {  	v26 =	vld [tilespmem:s21+$0x10];
	v27 =	vperm.xlane v14, v2;
	v46 =	vperm.xlane v14, v1  }
0x198: {  	v25 =	vmul.f32 v11, v16;
	v16 =	vmul.f32 v15, v17;
	v15 =	vld [tilespmem:s25+$0x10]  }
0x199: {  	v34 =	vld [tilespmem:s25+$0x0];
	v10 =	vpop (erf);
	v22 =	vmul.f32 v13, v22;
	v21 =	vmul.f32 v21, v27  }
0x19a: {  	v23 =	vld [tilespmem:s16+$0xB0];
	v12 =	vperm.xlane v10, v7;
	[tilespmem:s17+$0xFFFFFFF0] =	vst v10;
	v47 =	vperm.xlane v10, v3  }
0x19b: {  	v20 =	vadd.f32 v28, v20;
	v57 =	vld [tilespmem:s16+$0xE0];
	v28 =	vperm.xlane v10, v5;
	v31 =	vperm.xlane v10, v4;
	[tilespmem:s16+$0xD0] =	vst v16  }
0x19c: {  	v62 =	vld [tilespmem:s16+$0x80];
	v59 =	vperm.xlane v10, v1;
	v60 =	vperm.xlane v10, v2;
	[tilespmem:s16+$0x90] =	vst v21  }
0x19d: {  	v24 =	vpop (erf);
	v16 =	vperm.xlane v14, v5;
	v21 =	vperm.xlane v14, v4;
	[tilespmem:s16+$0xA0] =	vst v25;
	v58 =	vld [tilespmem:s16+$0xFFFFFF80];
	v26 =	vadd.f32 v15, v26  }
0x19e: {  	v14 =	vperm.xlane v14, v7;
	v25 =	vperm.xlane v10, v6;
	v61 =	vld [tilespmem:s16+$0xFFFFFFD0];
	[tilespmem:s17+$0xFFFFFFE0] =	vst v24  }
0x19f: {  	v29 =	vperm.xlane v24, v2;
	v37 =	vld [tilespmem:s16+$0xFFFFFF70];
	v30 =	vpop (erf);
	v43 =	vmul.f32 $2.000000030e-01, v26  }
0x1a0: {  	v40 =	vld [tilespmem:s16+$0xFFFFFF10];
	v21 =	vmul.f32 v23, v21;
	v14 =	vmul.f32 v57, v14;
	[tilespmem:s17+$0x0] =	vst v30;
	vm13 =	vge.f32 v26, $0.0e+00  }
0x1a1: {  	v33 =	vperm.xlane v30, v3;
	v35 =	vperm.xlane v30, v6;
	v53 =	vld [tilespmem:s16+$0x10];
	v26 =	vsel vm13, v26, v43  }
0x1a2: {  	v36 =	vperm.xlane v30, v1;
	v38 =	vperm.xlane v30, v5;
	v41 =	vld [tilespmem:s16+$0x50];
	v26 =	vsub.f32 v26, v9  }
0x1a3: {  	v39 =	vperm.xlane v30, v2;
	v27 =	vperm.xlane v30, v4;
	v23 =	vld [tilespmem:s16+$0x20]  }
0x1a4: {  	[tilespmem:s16+$0xF0] =	vst v22;
	v42 =	vperm.xlane v30, v8;
	v54 =	vld [tilespmem:s16+$0x30];
	v26 =	vmul.f32 $1.442695020e+00, v26  }
0x1a5: {  	v22 =	vperm.xlane v30, v7;
	[tilespmem:s16+$0xB0] =	vst v21;
	v30 =	vld [tilespmem:s16+$0x40];
	v29 =	vmul.f32 v40, v29  }
0x1a6: {  	[tilespmem:s16+$0xE0] =	vst v14;
	v21 =	vmul.f32 v53, v39;
	(erf) = vpow2.f32 v26;
	v26 =	vld [tilespmem:s16+$0x60]  }
0x1a7: {  	v32 =	vperm.xlane v24, v8;
	v45 =	vld [tilespmem:s16+$0xFFFFFF00];
	[tilespmem:s16+$0xFFFFFF10] =	vst v29;
	v29 =	vmul.f32 v41, v35  }
0x1a8: {  	v11 =	vperm.xlane v24, v6;
	v23 =	vmul.f32 v23, v33;
	[tilespmem:s16+$0x10] =	vst v21;
	v21 =	vld [tilespmem:s16+$0xFFFFFF90]  }
0x1a9: {  	v13 =	vperm.xlane v24, v4;
	v55 =	vld [tilespmem:s16+$0x0];
	v32 =	vmul.f32 v37, v32;
	[tilespmem:s16+$0x50] =	vst v29  }
0x1aa: {  	v30 =	vmul.f32 v30, v38;
	v29 =	vmul.f32 $2.000000030e-01, v20;
	[tilespmem:s16+$0x20] =	vst v23;
	v23 =	vld [tilespmem:s16+$0xFFFFFFC0]  }
0x1ab: {  	vm1 =	vge.f32 v20, $0.0e+00;
	[tilespmem:s16+$0xFFFFFF70] =	vst v32;
	v27 =	vmul.f32 v54, v27;
	v22 =	vmul.f32 v26, v22;
	v26 =	vld [tilespmem:s16+$0xFFFFFFB0]  }
0x1ac: {  	v17 =	vperm.xlane v24, v5;
	v52 =	vld [tilespmem:s16+$0xFFFFFF60];
	[tilespmem:s16+$0x40] =	vst v30;
	(erf) = vpow2.f32 v19;
	v20 =	vsel vm1, v20, v29  }
0x1ad: {  	v63 =	vld [tilespmem:s16+$0xFFFFFF40];
	[tilespmem:s16+$0x30] =	vst v27;
	v19 =	vperm.xlane v24, v1;
	v20 =	vsub.f32 v20, v9;
	v21 =	vmul.f32 v21, v60  }
0x1ae: {  	v18 =	vadd.f32 v34, v18;
	v27 =	vld [tilespmem:s16+$0xFFFFFF20];
	v29 =	vmul.f32 v55, v36;
	[tilespmem:s16+$0x60] =	vst v22;
	v22 =	vmul.f32 v58, v59  }
0x1af: {  	v30 =	vld [tilespmem:s16+$0xFFFFFFA0];
	v20 =	vmul.f32 $1.442695020e+00, v20;
	[tilespmem:s16+$0xFFFFFF90] =	vst v21;
	v21 =	vmul.f32 v23, v28  }
0x1b0: {  	v15 =	vld [tilespmem:s16+$0xFFFFFF30];
	[tilespmem:s16+$0xFFFFFF80] =	vst v22;
	v22 =	vmul.f32 v26, v31;
	v26 =	vmul.f32 $2.000000030e-01, v18  }
0x1b1: {  	vm15 =	vge.f32 v18, $0.0e+00;
	[tilespmem:s16+$0x0] =	vst v29;
	v29 =	vperm.xlane v24, v3;
	(erf) = vpow2.f32 v20;
	v31 =	vld [tilespmem:s16+$0x70]  }
0x1b2: {  	v44 =	vperm.xlane v24, v7;
	v23 =	vld [tilespmem:s16+$0xFFFFFF50];
	[tilespmem:s16+$0xFFFFFFC0] =	vst v21;
	v21 =	vmul.f32 v45, v19;
	v14 =	vpop (erf);
	v18 =	vsel vm15, v18, v26  }
0x1b3: {  	v24 =	vmul.f32 v27, v29;
	v27 =	vmul.f32 v62, v46;
	v20 =	vld [tilespmem:s16+$0xC0];
	[tilespmem:s21+$0x10] =	vst v14;
	v19 =	vsub.f32 v18, v9  }
0x1b4: {  	s30 =	simm.s32 $0x4BD0;
	v29 =	vmul.f32 v63, v17;
	[tilespmem:s16+$0xFFFFFF00] =	vst v21;
	v26 =	vmul.f32 v30, v47;
	v18 =	vld [tilespmem:s16+$0xFFFFFFE0]  }
0x1b5: {  	s29 =	simm.s32 $0x1770;
	s28 =	simm.s32 $0x4BD0;
	[tilespmem:s16+$0xFFFFFFB0] =	vst v22;
	v22 =	vmul.f32 v61, v25;
	v25 =	vld [tilespmem:s30+$0xA0];
	v28 =	vmul.f32 $1.442695020e+00, v19  }
0x1b6: {  	s9 =	simm.s32 $0x140;
	s18 =	simm.s32 $0x4;
	s25 =	simm.s32 $0x870;
	[tilespmem:s16+$0xFFFFFFA0] =	vst v26;
	v26 =	vmul.f32 v52, v44;
	v19 =	vld [tilespmem:s16+$0xFFFFFFF0];
	v17 =	vmul.f32 v31, v42  }
.LBB2_7:
0x1b7: {  	s18 =	sadd.s32 $0x4, s18;
	v21 =	vld [tilespmem:s30+$0xF0];
	s28 =	sadd.s32 $0x200, s28;
	(erf) = vpow2.f32 v28;
	v13 =	vmul.f32 v15, v13;
	[tilespmem:s16+$0x80] =	vst v27  }
0x1b8: {  	v27 =	vperm.xlane v10, v8;
	p2 =	slt.u32 s18, $0x4C;
	v15 =	vld [tilespmem:s30+$0xD0];
	[tilespmem:s16+$0xFFFFFF40] =	vst v29;
	v10 =	vpop (erf);
	v16 =	vmul.f32 v20, v16  }
0x1b9: {  	v28 =	vperm.xlane v14, v3;
	v20 =	vld [tilespmem:s25+$0x0];
	[tilespmem:s16+$0xFFFFFF30] =	vst v13;
	v13 =	vmul.f32 v18, v12  }
0x1ba: {  	v30 =	vperm.xlane v14, v6;
	v12 =	vperm.xlane v10, v7;
	v29 =	vld [tilespmem:s29+$0xFFFFFFF0];
	v18 =	vpop (erf);
	[tilespmem:s16+$0x70] =	vst v17  }
0x1bb: {  	v17 =	vperm.xlane v14, v8;
	v31 =	vld [tilespmem:s25+$0xFFFFFFE0];
	v25 =	vmul.f32 v25, v28;
	[tilespmem:s16+$0xC0] =	vst v16  }
0x1bc: {  	v23 =	vmul.f32 v23, v11;
	v19 =	vmul.f32 v19, v27;
	v16 =	vld [tilespmem:s30+$0x90];
	[tilespmem:s16+$0xFFFFFFE0] =	vst v13  }
0x1bd: {  	v28 =	vmul.f32 v21, v17;
	v27 =	vld [tilespmem:s30+$0xB0];
	v15 =	vmul.f32 v15, v30;
	[tilespmem:s16+$0xFFFFFF60] =	vst v26  }
0x1be: {  	v11 =	vperm.xlane v18, v6;
	v26 =	vperm.xlane v14, v2;
	v21 =	vld [tilespmem:s29+$0x10];
	[tilespmem:s16+$0xFFFFFF20] =	vst v24  }
0x1bf: {  	v13 =	vperm.xlane v18, v4;
	v17 =	vperm.xlane v18, v5;
	v24 =	vld [tilespmem:s25+$0x10];
	[tilespmem:s16+$0xFFFFFFD0] =	vst v22  }
0x1c0: {  	v32 =	vperm.xlane v18, v8;
	v30 =	vperm.xlane v18, v2;
	v22 =	vld [tilespmem:s29+$0xFFFFFFE0];
	v33 =	vpop (erf);
	[tilespmem:s16+$0xFFFFFF50] =	vst v23  }
0x1c1: {  	v23 =	vld [tilespmem:s25+$0xFFFFFFF0];
	v34 =	vperm.xlane v33, v3;
	v35 =	vperm.xlane v33, v6;
	[tilespmem:s16+$0xFFFFFFF0] =	vst v19;
	s16 =	smov.u32 s30;
	s30 =	smov.u32 s28  }
0x1c2: {  	v37 =	vperm.xlane v33, v1;
	v38 =	vperm.xlane v33, v5;
	v36 =	vld [tilespmem:s29+$0x0];
	[tilespmem:s21+$0xFFFFFFE0] =	vst v18  }
0x1c3: {  	v40 =	vperm.xlane v33, v2;
	v16 =	vmul.f32 v16, v26;
	v39 =	vld [tilespmem:s16+$0xFFFFFF70];
	[tilespmem:s16+$0xD0] =	vst v15  }
0x1c4: {  	v41 =	vperm.xlane v33, v4;
	v24 =	vadd.f32 v21, v24;
	v26 =	vld [tilespmem:s16+$0xFFFFFF10];
	[tilespmem:s21+$0x0] =	vst v33;
	v21 =	vperm.xlane v33, v8  }
0x1c5: {  	v19 =	vperm.xlane v18, v7;
	v42 =	vld [tilespmem:s16+$0x50];
	[tilespmem:s16+$0x90] =	vst v16  }
0x1c6: {  	v43 =	vmul.f32 $2.000000030e-01, v24;
	v15 =	vld [tilespmem:s16+$0xFFFFFF30];
	[tilespmem:s16+$0xA0] =	vst v25  }
0x1c7: {  	v44 =	vperm.xlane v14, v1;
	v16 =	vperm.xlane v14, v5;
	vm0 =	vge.f32 v24, $0.0e+00;
	v25 =	vld [tilespmem:s16+$0xFFFFFF00];
	[tilespmem:s16+$0xF0] =	vst v28  }
0x1c8: {  	v24 =	vsel vm0, v24, v43;
	v43 =	vld [tilespmem:s16+$0xFFFFFF60];
	v28 =	vmul.f32 v39, v32;
	v32 =	vperm.xlane v14, v4  }
0x1c9: {  	v14 =	vperm.xlane v14, v7;
	v24 =	vsub.f32 v24, v9;
	v26 =	vmul.f32 v26, v30;
	v30 =	vld [tilespmem:s16+$0x10]  }
0x1ca: {  	v33 =	vperm.xlane v33, v7;
	v22 =	vadd.f32 v22, v31;
	v31 =	vperm.xlane v10, v6;
	[tilespmem:s21+$0xFFFFFFF0] =	vst v10;
	v39 =	vld [tilespmem:s16+$0x30];
	s21 =	smov.u32 s25  }
0x1cb: {  	v24 =	vmul.f32 $1.442695020e+00, v24;
	[tilespmem:s16+$0xFFFFFF10] =	vst v26;
	v26 =	vperm.xlane v10, v3;
	v45 =	vld [tilespmem:s16+$0x40]  }
0x1cc: {  	v35 =	vmul.f32 v42, v35;
	v27 =	vmul.f32 v27, v32;
	[tilespmem:s16+$0xFFFFFF70] =	vst v28;
	v28 =	vld [tilespmem:s16+$0x20]  }
0x1cd: {  	v23 =	vadd.f32 v29, v23;
	(erf) = vpow2.f32 v24;
	v24 =	vperm.xlane v10, v5;
	v29 =	vld [tilespmem:s16+$0x60]  }
0x1ce: {  	v32 =	vperm.xlane v10, v4;
	v42 =	vld [tilespmem:s16+$0x0];
	v30 =	vmul.f32 v30, v40;
	[tilespmem:s16+$0x50] =	vst v35  }
0x1cf: {  	vm0 =	vge.f32 v23, $0.0e+00;
	v35 =	vmul.f32 $2.000000030e-01, v23;
	v40 =	vperm.xlane v10, v1;
	[tilespmem:s16+$0xB0] =	vst v27;
	v27 =	vld [tilespmem:s16+$0xE0]  }
0x1d0: {  	v46 =	vmul.f32 $2.000000030e-01, v22;
	v47 =	vld [tilespmem:s16+$0xFFFFFF80];
	[tilespmem:s16+$0x10] =	vst v30;
	v30 =	vmul.f32 v45, v38  }
0x1d1: {  	vm1 =	vge.f32 v22, $0.0e+00;
	v23 =	vsel vm0, v23, v35;
	v35 =	vld [tilespmem:s16+$0xFFFFFF90];
	v28 =	vmul.f32 v28, v34  }
0x1d2: {  	v22 =	vsel vm1, v22, v46;
	v38 =	vmul.f32 v39, v41;
	v34 =	vld [tilespmem:s16+$0xFFFFFFA0];
	[tilespmem:s16+$0x40] =	vst v30;
	v29 =	vmul.f32 v29, v33  }
0x1d3: {  	v22 =	vsub.f32 v22, v9;
	v23 =	vsub.f32 v23, v9;
	v30 =	vld [tilespmem:s16+$0xFFFFFFB0];
	v33 =	vmul.f32 v42, v37;
	[tilespmem:s16+$0x20] =	vst v28  }
0x1d4: {  	v28 =	vperm.xlane v10, v2;
	v37 =	vld [tilespmem:s16+$0xFFFFFFC0];
	[tilespmem:s16+$0x60] =	vst v29;
	v27 =	vmul.f32 v27, v14  }
0x1d5: {  	v23 =	vmul.f32 $1.442695020e+00, v23;
	v29 =	vmul.f32 v47, v40;
	v39 =	vld [tilespmem:s16+$0xFFFFFFD0];
	[tilespmem:s16+$0x30] =	vst v38  }
0x1d6: {  	v20 =	vadd.f32 v36, v20;
	v36 =	vperm.xlane v18, v3;
	v22 =	vmul.f32 $1.442695020e+00, v22;
	v14 =	vpop (erf);
	v38 =	vld [tilespmem:s16+$0xFFFFFF20];
	[tilespmem:s16+$0x0] =	vst v33  }
0x1d7: {  	(erf) = vpow2.f32 v23;
	v23 =	vmul.f32 v35, v28;
	v28 =	vld [tilespmem:s16+$0x80];
	[tilespmem:s16+$0xE0] =	vst v27  }
0x1d8: {  	v18 =	vperm.xlane v18, v1;
	vm0 =	vge.f32 v20, $0.0e+00;
	v27 =	vmul.f32 $2.000000030e-01, v20;
	[tilespmem:s16+$0xFFFFFF80] =	vst v29;
	v33 =	vld [tilespmem:s16+$0x70]  }
0x1d9: {  	(erf) = vpow2.f32 v22;
	v29 =	vld [tilespmem:s16+$0xFFFFFF40];
	[tilespmem:s16+$0xFFFFFF90] =	vst v23;
	v22 =	vmul.f32 v30, v32  }
.Ltmp2:
0x1da: {  	v20 =	vsel vm0, v20, v27;
	v30 =	vmul.f32 v25, v18;
	v18 =	vmul.f32 v37, v24;
	[tilespmem:s25+$0x10] =	vst v14;
	v23 =	vld [tilespmem:s16+$0xFFFFFF50];
	(pc) =	sbr.rel @p2 .LBB2_7-.Ltmp2, $4  }
0x1db: {  	v32 =	vmul.f32 v34, v26;
	v25 =	vsub.f32 v20, v9;
	[tilespmem:s16+$0xFFFFFFB0] =	vst v22;
	v22 =	vmul.f32 v39, v31;
	v20 =	vld [tilespmem:s16+$0xC0]  }
0x1dc: {  	v24 =	vmul.f32 v38, v36;
	[tilespmem:s16+$0xFFFFFFC0] =	vst v18;
	v18 =	vld [tilespmem:s16+$0xFFFFFFE0];
	v27 =	vmul.f32 v28, v44  }
0x1dd: {  	v26 =	vmul.f32 v43, v19;
	v28 =	vmul.f32 $1.442695020e+00, v25;
	[tilespmem:s16+$0xFFFFFFA0] =	vst v32;
	v19 =	vld [tilespmem:s16+$0xFFFFFFF0]  }
0x1de: {  	s29 =	sadd.s32 $0x40, s29;
	s25 =	sadd.s32 $0x40, s25;
	v25 =	vld [tilespmem:s28+$0xA0];
	[tilespmem:s16+$0xFFFFFF00] =	vst v30;
	v29 =	vmul.f32 v29, v17;
	v17 =	vmul.f32 v33, v21  }
0x1df: {  	[tilespmem:s16+$0x80] =	vst v27  }
0x1e0: {  	[tilespmem:s16+$0xFFFFFF60] =	vst v26  }
0x1e1: {  	(erf) = vpow2.f32 v28;
	[tilespmem:s16+$0xFFFFFF20] =	vst v24  }
0x1e2: {  	v13 =	vmul.f32 v15, v13;
	[tilespmem:s16+$0xFFFFFFD0] =	vst v22  }
0x1e3: {  	[tilespmem:s16+$0xFFFFFF40] =	vst v29;
	v15 =	vmul.f32 v20, v16  }
0x1e4: {  	[tilespmem:s16+$0xFFFFFF30] =	vst v13;
	v13 =	vmul.f32 v18, v12  }
0x1e5: {  	v11 =	vmul.f32 v23, v11;
	[tilespmem:s16+$0xC0] =	vst v15;
	v15 =	vld [tilespmem:s30+$0xD0]  }
0x1e6: {  	[tilespmem:s16+$0x70] =	vst v17;
	v16 =	vld [tilespmem:s30+$0xF0]  }
0x1e7: {  	v17 =	vld [tilespmem:s30+$0x90];
	v12 =	vpop (erf);
	[tilespmem:s16+$0xFFFFFF50] =	vst v11  }
0x1e8: {  	v23 =	vperm.xlane v14, v2;
	v20 =	vperm.xlane v14, v6;
	[tilespmem:s16+$0xFFFFFFE0] =	vst v13;
	v13 =	vpop (erf)  }
0x1e9: {  	v22 =	vperm.xlane v14, v8;
	v10 =	vperm.xlane v10, v8;
	v18 =	vld [tilespmem:s30+$0xB0];
	[tilespmem:s21+$0xFFFFFFE0] =	vst v13  }
0x1ea: {  	v27 =	vperm.xlane v14, v3;
	[tilespmem:s21+$0xFFFFFFF0] =	vst v12;
	v24 =	vld [tilespmem:s30+$0xFFFFFF70];
	v15 =	vmul.f32 v15, v20;
	v21 =	vpop (erf)  }
0x1eb: {  	v10 =	vmul.f32 v19, v10;
	v16 =	vmul.f32 v16, v22;
	v26 =	vld [tilespmem:s30+$0xFFFFFF10];
	[tilespmem:s21+$0x0] =	vst v21  }
0x1ec: {  	v11 =	vmul.f32 v17, v23;
	v23 =	vmul.f32 v25, v27;
	[tilespmem:s30+$0xD0] =	vst v15;
	v15 =	vld [tilespmem:s30+$0xFFFFFF00]  }
0x1ed: {  	v22 =	vperm.xlane v13, v2;
	[tilespmem:s30+$0xF0] =	vst v16;
	v16 =	vperm.xlane v14, v4;
	v20 =	vld [tilespmem:s30+$0x50]  }
0x1ee: {  	v25 =	vperm.xlane v13, v8;
	v19 =	vperm.xlane v13, v1;
	[tilespmem:s30+$0xA0] =	vst v23;
	v23 =	vld [tilespmem:s30+$0x10]  }
0x1ef: {  	[tilespmem:s16+$0xFFFFFFF0] =	vst v10;
	v27 =	vperm.xlane v21, v6;
	v16 =	vmul.f32 v18, v16;
	v18 =	vld [tilespmem:s30+$0x60]  }
0x1f0: {  	[tilespmem:s30+$0x90] =	vst v11;
	v28 =	vperm.xlane v21, v2;
	v22 =	vmul.f32 v26, v22;
	v26 =	vld [tilespmem:s30+$0x40]  }
0x1f1: {  	[tilespmem:s30+$0xB0] =	vst v16;
	v16 =	vperm.xlane v21, v7;
	v24 =	vmul.f32 v24, v25;
	v25 =	vld [tilespmem:s30+$0x20]  }
0x1f2: {  	v17 =	vld [tilespmem:s30+$0xFFFFFF30];
	[tilespmem:s30+$0xFFFFFF10] =	vst v22;
	v22 =	vperm.xlane v21, v5;
	v10 =	vmul.f32 v15, v19  }
0x1f3: {  	v29 =	vld [tilespmem:s30+$0x30];
	[tilespmem:s30+$0xFFFFFF70] =	vst v24;
	v24 =	vperm.xlane v21, v3;
	v20 =	vmul.f32 v20, v27  }
0x1f4: {  	v19 =	vperm.xlane v13, v4;
	v27 =	vld [tilespmem:s30+$0x0];
	v23 =	vmul.f32 v23, v28;
	[tilespmem:s30+$0xFFFFFF00] =	vst v10  }
0x1f5: {  	v28 =	vld [tilespmem:s30+$0xFFFFFF80];
	v16 =	vmul.f32 v18, v16;
	[tilespmem:s30+$0x50] =	vst v20;
	v22 =	vmul.f32 v26, v22  }
0x1f6: {  	v20 =	vld [tilespmem:s30+$0xE0];
	v26 =	vperm.xlane v21, v4;
	[tilespmem:s30+$0x10] =	vst v23;
	v23 =	vmul.f32 v25, v24  }
0x1f7: {  	v18 =	vperm.xlane v14, v7;
	v24 =	vperm.xlane v21, v1;
	v25 =	vld [tilespmem:s30+$0xFFFFFF90];
	[tilespmem:s30+$0x40] =	vst v22  }
0x1f8: {  	v22 =	vmul.f32 v29, v26;
	v26 =	vld [tilespmem:s30+$0xFFFFFFB0];
	[tilespmem:s30+$0x20] =	vst v23;
	v23 =	vperm.xlane v12, v1  }
0x1f9: {  	v17 =	vmul.f32 v17, v19;
	[tilespmem:s30+$0x60] =	vst v16;
	v24 =	vmul.f32 v27, v24;
	v27 =	vld [tilespmem:s30+$0xFFFFFFC0]  }
0x1fa: {  	v29 =	vperm.xlane v12, v2;
	[tilespmem:s30+$0x30] =	vst v22;
	v22 =	vmul.f32 v28, v23  }
0x1fb: {  	v16 =	vld [tilespmem:s30+$0xFFFFFFA0];
	[tilespmem:s30+$0xFFFFFF30] =	vst v17;
	v18 =	vmul.f32 v20, v18;
	v20 =	vperm.xlane v12, v4  }
0x1fc: {  	v15 =	vld [tilespmem:s30+$0xFFFFFFE0];
	[tilespmem:s30+$0x0] =	vst v24;
	v24 =	vperm.xlane v12, v5  }
0x1fd: {  	v25 =	vmul.f32 v25, v29;
	[tilespmem:s30+$0xFFFFFF80] =	vst v22;
	v20 =	vmul.f32 v26, v20;
	v26 =	vld [tilespmem:s30+$0xFFFFFF40]  }
0x1fe: {  	v23 =	vld [tilespmem:s30+$0x80];
	v22 =	vperm.xlane v12, v3;
	[tilespmem:s30+$0xE0] =	vst v18;
	v24 =	vmul.f32 v27, v24  }
0x1ff: {  	v19 =	vperm.xlane v12, v7;
	[tilespmem:s30+$0xFFFFFF90] =	vst v25;
	v25 =	vld [tilespmem:s30+$0x70]  }
0x200: {  	v16 =	vmul.f32 v16, v22;
	v22 =	vld [tilespmem:s30+$0xC0];
	[tilespmem:s30+$0xFFFFFFC0] =	vst v24;
	v24 =	vperm.xlane v13, v5  }
0x201: {  	v11 =	vld [tilespmem:s30+$0xFFFFFF60];
	v15 =	vmul.f32 v15, v19;
	[tilespmem:s30+$0xFFFFFFB0] =	vst v20;
	v20 =	vperm.xlane v14, v1  }
0x202: {  	v18 =	vld [tilespmem:s30+$0xFFFFFF20];
	[tilespmem:s30+$0xFFFFFFA0] =	vst v16;
	v16 =	vperm.xlane v21, v8;
	v10 =	vmul.f32 v26, v24  }
0x203: {  	v28 =	vld [tilespmem:s30+$0xFFFFFFD0];
	[tilespmem:s30+$0xFFFFFFE0] =	vst v15;
	v14 =	vperm.xlane v14, v5;
	v20 =	vmul.f32 v23, v20  }
0x204: {  	v27 =	vld [tilespmem:s30+$0xFFFFFF50];
	v16 =	vmul.f32 v25, v16;
	[tilespmem:s30+$0xFFFFFF40] =	vst v10;
	v10 =	vperm.xlane v13, v7  }
0x205: {  	v17 =	vperm.xlane v13, v3;
	[tilespmem:s30+$0x80] =	vst v20;
	v14 =	vmul.f32 v22, v14;
	v20 =	vld [tilespmem:s30+$0xFFFFFFF0]  }
0x206: {  	[tilespmem:s30+$0x70] =	vst v16;
	v16 =	vperm.xlane v12, v6;
	v10 =	vmul.f32 v11, v10  }
0x207: {  	[tilespmem:s30+$0xC0] =	vst v14;
	v11 =	vperm.xlane v13, v6;
	v13 =	vmul.f32 v18, v17  }
0x208: {  	v12 =	vperm.xlane v12, v8;
	v14 =	vmul.f32 v28, v16;
	[tilespmem:s30+$0xFFFFFF60] =	vst v10  }
0x209: {  	v10 =	vmul.f32 v27, v11;
	[tilespmem:s30+$0xFFFFFF20] =	vst v13  }
0x20a: {  	v11 =	vmul.f32 v20, v12;
	[tilespmem:s30+$0xFFFFFFD0] =	vst v14  }
0x20b: {  	[tilespmem:s30+$0xFFFFFF50] =	vst v10  }
0x20c: {  	s18 =	simm.s32 $0x7D0;
	[tilespmem:s30+$0xFFFFFFF0] =	vst v11  }
0x20d: {  	[spmem:s3] =	stream.indirect.scatter.add.f32 [tilespmem:s18], [sflag:$0x8], $0x10, s12, s26, $0xb8;
	[tilespmem:$0x1F8E0] =	vst v63  }
0x20e: {  	s16 =	simm.s32 @!p1 $0x9  }
0x20f: {  	[spmem:s2] =	stream.indirect.scatter.add.f32 [tilespmem:s19], [sflag:$0x8], $0x80, s12, s26, $0xb8;
	[tilespmem:$0x1F8E0] =	vst v63  }
0x210: {  	_ =	swait.ge @!p1 [sflag:s16], $0x500  }
0x211: {  	[sflag:s16] =	ssyncset.done @!p1 $0x0  }
0x212: {  	[sflag:s16] =	ssyncadd.s32 @!p1 $0xFFFFFB00  }
0x213: {  	_ =	swait.ge @!p1 [sflag:s16], $0x2800  }
0x214: {  	[sflag:s16] =	ssyncset.done @!p1 $0x0  }
0x215: {  	[sflag:s16] =	ssyncadd.s32 @!p1 $0xFFFFD800  }
0x216: {  	_ =	swait.ge [sflag:s20], $0x50  }
0x217: {  	[sflag:s20] =	ssyncset.done $0x0  }
0x218: {  	[sflag:s20] =	ssyncadd.s32 $0xFFFFFFB0  }
0x219: {  	_ =	swait.ge [sflag:s20], $0x50  }
0x21a: {  	[sflag:s20] =	ssyncset.done $0x0  }
0x21b: {  	s17 =	simm.s32 $0xCD0;
	s21 =	simm.s32 $0xA0;
	[sflag:s20] =	ssyncadd.s32 $0xFFFFFFB0  }
0x21c: {  	[tilespmem:s17], [sflag:$0x6] =	stream.indirect.gather [hbm4b:s6+s26], $0x10, s21, s26, $0xb8;
	[tilespmem:$0x1F8E0] =	vst v63  }
0x21d: {  	s25 =	simm.s32 $0x190;
	s18 =	simm.s32 $0x1BD0  }
0x21e: {  	[tilespmem:s18], [sflag:$0x6] =	stream.indirect.gather [hbm4b:s8+s26], $0x10, s25, s26, $0xb8;
	[tilespmem:$0x1F8E0] =	vst v63  }
0x21f: {  	s30 =	simm.s32 $0x70D0  }
0x220: {  	[tilespmem:s30], [sflag:$0x6] =	stream.indirect.gather [hbm4b:s10+s26], $0x80, s21, s26, $0xb8;
	[tilespmem:$0x1F8E0] =	vst v63  }
0x221: {  	_ =	swait.ge [sflag:s0], $0x500  }
0x222: {  	[sflag:s0] =	ssyncset.done $0x0  }
0x223: {  	[sflag:s0] =	ssyncadd.s32 $0xFFFFFB00  }
0x224: {  	_ =	swait.ge [sflag:s0], $0x500  }
0x225: {  	[sflag:s0] =	ssyncset.done $0x0  }
0x226: {  	[sflag:s0] =	ssyncadd.s32 $0xFFFFFB00  }
0x227: {  	_ =	swait.ge [sflag:s0], $0x2800  }
0x228: {  	[sflag:s0] =	ssyncset.done $0x0  }
0x229: {  	[sflag:s0] =	ssyncadd.s32 $0xFFFFD800  }
0x22a: {  	v10 =	vld [tilespmem:$0x190]  }
0x22b: {  	v11 =	vld [tilespmem:$0x1A0]  }
0x22c: {  	v12 =	vld [tilespmem:$0x1B0]  }
0x22d: {  	v13 =	vld [tilespmem:$0x1C0]  }
0x22e: {  	s16 =	sld [smem:$0x7F8];
	v14 =	vld [tilespmem:$0x1D0]  }
0x22f: {  	[tilespmem:$0x280] =	vst v10  }
0x230: {  	p1 =	seq.s32 s14, $0x28;
	[tilespmem:$0x290] =	vst v11  }
0x231: {  	s15 =	sadd.s32 @!p1 s15, s16;
	[tilespmem:$0x2A0] =	vst v12  }
0x232: {  	s15 =	sshrl.u32 @!p1 s15, $0x3;
	[tilespmem:$0x2B0] =	vst v13  }
0x233: {  	s18 =	simm.s32 @!p1 $0x0;
	s21 =	simm.s32 @!p1 $0xA0;
	s16 =	sadd.s32 @!p1 s5, s15;
	[tilespmem:$0x2C0] =	vst v14  }
0x234: {  	[tilespmem:s21], [sflag:$0x3] =	stream.linear.gather @!p1 [hbm4b:s16+s18], $0x50, $0x38;
	[tilespmem:$0x1F8E0] =	vst v63  }
0x235: {  	s15 =	sadd.s32 @!p1 s1, s15;
	s16 =	simm.s32 @!p1 $0x190;
	s21 =	simm.s32 $0x1BF0  }
0x236: {  	[tilespmem:s16], [sflag:$0x3] =	stream.linear.gather @!p1 [hbm4b:s15+s18], $0x50, $0x38;
	[tilespmem:$0x1F8E0] =	vst v63  }
0x237: {  	s25 =	simm.s32 $0xCF0;
	v10 =	vld [tilespmem:s21+$0x10]  }
0x238: {  	v11 =	vld [tilespmem:s25+$0x10];
	_ =	sdelay $0x4  }
0x239: {  	v10 =	vadd.f32 v10, v11;
	_ =	sdelay $0x1  }
0x23a: {  	v13 =	vld [tilespmem:s25+$0xFFFFFFF0];
	v12 =	vmul.f32 $2.000000030e-01, v10  }
0x23b: {  	v11 =	vld [tilespmem:s21+$0xFFFFFFF0];
	vm0 =	vge.f32 v10, $0.0e+00  }
0x23c: {  	v14 =	vld [tilespmem:s25+$0xFFFFFFE0];
	v10 =	vsel vm0, v10, v12  }
0x23d: {  	v12 =	vld [tilespmem:s21+$0xFFFFFFE0];
	v10 =	vsub.f32 v10, v9;
	_ =	sdelay $0x1  }
0x23e: {  	v15 =	vld [tilespmem:s25+$0x0];
	v10 =	vmul.f32 $1.442695020e+00, v10  }
0x23f: {  	v16 =	vld [tilespmem:s21+$0x0];
	v11 =	vadd.f32 v11, v13  }
0x240: {  	s30 =	simm.s32 $0x1C30;
	(erf) = vpow2.f32 v10  }
0x241: {  	s16 =	simm.s32 $0xD30;
	v19 =	vld [tilespmem:s30+$0xFFFFFFF0];
	v10 =	vadd.f32 v12, v14;
	v12 =	vmul.f32 $2.000000030e-01, v11  }
0x242: {  	v31 =	vld [tilespmem:s16+$0xFFFFFFF0];
	vm10 =	vge.f32 v11, $0.0e+00  }
0x243: {  	v11 =	vsel vm10, v11, v12  }
0x244: {  	v13 =	vmul.f32 $2.000000030e-01, v10;
	v12 =	vadd.f32 v16, v15;
	v11 =	vsub.f32 v11, v9  }
0x245: {  	vm11 =	vge.f32 v10, $0.0e+00  }
0x246: {  	v10 =	vsel vm11, v10, v13;
	v13 =	vmul.f32 $2.000000030e-01, v12;
	v11 =	vmul.f32 $1.442695020e+00, v11  }
0x247: {  	v19 =	vadd.f32 v19, v31;
	vm12 =	vge.f32 v12, $0.0e+00;
	v10 =	vsub.f32 v10, v9  }
0x248: {  	(erf) = vpow2.f32 v11;
	v11 =	vsel vm12, v12, v13  }
0x249: {  	v56 =	vmul.f32 $2.000000030e-01, v19;
	v10 =	vmul.f32 $1.442695020e+00, v10;
	v11 =	vsub.f32 v11, v9;
	v14 =	vpop (erf)  }
0x24a: {  	s15 =	simm.s32 $0x71D0;
	v18 =	vld [tilespmem:s16+$0x0];
	vm14 =	vge.f32 v19, $0.0e+00;
	[tilespmem:s25+$0x10] =	vst v14  }
0x24b: {  	v19 =	vsel vm14, v19, v56;
	(erf) = vpow2.f32 v10;
	v10 =	vmul.f32 $1.442695020e+00, v11;
	v11 =	vld [tilespmem:s15+$0xA0]  }
0x24c: {  	v19 =	vsub.f32 v19, v9;
	v13 =	vld [tilespmem:s15+$0xF0]  }
0x24d: {  	v15 =	vld [tilespmem:s15+$0xD0]  }
0x24e: {  	v19 =	vmul.f32 $1.442695020e+00, v19;
	v21 =	vld [tilespmem:s15+$0x90]  }
0x24f: {  	v20 =	vld [tilespmem:s16+$0xFFFFFFE0];
	v16 =	vperm.xlane v14, v3;
	v17 =	vperm.xlane v14, v6  }
0x250: {  	v28 =	vld [tilespmem:s30+$0xFFFFFFE0];
	v22 =	vperm.xlane v14, v8;
	(erf) = vpow2.f32 v10  }
0x251: {  	v26 =	vld [tilespmem:s16+$0x10];
	v27 =	vperm.xlane v14, v2;
	v46 =	vperm.xlane v14, v1  }
0x252: {  	v25 =	vmul.f32 v11, v16;
	v16 =	vmul.f32 v15, v17;
	v15 =	vld [tilespmem:s30+$0x10]  }
0x253: {  	v34 =	vld [tilespmem:s30+$0x0];
	v10 =	vpop (erf);
	v22 =	vmul.f32 v13, v22;
	v21 =	vmul.f32 v21, v27  }
0x254: {  	v23 =	vld [tilespmem:s15+$0xB0];
	v12 =	vperm.xlane v10, v7;
	[tilespmem:s25+$0xFFFFFFF0] =	vst v10;
	v47 =	vperm.xlane v10, v3  }
0x255: {  	v20 =	vadd.f32 v28, v20;
	v57 =	vld [tilespmem:s15+$0xE0];
	v28 =	vperm.xlane v10, v5;
	v31 =	vperm.xlane v10, v4;
	[tilespmem:s15+$0xD0] =	vst v16  }
0x256: {  	v62 =	vld [tilespmem:s15+$0x80];
	v59 =	vperm.xlane v10, v1;
	v60 =	vperm.xlane v10, v2;
	[tilespmem:s15+$0x90] =	vst v21  }
0x257: {  	v24 =	vpop (erf);
	v16 =	vperm.xlane v14, v5;
	v21 =	vperm.xlane v14, v4;
	[tilespmem:s15+$0xA0] =	vst v25;
	v58 =	vld [tilespmem:s15+$0xFFFFFF80];
	v26 =	vadd.f32 v15, v26  }
0x258: {  	v14 =	vperm.xlane v14, v7;
	v25 =	vperm.xlane v10, v6;
	v61 =	vld [tilespmem:s15+$0xFFFFFFD0];
	[tilespmem:s25+$0xFFFFFFE0] =	vst v24  }
0x259: {  	v29 =	vperm.xlane v24, v2;
	v37 =	vld [tilespmem:s15+$0xFFFFFF70];
	v30 =	vpop (erf);
	v43 =	vmul.f32 $2.000000030e-01, v26  }
0x25a: {  	v40 =	vld [tilespmem:s15+$0xFFFFFF10];
	v21 =	vmul.f32 v23, v21;
	v14 =	vmul.f32 v57, v14;
	[tilespmem:s25+$0x0] =	vst v30;
	vm13 =	vge.f32 v26, $0.0e+00  }
0x25b: {  	v33 =	vperm.xlane v30, v3;
	v35 =	vperm.xlane v30, v6;
	v53 =	vld [tilespmem:s15+$0x10];
	v26 =	vsel vm13, v26, v43  }
0x25c: {  	v36 =	vperm.xlane v30, v1;
	v38 =	vperm.xlane v30, v5;
	v41 =	vld [tilespmem:s15+$0x50];
	v26 =	vsub.f32 v26, v9  }
0x25d: {  	v39 =	vperm.xlane v30, v2;
	v27 =	vperm.xlane v30, v4;
	v23 =	vld [tilespmem:s15+$0x20]  }
0x25e: {  	[tilespmem:s15+$0xF0] =	vst v22;
	v42 =	vperm.xlane v30, v8;
	v54 =	vld [tilespmem:s15+$0x30];
	v26 =	vmul.f32 $1.442695020e+00, v26  }
0x25f: {  	v22 =	vperm.xlane v30, v7;
	[tilespmem:s15+$0xB0] =	vst v21;
	v30 =	vld [tilespmem:s15+$0x40];
	v29 =	vmul.f32 v40, v29  }
0x260: {  	[tilespmem:s15+$0xE0] =	vst v14;
	v21 =	vmul.f32 v53, v39;
	(erf) = vpow2.f32 v26;
	v26 =	vld [tilespmem:s15+$0x60]  }
0x261: {  	v32 =	vperm.xlane v24, v8;
	v45 =	vld [tilespmem:s15+$0xFFFFFF00];
	[tilespmem:s15+$0xFFFFFF10] =	vst v29;
	v29 =	vmul.f32 v41, v35  }
0x262: {  	v11 =	vperm.xlane v24, v6;
	v23 =	vmul.f32 v23, v33;
	[tilespmem:s15+$0x10] =	vst v21;
	v21 =	vld [tilespmem:s15+$0xFFFFFF90]  }
0x263: {  	v13 =	vperm.xlane v24, v4;
	v55 =	vld [tilespmem:s15+$0x0];
	v32 =	vmul.f32 v37, v32;
	[tilespmem:s15+$0x50] =	vst v29  }
0x264: {  	v30 =	vmul.f32 v30, v38;
	v29 =	vmul.f32 $2.000000030e-01, v20;
	[tilespmem:s15+$0x20] =	vst v23;
	v23 =	vld [tilespmem:s15+$0xFFFFFFC0]  }
0x265: {  	vm1 =	vge.f32 v20, $0.0e+00;
	[tilespmem:s15+$0xFFFFFF70] =	vst v32;
	v27 =	vmul.f32 v54, v27;
	v22 =	vmul.f32 v26, v22;
	v26 =	vld [tilespmem:s15+$0xFFFFFFB0]  }
0x266: {  	v17 =	vperm.xlane v24, v5;
	v52 =	vld [tilespmem:s15+$0xFFFFFF60];
	[tilespmem:s15+$0x40] =	vst v30;
	(erf) = vpow2.f32 v19;
	v20 =	vsel vm1, v20, v29  }
0x267: {  	v63 =	vld [tilespmem:s15+$0xFFFFFF40];
	[tilespmem:s15+$0x30] =	vst v27;
	v19 =	vperm.xlane v24, v1;
	v20 =	vsub.f32 v20, v9;
	v21 =	vmul.f32 v21, v60  }
0x268: {  	v18 =	vadd.f32 v34, v18;
	v27 =	vld [tilespmem:s15+$0xFFFFFF20];
	v29 =	vmul.f32 v55, v36;
	[tilespmem:s15+$0x60] =	vst v22;
	v22 =	vmul.f32 v58, v59  }
0x269: {  	v30 =	vld [tilespmem:s15+$0xFFFFFFA0];
	v20 =	vmul.f32 $1.442695020e+00, v20;
	[tilespmem:s15+$0xFFFFFF90] =	vst v21;
	v21 =	vmul.f32 v23, v28  }
0x26a: {  	v15 =	vld [tilespmem:s15+$0xFFFFFF30];
	[tilespmem:s15+$0xFFFFFF80] =	vst v22;
	v22 =	vmul.f32 v26, v31;
	v26 =	vmul.f32 $2.000000030e-01, v18  }
0x26b: {  	vm15 =	vge.f32 v18, $0.0e+00;
	[tilespmem:s15+$0x0] =	vst v29;
	v29 =	vperm.xlane v24, v3;
	(erf) = vpow2.f32 v20;
	v31 =	vld [tilespmem:s15+$0x70]  }
0x26c: {  	v44 =	vperm.xlane v24, v7;
	v23 =	vld [tilespmem:s15+$0xFFFFFF50];
	[tilespmem:s15+$0xFFFFFFC0] =	vst v21;
	v21 =	vmul.f32 v45, v19;
	v14 =	vpop (erf);
	v18 =	vsel vm15, v18, v26  }
0x26d: {  	v24 =	vmul.f32 v27, v29;
	v27 =	vmul.f32 v62, v46;
	v20 =	vld [tilespmem:s15+$0xC0];
	[tilespmem:s16+$0x10] =	vst v14;
	v19 =	vsub.f32 v18, v9  }
0x26e: {  	s21 =	simm.s32 $0x73D0;
	v29 =	vmul.f32 v63, v17;
	[tilespmem:s15+$0xFFFFFF00] =	vst v21;
	v26 =	vmul.f32 v30, v47;
	v18 =	vld [tilespmem:s15+$0xFFFFFFE0]  }
0x26f: {  	s29 =	simm.s32 $0x1C70;
	s28 =	simm.s32 $0x73D0;
	[tilespmem:s15+$0xFFFFFFB0] =	vst v22;
	v22 =	vmul.f32 v61, v25;
	v25 =	vld [tilespmem:s21+$0xA0];
	v28 =	vmul.f32 $1.442695020e+00, v19  }
0x270: {  	s17 =	simm.s32 $0xA0;
	s18 =	simm.s32 $0x4;
	s25 =	simm.s32 $0xD70;
	[tilespmem:s15+$0xFFFFFFA0] =	vst v26;
	v26 =	vmul.f32 v52, v44;
	v19 =	vld [tilespmem:s15+$0xFFFFFFF0];
	v17 =	vmul.f32 v31, v42  }
.LBB2_9:
0x271: {  	s18 =	sadd.s32 $0x4, s18;
	v21 =	vld [tilespmem:s21+$0xF0];
	s28 =	sadd.s32 $0x200, s28;
	(erf) = vpow2.f32 v28;
	v13 =	vmul.f32 v15, v13;
	[tilespmem:s15+$0x80] =	vst v27  }
0x272: {  	v27 =	vperm.xlane v10, v8;
	p1 =	slt.u32 s18, $0x4C;
	v15 =	vld [tilespmem:s21+$0xD0];
	[tilespmem:s15+$0xFFFFFF40] =	vst v29;
	v10 =	vpop (erf);
	v16 =	vmul.f32 v20, v16  }
0x273: {  	v28 =	vperm.xlane v14, v3;
	v20 =	vld [tilespmem:s25+$0x0];
	[tilespmem:s15+$0xFFFFFF30] =	vst v13;
	v13 =	vmul.f32 v18, v12  }
0x274: {  	v30 =	vperm.xlane v14, v6;
	v12 =	vperm.xlane v10, v7;
	v29 =	vld [tilespmem:s29+$0xFFFFFFF0];
	v18 =	vpop (erf);
	[tilespmem:s15+$0x70] =	vst v17  }
0x275: {  	v17 =	vperm.xlane v14, v8;
	v31 =	vld [tilespmem:s25+$0xFFFFFFE0];
	v25 =	vmul.f32 v25, v28;
	[tilespmem:s15+$0xC0] =	vst v16  }
0x276: {  	v23 =	vmul.f32 v23, v11;
	v19 =	vmul.f32 v19, v27;
	v16 =	vld [tilespmem:s21+$0x90];
	[tilespmem:s15+$0xFFFFFFE0] =	vst v13  }
0x277: {  	v28 =	vmul.f32 v21, v17;
	v27 =	vld [tilespmem:s21+$0xB0];
	v15 =	vmul.f32 v15, v30;
	[tilespmem:s15+$0xFFFFFF60] =	vst v26  }
0x278: {  	v11 =	vperm.xlane v18, v6;
	v26 =	vperm.xlane v14, v2;
	v21 =	vld [tilespmem:s29+$0x10];
	[tilespmem:s15+$0xFFFFFF20] =	vst v24  }
0x279: {  	v13 =	vperm.xlane v18, v4;
	v17 =	vperm.xlane v18, v5;
	v24 =	vld [tilespmem:s25+$0x10];
	[tilespmem:s15+$0xFFFFFFD0] =	vst v22  }
0x27a: {  	v32 =	vperm.xlane v18, v8;
	v30 =	vperm.xlane v18, v2;
	v22 =	vld [tilespmem:s29+$0xFFFFFFE0];
	v33 =	vpop (erf);
	[tilespmem:s15+$0xFFFFFF50] =	vst v23  }
0x27b: {  	v23 =	vld [tilespmem:s25+$0xFFFFFFF0];
	v34 =	vperm.xlane v33, v3;
	v35 =	vperm.xlane v33, v6;
	[tilespmem:s15+$0xFFFFFFF0] =	vst v19;
	s15 =	smov.u32 s21;
	s21 =	smov.u32 s28  }
0x27c: {  	v37 =	vperm.xlane v33, v1;
	v38 =	vperm.xlane v33, v5;
	v36 =	vld [tilespmem:s29+$0x0];
	[tilespmem:s16+$0xFFFFFFE0] =	vst v18  }
0x27d: {  	v40 =	vperm.xlane v33, v2;
	v16 =	vmul.f32 v16, v26;
	v39 =	vld [tilespmem:s15+$0xFFFFFF70];
	[tilespmem:s15+$0xD0] =	vst v15  }
0x27e: {  	v41 =	vperm.xlane v33, v4;
	v24 =	vadd.f32 v21, v24;
	v26 =	vld [tilespmem:s15+$0xFFFFFF10];
	[tilespmem:s16+$0x0] =	vst v33;
	v21 =	vperm.xlane v33, v8  }
0x27f: {  	v19 =	vperm.xlane v18, v7;
	v42 =	vld [tilespmem:s15+$0x50];
	[tilespmem:s15+$0x90] =	vst v16  }
0x280: {  	v43 =	vmul.f32 $2.000000030e-01, v24;
	v15 =	vld [tilespmem:s15+$0xFFFFFF30];
	[tilespmem:s15+$0xA0] =	vst v25  }
0x281: {  	v44 =	vperm.xlane v14, v1;
	v16 =	vperm.xlane v14, v5;
	vm0 =	vge.f32 v24, $0.0e+00;
	v25 =	vld [tilespmem:s15+$0xFFFFFF00];
	[tilespmem:s15+$0xF0] =	vst v28  }
0x282: {  	v24 =	vsel vm0, v24, v43;
	v43 =	vld [tilespmem:s15+$0xFFFFFF60];
	v28 =	vmul.f32 v39, v32;
	v32 =	vperm.xlane v14, v4  }
0x283: {  	v14 =	vperm.xlane v14, v7;
	v24 =	vsub.f32 v24, v9;
	v26 =	vmul.f32 v26, v30;
	v30 =	vld [tilespmem:s15+$0x10]  }
0x284: {  	v33 =	vperm.xlane v33, v7;
	v22 =	vadd.f32 v22, v31;
	v31 =	vperm.xlane v10, v6;
	[tilespmem:s16+$0xFFFFFFF0] =	vst v10;
	v39 =	vld [tilespmem:s15+$0x30];
	s16 =	smov.u32 s25  }
0x285: {  	v24 =	vmul.f32 $1.442695020e+00, v24;
	[tilespmem:s15+$0xFFFFFF10] =	vst v26;
	v26 =	vperm.xlane v10, v3;
	v45 =	vld [tilespmem:s15+$0x40]  }
0x286: {  	v35 =	vmul.f32 v42, v35;
	v27 =	vmul.f32 v27, v32;
	[tilespmem:s15+$0xFFFFFF70] =	vst v28;
	v28 =	vld [tilespmem:s15+$0x20]  }
0x287: {  	v23 =	vadd.f32 v29, v23;
	(erf) = vpow2.f32 v24;
	v24 =	vperm.xlane v10, v5;
	v29 =	vld [tilespmem:s15+$0x60]  }
0x288: {  	v32 =	vperm.xlane v10, v4;
	v42 =	vld [tilespmem:s15+$0x0];
	v30 =	vmul.f32 v30, v40;
	[tilespmem:s15+$0x50] =	vst v35  }
0x289: {  	vm0 =	vge.f32 v23, $0.0e+00;
	v35 =	vmul.f32 $2.000000030e-01, v23;
	v40 =	vperm.xlane v10, v1;
	[tilespmem:s15+$0xB0] =	vst v27;
	v27 =	vld [tilespmem:s15+$0xE0]  }
0x28a: {  	v46 =	vmul.f32 $2.000000030e-01, v22;
	v47 =	vld [tilespmem:s15+$0xFFFFFF80];
	[tilespmem:s15+$0x10] =	vst v30;
	v30 =	vmul.f32 v45, v38  }
0x28b: {  	vm1 =	vge.f32 v22, $0.0e+00;
	v23 =	vsel vm0, v23, v35;
	v35 =	vld [tilespmem:s15+$0xFFFFFF90];
	v28 =	vmul.f32 v28, v34  }
0x28c: {  	v22 =	vsel vm1, v22, v46;
	v38 =	vmul.f32 v39, v41;
	v34 =	vld [tilespmem:s15+$0xFFFFFFA0];
	[tilespmem:s15+$0x40] =	vst v30;
	v29 =	vmul.f32 v29, v33  }
0x28d: {  	v22 =	vsub.f32 v22, v9;
	v23 =	vsub.f32 v23, v9;
	v30 =	vld [tilespmem:s15+$0xFFFFFFB0];
	v33 =	vmul.f32 v42, v37;
	[tilespmem:s15+$0x20] =	vst v28  }
0x28e: {  	v28 =	vperm.xlane v10, v2;
	v37 =	vld [tilespmem:s15+$0xFFFFFFC0];
	[tilespmem:s15+$0x60] =	vst v29;
	v27 =	vmul.f32 v27, v14  }
0x28f: {  	v23 =	vmul.f32 $1.442695020e+00, v23;
	v29 =	vmul.f32 v47, v40;
	v39 =	vld [tilespmem:s15+$0xFFFFFFD0];
	[tilespmem:s15+$0x30] =	vst v38  }
0x290: {  	v20 =	vadd.f32 v36, v20;
	v36 =	vperm.xlane v18, v3;
	v22 =	vmul.f32 $1.442695020e+00, v22;
	v14 =	vpop (erf);
	v38 =	vld [tilespmem:s15+$0xFFFFFF20];
	[tilespmem:s15+$0x0] =	vst v33  }
0x291: {  	(erf) = vpow2.f32 v23;
	v23 =	vmul.f32 v35, v28;
	v28 =	vld [tilespmem:s15+$0x80];
	[tilespmem:s15+$0xE0] =	vst v27  }
0x292: {  	v18 =	vperm.xlane v18, v1;
	vm0 =	vge.f32 v20, $0.0e+00;
	v27 =	vmul.f32 $2.000000030e-01, v20;
	[tilespmem:s15+$0xFFFFFF80] =	vst v29;
	v33 =	vld [tilespmem:s15+$0x70]  }
0x293: {  	(erf) = vpow2.f32 v22;
	v29 =	vld [tilespmem:s15+$0xFFFFFF40];
	[tilespmem:s15+$0xFFFFFF90] =	vst v23;
	v22 =	vmul.f32 v30, v32  }
.Ltmp3:
0x294: {  	v20 =	vsel vm0, v20, v27;
	v30 =	vmul.f32 v25, v18;
	v18 =	vmul.f32 v37, v24;
	[tilespmem:s25+$0x10] =	vst v14;
	v23 =	vld [tilespmem:s15+$0xFFFFFF50];
	(pc) =	sbr.rel @p1 .LBB2_9-.Ltmp3, $4  }
0x295: {  	v32 =	vmul.f32 v34, v26;
	v25 =	vsub.f32 v20, v9;
	[tilespmem:s15+$0xFFFFFFB0] =	vst v22;
	v22 =	vmul.f32 v39, v31;
	v20 =	vld [tilespmem:s15+$0xC0]  }
0x296: {  	v24 =	vmul.f32 v38, v36;
	[tilespmem:s15+$0xFFFFFFC0] =	vst v18;
	v18 =	vld [tilespmem:s15+$0xFFFFFFE0];
	v27 =	vmul.f32 v28, v44  }
0x297: {  	v26 =	vmul.f32 v43, v19;
	v28 =	vmul.f32 $1.442695020e+00, v25;
	[tilespmem:s15+$0xFFFFFFA0] =	vst v32;
	v19 =	vld [tilespmem:s15+$0xFFFFFFF0]  }
0x298: {  	s29 =	sadd.s32 $0x40, s29;
	s25 =	sadd.s32 $0x40, s25;
	v25 =	vld [tilespmem:s28+$0xA0];
	[tilespmem:s15+$0xFFFFFF00] =	vst v30;
	v29 =	vmul.f32 v29, v17;
	v17 =	vmul.f32 v33, v21  }
0x299: {  	[tilespmem:s15+$0x80] =	vst v27  }
0x29a: {  	[tilespmem:s15+$0xFFFFFF60] =	vst v26  }
0x29b: {  	[tilespmem:s15+$0xFFFFFF20] =	vst v24  }
0x29c: {  	[tilespmem:s15+$0xFFFFFFD0] =	vst v22  }
0x29d: {  	v13 =	vmul.f32 v15, v13;
	[tilespmem:s15+$0xFFFFFF40] =	vst v29  }
0x29e: {  	v11 =	vmul.f32 v23, v11;
	[tilespmem:s15+$0x70] =	vst v17  }
0x29f: {  	v33 =	vmul.f32 v20, v16;
	[tilespmem:s15+$0xFFFFFF30] =	vst v13  }
0x2a0: {  	(erf) = vpow2.f32 v28;
	v36 =	vld [tilespmem:s21+$0xD0];
	[tilespmem:s15+$0xFFFFFF50] =	vst v11  }
0x2a1: {  	v37 =	vld [tilespmem:s21+$0x90];
	v10 =	vperm.xlane v10, v8;
	v34 =	vmul.f32 v18, v12;
	v12 =	vpop (erf);
	[tilespmem:s15+$0xC0] =	vst v33  }
0x2a2: {  	v35 =	vld [tilespmem:s21+$0xF0];
	v43 =	vperm.xlane v14, v3;
	[tilespmem:s16+$0xFFFFFFF0] =	vst v12  }
0x2a3: {  	v38 =	vld [tilespmem:s21+$0xB0];
	v39 =	vperm.xlane v14, v6;
	v10 =	vmul.f32 v19, v10;
	[tilespmem:s15+$0xFFFFFFE0] =	vst v34;
	v13 =	vpop (erf)  }
0x2a4: {  	v41 =	vperm.xlane v14, v2;
	v61 =	vld [tilespmem:s21+$0xE0];
	v46 =	vmul.f32 v25, v43;
	[tilespmem:s16+$0xFFFFFFE0] =	vst v13  }
0x2a5: {  	v45 =	vperm.xlane v14, v8;
	v63 =	vld [tilespmem:s21+$0xFFFFFF80];
	v15 =	vmul.f32 v36, v39;
	[tilespmem:s15+$0xFFFFFFF0] =	vst v10  }
0x2a6: {  	v32 =	vld [tilespmem:s21+$0xFFFFFF90];
	v11 =	vmul.f32 v37, v41;
	[tilespmem:s21+$0xA0] =	vst v46  }
0x2a7: {  	v33 =	vperm.xlane v14, v7;
	v16 =	vmul.f32 v35, v45;
	v42 =	vld [tilespmem:s21+$0xFFFFFF10];
	[tilespmem:s21+$0xD0] =	vst v15  }
0x2a8: {  	v50 =	vperm.xlane v14, v4;
	v47 =	vperm.xlane v13, v2;
	v40 =	vld [tilespmem:s21+$0xFFFFFF70];
	[tilespmem:s21+$0x90] =	vst v11  }
0x2a9: {  	v36 =	vperm.xlane v12, v1;
	v18 =	vmul.f32 v61, v33;
	[tilespmem:s21+$0xF0] =	vst v16;
	v21 =	vpop (erf)  }
0x2aa: {  	v39 =	vperm.xlane v12, v2;
	v15 =	vld [tilespmem:s21+$0xFFFFFF00];
	v16 =	vmul.f32 v38, v50;
	[tilespmem:s16+$0x0] =	vst v21  }
0x2ab: {  	v48 =	vperm.xlane v13, v8;
	[tilespmem:s21+$0xE0] =	vst v18;
	v41 =	vmul.f32 v63, v36;
	v44 =	vld [tilespmem:s21+$0x50]  }
0x2ac: {  	[tilespmem:s21+$0xB0] =	vst v16;
	v25 =	vmul.f32 v32, v39;
	v49 =	vld [tilespmem:s21+$0x10];
	v22 =	vmul.f32 v42, v47  }
0x2ad: {  	v51 =	vld [tilespmem:s21+$0x40];
	v24 =	vmul.f32 v40, v48;
	[tilespmem:s21+$0xFFFFFF80] =	vst v41;
	v48 =	vperm.xlane v13, v1  }
0x2ae: {  	v52 =	vperm.xlane v21, v6;
	v53 =	vld [tilespmem:s21+$0x20];
	[tilespmem:s21+$0xFFFFFF90] =	vst v25  }
0x2af: {  	v54 =	vperm.xlane v21, v2;
	v55 =	vld [tilespmem:s21+$0x60];
	[tilespmem:s21+$0xFFFFFF10] =	vst v22;
	v10 =	vmul.f32 v15, v48  }
0x2b0: {  	v56 =	vperm.xlane v21, v5;
	v57 =	vld [tilespmem:s21+$0x30];
	[tilespmem:s21+$0xFFFFFF70] =	vst v24;
	v20 =	vmul.f32 v44, v52  }
0x2b1: {  	v58 =	vperm.xlane v21, v3;
	v59 =	vld [tilespmem:s21+$0x0];
	[tilespmem:s21+$0xFFFFFF00] =	vst v10;
	v23 =	vmul.f32 v49, v54  }
0x2b2: {  	v35 =	vld [tilespmem:s21+$0xFFFFFFB0];
	v60 =	vperm.xlane v21, v7;
	v22 =	vmul.f32 v51, v56;
	[tilespmem:s21+$0x50] =	vst v20  }
0x2b3: {  	v37 =	vld [tilespmem:s21+$0xFFFFFFC0];
	v62 =	vperm.xlane v21, v4;
	v30 =	vmul.f32 v53, v58;
	[tilespmem:s21+$0x10] =	vst v23  }
0x2b4: {  	v38 =	vld [tilespmem:s21+$0xFFFFFFA0];
	v31 =	vperm.xlane v21, v1;
	v16 =	vmul.f32 v55, v60;
	[tilespmem:s21+$0x40] =	vst v22  }
0x2b5: {  	v40 =	vperm.xlane v12, v4;
	v47 =	vld [tilespmem:s21+$0xFFFFFF40];
	v34 =	vmul.f32 v57, v62;
	[tilespmem:s21+$0x20] =	vst v30  }
0x2b6: {  	v43 =	vperm.xlane v12, v5;
	v17 =	vld [tilespmem:s21+$0xFFFFFF30];
	v24 =	vmul.f32 v59, v31;
	[tilespmem:s21+$0x60] =	vst v16  }
0x2b7: {  	v45 =	vld [tilespmem:s21+$0xFFFFFF20];
	v46 =	vperm.xlane v12, v3;
	[tilespmem:s21+$0x30] =	vst v34;
	v20 =	vmul.f32 v35, v40  }
0x2b8: {  	v42 =	vld [tilespmem:s21+$0x80];
	v52 =	vperm.xlane v13, v5;
	[tilespmem:s21+$0x0] =	vst v24;
	v24 =	vmul.f32 v37, v43  }
0x2b9: {  	v49 =	vld [tilespmem:s21+$0x70];
	v54 =	vperm.xlane v13, v4;
	v16 =	vmul.f32 v38, v46;
	[tilespmem:s21+$0xFFFFFFB0] =	vst v20  }
0x2ba: {  	v51 =	vld [tilespmem:s21+$0xC0];
	v59 =	vperm.xlane v13, v3;
	v10 =	vmul.f32 v47, v52;
	[tilespmem:s21+$0xFFFFFFC0] =	vst v24  }
0x2bb: {  	v50 =	vperm.xlane v14, v1;
	v53 =	vld [tilespmem:s21+$0xFFFFFFE0];
	v17 =	vmul.f32 v17, v54;
	[tilespmem:s21+$0xFFFFFFA0] =	vst v16  }
0x2bc: {  	v11 =	vld [tilespmem:s21+$0xFFFFFF60];
	v56 =	vperm.xlane v21, v8;
	v62 =	vmul.f32 v45, v59;
	[tilespmem:s21+$0xFFFFFF40] =	vst v10  }
0x2bd: {  	v44 =	vld [tilespmem:s21+$0xFFFFFFD0];
	v57 =	vperm.xlane v14, v5;
	v20 =	vmul.f32 v42, v50;
	[tilespmem:s21+$0xFFFFFF30] =	vst v17  }
0x2be: {  	v55 =	vld [tilespmem:s21+$0xFFFFFF50];
	v58 =	vperm.xlane v12, v7;
	[tilespmem:s21+$0xFFFFFF20] =	vst v62;
	v16 =	vmul.f32 v49, v56  }
0x2bf: {  	v60 =	vld [tilespmem:s21+$0xFFFFFFF0];
	v10 =	vperm.xlane v13, v7;
	v14 =	vmul.f32 v51, v57;
	[tilespmem:s21+$0x80] =	vst v20  }
0x2c0: {  	v61 =	vperm.xlane v12, v6;
	v15 =	vmul.f32 v53, v58;
	[tilespmem:s21+$0x70] =	vst v16  }
0x2c1: {  	v10 =	vmul.f32 v11, v10;
	v11 =	vperm.xlane v13, v6;
	[tilespmem:s21+$0xC0] =	vst v14  }
0x2c2: {  	v12 =	vperm.xlane v12, v8;
	v63 =	vmul.f32 v44, v61;
	[tilespmem:s21+$0xFFFFFFE0] =	vst v15  }
0x2c3: {  	[tilespmem:s21+$0xFFFFFF60] =	vst v10;
	v10 =	vmul.f32 v55, v11  }
0x2c4: {  	[tilespmem:s21+$0xFFFFFFD0] =	vst v63;
	v11 =	vmul.f32 v60, v12  }
0x2c5: {  	[tilespmem:s21+$0xFFFFFF50] =	vst v10  }
0x2c6: {  	s25 =	simm.s32 $0xCD0;
	s28 =	simm.s32 $0x280;
	[tilespmem:s21+$0xFFFFFFF0] =	vst v11  }
0x2c7: {  	[spmem:s3] =	stream.indirect.scatter.add.f32 [tilespmem:s25], [sflag:$0x9], $0x10, s28, s26, $0xb8;
	[tilespmem:$0x1F8E0] =	vst v63  }
0x2c8: {  	s29 =	simm.s32 $0x70D0  }
0x2c9: {  	[spmem:s2] =	stream.indirect.scatter.add.f32 [tilespmem:s29], [sflag:$0x9], $0x80, s28, s26, $0xb8;
	[tilespmem:$0x1F8E0] =	vst v63  }
0x2ca: {  	_ =	swait.ge [sflag:s23], $0x500  }
0x2cb: {  	[sflag:s23] =	ssyncset.done $0x0  }
0x2cc: {  	[sflag:s23] =	ssyncadd.s32 $0xFFFFFB00  }
0x2cd: {  	_ =	swait.ge [sflag:s23], $0x2800  }
0x2ce: {  	[sflag:s23] =	ssyncset.done $0x0  }
0x2cf: {  	[sflag:s23] =	ssyncadd.s32 $0xFFFFD800  }
0x2d0: {  	_ =	swait.ge [sflag:s31], $0x50  }
0x2d1: {  	[sflag:s31] =	ssyncset.done $0x0  }
0x2d2: {  	[sflag:s31] =	ssyncadd.s32 $0xFFFFFFB0  }
0x2d3: {  	_ =	swait.ge [sflag:s31], $0x50  }
0x2d4: {  	s14 =	sadd.s32 $0x1, s14;
	[sflag:s31] =	ssyncset.done $0x0  }
0x2d5: {  	p1 =	sne.s32 s14, $0x29;
	[sflag:s31] =	ssyncadd.s32 $0xFFFFFFB0  }
0x2d6: {  	[tilespmem:s24], [sflag:$0x4] =	stream.indirect.gather [hbm4b:s6+s26], $0x10, s4, s26, $0xb8;
	[tilespmem:$0x1F8E0] =	vst v63  }
.Ltmp4:
0x2d7: {  	_ = 	snop;
	(pc) =	sbr.rel @p1 .LBB2_4-.Ltmp4, $4  }
0x2d8: {  	s30 =	simm.s32 $0x11D0;
	s21 =	simm.s32 $0xF0  }
0x2d9: {  	[tilespmem:s30], [sflag:$0x4] =	stream.indirect.gather [hbm4b:s8+s26], $0x10, s21, s26, $0xb8;
	[tilespmem:$0x1F8E0] =	vst v63  }
0x2da: {  	_ = 	snop  }
0x2db: {  	[tilespmem:s22], [sflag:$0x4] =	stream.indirect.gather [hbm4b:s10+s26], $0x80, s4, s26, $0xb8;
	[tilespmem:$0x1F8E0] =	vst v63  }
0x2dc: {  	_ =	swait.ge [sflag:s7], $0x500  }
0x2dd: {  	[sflag:s7] =	ssyncset.done $0x0  }
0x2de: {  	[sflag:s7] =	ssyncadd.s32 $0xFFFFFB00  }
0x2df: {  	_ =	swait.ge [sflag:s7], $0x500  }
0x2e0: {  	[sflag:s7] =	ssyncset.done $0x0  }
0x2e1: {  	[sflag:s7] =	ssyncadd.s32 $0xFFFFFB00  }
0x2e2: {  	_ =	swait.ge [sflag:s7], $0x2800  }
0x2e3: {  	[sflag:s7] =	ssyncset.done $0x0  }
0x2e4: {  	[sflag:s7] =	ssyncadd.s32 $0xFFFFD800  }
0x2e5: {  	v10 =	vld [tilespmem:$0xF0]  }
0x2e6: {  	v11 =	vld [tilespmem:$0x100]  }
0x2e7: {  	v12 =	vld [tilespmem:$0x110]  }
0x2e8: {  	v13 =	vld [tilespmem:$0x120]  }
0x2e9: {  	v14 =	vld [tilespmem:$0x130]  }
0x2ea: {  	[tilespmem:$0x1E0] =	vst v10  }
0x2eb: {  	[tilespmem:$0x1F0] =	vst v11  }
0x2ec: {  	[tilespmem:$0x200] =	vst v12  }
0x2ed: {  	[tilespmem:$0x210] =	vst v13  }
0x2ee: {  	s14 =	simm.s32 $0x11F0;
	[tilespmem:$0x220] =	vst v14  }
0x2ef: {  	s16 =	simm.s32 $0x2F0;
	v10 =	vld [tilespmem:s14+$0x10]  }
0x2f0: {  	v11 =	vld [tilespmem:s16+$0x10];
	_ =	sdelay $0x4  }
0x2f1: {  	v10 =	vadd.f32 v10, v11;
	_ =	sdelay $0x1  }
0x2f2: {  	v13 =	vld [tilespmem:s16+$0xFFFFFFF0];
	v12 =	vmul.f32 $2.000000030e-01, v10  }
0x2f3: {  	v11 =	vld [tilespmem:s14+$0xFFFFFFF0];
	vm0 =	vge.f32 v10, $0.0e+00  }
0x2f4: {  	v14 =	vld [tilespmem:s16+$0xFFFFFFE0];
	v10 =	vsel vm0, v10, v12  }
0x2f5: {  	v12 =	vld [tilespmem:s14+$0xFFFFFFE0];
	v10 =	vsub.f32 v10, v9;
	_ =	sdelay $0x1  }
0x2f6: {  	v15 =	vld [tilespmem:s16+$0x0];
	v10 =	vmul.f32 $1.442695020e+00, v10  }
0x2f7: {  	v16 =	vld [tilespmem:s14+$0x0];
	v11 =	vadd.f32 v11, v13  }
0x2f8: {  	s18 =	simm.s32 $0x1230;
	(erf) = vpow2.f32 v10  }
0x2f9: {  	s15 =	simm.s32 $0x330;
	v19 =	vld [tilespmem:s18+$0xFFFFFFF0];
	v10 =	vadd.f32 v12, v14;
	v12 =	vmul.f32 $2.000000030e-01, v11  }
0x2fa: {  	v31 =	vld [tilespmem:s15+$0xFFFFFFF0];
	vm10 =	vge.f32 v11, $0.0e+00  }
0x2fb: {  	v11 =	vsel vm10, v11, v12  }
0x2fc: {  	v13 =	vmul.f32 $2.000000030e-01, v10;
	v12 =	vadd.f32 v16, v15;
	v11 =	vsub.f32 v11, v9  }
0x2fd: {  	vm11 =	vge.f32 v10, $0.0e+00  }
0x2fe: {  	v10 =	vsel vm11, v10, v13;
	v13 =	vmul.f32 $2.000000030e-01, v12;
	v11 =	vmul.f32 $1.442695020e+00, v11  }
0x2ff: {  	v19 =	vadd.f32 v19, v31;
	vm12 =	vge.f32 v12, $0.0e+00;
	v10 =	vsub.f32 v10, v9  }
0x300: {  	(erf) = vpow2.f32 v11;
	v11 =	vsel vm12, v12, v13  }
0x301: {  	v56 =	vmul.f32 $2.000000030e-01, v19;
	v10 =	vmul.f32 $1.442695020e+00, v10;
	v11 =	vsub.f32 v11, v9;
	v14 =	vpop (erf)  }
0x302: {  	v18 =	vld [tilespmem:s15+$0x0];
	vm14 =	vge.f32 v19, $0.0e+00;
	s14 =	simm.s32 $0x21D0;
	[tilespmem:s16+$0x10] =	vst v14  }
0x303: {  	v19 =	vsel vm14, v19, v56;
	(erf) = vpow2.f32 v10;
	v10 =	vmul.f32 $1.442695020e+00, v11;
	v11 =	vld [tilespmem:s14+$0xA0]  }
0x304: {  	v19 =	vsub.f32 v19, v9;
	v13 =	vld [tilespmem:s14+$0xF0]  }
0x305: {  	v15 =	vld [tilespmem:s14+$0xD0]  }
0x306: {  	v19 =	vmul.f32 $1.442695020e+00, v19;
	v21 =	vld [tilespmem:s14+$0x90]  }
0x307: {  	v20 =	vld [tilespmem:s15+$0xFFFFFFE0];
	v16 =	vperm.xlane v14, v3;
	v17 =	vperm.xlane v14, v6  }
0x308: {  	v28 =	vld [tilespmem:s18+$0xFFFFFFE0];
	v22 =	vperm.xlane v14, v8;
	(erf) = vpow2.f32 v10  }
0x309: {  	v26 =	vld [tilespmem:s15+$0x10];
	v27 =	vperm.xlane v14, v2;
	v46 =	vperm.xlane v14, v1  }
0x30a: {  	v25 =	vmul.f32 v11, v16;
	v16 =	vmul.f32 v15, v17;
	v15 =	vld [tilespmem:s18+$0x10]  }
0x30b: {  	v34 =	vld [tilespmem:s18+$0x0];
	v10 =	vpop (erf);
	v22 =	vmul.f32 v13, v22;
	v21 =	vmul.f32 v21, v27  }
0x30c: {  	v23 =	vld [tilespmem:s14+$0xB0];
	v12 =	vperm.xlane v10, v7;
	[tilespmem:s16+$0xFFFFFFF0] =	vst v10;
	v47 =	vperm.xlane v10, v3  }
0x30d: {  	v20 =	vadd.f32 v28, v20;
	v57 =	vld [tilespmem:s14+$0xE0];
	v28 =	vperm.xlane v10, v5;
	v31 =	vperm.xlane v10, v4;
	[tilespmem:s14+$0xD0] =	vst v16  }
0x30e: {  	v62 =	vld [tilespmem:s14+$0x80];
	v59 =	vperm.xlane v10, v1;
	v60 =	vperm.xlane v10, v2;
	[tilespmem:s14+$0x90] =	vst v21  }
0x30f: {  	v24 =	vpop (erf);
	v16 =	vperm.xlane v14, v5;
	v21 =	vperm.xlane v14, v4;
	[tilespmem:s14+$0xA0] =	vst v25;
	v58 =	vld [tilespmem:s14+$0xFFFFFF80];
	v26 =	vadd.f32 v15, v26  }
0x310: {  	v14 =	vperm.xlane v14, v7;
	v25 =	vperm.xlane v10, v6;
	v61 =	vld [tilespmem:s14+$0xFFFFFFD0];
	[tilespmem:s16+$0xFFFFFFE0] =	vst v24  }
0x311: {  	v29 =	vperm.xlane v24, v2;
	v37 =	vld [tilespmem:s14+$0xFFFFFF70];
	v30 =	vpop (erf);
	v43 =	vmul.f32 $2.000000030e-01, v26  }
0x312: {  	v40 =	vld [tilespmem:s14+$0xFFFFFF10];
	v21 =	vmul.f32 v23, v21;
	v14 =	vmul.f32 v57, v14;
	[tilespmem:s16+$0x0] =	vst v30;
	vm13 =	vge.f32 v26, $0.0e+00  }
0x313: {  	v33 =	vperm.xlane v30, v3;
	v35 =	vperm.xlane v30, v6;
	v53 =	vld [tilespmem:s14+$0x10];
	v26 =	vsel vm13, v26, v43  }
0x314: {  	v36 =	vperm.xlane v30, v1;
	v38 =	vperm.xlane v30, v5;
	v41 =	vld [tilespmem:s14+$0x50];
	v26 =	vsub.f32 v26, v9  }
0x315: {  	v39 =	vperm.xlane v30, v2;
	v27 =	vperm.xlane v30, v4;
	v23 =	vld [tilespmem:s14+$0x20]  }
0x316: {  	[tilespmem:s14+$0xF0] =	vst v22;
	v42 =	vperm.xlane v30, v8;
	v54 =	vld [tilespmem:s14+$0x30];
	v26 =	vmul.f32 $1.442695020e+00, v26  }
0x317: {  	v22 =	vperm.xlane v30, v7;
	[tilespmem:s14+$0xB0] =	vst v21;
	v30 =	vld [tilespmem:s14+$0x40];
	v29 =	vmul.f32 v40, v29  }
0x318: {  	[tilespmem:s14+$0xE0] =	vst v14;
	v21 =	vmul.f32 v53, v39;
	(erf) = vpow2.f32 v26;
	v26 =	vld [tilespmem:s14+$0x60]  }
0x319: {  	v32 =	vperm.xlane v24, v8;
	v45 =	vld [tilespmem:s14+$0xFFFFFF00];
	[tilespmem:s14+$0xFFFFFF10] =	vst v29;
	v29 =	vmul.f32 v41, v35  }
0x31a: {  	v11 =	vperm.xlane v24, v6;
	v23 =	vmul.f32 v23, v33;
	[tilespmem:s14+$0x10] =	vst v21;
	v21 =	vld [tilespmem:s14+$0xFFFFFF90]  }
0x31b: {  	v13 =	vperm.xlane v24, v4;
	v55 =	vld [tilespmem:s14+$0x0];
	v32 =	vmul.f32 v37, v32;
	[tilespmem:s14+$0x50] =	vst v29  }
0x31c: {  	v30 =	vmul.f32 v30, v38;
	v29 =	vmul.f32 $2.000000030e-01, v20;
	[tilespmem:s14+$0x20] =	vst v23;
	v23 =	vld [tilespmem:s14+$0xFFFFFFC0]  }
0x31d: {  	vm1 =	vge.f32 v20, $0.0e+00;
	[tilespmem:s14+$0xFFFFFF70] =	vst v32;
	v27 =	vmul.f32 v54, v27;
	v22 =	vmul.f32 v26, v22;
	v26 =	vld [tilespmem:s14+$0xFFFFFFB0]  }
0x31e: {  	v17 =	vperm.xlane v24, v5;
	v52 =	vld [tilespmem:s14+$0xFFFFFF60];
	[tilespmem:s14+$0x40] =	vst v30;
	(erf) = vpow2.f32 v19;
	v20 =	vsel vm1, v20, v29  }
0x31f: {  	v63 =	vld [tilespmem:s14+$0xFFFFFF40];
	[tilespmem:s14+$0x30] =	vst v27;
	v19 =	vperm.xlane v24, v1;
	v20 =	vsub.f32 v20, v9;
	v21 =	vmul.f32 v21, v60  }
0x320: {  	v18 =	vadd.f32 v34, v18;
	v27 =	vld [tilespmem:s14+$0xFFFFFF20];
	v29 =	vmul.f32 v55, v36;
	[tilespmem:s14+$0x60] =	vst v22;
	v22 =	vmul.f32 v58, v59  }
0x321: {  	v30 =	vld [tilespmem:s14+$0xFFFFFFA0];
	v20 =	vmul.f32 $1.442695020e+00, v20;
	[tilespmem:s14+$0xFFFFFF90] =	vst v21;
	v21 =	vmul.f32 v23, v28  }
0x322: {  	v15 =	vld [tilespmem:s14+$0xFFFFFF30];
	[tilespmem:s14+$0xFFFFFF80] =	vst v22;
	v22 =	vmul.f32 v26, v31;
	v26 =	vmul.f32 $2.000000030e-01, v18  }
0x323: {  	vm15 =	vge.f32 v18, $0.0e+00;
	[tilespmem:s14+$0x0] =	vst v29;
	v29 =	vperm.xlane v24, v3;
	(erf) = vpow2.f32 v20;
	v31 =	vld [tilespmem:s14+$0x70]  }
0x324: {  	v44 =	vperm.xlane v24, v7;
	v23 =	vld [tilespmem:s14+$0xFFFFFF50];
	[tilespmem:s14+$0xFFFFFFC0] =	vst v21;
	v21 =	vmul.f32 v45, v19;
	v14 =	vpop (erf);
	v18 =	vsel vm15, v18, v26  }
0x325: {  	v24 =	vmul.f32 v27, v29;
	v27 =	vmul.f32 v62, v46;
	v20 =	vld [tilespmem:s14+$0xC0];
	[tilespmem:s15+$0x10] =	vst v14;
	v19 =	vsub.f32 v18, v9  }
0x326: {  	s16 =	simm.s32 $0x23D0;
	v29 =	vmul.f32 v63, v17;
	[tilespmem:s14+$0xFFFFFF00] =	vst v21;
	v26 =	vmul.f32 v30, v47;
	v18 =	vld [tilespmem:s14+$0xFFFFFFE0]  }
0x327: {  	s21 =	simm.s32 $0x1270;
	[tilespmem:s14+$0xFFFFFFB0] =	vst v22;
	v22 =	vmul.f32 v61, v25;
	v25 =	vld [tilespmem:s16+$0xA0];
	v28 =	vmul.f32 $1.442695020e+00, v19  }
0x328: {  	s25 =	simm.s32 $0x370;
	s28 =	simm.s32 $0x23D0;
	s18 =	simm.s32 $0x4;
	[tilespmem:s14+$0xFFFFFFA0] =	vst v26;
	v26 =	vmul.f32 v52, v44;
	v19 =	vld [tilespmem:s14+$0xFFFFFFF0];
	v17 =	vmul.f32 v31, v42  }
.LBB2_12:
0x329: {  	s18 =	sadd.s32 $0x4, s18;
	v21 =	vld [tilespmem:s16+$0xF0];
	s28 =	sadd.s32 $0x200, s28;
	(erf) = vpow2.f32 v28;
	v13 =	vmul.f32 v15, v13;
	[tilespmem:s14+$0x80] =	vst v27  }
0x32a: {  	v27 =	vperm.xlane v10, v8;
	p1 =	slt.u32 s18, $0x4C;
	v15 =	vld [tilespmem:s16+$0xD0];
	[tilespmem:s14+$0xFFFFFF40] =	vst v29;
	v10 =	vpop (erf);
	v16 =	vmul.f32 v20, v16  }
0x32b: {  	v28 =	vperm.xlane v14, v3;
	v20 =	vld [tilespmem:s25+$0x0];
	[tilespmem:s14+$0xFFFFFF30] =	vst v13;
	v13 =	vmul.f32 v18, v12  }
0x32c: {  	v30 =	vperm.xlane v14, v6;
	v12 =	vperm.xlane v10, v7;
	v29 =	vld [tilespmem:s21+$0xFFFFFFF0];
	v18 =	vpop (erf);
	[tilespmem:s14+$0x70] =	vst v17  }
0x32d: {  	v17 =	vperm.xlane v14, v8;
	v31 =	vld [tilespmem:s25+$0xFFFFFFE0];
	v25 =	vmul.f32 v25, v28;
	[tilespmem:s14+$0xC0] =	vst v16  }
0x32e: {  	v23 =	vmul.f32 v23, v11;
	v19 =	vmul.f32 v19, v27;
	v16 =	vld [tilespmem:s16+$0x90];
	[tilespmem:s14+$0xFFFFFFE0] =	vst v13  }
0x32f: {  	v28 =	vmul.f32 v21, v17;
	v27 =	vld [tilespmem:s16+$0xB0];
	v15 =	vmul.f32 v15, v30;
	[tilespmem:s14+$0xFFFFFF60] =	vst v26  }
0x330: {  	v11 =	vperm.xlane v18, v6;
	v26 =	vperm.xlane v14, v2;
	v21 =	vld [tilespmem:s21+$0x10];
	[tilespmem:s14+$0xFFFFFF20] =	vst v24  }
0x331: {  	v13 =	vperm.xlane v18, v4;
	v17 =	vperm.xlane v18, v5;
	v24 =	vld [tilespmem:s25+$0x10];
	[tilespmem:s14+$0xFFFFFFD0] =	vst v22  }
0x332: {  	v32 =	vperm.xlane v18, v8;
	v30 =	vperm.xlane v18, v2;
	v22 =	vld [tilespmem:s21+$0xFFFFFFE0];
	v33 =	vpop (erf);
	[tilespmem:s14+$0xFFFFFF50] =	vst v23  }
0x333: {  	v23 =	vld [tilespmem:s25+$0xFFFFFFF0];
	v34 =	vperm.xlane v33, v3;
	v35 =	vperm.xlane v33, v6;
	[tilespmem:s14+$0xFFFFFFF0] =	vst v19;
	s14 =	smov.u32 s16;
	s16 =	smov.u32 s28  }
0x334: {  	v37 =	vperm.xlane v33, v1;
	v38 =	vperm.xlane v33, v5;
	v36 =	vld [tilespmem:s21+$0x0];
	[tilespmem:s15+$0xFFFFFFE0] =	vst v18  }
0x335: {  	v40 =	vperm.xlane v33, v2;
	v16 =	vmul.f32 v16, v26;
	v39 =	vld [tilespmem:s14+$0xFFFFFF70];
	[tilespmem:s14+$0xD0] =	vst v15  }
0x336: {  	v41 =	vperm.xlane v33, v4;
	v24 =	vadd.f32 v21, v24;
	v26 =	vld [tilespmem:s14+$0xFFFFFF10];
	[tilespmem:s15+$0x0] =	vst v33;
	v21 =	vperm.xlane v33, v8  }
0x337: {  	v19 =	vperm.xlane v18, v7;
	v42 =	vld [tilespmem:s14+$0x50];
	[tilespmem:s14+$0x90] =	vst v16  }
0x338: {  	v43 =	vmul.f32 $2.000000030e-01, v24;
	v15 =	vld [tilespmem:s14+$0xFFFFFF30];
	[tilespmem:s14+$0xA0] =	vst v25  }
0x339: {  	v44 =	vperm.xlane v14, v1;
	v16 =	vperm.xlane v14, v5;
	vm0 =	vge.f32 v24, $0.0e+00;
	v25 =	vld [tilespmem:s14+$0xFFFFFF00];
	[tilespmem:s14+$0xF0] =	vst v28  }
0x33a: {  	v24 =	vsel vm0, v24, v43;
	v43 =	vld [tilespmem:s14+$0xFFFFFF60];
	v28 =	vmul.f32 v39, v32;
	v32 =	vperm.xlane v14, v4  }
0x33b: {  	v14 =	vperm.xlane v14, v7;
	v24 =	vsub.f32 v24, v9;
	v26 =	vmul.f32 v26, v30;
	v30 =	vld [tilespmem:s14+$0x10]  }
0x33c: {  	v33 =	vperm.xlane v33, v7;
	v22 =	vadd.f32 v22, v31;
	v31 =	vperm.xlane v10, v6;
	[tilespmem:s15+$0xFFFFFFF0] =	vst v10;
	v39 =	vld [tilespmem:s14+$0x30];
	s15 =	smov.u32 s25  }
0x33d: {  	v24 =	vmul.f32 $1.442695020e+00, v24;
	[tilespmem:s14+$0xFFFFFF10] =	vst v26;
	v26 =	vperm.xlane v10, v3;
	v45 =	vld [tilespmem:s14+$0x40]  }
0x33e: {  	v35 =	vmul.f32 v42, v35;
	v27 =	vmul.f32 v27, v32;
	[tilespmem:s14+$0xFFFFFF70] =	vst v28;
	v28 =	vld [tilespmem:s14+$0x20]  }
0x33f: {  	v23 =	vadd.f32 v29, v23;
	(erf) = vpow2.f32 v24;
	v24 =	vperm.xlane v10, v5;
	v29 =	vld [tilespmem:s14+$0x60]  }
0x340: {  	v32 =	vperm.xlane v10, v4;
	v42 =	vld [tilespmem:s14+$0x0];
	v30 =	vmul.f32 v30, v40;
	[tilespmem:s14+$0x50] =	vst v35  }
0x341: {  	vm0 =	vge.f32 v23, $0.0e+00;
	v35 =	vmul.f32 $2.000000030e-01, v23;
	v40 =	vperm.xlane v10, v1;
	[tilespmem:s14+$0xB0] =	vst v27;
	v27 =	vld [tilespmem:s14+$0xE0]  }
0x342: {  	v46 =	vmul.f32 $2.000000030e-01, v22;
	v47 =	vld [tilespmem:s14+$0xFFFFFF80];
	[tilespmem:s14+$0x10] =	vst v30;
	v30 =	vmul.f32 v45, v38  }
0x343: {  	vm1 =	vge.f32 v22, $0.0e+00;
	v23 =	vsel vm0, v23, v35;
	v35 =	vld [tilespmem:s14+$0xFFFFFF90];
	v28 =	vmul.f32 v28, v34  }
0x344: {  	v22 =	vsel vm1, v22, v46;
	v38 =	vmul.f32 v39, v41;
	v34 =	vld [tilespmem:s14+$0xFFFFFFA0];
	[tilespmem:s14+$0x40] =	vst v30;
	v29 =	vmul.f32 v29, v33  }
0x345: {  	v22 =	vsub.f32 v22, v9;
	v23 =	vsub.f32 v23, v9;
	v30 =	vld [tilespmem:s14+$0xFFFFFFB0];
	v33 =	vmul.f32 v42, v37;
	[tilespmem:s14+$0x20] =	vst v28  }
0x346: {  	v28 =	vperm.xlane v10, v2;
	v37 =	vld [tilespmem:s14+$0xFFFFFFC0];
	[tilespmem:s14+$0x60] =	vst v29;
	v27 =	vmul.f32 v27, v14  }
0x347: {  	v23 =	vmul.f32 $1.442695020e+00, v23;
	v29 =	vmul.f32 v47, v40;
	v39 =	vld [tilespmem:s14+$0xFFFFFFD0];
	[tilespmem:s14+$0x30] =	vst v38  }
0x348: {  	v20 =	vadd.f32 v36, v20;
	v36 =	vperm.xlane v18, v3;
	v22 =	vmul.f32 $1.442695020e+00, v22;
	v14 =	vpop (erf);
	v38 =	vld [tilespmem:s14+$0xFFFFFF20];
	[tilespmem:s14+$0x0] =	vst v33  }
0x349: {  	(erf) = vpow2.f32 v23;
	v23 =	vmul.f32 v35, v28;
	v28 =	vld [tilespmem:s14+$0x80];
	[tilespmem:s14+$0xE0] =	vst v27  }
0x34a: {  	v18 =	vperm.xlane v18, v1;
	vm0 =	vge.f32 v20, $0.0e+00;
	v27 =	vmul.f32 $2.000000030e-01, v20;
	[tilespmem:s14+$0xFFFFFF80] =	vst v29;
	v33 =	vld [tilespmem:s14+$0x70]  }
0x34b: {  	(erf) = vpow2.f32 v22;
	v29 =	vld [tilespmem:s14+$0xFFFFFF40];
	[tilespmem:s14+$0xFFFFFF90] =	vst v23;
	v22 =	vmul.f32 v30, v32  }
.Ltmp5:
0x34c: {  	v20 =	vsel vm0, v20, v27;
	v30 =	vmul.f32 v25, v18;
	v18 =	vmul.f32 v37, v24;
	[tilespmem:s25+$0x10] =	vst v14;
	v23 =	vld [tilespmem:s14+$0xFFFFFF50];
	(pc) =	sbr.rel @p1 .LBB2_12-.Ltmp5, $4  }
0x34d: {  	v32 =	vmul.f32 v34, v26;
	v25 =	vsub.f32 v20, v9;
	[tilespmem:s14+$0xFFFFFFB0] =	vst v22;
	v22 =	vmul.f32 v39, v31;
	v20 =	vld [tilespmem:s14+$0xC0]  }
0x34e: {  	v24 =	vmul.f32 v38, v36;
	[tilespmem:s14+$0xFFFFFFC0] =	vst v18;
	v18 =	vld [tilespmem:s14+$0xFFFFFFE0];
	v27 =	vmul.f32 v28, v44  }
0x34f: {  	v26 =	vmul.f32 v43, v19;
	v28 =	vmul.f32 $1.442695020e+00, v25;
	[tilespmem:s14+$0xFFFFFFA0] =	vst v32;
	v19 =	vld [tilespmem:s14+$0xFFFFFFF0]  }
0x350: {  	s21 =	sadd.s32 $0x40, s21;
	s25 =	sadd.s32 $0x40, s25;
	v25 =	vld [tilespmem:s28+$0xA0];
	[tilespmem:s14+$0xFFFFFF00] =	vst v30;
	v29 =	vmul.f32 v29, v17;
	v17 =	vmul.f32 v33, v21  }
0x351: {  	[tilespmem:s14+$0x80] =	vst v27  }
0x352: {  	[tilespmem:s14+$0xFFFFFF60] =	vst v26  }
0x353: {  	(erf) = vpow2.f32 v28;
	[tilespmem:s14+$0xFFFFFF20] =	vst v24  }
0x354: {  	v13 =	vmul.f32 v15, v13;
	[tilespmem:s14+$0xFFFFFFD0] =	vst v22  }
0x355: {  	[tilespmem:s14+$0xFFFFFF40] =	vst v29;
	v15 =	vmul.f32 v20, v16  }
0x356: {  	[tilespmem:s14+$0xFFFFFF30] =	vst v13;
	v13 =	vmul.f32 v18, v12  }
0x357: {  	v11 =	vmul.f32 v23, v11;
	[tilespmem:s14+$0xC0] =	vst v15;
	v15 =	vld [tilespmem:s16+$0xD0]  }
0x358: {  	[tilespmem:s14+$0x70] =	vst v17;
	v16 =	vld [tilespmem:s16+$0xF0]  }
0x359: {  	v17 =	vld [tilespmem:s16+$0x90];
	v12 =	vpop (erf);
	[tilespmem:s14+$0xFFFFFF50] =	vst v11  }
0x35a: {  	v23 =	vperm.xlane v14, v2;
	v20 =	vperm.xlane v14, v6;
	[tilespmem:s14+$0xFFFFFFE0] =	vst v13;
	v13 =	vpop (erf)  }
0x35b: {  	v22 =	vperm.xlane v14, v8;
	v10 =	vperm.xlane v10, v8;
	v18 =	vld [tilespmem:s16+$0xB0];
	[tilespmem:s15+$0xFFFFFFE0] =	vst v13  }
0x35c: {  	v27 =	vperm.xlane v14, v3;
	[tilespmem:s15+$0xFFFFFFF0] =	vst v12;
	v24 =	vld [tilespmem:s16+$0xFFFFFF70];
	v15 =	vmul.f32 v15, v20;
	v21 =	vpop (erf)  }
0x35d: {  	v10 =	vmul.f32 v19, v10;
	v16 =	vmul.f32 v16, v22;
	v26 =	vld [tilespmem:s16+$0xFFFFFF10];
	[tilespmem:s15+$0x0] =	vst v21  }
0x35e: {  	v11 =	vmul.f32 v17, v23;
	v23 =	vmul.f32 v25, v27;
	[tilespmem:s16+$0xD0] =	vst v15;
	v15 =	vld [tilespmem:s16+$0xFFFFFF00]  }
0x35f: {  	v22 =	vperm.xlane v13, v2;
	[tilespmem:s16+$0xF0] =	vst v16;
	v16 =	vperm.xlane v14, v4;
	v20 =	vld [tilespmem:s16+$0x50]  }
0x360: {  	v25 =	vperm.xlane v13, v8;
	v19 =	vperm.xlane v13, v1;
	[tilespmem:s16+$0xA0] =	vst v23;
	v23 =	vld [tilespmem:s16+$0x10]  }
0x361: {  	[tilespmem:s14+$0xFFFFFFF0] =	vst v10;
	v27 =	vperm.xlane v21, v6;
	v16 =	vmul.f32 v18, v16;
	v18 =	vld [tilespmem:s16+$0x60]  }
0x362: {  	[tilespmem:s16+$0x90] =	vst v11;
	v28 =	vperm.xlane v21, v2;
	v22 =	vmul.f32 v26, v22;
	v26 =	vld [tilespmem:s16+$0x40]  }
0x363: {  	[tilespmem:s16+$0xB0] =	vst v16;
	v16 =	vperm.xlane v21, v7;
	v24 =	vmul.f32 v24, v25;
	v25 =	vld [tilespmem:s16+$0x20]  }
0x364: {  	v17 =	vld [tilespmem:s16+$0xFFFFFF30];
	[tilespmem:s16+$0xFFFFFF10] =	vst v22;
	v22 =	vperm.xlane v21, v5;
	v10 =	vmul.f32 v15, v19  }
0x365: {  	v29 =	vld [tilespmem:s16+$0x30];
	[tilespmem:s16+$0xFFFFFF70] =	vst v24;
	v24 =	vperm.xlane v21, v3;
	v20 =	vmul.f32 v20, v27  }
0x366: {  	v19 =	vperm.xlane v13, v4;
	v27 =	vld [tilespmem:s16+$0x0];
	v23 =	vmul.f32 v23, v28;
	[tilespmem:s16+$0xFFFFFF00] =	vst v10  }
0x367: {  	v28 =	vld [tilespmem:s16+$0xFFFFFF80];
	v16 =	vmul.f32 v18, v16;
	[tilespmem:s16+$0x50] =	vst v20;
	v22 =	vmul.f32 v26, v22  }
0x368: {  	v20 =	vld [tilespmem:s16+$0xE0];
	v26 =	vperm.xlane v21, v4;
	[tilespmem:s16+$0x10] =	vst v23;
	v23 =	vmul.f32 v25, v24  }
0x369: {  	v18 =	vperm.xlane v14, v7;
	v24 =	vperm.xlane v21, v1;
	v25 =	vld [tilespmem:s16+$0xFFFFFF90];
	[tilespmem:s16+$0x40] =	vst v22  }
0x36a: {  	v22 =	vmul.f32 v29, v26;
	v26 =	vld [tilespmem:s16+$0xFFFFFFB0];
	[tilespmem:s16+$0x20] =	vst v23;
	v23 =	vperm.xlane v12, v1  }
0x36b: {  	v17 =	vmul.f32 v17, v19;
	[tilespmem:s16+$0x60] =	vst v16;
	v24 =	vmul.f32 v27, v24;
	v27 =	vld [tilespmem:s16+$0xFFFFFFC0]  }
0x36c: {  	v29 =	vperm.xlane v12, v2;
	[tilespmem:s16+$0x30] =	vst v22;
	v22 =	vmul.f32 v28, v23  }
0x36d: {  	v16 =	vld [tilespmem:s16+$0xFFFFFFA0];
	[tilespmem:s16+$0xFFFFFF30] =	vst v17;
	v18 =	vmul.f32 v20, v18;
	v20 =	vperm.xlane v12, v4  }
0x36e: {  	v15 =	vld [tilespmem:s16+$0xFFFFFFE0];
	[tilespmem:s16+$0x0] =	vst v24;
	v24 =	vperm.xlane v12, v5  }
0x36f: {  	v25 =	vmul.f32 v25, v29;
	[tilespmem:s16+$0xFFFFFF80] =	vst v22;
	v20 =	vmul.f32 v26, v20;
	v26 =	vld [tilespmem:s16+$0xFFFFFF40]  }
0x370: {  	v23 =	vld [tilespmem:s16+$0x80];
	v22 =	vperm.xlane v12, v3;
	[tilespmem:s16+$0xE0] =	vst v18;
	v24 =	vmul.f32 v27, v24  }
0x371: {  	v19 =	vperm.xlane v12, v7;
	[tilespmem:s16+$0xFFFFFF90] =	vst v25;
	v25 =	vld [tilespmem:s16+$0x70]  }
0x372: {  	v16 =	vmul.f32 v16, v22;
	v22 =	vld [tilespmem:s16+$0xC0];
	[tilespmem:s16+$0xFFFFFFC0] =	vst v24;
	v24 =	vperm.xlane v13, v5  }
0x373: {  	v11 =	vld [tilespmem:s16+$0xFFFFFF60];
	v15 =	vmul.f32 v15, v19;
	[tilespmem:s16+$0xFFFFFFB0] =	vst v20;
	v20 =	vperm.xlane v14, v1  }
0x374: {  	v18 =	vld [tilespmem:s16+$0xFFFFFF20];
	[tilespmem:s16+$0xFFFFFFA0] =	vst v16;
	v16 =	vperm.xlane v21, v8;
	v10 =	vmul.f32 v26, v24  }
0x375: {  	v28 =	vld [tilespmem:s16+$0xFFFFFFD0];
	[tilespmem:s16+$0xFFFFFFE0] =	vst v15;
	v14 =	vperm.xlane v14, v5;
	v20 =	vmul.f32 v23, v20  }
0x376: {  	v27 =	vld [tilespmem:s16+$0xFFFFFF50];
	v16 =	vmul.f32 v25, v16;
	[tilespmem:s16+$0xFFFFFF40] =	vst v10;
	v10 =	vperm.xlane v13, v7  }
0x377: {  	v17 =	vperm.xlane v13, v3;
	[tilespmem:s16+$0x80] =	vst v20;
	v14 =	vmul.f32 v22, v14;
	v20 =	vld [tilespmem:s16+$0xFFFFFFF0]  }
0x378: {  	[tilespmem:s16+$0x70] =	vst v16;
	v16 =	vperm.xlane v12, v6;
	v10 =	vmul.f32 v11, v10  }
0x379: {  	[tilespmem:s16+$0xC0] =	vst v14;
	v11 =	vperm.xlane v13, v6;
	v13 =	vmul.f32 v18, v17  }
0x37a: {  	v12 =	vperm.xlane v12, v8;
	v14 =	vmul.f32 v28, v16;
	[tilespmem:s16+$0xFFFFFF60] =	vst v10  }
0x37b: {  	v10 =	vmul.f32 v27, v11;
	[tilespmem:s16+$0xFFFFFF20] =	vst v13  }
0x37c: {  	v11 =	vmul.f32 v20, v12;
	[tilespmem:s16+$0xFFFFFFD0] =	vst v14  }
0x37d: {  	[tilespmem:s16+$0xFFFFFF50] =	vst v10  }
0x37e: {  	s25 =	simm.s32 $0x1E0;
	[tilespmem:s16+$0xFFFFFFF0] =	vst v11  }
0x37f: {  	[spmem:s3] =	stream.indirect.scatter.add.f32 [tilespmem:s24], [sflag:$0x7], $0x10, s25, s26, $0xb8;
	[tilespmem:$0x1F8E0] =	vst v63  }
0x380: {  	s15 =	simm.s32 $0x8  }
0x381: {  	[spmem:s2] =	stream.indirect.scatter.add.f32 [tilespmem:s22], [sflag:$0x7], $0x80, s25, s26, $0xb8;
	[tilespmem:$0x1F8E0] =	vst v63  }
0x382: {  	_ =	swait.ge [sflag:s15], $0x500  }
0x383: {  	[sflag:s15] =	ssyncset.done $0x0  }
0x384: {  	[sflag:s15] =	ssyncadd.s32 $0xFFFFFB00  }
0x385: {  	_ =	swait.ge [sflag:s15], $0x2800  }
0x386: {  	[sflag:s15] =	ssyncset.done $0x0  }
0x387: {  	[sflag:s15] =	ssyncadd.s32 $0xFFFFD800  }
0x388: {  	_ =	swait.ge [sflag:s13], $0x50  }
0x389: {  	[sflag:s13] =	ssyncset.done $0x0  }
0x38a: {  	[sflag:s13] =	ssyncadd.s32 $0xFFFFFFB0  }
0x38b: {  	_ =	swait.ge [sflag:s13], $0x50  }
0x38c: {  	[sflag:s13] =	ssyncset.done $0x0  }
0x38d: {  	s16 =	simm.s32 $0x7D0;
	[sflag:s13] =	ssyncadd.s32 $0xFFFFFFB0  }
0x38e: {  	[tilespmem:s16], [sflag:$0x5] =	stream.indirect.gather [hbm4b:s6+s26], $0x10, s26, s26, $0xb8;
	[tilespmem:$0x1F8E0] =	vst v63  }
0x38f: {  	s18 =	simm.s32 $0x16D0  }
0x390: {  	[tilespmem:s18], [sflag:$0x5] =	stream.indirect.gather [hbm4b:s8+s26], $0x10, s9, s26, $0xb8;
	[tilespmem:$0x1F8E0] =	vst v63  }
0x391: {  	_ = 	snop  }
0x392: {  	[tilespmem:s19], [sflag:$0x5] =	stream.indirect.gather [hbm4b:s10+s26], $0x80, s26, s26, $0xb8;
	[tilespmem:$0x1F8E0] =	vst v63  }
0x393: {  	_ =	swait.ge [sflag:s11], $0x500  }
0x394: {  	[sflag:s11] =	ssyncset.done $0x0  }
0x395: {  	[sflag:s11] =	ssyncadd.s32 $0xFFFFFB00  }
0x396: {  	_ =	swait.ge [sflag:s11], $0x500  }
0x397: {  	[sflag:s11] =	ssyncset.done $0x0  }
0x398: {  	[sflag:s11] =	ssyncadd.s32 $0xFFFFFB00  }
0x399: {  	_ =	swait.ge [sflag:s11], $0x2800  }
0x39a: {  	[sflag:s11] =	ssyncset.done $0x0  }
0x39b: {  	[sflag:s11] =	ssyncadd.s32 $0xFFFFD800  }
0x39c: {  	v10 =	vld [tilespmem:$0x140]  }
0x39d: {  	v11 =	vld [tilespmem:$0x150]  }
0x39e: {  	v12 =	vld [tilespmem:$0x160]  }
0x39f: {  	v13 =	vld [tilespmem:$0x170]  }
0x3a0: {  	v14 =	vld [tilespmem:$0x180]  }
0x3a1: {  	[tilespmem:$0x230] =	vst v10  }
0x3a2: {  	[tilespmem:$0x240] =	vst v11  }
0x3a3: {  	[tilespmem:$0x250] =	vst v12  }
0x3a4: {  	[tilespmem:$0x260] =	vst v13  }
0x3a5: {  	s21 =	simm.s32 $0x16F0;
	[tilespmem:$0x270] =	vst v14  }
0x3a6: {  	s25 =	simm.s32 $0x7F0;
	v10 =	vld [tilespmem:s21+$0x10]  }
0x3a7: {  	v11 =	vld [tilespmem:s25+$0x10];
	_ =	sdelay $0x4  }
0x3a8: {  	v10 =	vadd.f32 v10, v11;
	_ =	sdelay $0x1  }
0x3a9: {  	v13 =	vld [tilespmem:s25+$0xFFFFFFF0];
	v12 =	vmul.f32 $2.000000030e-01, v10  }
0x3aa: {  	v11 =	vld [tilespmem:s21+$0xFFFFFFF0];
	vm0 =	vge.f32 v10, $0.0e+00  }
0x3ab: {  	v14 =	vld [tilespmem:s25+$0xFFFFFFE0];
	v10 =	vsel vm0, v10, v12  }
0x3ac: {  	v12 =	vld [tilespmem:s21+$0xFFFFFFE0];
	v10 =	vsub.f32 v10, v9;
	_ =	sdelay $0x1  }
0x3ad: {  	v15 =	vld [tilespmem:s25+$0x0];
	v10 =	vmul.f32 $1.442695020e+00, v10  }
0x3ae: {  	v16 =	vld [tilespmem:s21+$0x0];
	v11 =	vadd.f32 v11, v13  }
0x3af: {  	s18 =	simm.s32 $0x1730;
	(erf) = vpow2.f32 v10  }
0x3b0: {  	s15 =	simm.s32 $0x830;
	v19 =	vld [tilespmem:s18+$0xFFFFFFF0];
	v10 =	vadd.f32 v12, v14;
	v12 =	vmul.f32 $2.000000030e-01, v11  }
0x3b1: {  	v31 =	vld [tilespmem:s15+$0xFFFFFFF0];
	vm10 =	vge.f32 v11, $0.0e+00  }
0x3b2: {  	v11 =	vsel vm10, v11, v12  }
0x3b3: {  	v13 =	vmul.f32 $2.000000030e-01, v10;
	v12 =	vadd.f32 v16, v15;
	v11 =	vsub.f32 v11, v9  }
0x3b4: {  	vm11 =	vge.f32 v10, $0.0e+00  }
0x3b5: {  	v10 =	vsel vm11, v10, v13;
	v13 =	vmul.f32 $2.000000030e-01, v12;
	v11 =	vmul.f32 $1.442695020e+00, v11  }
0x3b6: {  	v19 =	vadd.f32 v19, v31;
	vm12 =	vge.f32 v12, $0.0e+00;
	v10 =	vsub.f32 v10, v9  }
0x3b7: {  	(erf) = vpow2.f32 v11;
	v11 =	vsel vm12, v12, v13  }
0x3b8: {  	v56 =	vmul.f32 $2.000000030e-01, v19;
	v10 =	vmul.f32 $1.442695020e+00, v10;
	v11 =	vsub.f32 v11, v9;
	v14 =	vpop (erf)  }
0x3b9: {  	s14 =	simm.s32 $0x49D0;
	v18 =	vld [tilespmem:s15+$0x0];
	vm14 =	vge.f32 v19, $0.0e+00;
	[tilespmem:s25+$0x10] =	vst v14  }
0x3ba: {  	v19 =	vsel vm14, v19, v56;
	(erf) = vpow2.f32 v10;
	v10 =	vmul.f32 $1.442695020e+00, v11;
	v11 =	vld [tilespmem:s14+$0xA0]  }
0x3bb: {  	v19 =	vsub.f32 v19, v9;
	v13 =	vld [tilespmem:s14+$0xF0]  }
0x3bc: {  	v15 =	vld [tilespmem:s14+$0xD0]  }
0x3bd: {  	v19 =	vmul.f32 $1.442695020e+00, v19;
	v21 =	vld [tilespmem:s14+$0x90]  }
0x3be: {  	v20 =	vld [tilespmem:s15+$0xFFFFFFE0];
	v16 =	vperm.xlane v14, v3;
	(erf) = vpow2.f32 v10  }
0x3bf: {  	v28 =	vld [tilespmem:s18+$0xFFFFFFE0];
	v17 =	vperm.xlane v14, v6;
	v22 =	vperm.xlane v14, v8  }
0x3c0: {  	v26 =	vld [tilespmem:s15+$0x10];
	v27 =	vperm.xlane v14, v2;
	v46 =	vperm.xlane v14, v1  }
0x3c1: {  	v25 =	vmul.f32 v11, v16;
	v16 =	vmul.f32 v15, v17;
	v15 =	vld [tilespmem:s18+$0x10]  }
0x3c2: {  	v23 =	vld [tilespmem:s14+$0xB0];
	v10 =	vpop (erf);
	v22 =	vmul.f32 v13, v22;
	v21 =	vmul.f32 v21, v27  }
0x3c3: {  	v57 =	vld [tilespmem:s14+$0xE0];
	v12 =	vperm.xlane v10, v7;
	[tilespmem:s25+$0xFFFFFFF0] =	vst v10;
	v47 =	vperm.xlane v10, v3  }
0x3c4: {  	v34 =	vld [tilespmem:s18+$0x0];
	v20 =	vadd.f32 v28, v20;
	v28 =	vperm.xlane v10, v5;
	v31 =	vperm.xlane v10, v4;
	[tilespmem:s14+$0xD0] =	vst v16  }
0x3c5: {  	v62 =	vld [tilespmem:s14+$0x80];
	v24 =	vpop (erf);
	v16 =	vperm.xlane v14, v5;
	[tilespmem:s14+$0x90] =	vst v21;
	v21 =	vperm.xlane v14, v4  }
0x3c6: {  	v14 =	vperm.xlane v14, v7;
	v58 =	vld [tilespmem:s14+$0xFFFFFF80];
	v29 =	vperm.xlane v24, v2;
	[tilespmem:s25+$0xFFFFFFE0] =	vst v24;
	v26 =	vadd.f32 v15, v26  }
0x3c7: {  	v32 =	vperm.xlane v24, v8;
	v37 =	vld [tilespmem:s14+$0xFFFFFF70];
	v21 =	vmul.f32 v23, v21;
	v30 =	vpop (erf)  }
0x3c8: {  	v40 =	vld [tilespmem:s14+$0xFFFFFF10];
	v14 =	vmul.f32 v57, v14;
	[tilespmem:s25+$0x0] =	vst v30;
	v43 =	vmul.f32 $2.000000030e-01, v26  }
0x3c9: {  	v33 =	vperm.xlane v30, v3;
	v35 =	vperm.xlane v30, v6;
	v41 =	vld [tilespmem:s14+$0x50];
	vm13 =	vge.f32 v26, $0.0e+00  }
0x3ca: {  	v36 =	vperm.xlane v30, v1;
	v38 =	vperm.xlane v30, v5;
	v53 =	vld [tilespmem:s14+$0x10];
	v26 =	vsel vm13, v26, v43  }
0x3cb: {  	[tilespmem:s14+$0xA0] =	vst v25;
	v39 =	vperm.xlane v30, v2;
	v27 =	vperm.xlane v30, v4;
	v54 =	vld [tilespmem:s14+$0x30];
	v26 =	vsub.f32 v26, v9  }
0x3cc: {  	[tilespmem:s14+$0xF0] =	vst v22;
	v42 =	vperm.xlane v30, v8;
	v22 =	vperm.xlane v30, v7;
	v23 =	vld [tilespmem:s14+$0x20]  }
0x3cd: {  	[tilespmem:s14+$0xB0] =	vst v21;
	v30 =	vld [tilespmem:s14+$0x40];
	v29 =	vmul.f32 v40, v29;
	v26 =	vmul.f32 $1.442695020e+00, v26  }
0x3ce: {  	v59 =	vperm.xlane v10, v1;
	[tilespmem:s14+$0xE0] =	vst v14;
	v55 =	vld [tilespmem:s14+$0x0];
	v32 =	vmul.f32 v37, v32  }
0x3cf: {  	[tilespmem:s14+$0xFFFFFF10] =	vst v29;
	v21 =	vmul.f32 v53, v39;
	(erf) = vpow2.f32 v26;
	v26 =	vld [tilespmem:s14+$0x60]  }
0x3d0: {  	v60 =	vperm.xlane v10, v2;
	v61 =	vld [tilespmem:s14+$0xFFFFFFD0];
	[tilespmem:s14+$0xFFFFFF70] =	vst v32;
	v29 =	vmul.f32 v41, v35  }
0x3d1: {  	v25 =	vperm.xlane v10, v6;
	v23 =	vmul.f32 v23, v33;
	[tilespmem:s14+$0x10] =	vst v21;
	v21 =	vld [tilespmem:s14+$0xFFFFFF90]  }
0x3d2: {  	v45 =	vld [tilespmem:s14+$0xFFFFFF00];
	v30 =	vmul.f32 v30, v38;
	[tilespmem:s14+$0x50] =	vst v29;
	v29 =	vmul.f32 $2.000000030e-01, v20  }
0x3d3: {  	vm1 =	vge.f32 v20, $0.0e+00;
	v11 =	vperm.xlane v24, v6;
	v27 =	vmul.f32 v54, v27;
	[tilespmem:s14+$0x20] =	vst v23;
	v23 =	vld [tilespmem:s14+$0xFFFFFFC0]  }
0x3d4: {  	[tilespmem:s14+$0x40] =	vst v30;
	v20 =	vsel vm1, v20, v29;
	v29 =	vmul.f32 v55, v36;
	v22 =	vmul.f32 v26, v22;
	v26 =	vld [tilespmem:s14+$0xFFFFFFB0]  }
0x3d5: {  	v13 =	vperm.xlane v24, v4;
	v52 =	vld [tilespmem:s14+$0xFFFFFF60];
	[tilespmem:s14+$0x30] =	vst v27;
	(erf) = vpow2.f32 v19  }
0x3d6: {  	v30 =	vld [tilespmem:s14+$0xFFFFFFA0];
	v19 =	vperm.xlane v24, v1;
	v20 =	vsub.f32 v20, v9;
	[tilespmem:s14+$0x0] =	vst v29;
	v21 =	vmul.f32 v21, v60  }
0x3d7: {  	v18 =	vadd.f32 v34, v18;
	v27 =	vld [tilespmem:s14+$0xFFFFFF20];
	v29 =	vperm.xlane v24, v3;
	[tilespmem:s14+$0x60] =	vst v22;
	v22 =	vmul.f32 v58, v59  }
0x3d8: {  	v63 =	vld [tilespmem:s14+$0xFFFFFF40];
	v20 =	vmul.f32 $1.442695020e+00, v20;
	[tilespmem:s14+$0xFFFFFF90] =	vst v21;
	v21 =	vmul.f32 v23, v28  }
0x3d9: {  	v15 =	vld [tilespmem:s14+$0xFFFFFF30];
	[tilespmem:s14+$0xFFFFFF80] =	vst v22;
	v22 =	vmul.f32 v26, v31;
	v26 =	vmul.f32 $2.000000030e-01, v18  }
0x3da: {  	vm15 =	vge.f32 v18, $0.0e+00;
	(erf) = vpow2.f32 v20;
	[tilespmem:s14+$0xFFFFFFC0] =	vst v21;
	v21 =	vmul.f32 v45, v19;
	v14 =	vpop (erf);
	v31 =	vld [tilespmem:s14+$0x70]  }
0x3db: {  	v17 =	vperm.xlane v24, v5;
	v44 =	vperm.xlane v24, v7;
	v23 =	vld [tilespmem:s14+$0xFFFFFF50];
	[tilespmem:s15+$0x10] =	vst v14;
	v18 =	vsel vm15, v18, v26  }
0x3dc: {  	v24 =	vmul.f32 v27, v29;
	v20 =	vld [tilespmem:s14+$0xC0];
	[tilespmem:s14+$0xFFFFFF00] =	vst v21;
	v26 =	vmul.f32 v30, v47;
	v19 =	vsub.f32 v18, v9  }
0x3dd: {  	s28 =	simm.s32 $0x4BD0;
	s16 =	simm.s32 $0x4BD0;
	v27 =	vmul.f32 v62, v46;
	v29 =	vmul.f32 v63, v17;
	[tilespmem:s14+$0xFFFFFFB0] =	vst v22;
	v18 =	vld [tilespmem:s14+$0xFFFFFFE0]  }
0x3de: {  	s30 =	simm.s32 $0xA;
	s21 =	simm.s32 $0x1770;
	v22 =	vmul.f32 v61, v25;
	v25 =	vld [tilespmem:s16+$0xA0];
	[tilespmem:s14+$0xFFFFFFA0] =	vst v26;
	v28 =	vmul.f32 $1.442695020e+00, v19  }
0x3df: {  	s18 =	simm.s32 $0x4;
	s25 =	simm.s32 $0x870;
	v26 =	vmul.f32 v52, v44;
	v19 =	vld [tilespmem:s14+$0xFFFFFFF0];
	v17 =	vmul.f32 v31, v42;
	s29 =	sld [smem:$0x7FD]  }
.LBB2_14:
0x3e0: {  	s18 =	sadd.s32 $0x4, s18;
	v21 =	vld [tilespmem:s16+$0xF0];
	s28 =	sadd.s32 $0x200, s28;
	(erf) = vpow2.f32 v28;
	v13 =	vmul.f32 v15, v13;
	[tilespmem:s14+$0x80] =	vst v27  }
0x3e1: {  	v27 =	vperm.xlane v10, v8;
	p1 =	slt.u32 s18, $0x4C;
	v15 =	vld [tilespmem:s16+$0xD0];
	[tilespmem:s14+$0xFFFFFF40] =	vst v29;
	v10 =	vpop (erf);
	v16 =	vmul.f32 v20, v16  }
0x3e2: {  	v28 =	vperm.xlane v14, v3;
	v20 =	vld [tilespmem:s25+$0x0];
	[tilespmem:s14+$0xFFFFFF30] =	vst v13;
	v13 =	vmul.f32 v18, v12  }
0x3e3: {  	v30 =	vperm.xlane v14, v6;
	v12 =	vperm.xlane v10, v7;
	v29 =	vld [tilespmem:s21+$0xFFFFFFF0];
	v18 =	vpop (erf);
	[tilespmem:s14+$0x70] =	vst v17  }
0x3e4: {  	v17 =	vperm.xlane v14, v8;
	v31 =	vld [tilespmem:s25+$0xFFFFFFE0];
	v25 =	vmul.f32 v25, v28;
	[tilespmem:s14+$0xC0] =	vst v16  }
0x3e5: {  	v23 =	vmul.f32 v23, v11;
	v19 =	vmul.f32 v19, v27;
	v16 =	vld [tilespmem:s16+$0x90];
	[tilespmem:s14+$0xFFFFFFE0] =	vst v13  }
0x3e6: {  	v28 =	vmul.f32 v21, v17;
	v27 =	vld [tilespmem:s16+$0xB0];
	v15 =	vmul.f32 v15, v30;
	[tilespmem:s14+$0xFFFFFF60] =	vst v26  }
0x3e7: {  	v11 =	vperm.xlane v18, v6;
	v26 =	vperm.xlane v14, v2;
	v21 =	vld [tilespmem:s21+$0x10];
	[tilespmem:s14+$0xFFFFFF20] =	vst v24  }
0x3e8: {  	v13 =	vperm.xlane v18, v4;
	v17 =	vperm.xlane v18, v5;
	v24 =	vld [tilespmem:s25+$0x10];
	[tilespmem:s14+$0xFFFFFFD0] =	vst v22  }
0x3e9: {  	v32 =	vperm.xlane v18, v8;
	v30 =	vperm.xlane v18, v2;
	v22 =	vld [tilespmem:s21+$0xFFFFFFE0];
	v33 =	vpop (erf);
	[tilespmem:s14+$0xFFFFFF50] =	vst v23  }
0x3ea: {  	v23 =	vld [tilespmem:s25+$0xFFFFFFF0];
	v34 =	vperm.xlane v33, v3;
	v35 =	vperm.xlane v33, v6;
	[tilespmem:s14+$0xFFFFFFF0] =	vst v19;
	s14 =	smov.u32 s16;
	s16 =	smov.u32 s28  }
0x3eb: {  	v37 =	vperm.xlane v33, v1;
	v38 =	vperm.xlane v33, v5;
	v36 =	vld [tilespmem:s21+$0x0];
	[tilespmem:s15+$0xFFFFFFE0] =	vst v18  }
0x3ec: {  	v40 =	vperm.xlane v33, v2;
	v16 =	vmul.f32 v16, v26;
	v39 =	vld [tilespmem:s14+$0xFFFFFF70];
	[tilespmem:s14+$0xD0] =	vst v15  }
0x3ed: {  	v41 =	vperm.xlane v33, v4;
	v24 =	vadd.f32 v21, v24;
	v26 =	vld [tilespmem:s14+$0xFFFFFF10];
	[tilespmem:s15+$0x0] =	vst v33;
	v21 =	vperm.xlane v33, v8  }
0x3ee: {  	v19 =	vperm.xlane v18, v7;
	v42 =	vld [tilespmem:s14+$0x50];
	[tilespmem:s14+$0x90] =	vst v16  }
0x3ef: {  	v43 =	vmul.f32 $2.000000030e-01, v24;
	v15 =	vld [tilespmem:s14+$0xFFFFFF30];
	[tilespmem:s14+$0xA0] =	vst v25  }
0x3f0: {  	v44 =	vperm.xlane v14, v1;
	v16 =	vperm.xlane v14, v5;
	vm0 =	vge.f32 v24, $0.0e+00;
	v25 =	vld [tilespmem:s14+$0xFFFFFF00];
	[tilespmem:s14+$0xF0] =	vst v28  }
0x3f1: {  	v24 =	vsel vm0, v24, v43;
	v43 =	vld [tilespmem:s14+$0xFFFFFF60];
	v28 =	vmul.f32 v39, v32;
	v32 =	vperm.xlane v14, v4  }
0x3f2: {  	v14 =	vperm.xlane v14, v7;
	v24 =	vsub.f32 v24, v9;
	v26 =	vmul.f32 v26, v30;
	v30 =	vld [tilespmem:s14+$0x10]  }
0x3f3: {  	v33 =	vperm.xlane v33, v7;
	v22 =	vadd.f32 v22, v31;
	v31 =	vperm.xlane v10, v6;
	[tilespmem:s15+$0xFFFFFFF0] =	vst v10;
	v39 =	vld [tilespmem:s14+$0x30];
	s15 =	smov.u32 s25  }
0x3f4: {  	v24 =	vmul.f32 $1.442695020e+00, v24;
	[tilespmem:s14+$0xFFFFFF10] =	vst v26;
	v26 =	vperm.xlane v10, v3;
	v45 =	vld [tilespmem:s14+$0x40]  }
0x3f5: {  	v35 =	vmul.f32 v42, v35;
	v27 =	vmul.f32 v27, v32;
	[tilespmem:s14+$0xFFFFFF70] =	vst v28;
	v28 =	vld [tilespmem:s14+$0x20]  }
0x3f6: {  	v23 =	vadd.f32 v29, v23;
	(erf) = vpow2.f32 v24;
	v24 =	vperm.xlane v10, v5;
	v29 =	vld [tilespmem:s14+$0x60]  }
0x3f7: {  	v32 =	vperm.xlane v10, v4;
	v42 =	vld [tilespmem:s14+$0x0];
	v30 =	vmul.f32 v30, v40;
	[tilespmem:s14+$0x50] =	vst v35  }
0x3f8: {  	vm0 =	vge.f32 v23, $0.0e+00;
	v35 =	vmul.f32 $2.000000030e-01, v23;
	v40 =	vperm.xlane v10, v1;
	[tilespmem:s14+$0xB0] =	vst v27;
	v27 =	vld [tilespmem:s14+$0xE0]  }
0x3f9: {  	v46 =	vmul.f32 $2.000000030e-01, v22;
	v47 =	vld [tilespmem:s14+$0xFFFFFF80];
	[tilespmem:s14+$0x10] =	vst v30;
	v30 =	vmul.f32 v45, v38  }
0x3fa: {  	vm1 =	vge.f32 v22, $0.0e+00;
	v23 =	vsel vm0, v23, v35;
	v35 =	vld [tilespmem:s14+$0xFFFFFF90];
	v28 =	vmul.f32 v28, v34  }
0x3fb: {  	v22 =	vsel vm1, v22, v46;
	v38 =	vmul.f32 v39, v41;
	v34 =	vld [tilespmem:s14+$0xFFFFFFA0];
	[tilespmem:s14+$0x40] =	vst v30;
	v29 =	vmul.f32 v29, v33  }
0x3fc: {  	v22 =	vsub.f32 v22, v9;
	v23 =	vsub.f32 v23, v9;
	v30 =	vld [tilespmem:s14+$0xFFFFFFB0];
	v33 =	vmul.f32 v42, v37;
	[tilespmem:s14+$0x20] =	vst v28  }
0x3fd: {  	v28 =	vperm.xlane v10, v2;
	v37 =	vld [tilespmem:s14+$0xFFFFFFC0];
	[tilespmem:s14+$0x60] =	vst v29;
	v27 =	vmul.f32 v27, v14  }
0x3fe: {  	v23 =	vmul.f32 $1.442695020e+00, v23;
	v29 =	vmul.f32 v47, v40;
	v39 =	vld [tilespmem:s14+$0xFFFFFFD0];
	[tilespmem:s14+$0x30] =	vst v38  }
0x3ff: {  	v20 =	vadd.f32 v36, v20;
	v36 =	vperm.xlane v18, v3;
	v22 =	vmul.f32 $1.442695020e+00, v22;
	v14 =	vpop (erf);
	v38 =	vld [tilespmem:s14+$0xFFFFFF20];
	[tilespmem:s14+$0x0] =	vst v33  }
0x400: {  	(erf) = vpow2.f32 v23;
	v23 =	vmul.f32 v35, v28;
	v28 =	vld [tilespmem:s14+$0x80];
	[tilespmem:s14+$0xE0] =	vst v27  }
0x401: {  	v18 =	vperm.xlane v18, v1;
	vm0 =	vge.f32 v20, $0.0e+00;
	v27 =	vmul.f32 $2.000000030e-01, v20;
	[tilespmem:s14+$0xFFFFFF80] =	vst v29;
	v33 =	vld [tilespmem:s14+$0x70]  }
0x402: {  	(erf) = vpow2.f32 v22;
	v29 =	vld [tilespmem:s14+$0xFFFFFF40];
	[tilespmem:s14+$0xFFFFFF90] =	vst v23;
	v22 =	vmul.f32 v30, v32  }
.Ltmp6:
0x403: {  	v20 =	vsel vm0, v20, v27;
	v30 =	vmul.f32 v25, v18;
	v18 =	vmul.f32 v37, v24;
	[tilespmem:s25+$0x10] =	vst v14;
	v23 =	vld [tilespmem:s14+$0xFFFFFF50];
	(pc) =	sbr.rel @p1 .LBB2_14-.Ltmp6, $4  }
0x404: {  	v32 =	vmul.f32 v34, v26;
	v25 =	vsub.f32 v20, v9;
	[tilespmem:s14+$0xFFFFFFB0] =	vst v22;
	v22 =	vmul.f32 v39, v31;
	v20 =	vld [tilespmem:s14+$0xC0]  }
0x405: {  	v24 =	vmul.f32 v38, v36;
	[tilespmem:s14+$0xFFFFFFC0] =	vst v18;
	v18 =	vld [tilespmem:s14+$0xFFFFFFE0];
	v27 =	vmul.f32 v28, v44  }
0x406: {  	v26 =	vmul.f32 v43, v19;
	v28 =	vmul.f32 $1.442695020e+00, v25;
	[tilespmem:s14+$0xFFFFFFA0] =	vst v32;
	v19 =	vld [tilespmem:s14+$0xFFFFFFF0]  }
0x407: {  	s21 =	sadd.s32 $0x40, s21;
	s25 =	sadd.s32 $0x40, s25;
	v25 =	vld [tilespmem:s28+$0xA0];
	[tilespmem:s14+$0xFFFFFF00] =	vst v30;
	v29 =	vmul.f32 v29, v17;
	v17 =	vmul.f32 v33, v21  }
0x408: {  	[tilespmem:s14+$0x80] =	vst v27  }
0x409: {  	[tilespmem:s14+$0xFFFFFF60] =	vst v26  }
0x40a: {  	[tilespmem:s14+$0xFFFFFF20] =	vst v24  }
0x40b: {  	[tilespmem:s14+$0xFFFFFFD0] =	vst v22  }
0x40c: {  	v9 =	vmul.f32 v15, v13;
	[tilespmem:s14+$0xFFFFFF40] =	vst v29  }
0x40d: {  	v11 =	vmul.f32 v23, v11;
	[tilespmem:s14+$0x70] =	vst v17  }
0x40e: {  	(erf) = vpow2.f32 v28;
	v35 =	vmul.f32 v20, v16;
	[tilespmem:s14+$0xFFFFFF30] =	vst v9  }
0x40f: {  	v37 =	vld [tilespmem:s16+$0xD0];
	v10 =	vperm.xlane v10, v8;
	v12 =	vmul.f32 v18, v12;
	[tilespmem:s14+$0xFFFFFF50] =	vst v11  }
0x410: {  	v38 =	vld [tilespmem:s16+$0x90];
	[tilespmem:s14+$0xC0] =	vst v35  }
0x411: {  	v36 =	vld [tilespmem:s16+$0xF0];
	v43 =	vperm.xlane v14, v3;
	v10 =	vmul.f32 v19, v10;
	v9 =	vpop (erf);
	[tilespmem:s14+$0xFFFFFFE0] =	vst v12  }
0x412: {  	v39 =	vld [tilespmem:s16+$0xB0];
	v40 =	vperm.xlane v14, v6;
	[tilespmem:s15+$0xFFFFFFF0] =	vst v9  }
0x413: {  	v41 =	vperm.xlane v14, v2;
	v61 =	vld [tilespmem:s16+$0xE0];
	v46 =	vmul.f32 v25, v43;
	[tilespmem:s14+$0xFFFFFFF0] =	vst v10;
	v12 =	vpop (erf)  }
0x414: {  	v13 =	vmul.f32 v37, v40;
	v33 =	vld [tilespmem:s16+$0xFFFFFF90];
	[tilespmem:s15+$0xFFFFFFE0] =	vst v12  }
0x415: {  	v45 =	vperm.xlane v14, v8;
	v11 =	vmul.f32 v38, v41;
	[tilespmem:s16+$0xA0] =	vst v46;
	v42 =	vld [tilespmem:s16+$0xFFFFFF10]  }
0x416: {  	v50 =	vperm.xlane v14, v4;
	v34 =	vperm.xlane v14, v7;
	[tilespmem:s16+$0xD0] =	vst v13;
	v21 =	vld [tilespmem:s16+$0xFFFFFF70]  }
0x417: {  	v15 =	vmul.f32 v36, v45;
	v40 =	vperm.xlane v9, v2;
	[tilespmem:s16+$0x90] =	vst v11;
	v20 =	vpop (erf)  }
0x418: {  	v17 =	vmul.f32 v61, v34;
	v47 =	vperm.xlane v12, v2;
	v13 =	vld [tilespmem:s16+$0xFFFFFF00];
	[tilespmem:s15+$0x0] =	vst v20  }
0x419: {  	v48 =	vperm.xlane v12, v8;
	[tilespmem:s16+$0xF0] =	vst v15;
	v15 =	vmul.f32 v39, v50;
	v44 =	vld [tilespmem:s16+$0x50]  }
0x41a: {  	[tilespmem:s16+$0xE0] =	vst v17;
	v49 =	vld [tilespmem:s16+$0x10];
	v25 =	vmul.f32 v33, v40;
	v22 =	vmul.f32 v42, v47  }
0x41b: {  	[tilespmem:s16+$0xB0] =	vst v15;
	v51 =	vld [tilespmem:s16+$0x40];
	v21 =	vmul.f32 v21, v48;
	v48 =	vperm.xlane v12, v1  }
0x41c: {  	v52 =	vperm.xlane v20, v6;
	v53 =	vld [tilespmem:s16+$0x20];
	[tilespmem:s16+$0xFFFFFF90] =	vst v25  }
0x41d: {  	v54 =	vperm.xlane v20, v2;
	v55 =	vld [tilespmem:s16+$0x60];
	[tilespmem:s16+$0xFFFFFF10] =	vst v22;
	v10 =	vmul.f32 v13, v48  }
0x41e: {  	v56 =	vperm.xlane v20, v5;
	v57 =	vld [tilespmem:s16+$0x30];
	[tilespmem:s16+$0xFFFFFF70] =	vst v21;
	v18 =	vmul.f32 v44, v52  }
0x41f: {  	v58 =	vperm.xlane v20, v3;
	v59 =	vld [tilespmem:s16+$0x0];
	v23 =	vmul.f32 v49, v54;
	[tilespmem:s16+$0xFFFFFF00] =	vst v10  }
0x420: {  	v63 =	vld [tilespmem:s16+$0xFFFFFF80];
	v60 =	vperm.xlane v20, v7;
	v22 =	vmul.f32 v51, v56;
	[tilespmem:s16+$0x50] =	vst v18  }
0x421: {  	v36 =	vld [tilespmem:s16+$0xFFFFFFB0];
	v62 =	vperm.xlane v20, v4;
	v21 =	vmul.f32 v53, v58;
	[tilespmem:s16+$0x10] =	vst v23  }
0x422: {  	v39 =	vld [tilespmem:s16+$0xFFFFFFA0];
	v32 =	vperm.xlane v20, v1;
	v15 =	vmul.f32 v55, v60;
	[tilespmem:s16+$0x40] =	vst v22  }
0x423: {  	v37 =	vperm.xlane v9, v1;
	v47 =	vld [tilespmem:s16+$0xFFFFFF40];
	v35 =	vmul.f32 v57, v62;
	[tilespmem:s16+$0x20] =	vst v21  }
0x424: {  	v41 =	vperm.xlane v9, v4;
	v16 =	vld [tilespmem:s16+$0xFFFFFF30];
	v23 =	vmul.f32 v59, v32;
	[tilespmem:s16+$0x60] =	vst v15  }
0x425: {  	v38 =	vld [tilespmem:s16+$0xFFFFFFC0];
	v46 =	vperm.xlane v9, v3;
	[tilespmem:s16+$0x30] =	vst v35;
	v21 =	vmul.f32 v63, v37  }
0x426: {  	v42 =	vld [tilespmem:s16+$0x80];
	v52 =	vperm.xlane v12, v5;
	v18 =	vmul.f32 v36, v41;
	[tilespmem:s16+$0x0] =	vst v23  }
0x427: {  	v45 =	vld [tilespmem:s16+$0xFFFFFF20];
	v54 =	vperm.xlane v12, v4;
	v15 =	vmul.f32 v39, v46;
	[tilespmem:s16+$0xFFFFFF80] =	vst v21  }
0x428: {  	v43 =	vperm.xlane v9, v5;
	v49 =	vld [tilespmem:s16+$0x70];
	v10 =	vmul.f32 v47, v52;
	[tilespmem:s16+$0xFFFFFFB0] =	vst v18  }
0x429: {  	v50 =	vperm.xlane v14, v1;
	v51 =	vld [tilespmem:s16+$0xC0];
	v16 =	vmul.f32 v16, v54;
	[tilespmem:s16+$0xFFFFFFA0] =	vst v15  }
0x42a: {  	v53 =	vld [tilespmem:s16+$0xFFFFFFE0];
	v59 =	vperm.xlane v12, v3;
	v23 =	vmul.f32 v38, v43;
	[tilespmem:s16+$0xFFFFFF40] =	vst v10  }
0x42b: {  	v44 =	vld [tilespmem:s16+$0xFFFFFFD0];
	v56 =	vperm.xlane v20, v8;
	v18 =	vmul.f32 v42, v50;
	[tilespmem:s16+$0xFFFFFF30] =	vst v16  }
0x42c: {  	v11 =	vld [tilespmem:s16+$0xFFFFFF60];
	v57 =	vperm.xlane v14, v5;
	v62 =	vmul.f32 v45, v59;
	[tilespmem:s16+$0xFFFFFFC0] =	vst v23  }
0x42d: {  	v58 =	vperm.xlane v9, v7;
	v60 =	vld [tilespmem:s16+$0xFFFFFFF0];
	v15 =	vmul.f32 v49, v56;
	[tilespmem:s16+$0x80] =	vst v18  }
0x42e: {  	v61 =	vperm.xlane v9, v6;
	v55 =	vld [tilespmem:s16+$0xFFFFFF50];
	v14 =	vmul.f32 v51, v57;
	[tilespmem:s16+$0xFFFFFF20] =	vst v62  }
0x42f: {  	v10 =	vperm.xlane v12, v7;
	v13 =	vmul.f32 v53, v58;
	[tilespmem:s16+$0x70] =	vst v15  }
0x430: {  	v9 =	vperm.xlane v9, v8;
	v63 =	vmul.f32 v44, v61;
	[tilespmem:s16+$0xC0] =	vst v14  }
0x431: {  	v10 =	vmul.f32 v11, v10;
	v11 =	vperm.xlane v12, v6;
	[tilespmem:s16+$0xFFFFFFE0] =	vst v13  }
0x432: {  	v9 =	vmul.f32 v60, v9;
	[tilespmem:s16+$0xFFFFFFD0] =	vst v63  }
0x433: {  	[tilespmem:s16+$0xFFFFFF60] =	vst v10;
	v10 =	vmul.f32 v55, v11  }
0x434: {  	[tilespmem:s16+$0xFFFFFFF0] =	vst v9  }
0x435: {  	s21 =	simm.s32 $0x7D0;
	[tilespmem:s16+$0xFFFFFF50] =	vst v10  }
0x436: {  	[spmem:s3] =	stream.indirect.scatter.add.f32 [tilespmem:s21], [sflag:$0x8], $0x10, s12, s26, $0xb8;
	[tilespmem:$0x1F8E0] =	vst v63  }
0x437: {  	s25 =	simm.s32 $0x9  }
0x438: {  	[spmem:s2] =	stream.indirect.scatter.add.f32 [tilespmem:s19], [sflag:$0x8], $0x80, s12, s26, $0xb8;
	[tilespmem:$0x1F8E0] =	vst v63  }
0x439: {  	_ =	swait.ge [sflag:s25], $0x500  }
0x43a: {  	[sflag:s25] =	ssyncset.done $0x0  }
0x43b: {  	[sflag:s25] =	ssyncadd.s32 $0xFFFFFB00  }
0x43c: {  	_ =	swait.ge [sflag:s25], $0x2800  }
0x43d: {  	[sflag:s25] =	ssyncset.done $0x0  }
0x43e: {  	[sflag:s25] =	ssyncadd.s32 $0xFFFFD800  }
0x43f: {  	_ =	swait.ge [sflag:s23], $0x500  }
0x440: {  	[sflag:s23] =	ssyncset.done $0x0  }
0x441: {  	[sflag:s23] =	ssyncadd.s32 $0xFFFFFB00  }
0x442: {  	_ =	swait.ge [sflag:s23], $0x2800  }
0x443: {  	[sflag:s23] =	ssyncset.done $0x0  }
0x444: {  	s15 =	simm.s32 $0x8;
	[sflag:s23] =	ssyncadd.s32 $0xFFFFD800  }
0x445: {  	_ =	swait.ge [sflag:s15], $0x500  }
0x446: {  	[sflag:s15] =	ssyncset.done $0x0  }
0x447: {  	[sflag:s15] =	ssyncadd.s32 $0xFFFFFB00  }
0x448: {  	_ =	swait.ge [sflag:s15], $0x2800  }
0x449: {  	[sflag:s15] =	ssyncset.done $0x0  }
0x44a: {  	[sflag:s15] =	ssyncadd.s32 $0xFFFFD800  }
0x44b: {  	s16 =	stileid.u32;
	[bflag:$0x0] =	sbarrier.arrive $0xFFFF  }
0x44c: {  	s14 =	sshll.u32 s16, $0x6;
	s21 =	rddreg [dreg:$0x6]  }
0x44d: {  	s14 =	sor.u32 $0x1C0A, s14;
	s25 =	rddreg [dreg:$0xc];
	s18 =	sshrl.u32 s21, $0x3  }
0x44e: {  	[hbm:s25], [sflag:s14] =	dma.local [spmem:s18], $0x2700  }
0x44f: {  	_ =	swait.ge [sflag:s30], $0x2700  }
0x450: {  	[sflag:s30] =	ssyncset.done $0x0;
	s25 =	rddreg [dreg:$0x7]  }
0x451: {  	s18 =	rddreg [dreg:$0xd];
	[sflag:s30] =	ssyncadd.s32 $0xFFFFD900;
	s16 =	sshrl.u32 s25, $0x3  }
0x452: {  	[hbm:s18], [sflag:s14] =	dma.local [spmem:s16], $0x4E0  }
0x453: {  	_ =	swait.ge [sflag:s30], $0x4E0  }
0x454: {  	s28 =	sld [smem:$0x7FC]  }
0x455: {  	s16 =	sld [smem:$0x7F9]  }
0x456: {  	[sflag:s30] =	ssyncset.done $0x0  }
0x457: {  	[sflag:s30] =	ssyncadd.s32 $0xFFFFFB20;
	s15 =	sshrl.u32 @!p0 s28, $0x3  }
0x458: {  	[hbm:s16], [sflag:s14] =	dma.local @!p0 [spmem:s15], $0x100  }
0x459: {  	s15 =	simm.s32 @!p0 $0xA  }
0x45a: {  	_ =	swait.ge @!p0 [sflag:s15], $0x100  }
0x45b: {  	s18 =	sld [smem:$0x7FA]  }
0x45c: {  	[sflag:s15] =	ssyncset.done @!p0 $0x0  }
0x45d: {  	s16 =	sshrl.u32 @!p0 s29, $0x3;
	[sflag:s15] =	ssyncadd.s32 @!p0 $0xFFFFFF00  }
0x45e: {  	[hbm:s18], [sflag:s14] =	dma.local @!p0 [spmem:s16], $0x20  }
0x45f: {  	_ =	swait.ge @!p0 [sflag:s15], $0x20  }
0x460: {  	s14 =	sld [smem:$0x7F7]  }
0x461: {  	s18 =	sld [smem:$0x7FB];
	_ =	sdelay $0x1  }
0x462: {  	s16 =	sadd.s32 $0x1, s14  }
0x463: {  	p1 =	sne.s32 s16, s18  }
.Ltmp7:
0x464: {  	_ = 	snop;
	(pc) =	sbr.rel @p1 .LBB2_1-.Ltmp7, $3  }
0x465: {  	_ =	sdelay $0x1  }
0x466: {  	[sflag:s15] =	ssyncset.done @!p0 $0x0  }
0x467: {  	[sflag:s15] =	ssyncadd.s32 @!p0 $0xFFFFFFE0  }
0x468: {  	_ =	sfence.sel $0x180000  }
0x469: {  	[bflag:$0x0] =	sbarrier.arrive $0xFFFF  }
0x46a: {  	_ =	strace $0x90000047  }
0x46b: {  	s0 =	stileid.u32;
	[bflag:$0x2] =	sbarrier.arrive $0xFFFF  }
0x46c: {  	p0 =	sne.s32 s0, $0x0;
	s0 =	rddreg [dreg:$0x4]  }
0x46d: {  	s0 =	sadd.s32 @!p0 $0x100000, s0  }
0x46e: {  	[sflag:s0] =	ssyncadd.tile.s32 @!p0 $0x1;
	_ =	shalt  }
.Lfunc_end2:
_tile_overlayer_lowered:
.L_overlay_start_2:
0x46f: {  	(tag) =	ssettag $0x2  }
0x470: {  	s0 =	rddreg [dreg:$0x0];
	s2 =	stileid.u32  }
0x471: {  	s1 =	rddreg [dreg:$0x1];
	p0 =	sne.s32 s2, $0x0  }
0x472: {  	s3 =	rddreg [dreg:$0x2];
	[bflag:$0x3] =	sbarrier.arrive $0xFFFF;
	s2 =	simm.s32 @!p0 $0x1C0A  }
0x473: {  	[timem:s3], [sflag:s2] =	dma.local @!p0 [hbm:s0], s1  }
0x474: {  	s0 =	simm.s32 @!p0 $0xA  }
0x475: {  	_ =	swait.ge @!p0 [sflag:s0], s1  }
0x476: {  	s1 =	ssub.s32 @!p0 $0x0, s1;
	[sflag:s0] =	ssyncset.done @!p0 $0x0  }
0x477: {  	[sflag:s0] =	ssyncadd.s32 @!p0 s1  }
0x478: {  	[bflag:$0x3] =	sbarrier.arrive $0xFFFF  }
0x479: {  	_ =	shalt  }

</sc_bundles>
